<compile_context>
chip_gen: v7x
topology: tpu7x:2x2x1
jax: 0.10.2.dev20260603
libtpu: 0.0.44.dev20260713+nightly
codegen_flags: <defaults>
</compile_context>

<pallas_src>
import functools

import jax
import jax.numpy as jnp
from jax import lax
from jax.experimental import pallas as pl
from jax.experimental.pallas import tpu as pltpu
from jax.experimental.pallas import tpu_sc as plsc

B, L, D = 16384, 200, 16

L_TC = 160
L_SC = L - L_TC

NC, NS = 2, 16
NW = NC * NS
BW_ = B // NW
Q = 256
NQ = BW_ // Q
CL = 8
NCH = L_SC // CL
RPC = CL * D

LB = 2048
CLt = 40
NBL = B // LB
NLS = L_TC // CLt


@functools.partial(
    pl.kernel,
    mesh=plsc.VectorSubcoreMesh(core_axis_name="c", subcore_axis_name="s"),
    out_type=jax.ShapeDtypeStruct((D, B), jnp.float32),
    scratch_types=[
        pltpu.VMEM((2, RPC, Q), jnp.float32),
        pltpu.VMEM((2, CL, Q), jnp.float32),
        pltpu.VMEM((D, Q), jnp.float32),
        pltpu.SemaphoreType.DMA,
        pltpu.SemaphoreType.DMA,
        pltpu.SemaphoreType.DMA,
        pltpu.SemaphoreType.DMA,
    ],
    compiler_params=pltpu.CompilerParams(use_tc_tiling_on_sc=True),
)
def _agg_sc(x_hbm, m_hbm, out_hbm, xbuf, mbuf, acc, sx0, sx1, sm0, sm1):
    wid = lax.axis_index("c") * NS + lax.axis_index("s")
    sxs = (sx0, sx1)
    sms = (sm0, sm1)

    def x_copy(chunk, lane0, slot):
        return pltpu.make_async_copy(
            x_hbm.at[pl.ds((L_TC // CL + chunk) * RPC, RPC), pl.ds(lane0, Q)],
            xbuf.at[slot], sxs[slot])

    def m_copy(chunk, lane0, slot):
        return pltpu.make_async_copy(
            m_hbm.at[pl.ds(L_TC + chunk * CL, CL), pl.ds(lane0, Q)],
            mbuf.at[slot], sms[slot])

    def start(chunk, lane0, slot):
        x_copy(chunk, lane0, slot).start()
        m_copy(chunk, lane0, slot).start()

    def compute(slot):
        def blk_body(blk, _):
            o = blk * 16
            mvs = [mbuf[slot, l, pl.ds(o, 16)] for l in range(CL)]
            for d in range(D):
                p = xbuf[slot, d, pl.ds(o, 16)] * mvs[0]
                for l in range(1, CL):
                    p = p + xbuf[slot, l * D + d, pl.ds(o, 16)] * mvs[l]
                plsc.addupdate(acc.at[d, pl.ds(o, 16)], p)
            return 0

        lax.fori_loop(0, Q // 16, blk_body, 0)

    def q_body(q, _):
        lane0 = wid * BW_ + q * Q

        def z_body(r, _):
            for blk in range(Q // 16):
                acc[r, pl.ds(blk * 16, 16)] = jnp.zeros((16,), jnp.float32)
            return 0

        lax.fori_loop(0, D, z_body, 0)
        start(0, lane0, 0)

        def c2_body(c2, _):
            for par in range(2):
                chunk = c2 * 2 + par
                x_copy(chunk, lane0, par).wait()
                m_copy(chunk, lane0, par).wait()
                start(chunk + 1, lane0, 1 - par)
                compute(par)
            return 0

        lax.fori_loop(0, (NCH - 1) // 2, c2_body, 0)
        if NCH % 2 == 0:
            ca = NCH - 2
            x_copy(ca, lane0, ca % 2).wait()
            m_copy(ca, lane0, ca % 2).wait()
            start(ca + 1, lane0, (ca + 1) % 2)
            compute(ca % 2)
        cb = NCH - 1
        x_copy(cb, lane0, cb % 2).wait()
        m_copy(cb, lane0, cb % 2).wait()
        compute(cb % 2)
        pltpu.sync_copy(acc, out_hbm.at[pl.ds(0, D), pl.ds(lane0, Q)])
        return 0

    lax.fori_loop(0, NQ, q_body, 0)


def _tc_body(m_ref, x_ref, o_ref):
    il = pl.program_id(1)
    part = jnp.sum(x_ref[...] * m_ref[...][:, None, :], axis=0)

    @pl.when(il == 0)
    def _():
        o_ref[...] = part

    @pl.when(il > 0)
    def _():
        o_ref[...] += part


_tc_call = pl.pallas_call(
    _tc_body,
    grid=(NBL, NLS),
    in_specs=[
        pl.BlockSpec((CLt, LB), lambda ib, il: (il, ib)),
        pl.BlockSpec((CLt, D, LB), lambda ib, il: (il, 0, ib)),
    ],
    out_specs=pl.BlockSpec((D, LB), lambda ib, il: (0, ib)),
    out_shape=jax.ShapeDtypeStruct((D, B), jnp.float32),
    compiler_params=pltpu.CompilerParams(
        dimension_semantics=("parallel", "arbitrary")),
)


def kernel(inputs, mask):
    x3 = jnp.transpose(inputs, (1, 2, 0))
    x2 = x3.reshape(L * D, B)
    mf = jnp.transpose(mask, (1, 0)).astype(jnp.float32)
    out_sc = _agg_sc(x2, mf)
    out_tc = _tc_call(mf, x3)
    return jnp.transpose(out_sc + out_tc, (1, 0))

# --- scband reference (transcript-rebuilt; emitter-appended) ---
"""Pipeline reference for scband-masked-embeddings-aggregator-layer-17678085390900 (READ-ONLY COPY).

The authoritative reference and input builder live on the scoring server;
editing this copy changes nothing except your own understanding.
"""

import jax, jax.numpy as jnp
import numpy as np

B, L, D = 16384, 200, 16

def setup_inputs(seed: int = 0) -> dict:
    key = jax.random.key(seed)
    k1, k2 = jax.random.split(key)
    inputs = jax.random.normal(k1, (B, L, D), dtype=jnp.float32)
    mask = jax.random.randint(k2, (B, L), 0, 2).astype(jnp.bool_)
    return {"inputs": inputs, "mask": mask}

def reference(inputs, mask):
    # ragged.boolean_mask keeps only masked positions per row; reduce_sum over
    # the ragged axis is equivalent to summing masked embeddings per batch row.
    m = mask.astype(inputs.dtype)[:, :, None]
    aggregated = jnp.sum(inputs * m, axis=1)
    return aggregated

if __name__ == "__main__":
    import jax
    _d = setup_inputs()
    print(jax.jit(kernel)(*tuple(_d.values())))

</pallas_src>

<mosaic_0001>
#map = affine_map<(d0, d1) -> (0, 0)>
module attributes {stable_mosaic.version = 14 : i64} {
  func.func @_agg_sc(%arg0: i32, %arg1: i32, %arg2: memref<3200x16384xf32, #tpu.memory_space<hbm>>, %arg3: memref<200x16384xf32, #tpu.memory_space<hbm>>, %arg4: memref<16x16384xf32, #tpu.memory_space<hbm>>, %arg5: memref<2x128x256xf32, #tpu.memory_space<vmem>>, %arg6: memref<2x8x256xf32, #tpu.memory_space<vmem>>, %arg7: memref<16x256xf32, #tpu.memory_space<vmem>>, %arg8: memref<!tpu.dma_semaphore, #tpu.memory_space<semaphore_mem>>, %arg9: memref<!tpu.dma_semaphore, #tpu.memory_space<semaphore_mem>>, %arg10: memref<!tpu.dma_semaphore, #tpu.memory_space<semaphore_mem>>, %arg11: memref<!tpu.dma_semaphore, #tpu.memory_space<semaphore_mem>>) attributes {dimension_semantics = [#tpu.dimension_semantics<core_parallel>, #tpu.dimension_semantics<subcore_parallel>], iteration_bounds = array<i64: 2, 16>, scalar_prefetch = 0 : i64, scratch_operands = 7 : i64, tpu.core_type = #tpu.core_type<sc_vector_subcore>, window_params = [{transform_indices = #map}, {transform_indices = #map}, {transform_indices = #map}]} {
    %mul3A = arith.constant 16 : i32
    %mul3A_0 = arith.muli %arg0, %mul3A : i32
    %add3A = arith.addi %mul3A_0, %arg1 : i32
    %scan3A = arith.constant 0 : i32
    %scan3A_1 = arith.constant 0 : i32
    %scan3A_2 = arith.constant 2 : i32
    %scan3A_3 = arith.addi %scan3A_1, %scan3A_2 : i32
    %scan3A_4 = arith.constant 1 : i32
    %scan3A_5 = scf.for %scan3A_7 = %scan3A_1 to %scan3A_3 step %scan3A_4 iter_args(%scan3A_8 = %scan3A) -> (i32)  : i32 {
      %mul3A_9 = arith.constant 512 : i32
      %mul3A_10 = arith.muli %add3A, %mul3A_9 : i32
      %mul3A_11 = arith.constant 256 : i32
      %mul3A_12 = arith.muli %scan3A_7, %mul3A_11 : i32
      %add3A_13 = arith.addi %mul3A_10, %mul3A_12 : i32
      %scan3A_14 = arith.constant 0 : i32
      %scan3A_15 = arith.constant 0 : i32
      %scan3A_16 = arith.constant 16 : i32
      %scan3A_17 = arith.addi %scan3A_15, %scan3A_16 : i32
      %scan3A_18 = arith.constant 1 : i32
      %scan3A_19 = scf.for %scan3A_86 = %scan3A_15 to %scan3A_17 step %scan3A_18 iter_args(%scan3A_87 = %scan3A_14) -> (i32)  : i32 {
        %broadcast_in_dim3A = arith.constant 0.000000e+00 : f32
        %broadcast_in_dim3A_88 = vector.broadcast %broadcast_in_dim3A : f32 to vector<16xf32>
        %swap3A = arith.index_cast %scan3A_86 : i32 to index
        %swap3A_89 = arith.constant 0 : index
        %swap3A_90 = tpu.vector_load %arg7[%swap3A, %swap3A_89] {strides = array<i32>} : memref<16x256xf32, #tpu.memory_space<vmem>>, vector<1x16xf32>,
        %swap3A_91 = vector.shape_cast %swap3A_90 : vector<1x16xf32> to vector<16xf32>
        %swap3A_92 = vector.shape_cast %broadcast_in_dim3A_88 : vector<16xf32> to vector<1x16xf32>
        tpu.vector_store %arg7[%swap3A, %swap3A_89], %swap3A_92 {strides = array<i32>} : memref<16x256xf32, #tpu.memory_space<vmem>>, vector<1x16xf32>,
        %broadcast_in_dim3A_93 = arith.constant 0.000000e+00 : f32
        %broadcast_in_dim3A_94 = vector.broadcast %broadcast_in_dim3A_93 : f32 to vector<16xf32>
        %swap3A_95 = arith.index_cast %scan3A_86 : i32 to index
        %swap3A_96 = arith.constant 16 : index
        %swap3A_97 = tpu.vector_load %arg7[%swap3A_95, %swap3A_96] {strides = array<i32>} : memref<16x256xf32, #tpu.memory_space<vmem>>, vector<1x16xf32>,
        %swap3A_98 = vector.shape_cast %swap3A_97 : vector<1x16xf32> to vector<16xf32>
        %swap3A_99 = vector.shape_cast %broadcast_in_dim3A_94 : vector<16xf32> to vector<1x16xf32>
        tpu.vector_store %arg7[%swap3A_95, %swap3A_96], %swap3A_99 {strides = array<i32>} : memref<16x256xf32, #tpu.memory_space<vmem>>, vector<1x16xf32>,
        %broadcast_in_dim3A_100 = arith.constant 0.000000e+00 : f32
        %broadcast_in_dim3A_101 = vector.broadcast %broadcast_in_dim3A_100 : f32 to vector<16xf32>
        %swap3A_102 = arith.index_cast %scan3A_86 : i32 to index
        %swap3A_103 = arith.constant 32 : index
        %swap3A_104 = tpu.vector_load %arg7[%swap3A_102, %swap3A_103] {strides = array<i32>} : memref<16x256xf32, #tpu.memory_space<vmem>>, vector<1x16xf32>,
        %swap3A_105 = vector.shape_cast %swap3A_104 : vector<1x16xf32> to vector<16xf32>
        %swap3A_106 = vector.shape_cast %broadcast_in_dim3A_101 : vector<16xf32> to vector<1x16xf32>
        tpu.vector_store %arg7[%swap3A_102, %swap3A_103], %swap3A_106 {strides = array<i32>} : memref<16x256xf32, #tpu.memory_space<vmem>>, vector<1x16xf32>,
        %broadcast_in_dim3A_107 = arith.constant 0.000000e+00 : f32
        %broadcast_in_dim3A_108 = vector.broadcast %broadcast_in_dim3A_107 : f32 to vector<16xf32>
        %swap3A_109 = arith.index_cast %scan3A_86 : i32 to index
        %swap3A_110 = arith.constant 48 : index
        %swap3A_111 = tpu.vector_load %arg7[%swap3A_109, %swap3A_110] {strides = array<i32>} : memref<16x256xf32, #tpu.memory_space<vmem>>, vector<1x16xf32>,
        %swap3A_112 = vector.shape_cast %swap3A_111 : vector<1x16xf32> to vector<16xf32>
        %swap3A_113 = vector.shape_cast %broadcast_in_dim3A_108 : vector<16xf32> to vector<1x16xf32>
        tpu.vector_store %arg7[%swap3A_109, %swap3A_110], %swap3A_113 {strides = array<i32>} : memref<16x256xf32, #tpu.memory_space<vmem>>, vector<1x16xf32>,
        %broadcast_in_dim3A_114 = arith.constant 0.000000e+00 : f32
        %broadcast_in_dim3A_115 = vector.broadcast %broadcast_in_dim3A_114 : f32 to vector<16xf32>
        %swap3A_116 = arith.index_cast %scan3A_86 : i32 to index
        %swap3A_117 = arith.constant 64 : index
        %swap3A_118 = tpu.vector_load %arg7[%swap3A_116, %swap3A_117] {strides = array<i32>} : memref<16x256xf32, #tpu.memory_space<vmem>>, vector<1x16xf32>,
        %swap3A_119 = vector.shape_cast %swap3A_118 : vector<1x16xf32> to vector<16xf32>
        %swap3A_120 = vector.shape_cast %broadcast_in_dim3A_115 : vector<16xf32> to vector<1x16xf32>
        tpu.vector_store %arg7[%swap3A_116, %swap3A_117], %swap3A_120 {strides = array<i32>} : memref<16x256xf32, #tpu.memory_space<vmem>>, vector<1x16xf32>,
        %broadcast_in_dim3A_121 = arith.constant 0.000000e+00 : f32
        %broadcast_in_dim3A_122 = vector.broadcast %broadcast_in_dim3A_121 : f32 to vector<16xf32>
        %swap3A_123 = arith.index_cast %scan3A_86 : i32 to index
        %swap3A_124 = arith.constant 80 : index
        %swap3A_125 = tpu.vector_load %arg7[%swap3A_123, %swap3A_124] {strides = array<i32>} : memref<16x256xf32, #tpu.memory_space<vmem>>, vector<1x16xf32>,
        %swap3A_126 = vector.shape_cast %swap3A_125 : vector<1x16xf32> to vector<16xf32>
        %swap3A_127 = vector.shape_cast %broadcast_in_dim3A_122 : vector<16xf32> to vector<1x16xf32>
        tpu.vector_store %arg7[%swap3A_123, %swap3A_124], %swap3A_127 {strides = array<i32>} : memref<16x256xf32, #tpu.memory_space<vmem>>, vector<1x16xf32>,
        %broadcast_in_dim3A_128 = arith.constant 0.000000e+00 : f32
        %broadcast_in_dim3A_129 = vector.broadcast %broadcast_in_dim3A_128 : f32 to vector<16xf32>
        %swap3A_130 = arith.index_cast %scan3A_86 : i32 to index
        %swap3A_131 = arith.constant 96 : index
        %swap3A_132 = tpu.vector_load %arg7[%swap3A_130, %swap3A_131] {strides = array<i32>} : memref<16x256xf32, #tpu.memory_space<vmem>>, vector<1x16xf32>,
        %swap3A_133 = vector.shape_cast %swap3A_132 : vector<1x16xf32> to vector<16xf32>
        %swap3A_134 = vector.shape_cast %broadcast_in_dim3A_129 : vector<16xf32> to vector<1x16xf32>
        tpu.vector_store %arg7[%swap3A_130, %swap3A_131], %swap3A_134 {strides = array<i32>} : memref<16x256xf32, #tpu.memory_space<vmem>>, vector<1x16xf32>,
        %broadcast_in_dim3A_135 = arith.constant 0.000000e+00 : f32
        %broadcast_in_dim3A_136 = vector.broadcast %broadcast_in_dim3A_135 : f32 to vector<16xf32>
        %swap3A_137 = arith.index_cast %scan3A_86 : i32 to index
        %swap3A_138 = arith.constant 112 : index
        %swap3A_139 = tpu.vector_load %arg7[%swap3A_137, %swap3A_138] {strides = array<i32>} : memref<16x256xf32, #tpu.memory_space<vmem>>, vector<1x16xf32>,
        %swap3A_140 = vector.shape_cast %swap3A_139 : vector<1x16xf32> to vector<16xf32>
        %swap3A_141 = vector.shape_cast %broadcast_in_dim3A_136 : vector<16xf32> to vector<1x16xf32>
        tpu.vector_store %arg7[%swap3A_137, %swap3A_138], %swap3A_141 {strides = array<i32>} : memref<16x256xf32, #tpu.memory_space<vmem>>, vector<1x16xf32>,
        %broadcast_in_dim3A_142 = arith.constant 0.000000e+00 : f32
        %broadcast_in_dim3A_143 = vector.broadcast %broadcast_in_dim3A_142 : f32 to vector<16xf32>
        %swap3A_144 = arith.index_cast %scan3A_86 : i32 to index
        %swap3A_145 = arith.constant 128 : index
        %swap3A_146 = tpu.vector_load %arg7[%swap3A_144, %swap3A_145] {strides = array<i32>} : memref<16x256xf32, #tpu.memory_space<vmem>>, vector<1x16xf32>,
        %swap3A_147 = vector.shape_cast %swap3A_146 : vector<1x16xf32> to vector<16xf32>
        %swap3A_148 = vector.shape_cast %broadcast_in_dim3A_143 : vector<16xf32> to vector<1x16xf32>
        tpu.vector_store %arg7[%swap3A_144, %swap3A_145], %swap3A_148 {strides = array<i32>} : memref<16x256xf32, #tpu.memory_space<vmem>>, vector<1x16xf32>,
        %broadcast_in_dim3A_149 = arith.constant 0.000000e+00 : f32
        %broadcast_in_dim3A_150 = vector.broadcast %broadcast_in_dim3A_149 : f32 to vector<16xf32>
        %swap3A_151 = arith.index_cast %scan3A_86 : i32 to index
        %swap3A_152 = arith.constant 144 : index
        %swap3A_153 = tpu.vector_load %arg7[%swap3A_151, %swap3A_152] {strides = array<i32>} : memref<16x256xf32, #tpu.memory_space<vmem>>, vector<1x16xf32>,
        %swap3A_154 = vector.shape_cast %swap3A_153 : vector<1x16xf32> to vector<16xf32>
        %swap3A_155 = vector.shape_cast %broadcast_in_dim3A_150 : vector<16xf32> to vector<1x16xf32>
        tpu.vector_store %arg7[%swap3A_151, %swap3A_152], %swap3A_155 {strides = array<i32>} : memref<16x256xf32, #tpu.memory_space<vmem>>, vector<1x16xf32>,
        %broadcast_in_dim3A_156 = arith.constant 0.000000e+00 : f32
        %broadcast_in_dim3A_157 = vector.broadcast %broadcast_in_dim3A_156 : f32 to vector<16xf32>
        %swap3A_158 = arith.index_cast %scan3A_86 : i32 to index
        %swap3A_159 = arith.constant 160 : index
        %swap3A_160 = tpu.vector_load %arg7[%swap3A_158, %swap3A_159] {strides = array<i32>} : memref<16x256xf32, #tpu.memory_space<vmem>>, vector<1x16xf32>,
        %swap3A_161 = vector.shape_cast %swap3A_160 : vector<1x16xf32> to vector<16xf32>
        %swap3A_162 = vector.shape_cast %broadcast_in_dim3A_157 : vector<16xf32> to vector<1x16xf32>
        tpu.vector_store %arg7[%swap3A_158, %swap3A_159], %swap3A_162 {strides = array<i32>} : memref<16x256xf32, #tpu.memory_space<vmem>>, vector<1x16xf32>,
        %broadcast_in_dim3A_163 = arith.constant 0.000000e+00 : f32
        %broadcast_in_dim3A_164 = vector.broadcast %broadcast_in_dim3A_163 : f32 to vector<16xf32>
        %swap3A_165 = arith.index_cast %scan3A_86 : i32 to index
        %swap3A_166 = arith.constant 176 : index
        %swap3A_167 = tpu.vector_load %arg7[%swap3A_165, %swap3A_166] {strides = array<i32>} : memref<16x256xf32, #tpu.memory_space<vmem>>, vector<1x16xf32>,
        %swap3A_168 = vector.shape_cast %swap3A_167 : vector<1x16xf32> to vector<16xf32>
        %swap3A_169 = vector.shape_cast %broadcast_in_dim3A_164 : vector<16xf32> to vector<1x16xf32>
        tpu.vector_store %arg7[%swap3A_165, %swap3A_166], %swap3A_169 {strides = array<i32>} : memref<16x256xf32, #tpu.memory_space<vmem>>, vector<1x16xf32>,
        %broadcast_in_dim3A_170 = arith.constant 0.000000e+00 : f32
        %broadcast_in_dim3A_171 = vector.broadcast %broadcast_in_dim3A_170 : f32 to vector<16xf32>
        %swap3A_172 = arith.index_cast %scan3A_86 : i32 to index
        %swap3A_173 = arith.constant 192 : index
        %swap3A_174 = tpu.vector_load %arg7[%swap3A_172, %swap3A_173] {strides = array<i32>} : memref<16x256xf32, #tpu.memory_space<vmem>>, vector<1x16xf32>,
        %swap3A_175 = vector.shape_cast %swap3A_174 : vector<1x16xf32> to vector<16xf32>
        %swap3A_176 = vector.shape_cast %broadcast_in_dim3A_171 : vector<16xf32> to vector<1x16xf32>
        tpu.vector_store %arg7[%swap3A_172, %swap3A_173], %swap3A_176 {strides = array<i32>} : memref<16x256xf32, #tpu.memory_space<vmem>>, vector<1x16xf32>,
        %broadcast_in_dim3A_177 = arith.constant 0.000000e+00 : f32
        %broadcast_in_dim3A_178 = vector.broadcast %broadcast_in_dim3A_177 : f32 to vector<16xf32>
        %swap3A_179 = arith.index_cast %scan3A_86 : i32 to index
        %swap3A_180 = arith.constant 208 : index
        %swap3A_181 = tpu.vector_load %arg7[%swap3A_179, %swap3A_180] {strides = array<i32>} : memref<16x256xf32, #tpu.memory_space<vmem>>, vector<1x16xf32>,
        %swap3A_182 = vector.shape_cast %swap3A_181 : vector<1x16xf32> to vector<16xf32>
        %swap3A_183 = vector.shape_cast %broadcast_in_dim3A_178 : vector<16xf32> to vector<1x16xf32>
        tpu.vector_store %arg7[%swap3A_179, %swap3A_180], %swap3A_183 {strides = array<i32>} : memref<16x256xf32, #tpu.memory_space<vmem>>, vector<1x16xf32>,
        %broadcast_in_dim3A_184 = arith.constant 0.000000e+00 : f32
        %broadcast_in_dim3A_185 = vector.broadcast %broadcast_in_dim3A_184 : f32 to vector<16xf32>
        %swap3A_186 = arith.index_cast %scan3A_86 : i32 to index
        %swap3A_187 = arith.constant 224 : index
        %swap3A_188 = tpu.vector_load %arg7[%swap3A_186, %swap3A_187] {strides = array<i32>} : memref<16x256xf32, #tpu.memory_space<vmem>>, vector<1x16xf32>,
        %swap3A_189 = vector.shape_cast %swap3A_188 : vector<1x16xf32> to vector<16xf32>
        %swap3A_190 = vector.shape_cast %broadcast_in_dim3A_185 : vector<16xf32> to vector<1x16xf32>
        tpu.vector_store %arg7[%swap3A_186, %swap3A_187], %swap3A_190 {strides = array<i32>} : memref<16x256xf32, #tpu.memory_space<vmem>>, vector<1x16xf32>,
        %broadcast_in_dim3A_191 = arith.constant 0.000000e+00 : f32
        %broadcast_in_dim3A_192 = vector.broadcast %broadcast_in_dim3A_191 : f32 to vector<16xf32>
        %swap3A_193 = arith.index_cast %scan3A_86 : i32 to index
        %swap3A_194 = arith.constant 240 : index
        %swap3A_195 = tpu.vector_load %arg7[%swap3A_193, %swap3A_194] {strides = array<i32>} : memref<16x256xf32, #tpu.memory_space<vmem>>, vector<1x16xf32>,
        %swap3A_196 = vector.shape_cast %swap3A_195 : vector<1x16xf32> to vector<16xf32>
        %swap3A_197 = vector.shape_cast %broadcast_in_dim3A_192 : vector<16xf32> to vector<1x16xf32>
        tpu.vector_store %arg7[%swap3A_193, %swap3A_194], %swap3A_197 {strides = array<i32>} : memref<16x256xf32, #tpu.memory_space<vmem>>, vector<1x16xf32>,
        %scan3A_198 = arith.constant 0 : i32
        scf.yield %scan3A_198 : i32
      }
      %scan3A_20 = arith.constant 16 : i32
      %dma_start3A = arith.constant 0 : i32
      %dma_start3A_21 = arith.constant 0 : i32
      %dma_start3A_22 = arith.constant 0 : i32
      %dma_start3A_23 = tpu.memref_slice %arg5[%dma_start3A, %dma_start3A_21, %dma_start3A_22] : memref<2x128x256xf32, #tpu.memory_space<vmem>> -> memref<1x128x256xf32, #tpu.memory_space<vmem>>
      %dma_start3A_24 = tpu.memref_squeeze %dma_start3A_23 : memref<1x128x256xf32, #tpu.memory_space<vmem>> -> memref<128x256xf32, #tpu.memory_space<vmem>>
      %dma_start3A_25 = arith.constant 2560 : i32
      %dma_start3A_26 = tpu.memref_slice %arg2[%dma_start3A_25, %add3A_13] : memref<3200x16384xf32, #tpu.memory_space<hbm>> -> memref<128x256xf32, #tpu.memory_space<hbm>>
      %dma_start3A_27 = arith.constant 0 : i32
      %dma_start3A_28 = arith.constant 0 : i32
      %dma_start3A_29 = tpu.memref_slice %arg5[%dma_start3A, %dma_start3A_27, %dma_start3A_28] : memref<2x128x256xf32, #tpu.memory_space<vmem>> -> memref<1x128x256xf32, #tpu.memory_space<vmem>>
      %dma_start3A_30 = tpu.memref_squeeze %dma_start3A_29 : memref<1x128x256xf32, #tpu.memory_space<vmem>> -> memref<128x256xf32, #tpu.memory_space<vmem>>
      %dma_start3A_31 = arith.constant 2560 : i32
      %dma_start3A_32 = tpu.memref_slice %arg2[%dma_start3A_31, %add3A_13] : memref<3200x16384xf32, #tpu.memory_space<hbm>> -> memref<128x256xf32, #tpu.memory_space<hbm>>
      tpu.enqueue_dma source(%dma_start3A_32 : memref<128x256xf32, #tpu.memory_space<hbm>>) target(%dma_start3A_30 : memref<128x256xf32, #tpu.memory_space<vmem>>) target_semaphore(%arg8 : memref<!tpu.dma_semaphore, #tpu.memory_space<semaphore_mem>>)
      %dma_start3A_33 = arith.constant 0 : i32
      %dma_start3A_34 = arith.constant 0 : i32
      %dma_start3A_35 = arith.constant 0 : i32
      %dma_start3A_36 = tpu.memref_slice %arg6[%dma_start3A_33, %dma_start3A_34, %dma_start3A_35] : memref<2x8x256xf32, #tpu.memory_space<vmem>> -> memref<1x8x256xf32, #tpu.memory_space<vmem>>
      %dma_start3A_37 = tpu.memref_squeeze %dma_start3A_36 : memref<1x8x256xf32, #tpu.memory_space<vmem>> -> memref<8x256xf32, #tpu.memory_space<vmem>>
      %dma_start3A_38 = arith.constant 160 : i32
      %dma_start3A_39 = tpu.memref_slice %arg3[%dma_start3A_38, %add3A_13] : memref<200x16384xf32, #tpu.memory_space<hbm>> -> memref<8x256xf32, #tpu.memory_space<hbm>>
      %dma_start3A_40 = arith.constant 0 : i32
      %dma_start3A_41 = arith.constant 0 : i32
      %dma_start3A_42 = tpu.memref_slice %arg6[%dma_start3A_33, %dma_start3A_40, %dma_start3A_41] : memref<2x8x256xf32, #tpu.memory_space<vmem>> -> memref<1x8x256xf32, #tpu.memory_space<vmem>>
      %dma_start3A_43 = tpu.memref_squeeze %dma_start3A_42 : memref<1x8x256xf32, #tpu.memory_space<vmem>> -> memref<8x256xf32, #tpu.memory_space<vmem>>
      %dma_start3A_44 = arith.constant 160 : i32
      %dma_start3A_45 = tpu.memref_slice %arg3[%dma_start3A_44, %add3A_13] : memref<200x16384xf32, #tpu.memory_space<hbm>> -> memref<8x256xf32, #tpu.memory_space<hbm>>
      tpu.enqueue_dma source(%dma_start3A_45 : memref<8x256xf32, #tpu.memory_space<hbm>>) target(%dma_start3A_43 : memref<8x256xf32, #tpu.memory_space<vmem>>) target_semaphore(%arg10 : memref<!tpu.dma_semaphore, #tpu.memory_space<semaphore_mem>>)
      %scan3A_46 = arith.constant 0 : i32
      %scan3A_47 = arith.constant 0 : i32
      %scan3A_48 = arith.constant 2 : i32
      %scan3A_49 = arith.addi %scan3A_47, %scan3A_48 : i32
      %scan3A_50 = arith.constant 1 : i32
      %scan3A_51 = scf.for %scan3A_86 = %scan3A_47 to %scan3A_49 step %scan3A_50 iter_args(%scan3A_87 = %scan3A_46) -> (i32)  : i32 {
        %mul3A_88 = arith.constant 2 : i32
        %mul3A_89 = arith.muli %scan3A_86, %mul3A_88 : i32
        %add3A_90 = arith.constant 0 : i32
        %add3A_91 = arith.addi %mul3A_89, %add3A_90 : i32
        %add3A_92 = arith.constant 20 : i32
        %add3A_93 = arith.addi %add3A_92, %add3A_91 : i32
        %mul3A_94 = arith.constant 128 : i32
        %mul3A_95 = arith.muli %add3A_93, %mul3A_94 : i32
        %dma_wait3A_96 = arith.constant 0 : i32
        %dma_wait3A_97 = arith.constant 0 : i32
        %dma_wait3A_98 = arith.constant 0 : i32
        %dma_wait3A_99 = tpu.memref_slice %arg5[%dma_wait3A_96, %dma_wait3A_97, %dma_wait3A_98] : memref<2x128x256xf32, #tpu.memory_space<vmem>> -> memref<1x128x256xf32, #tpu.memory_space<vmem>>
        %dma_wait3A_100 = tpu.memref_squeeze %dma_wait3A_99 : memref<1x128x256xf32, #tpu.memory_space<vmem>> -> memref<128x256xf32, #tpu.memory_space<vmem>>
        %dma_wait3A_101 = tpu.memref_slice %arg2[%mul3A_95, %add3A_13] : memref<3200x16384xf32, #tpu.memory_space<hbm>> -> memref<128x256xf32, #tpu.memory_space<hbm>>
        %dma_wait3A_102 = arith.constant 0 : i32
        %dma_wait3A_103 = arith.constant 0 : i32
        %dma_wait3A_104 = tpu.memref_slice %arg5[%dma_wait3A_96, %dma_wait3A_102, %dma_wait3A_103] : memref<2x128x256xf32, #tpu.memory_space<vmem>> -> memref<1x128x256xf32, #tpu.memory_space<vmem>>
        %dma_wait3A_105 = tpu.memref_squeeze %dma_wait3A_104 : memref<1x128x256xf32, #tpu.memory_space<vmem>> -> memref<128x256xf32, #tpu.memory_space<vmem>>
        %dma_wait3A_106 = tpu.memref_slice %arg2[%mul3A_95, %add3A_13] : memref<3200x16384xf32, #tpu.memory_space<hbm>> -> memref<128x256xf32, #tpu.memory_space<hbm>>
        tpu.wait_dma2 semaphore(%arg8 : memref<!tpu.dma_semaphore, #tpu.memory_space<semaphore_mem>>) src(%dma_wait3A_106 : memref<128x256xf32, #tpu.memory_space<hbm>>) dst(%dma_wait3A_105 : memref<128x256xf32, #tpu.memory_space<vmem>>)
        %mul3A_107 = arith.constant 8 : i32
        %mul3A_108 = arith.muli %add3A_91, %mul3A_107 : i32
        %add3A_109 = arith.constant 160 : i32
        %add3A_110 = arith.addi %add3A_109, %mul3A_108 : i32
        %dma_wait3A_111 = arith.constant 0 : i32
        %dma_wait3A_112 = arith.constant 0 : i32
        %dma_wait3A_113 = arith.constant 0 : i32
        %dma_wait3A_114 = tpu.memref_slice %arg6[%dma_wait3A_111, %dma_wait3A_112, %dma_wait3A_113] : memref<2x8x256xf32, #tpu.memory_space<vmem>> -> memref<1x8x256xf32, #tpu.memory_space<vmem>>
        %dma_wait3A_115 = tpu.memref_squeeze %dma_wait3A_114 : memref<1x8x256xf32, #tpu.memory_space<vmem>> -> memref<8x256xf32, #tpu.memory_space<vmem>>
        %dma_wait3A_116 = tpu.memref_slice %arg3[%add3A_110, %add3A_13] : memref<200x16384xf32, #tpu.memory_space<hbm>> -> memref<8x256xf32, #tpu.memory_space<hbm>>
        %dma_wait3A_117 = arith.constant 0 : i32
        %dma_wait3A_118 = arith.constant 0 : i32
        %dma_wait3A_119 = tpu.memref_slice %arg6[%dma_wait3A_111, %dma_wait3A_117, %dma_wait3A_118] : memref<2x8x256xf32, #tpu.memory_space<vmem>> -> memref<1x8x256xf32, #tpu.memory_space<vmem>>
        %dma_wait3A_120 = tpu.memref_squeeze %dma_wait3A_119 : memref<1x8x256xf32, #tpu.memory_space<vmem>> -> memref<8x256xf32, #tpu.memory_space<vmem>>
        %dma_wait3A_121 = tpu.memref_slice %arg3[%add3A_110, %add3A_13] : memref<200x16384xf32, #tpu.memory_space<hbm>> -> memref<8x256xf32, #tpu.memory_space<hbm>>
        tpu.wait_dma2 semaphore(%arg10 : memref<!tpu.dma_semaphore, #tpu.memory_space<semaphore_mem>>) src(%dma_wait3A_121 : memref<8x256xf32, #tpu.memory_space<hbm>>) dst(%dma_wait3A_120 : memref<8x256xf32, #tpu.memory_space<vmem>>)
        %add3A_122 = arith.constant 1 : i32
        %add3A_123 = arith.addi %add3A_91, %add3A_122 : i32
        %add3A_124 = arith.constant 20 : i32
        %add3A_125 = arith.addi %add3A_124, %add3A_123 : i32
        %mul3A_126 = arith.constant 128 : i32
        %mul3A_127 = arith.muli %add3A_125, %mul3A_126 : i32
        %dma_start3A_128 = arith.constant 1 : i32
        %dma_start3A_129 = arith.constant 0 : i32
        %dma_start3A_130 = arith.constant 0 : i32
        %dma_start3A_131 = tpu.memref_slice %arg5[%dma_start3A_128, %dma_start3A_129, %dma_start3A_130] : memref<2x128x256xf32, #tpu.memory_space<vmem>> -> memref<1x128x256xf32, #tpu.memory_space<vmem>>
        %dma_start3A_132 = tpu.memref_squeeze %dma_start3A_131 : memref<1x128x256xf32, #tpu.memory_space<vmem>> -> memref<128x256xf32, #tpu.memory_space<vmem>>
        %dma_start3A_133 = tpu.memref_slice %arg2[%mul3A_127, %add3A_13] : memref<3200x16384xf32, #tpu.memory_space<hbm>> -> memref<128x256xf32, #tpu.memory_space<hbm>>
        %dma_start3A_134 = arith.constant 0 : i32
        %dma_start3A_135 = arith.constant 0 : i32
        %dma_start3A_136 = tpu.memref_slice %arg5[%dma_start3A_128, %dma_start3A_134, %dma_start3A_135] : memref<2x128x256xf32, #tpu.memory_space<vmem>> -> memref<1x128x256xf32, #tpu.memory_space<vmem>>
        %dma_start3A_137 = tpu.memref_squeeze %dma_start3A_136 : memref<1x128x256xf32, #tpu.memory_space<vmem>> -> memref<128x256xf32, #tpu.memory_space<vmem>>
        %dma_start3A_138 = tpu.memref_slice %arg2[%mul3A_127, %add3A_13] : memref<3200x16384xf32, #tpu.memory_space<hbm>> -> memref<128x256xf32, #tpu.memory_space<hbm>>
        tpu.enqueue_dma source(%dma_start3A_138 : memref<128x256xf32, #tpu.memory_space<hbm>>) target(%dma_start3A_137 : memref<128x256xf32, #tpu.memory_space<vmem>>) target_semaphore(%arg9 : memref<!tpu.dma_semaphore, #tpu.memory_space<semaphore_mem>>)
        %mul3A_139 = arith.constant 8 : i32
        %mul3A_140 = arith.muli %add3A_123, %mul3A_139 : i32
        %add3A_141 = arith.constant 160 : i32
        %add3A_142 = arith.addi %add3A_141, %mul3A_140 : i32
        %dma_start3A_143 = arith.constant 1 : i32
        %dma_start3A_144 = arith.constant 0 : i32
        %dma_start3A_145 = arith.constant 0 : i32
        %dma_start3A_146 = tpu.memref_slice %arg6[%dma_start3A_143, %dma_start3A_144, %dma_start3A_145] : memref<2x8x256xf32, #tpu.memory_space<vmem>> -> memref<1x8x256xf32, #tpu.memory_space<vmem>>
        %dma_start3A_147 = tpu.memref_squeeze %dma_start3A_146 : memref<1x8x256xf32, #tpu.memory_space<vmem>> -> memref<8x256xf32, #tpu.memory_space<vmem>>
        %dma_start3A_148 = tpu.memref_slice %arg3[%add3A_142, %add3A_13] : memref<200x16384xf32, #tpu.memory_space<hbm>> -> memref<8x256xf32, #tpu.memory_space<hbm>>
        %dma_start3A_149 = arith.constant 0 : i32
        %dma_start3A_150 = arith.constant 0 : i32
        %dma_start3A_151 = tpu.memref_slice %arg6[%dma_start3A_143, %dma_start3A_149, %dma_start3A_150] : memref<2x8x256xf32, #tpu.memory_space<vmem>> -> memref<1x8x256xf32, #tpu.memory_space<vmem>>
        %dma_start3A_152 = tpu.memref_squeeze %dma_start3A_151 : memref<1x8x256xf32, #tpu.memory_space<vmem>> -> memref<8x256xf32, #tpu.memory_space<vmem>>
        %dma_start3A_153 = tpu.memref_slice %arg3[%add3A_142, %add3A_13] : memref<200x16384xf32, #tpu.memory_space<hbm>> -> memref<8x256xf32, #tpu.memory_space<hbm>>
        tpu.enqueue_dma source(%dma_start3A_153 : memref<8x256xf32, #tpu.memory_space<hbm>>) target(%dma_start3A_152 : memref<8x256xf32, #tpu.memory_space<vmem>>) target_semaphore(%arg11 : memref<!tpu.dma_semaphore, #tpu.memory_space<semaphore_mem>>)
        %scan3A_154 = arith.constant 0 : i32
        %scan3A_155 = arith.constant 0 : i32
        %scan3A_156 = arith.constant 16 : i32
        %scan3A_157 = arith.addi %scan3A_155, %scan3A_156 : i32
        %scan3A_158 = arith.constant 1 : i32
        %scan3A_159 = scf.for %scan3A_235 = %scan3A_155 to %scan3A_157 step %scan3A_158 iter_args(%scan3A_236 = %scan3A_154) -> (i32)  : i32 {
          %mul3A_237 = arith.constant 16 : i32
          %mul3A_238 = arith.muli %scan3A_235, %mul3A_237 : i32
          %get3A = arith.constant 0 : i32
          %get3A_239 = arith.constant 0 : i32
          %get3A_240 = arith.index_cast %get3A : i32 to index
          %get3A_241 = arith.index_cast %get3A_239 : i32 to index
          %get3A_242 = arith.index_cast %mul3A_238 : i32 to index
          %get3A_243 = tpu.vector_load %arg6[%get3A_240, %get3A_241, %get3A_242] {strides = array<i32>} : memref<2x8x256xf32, #tpu.memory_space<vmem>>, vector<1x1x16xf32>,
          %get3A_244 = vector.shape_cast %get3A_243 : vector<1x1x16xf32> to vector<16xf32>
          %get3A_245 = arith.constant 0 : i32
          %get3A_246 = arith.constant 1 : i32
          %get3A_247 = arith.index_cast %get3A_245 : i32 to index
          %get3A_248 = arith.index_cast %get3A_246 : i32 to index
          %get3A_249 = arith.index_cast %mul3A_238 : i32 to index
          %get3A_250 = tpu.vector_load %arg6[%get3A_247, %get3A_248, %get3A_249] {strides = array<i32>} : memref<2x8x256xf32, #tpu.memory_space<vmem>>, vector<1x1x16xf32>,
          %get3A_251 = vector.shape_cast %get3A_250 : vector<1x1x16xf32> to vector<16xf32>
          %get3A_252 = arith.constant 0 : i32
          %get3A_253 = arith.constant 2 : i32
          %get3A_254 = arith.index_cast %get3A_252 : i32 to index
          %get3A_255 = arith.index_cast %get3A_253 : i32 to index
          %get3A_256 = arith.index_cast %mul3A_238 : i32 to index
          %get3A_257 = tpu.vector_load %arg6[%get3A_254, %get3A_255, %get3A_256] {strides = array<i32>} : memref<2x8x256xf32, #tpu.memory_space<vmem>>, vector<1x1x16xf32>,
          %get3A_258 = vector.shape_cast %get3A_257 : vector<1x1x16xf32> to vector<16xf32>
          %get3A_259 = arith.constant 0 : i32
          %get3A_260 = arith.constant 3 : i32
          %get3A_261 = arith.index_cast %get3A_259 : i32 to index
          %get3A_262 = arith.index_cast %get3A_260 : i32 to index
          %get3A_263 = arith.index_cast %mul3A_238 : i32 to index
          %get3A_264 = tpu.vector_load %arg6[%get3A_261, %get3A_262, %get3A_263] {strides = array<i32>} : memref<2x8x256xf32, #tpu.memory_space<vmem>>, vector<1x1x16xf32>,
          %get3A_265 = vector.shape_cast %get3A_264 : vector<1x1x16xf32> to vector<16xf32>
          %get3A_266 = arith.constant 0 : i32
          %get3A_267 = arith.constant 4 : i32
          %get3A_268 = arith.index_cast %get3A_266 : i32 to index
          %get3A_269 = arith.index_cast %get3A_267 : i32 to index
          %get3A_270 = arith.index_cast %mul3A_238 : i32 to index
          %get3A_271 = tpu.vector_load %arg6[%get3A_268, %get3A_269, %get3A_270] {strides = array<i32>} : memref<2x8x256xf32, #tpu.memory_space<vmem>>, vector<1x1x16xf32>,
          %get3A_272 = vector.shape_cast %get3A_271 : vector<1x1x16xf32> to vector<16xf32>
          %get3A_273 = arith.constant 0 : i32
          %get3A_274 = arith.constant 5 : i32
          %get3A_275 = arith.index_cast %get3A_273 : i32 to index
          %get3A_276 = arith.index_cast %get3A_274 : i32 to index
          %get3A_277 = arith.index_cast %mul3A_238 : i32 to index
          %get3A_278 = tpu.vector_load %arg6[%get3A_275, %get3A_276, %get3A_277] {strides = array<i32>} : memref<2x8x256xf32, #tpu.memory_space<vmem>>, vector<1x1x16xf32>,
          %get3A_279 = vector.shape_cast %get3A_278 : vector<1x1x16xf32> to vector<16xf32>
          %get3A_280 = arith.constant 0 : i32
          %get3A_281 = arith.constant 6 : i32
          %get3A_282 = arith.index_cast %get3A_280 : i32 to index
          %get3A_283 = arith.index_cast %get3A_281 : i32 to index
          %get3A_284 = arith.index_cast %mul3A_238 : i32 to index
          %get3A_285 = tpu.vector_load %arg6[%get3A_282, %get3A_283, %get3A_284] {strides = array<i32>} : memref<2x8x256xf32, #tpu.memory_space<vmem>>, vector<1x1x16xf32>,
          %get3A_286 = vector.shape_cast %get3A_285 : vector<1x1x16xf32> to vector<16xf32>
          %get3A_287 = arith.constant 0 : i32
          %get3A_288 = arith.constant 7 : i32
          %get3A_289 = arith.index_cast %get3A_287 : i32 to index
          %get3A_290 = arith.index_cast %get3A_288 : i32 to index
          %get3A_291 = arith.index_cast %mul3A_238 : i32 to index
          %get3A_292 = tpu.vector_load %arg6[%get3A_289, %get3A_290, %get3A_291] {strides = array<i32>} : memref<2x8x256xf32, #tpu.memory_space<vmem>>, vector<1x1x16xf32>,
          %get3A_293 = vector.shape_cast %get3A_292 : vector<1x1x16xf32> to vector<16xf32>
          %get3A_294 = arith.constant 0 : i32
          %get3A_295 = arith.constant 0 : i32
          %get3A_296 = arith.index_cast %get3A_294 : i32 to index
          %get3A_297 = arith.index_cast %get3A_295 : i32 to index
          %get3A_298 = arith.index_cast %mul3A_238 : i32 to index
          %get3A_299 = tpu.vector_load %arg5[%get3A_296, %get3A_297, %get3A_298] {strides = array<i32>} : memref<2x128x256xf32, #tpu.memory_space<vmem>>, vector<1x1x16xf32>,
          %get3A_300 = vector.shape_cast %get3A_299 : vector<1x1x16xf32> to vector<16xf32>
          %mul3A_301 = arith.mulf %get3A_300, %get3A_244 : vector<16xf32>
          %get3A_302 = arith.constant 0 : i32
          %get3A_303 = arith.constant 16 : i32
          %get3A_304 = arith.index_cast %get3A_302 : i32 to index
          %get3A_305 = arith.index_cast %get3A_303 : i32 to index
          %get3A_306 = arith.index_cast %mul3A_238 : i32 to index
          %get3A_307 = tpu.vector_load %arg5[%get3A_304, %get3A_305, %get3A_306] {strides = array<i32>} : memref<2x128x256xf32, #tpu.memory_space<vmem>>, vector<1x1x16xf32>,
          %get3A_308 = vector.shape_cast %get3A_307 : vector<1x1x16xf32> to vector<16xf32>
          %mul3A_309 = arith.mulf %get3A_308, %get3A_251 : vector<16xf32>
          %add3A_310 = arith.addf %mul3A_301, %mul3A_309 : vector<16xf32>
          %get3A_311 = arith.constant 0 : i32
          %get3A_312 = arith.constant 32 : i32
          %get3A_313 = arith.index_cast %get3A_311 : i32 to index
          %get3A_314 = arith.index_cast %get3A_312 : i32 to index
          %get3A_315 = arith.index_cast %mul3A_238 : i32 to index
          %get3A_316 = tpu.vector_load %arg5[%get3A_313, %get3A_314, %get3A_315] {strides = array<i32>} : memref<2x128x256xf32, #tpu.memory_space<vmem>>, vector<1x1x16xf32>,
          %get3A_317 = vector.shape_cast %get3A_316 : vector<1x1x16xf32> to vector<16xf32>
          %mul3A_318 = arith.mulf %get3A_317, %get3A_258 : vector<16xf32>
          %add3A_319 = arith.addf %add3A_310, %mul3A_318 : vector<16xf32>
          %get3A_320 = arith.constant 0 : i32
          %get3A_321 = arith.constant 48 : i32
          %get3A_322 = arith.index_cast %get3A_320 : i32 to index
          %get3A_323 = arith.index_cast %get3A_321 : i32 to index
          %get3A_324 = arith.index_cast %mul3A_238 : i32 to index
          %get3A_325 = tpu.vector_load %arg5[%get3A_322, %get3A_323, %get3A_324] {strides = array<i32>} : memref<2x128x256xf32, #tpu.memory_space<vmem>>, vector<1x1x16xf32>,
          %get3A_326 = vector.shape_cast %get3A_325 : vector<1x1x16xf32> to vector<16xf32>
          %mul3A_327 = arith.mulf %get3A_326, %get3A_265 : vector<16xf32>
          %add3A_328 = arith.addf %add3A_319, %mul3A_327 : vector<16xf32>
          %get3A_329 = arith.constant 0 : i32
          %get3A_330 = arith.constant 64 : i32
          %get3A_331 = arith.index_cast %get3A_329 : i32 to index
          %get3A_332 = arith.index_cast %get3A_330 : i32 to index
          %get3A_333 = arith.index_cast %mul3A_238 : i32 to index
          %get3A_334 = tpu.vector_load %arg5[%get3A_331, %get3A_332, %get3A_333] {strides = array<i32>} : memref<2x128x256xf32, #tpu.memory_space<vmem>>, vector<1x1x16xf32>,
          %get3A_335 = vector.shape_cast %get3A_334 : vector<1x1x16xf32> to vector<16xf32>
          %mul3A_336 = arith.mulf %get3A_335, %get3A_272 : vector<16xf32>
          %add3A_337 = arith.addf %add3A_328, %mul3A_336 : vector<16xf32>
          %get3A_338 = arith.constant 0 : i32
          %get3A_339 = arith.constant 80 : i32
          %get3A_340 = arith.index_cast %get3A_338 : i32 to index
          %get3A_341 = arith.index_cast %get3A_339 : i32 to index
          %get3A_342 = arith.index_cast %mul3A_238 : i32 to index
          %get3A_343 = tpu.vector_load %arg5[%get3A_340, %get3A_341, %get3A_342] {strides = array<i32>} : memref<2x128x256xf32, #tpu.memory_space<vmem>>, vector<1x1x16xf32>,
          %get3A_344 = vector.shape_cast %get3A_343 : vector<1x1x16xf32> to vector<16xf32>
          %mul3A_345 = arith.mulf %get3A_344, %get3A_279 : vector<16xf32>
          %add3A_346 = arith.addf %add3A_337, %mul3A_345 : vector<16xf32>
          %get3A_347 = arith.constant 0 : i32
          %get3A_348 = arith.constant 96 : i32
          %get3A_349 = arith.index_cast %get3A_347 : i32 to index
          %get3A_350 = arith.index_cast %get3A_348 : i32 to index
          %get3A_351 = arith.index_cast %mul3A_238 : i32 to index
          %get3A_352 = tpu.vector_load %arg5[%get3A_349, %get3A_350, %get3A_351] {strides = array<i32>} : memref<2x128x256xf32, #tpu.memory_space<vmem>>, vector<1x1x16xf32>,
          %get3A_353 = vector.shape_cast %get3A_352 : vector<1x1x16xf32> to vector<16xf32>
          %mul3A_354 = arith.mulf %get3A_353, %get3A_286 : vector<16xf32>
          %add3A_355 = arith.addf %add3A_346, %mul3A_354 : vector<16xf32>
          %get3A_356 = arith.constant 0 : i32
          %get3A_357 = arith.constant 112 : i32
          %get3A_358 = arith.index_cast %get3A_356 : i32 to index
          %get3A_359 = arith.index_cast %get3A_357 : i32 to index
          %get3A_360 = arith.index_cast %mul3A_238 : i32 to index
          %get3A_361 = tpu.vector_load %arg5[%get3A_358, %get3A_359, %get3A_360] {strides = array<i32>} : memref<2x128x256xf32, #tpu.memory_space<vmem>>, vector<1x1x16xf32>,
          %get3A_362 = vector.shape_cast %get3A_361 : vector<1x1x16xf32> to vector<16xf32>
          %mul3A_363 = arith.mulf %get3A_362, %get3A_293 : vector<16xf32>
          %add3A_364 = arith.addf %add3A_355, %mul3A_363 : vector<16xf32>
          %swap3A = arith.constant 0 : i32
          %swap3A_365 = arith.index_cast %swap3A : i32 to index
          %swap3A_366 = arith.index_cast %mul3A_238 : i32 to index
          %swap3A_367 = tpu.vector_load %arg7[%swap3A_365, %swap3A_366] {strides = array<i32>} : memref<16x256xf32, #tpu.memory_space<vmem>>, vector<1x16xf32>,
          %swap3A_368 = vector.shape_cast %swap3A_367 : vector<1x16xf32> to vector<16xf32>
          %swap3A_369 = vector.shape_cast %add3A_364 : vector<16xf32> to vector<1x16xf32>
          tpu.vector_store %arg7[%swap3A_365, %swap3A_366], %swap3A_369 {add = true, strides = array<i32>} : memref<16x256xf32, #tpu.memory_space<vmem>>, vector<1x16xf32>,
          %get3A_370 = arith.constant 0 : i32
          %get3A_371 = arith.constant 1 : i32
          %get3A_372 = arith.index_cast %get3A_370 : i32 to index
          %get3A_373 = arith.index_cast %get3A_371 : i32 to index
          %get3A_374 = arith.index_cast %mul3A_238 : i32 to index
          %get3A_375 = tpu.vector_load %arg5[%get3A_372, %get3A_373, %get3A_374] {strides = array<i32>} : memref<2x128x256xf32, #tpu.memory_space<vmem>>, vector<1x1x16xf32>,
          %get3A_376 = vector.shape_cast %get3A_375 : vector<1x1x16xf32> to vector<16xf32>
          %mul3A_377 = arith.mulf %get3A_376, %get3A_244 : vector<16xf32>
          %get3A_378 = arith.constant 0 : i32
          %get3A_379 = arith.constant 17 : i32
          %get3A_380 = arith.index_cast %get3A_378 : i32 to index
          %get3A_381 = arith.index_cast %get3A_379 : i32 to index
          %get3A_382 = arith.index_cast %mul3A_238 : i32 to index
          %get3A_383 = tpu.vector_load %arg5[%get3A_380, %get3A_381, %get3A_382] {strides = array<i32>} : memref<2x128x256xf32, #tpu.memory_space<vmem>>, vector<1x1x16xf32>,
          %get3A_384 = vector.shape_cast %get3A_383 : vector<1x1x16xf32> to vector<16xf32>
          %mul3A_385 = arith.mulf %get3A_384, %get3A_251 : vector<16xf32>
          %add3A_386 = arith.addf %mul3A_377, %mul3A_385 : vector<16xf32>
          %get3A_387 = arith.constant 0 : i32
          %get3A_388 = arith.constant 33 : i32
          %get3A_389 = arith.index_cast %get3A_387 : i32 to index
          %get3A_390 = arith.index_cast %get3A_388 : i32 to index
          %get3A_391 = arith.index_cast %mul3A_238 : i32 to index
          %get3A_392 = tpu.vector_load %arg5[%get3A_389, %get3A_390, %get3A_391] {strides = array<i32>} : memref<2x128x256xf32, #tpu.memory_space<vmem>>, vector<1x1x16xf32>,
          %get3A_393 = vector.shape_cast %get3A_392 : vector<1x1x16xf32> to vector<16xf32>
          %mul3A_394 = arith.mulf %get3A_393, %get3A_258 : vector<16xf32>
          %add3A_395 = arith.addf %add3A_386, %mul3A_394 : vector<16xf32>
          %get3A_396 = arith.constant 0 : i32
          %get3A_397 = arith.constant 49 : i32
          %get3A_398 = arith.index_cast %get3A_396 : i32 to index
          %get3A_399 = arith.index_cast %get3A_397 : i32 to index
          %get3A_400 = arith.index_cast %mul3A_238 : i32 to index
          %get3A_401 = tpu.vector_load %arg5[%get3A_398, %get3A_399, %get3A_400] {strides = array<i32>} : memref<2x128x256xf32, #tpu.memory_space<vmem>>, vector<1x1x16xf32>,
          %get3A_402 = vector.shape_cast %get3A_401 : vector<1x1x16xf32> to vector<16xf32>
          %mul3A_403 = arith.mulf %get3A_402, %get3A_265 : vector<16xf32>
          %add3A_404 = arith.addf %add3A_395, %mul3A_403 : vector<16xf32>
          %get3A_405 = arith.constant 0 : i32
          %get3A_406 = arith.constant 65 : i32
          %get3A_407 = arith.index_cast %get3A_405 : i32 to index
          %get3A_408 = arith.index_cast %get3A_406 : i32 to index
          %get3A_409 = arith.index_cast %mul3A_238 : i32 to index
          %get3A_410 = tpu.vector_load %arg5[%get3A_407, %get3A_408, %get3A_409] {strides = array<i32>} : memref<2x128x256xf32, #tpu.memory_space<vmem>>, vector<1x1x16xf32>,
          %get3A_411 = vector.shape_cast %get3A_410 : vector<1x1x16xf32> to vector<16xf32>
          %mul3A_412 = arith.mulf %get3A_411, %get3A_272 : vector<16xf32>
          %add3A_413 = arith.addf %add3A_404, %mul3A_412 : vector<16xf32>
          %get3A_414 = arith.constant 0 : i32
          %get3A_415 = arith.constant 81 : i32
          %get3A_416 = arith.index_cast %get3A_414 : i32 to index
          %get3A_417 = arith.index_cast %get3A_415 : i32 to index
          %get3A_418 = arith.index_cast %mul3A_238 : i32 to index
          %get3A_419 = tpu.vector_load %arg5[%get3A_416, %get3A_417, %get3A_418] {strides = array<i32>} : memref<2x128x256xf32, #tpu.memory_space<vmem>>, vector<1x1x16xf32>,
          %get3A_420 = vector.shape_cast %get3A_419 : vector<1x1x16xf32> to vector<16xf32>
          %mul3A_421 = arith.mulf %get3A_420, %get3A_279 : vector<16xf32>
          %add3A_422 = arith.addf %add3A_413, %mul3A_421 : vector<16xf32>
          %get3A_423 = arith.constant 0 : i32
          %get3A_424 = arith.constant 97 : i32
          %get3A_425 = arith.index_cast %get3A_423 : i32 to index
          %get3A_426 = arith.index_cast %get3A_424 : i32 to index
          %get3A_427 = arith.index_cast %mul3A_238 : i32 to index
          %get3A_428 = tpu.vector_load %arg5[%get3A_425, %get3A_426, %get3A_427] {strides = array<i32>} : memref<2x128x256xf32, #tpu.memory_space<vmem>>, vector<1x1x16xf32>,
          %get3A_429 = vector.shape_cast %get3A_428 : vector<1x1x16xf32> to vector<16xf32>
          %mul3A_430 = arith.mulf %get3A_429, %get3A_286 : vector<16xf32>
          %add3A_431 = arith.addf %add3A_422, %mul3A_430 : vector<16xf32>
          %get3A_432 = arith.constant 0 : i32
          %get3A_433 = arith.constant 113 : i32
          %get3A_434 = arith.index_cast %get3A_432 : i32 to index
          %get3A_435 = arith.index_cast %get3A_433 : i32 to index
          %get3A_436 = arith.index_cast %mul3A_238 : i32 to index
          %get3A_437 = tpu.vector_load %arg5[%get3A_434, %get3A_435, %get3A_436] {strides = array<i32>} : memref<2x128x256xf32, #tpu.memory_space<vmem>>, vector<1x1x16xf32>,
          %get3A_438 = vector.shape_cast %get3A_437 : vector<1x1x16xf32> to vector<16xf32>
          %mul3A_439 = arith.mulf %get3A_438, %get3A_293 : vector<16xf32>
          %add3A_440 = arith.addf %add3A_431, %mul3A_439 : vector<16xf32>
          %swap3A_441 = arith.constant 1 : i32
          %swap3A_442 = arith.index_cast %swap3A_441 : i32 to index
          %swap3A_443 = arith.index_cast %mul3A_238 : i32 to index
          %swap3A_444 = tpu.vector_load %arg7[%swap3A_442, %swap3A_443] {strides = array<i32>} : memref<16x256xf32, #tpu.memory_space<vmem>>, vector<1x16xf32>,
          %swap3A_445 = vector.shape_cast %swap3A_444 : vector<1x16xf32> to vector<16xf32>
          %swap3A_446 = vector.shape_cast %add3A_440 : vector<16xf32> to vector<1x16xf32>
          tpu.vector_store %arg7[%swap3A_442, %swap3A_443], %swap3A_446 {add = true, strides = array<i32>} : memref<16x256xf32, #tpu.memory_space<vmem>>, vector<1x16xf32>,
          %get3A_447 = arith.constant 0 : i32
          %get3A_448 = arith.constant 2 : i32
          %get3A_449 = arith.index_cast %get3A_447 : i32 to index
          %get3A_450 = arith.index_cast %get3A_448 : i32 to index
          %get3A_451 = arith.index_cast %mul3A_238 : i32 to index
          %get3A_452 = tpu.vector_load %arg5[%get3A_449, %get3A_450, %get3A_451] {strides = array<i32>} : memref<2x128x256xf32, #tpu.memory_space<vmem>>, vector<1x1x16xf32>,
          %get3A_453 = vector.shape_cast %get3A_452 : vector<1x1x16xf32> to vector<16xf32>
          %mul3A_454 = arith.mulf %get3A_453, %get3A_244 : vector<16xf32>
          %get3A_455 = arith.constant 0 : i32
          %get3A_456 = arith.constant 18 : i32
          %get3A_457 = arith.index_cast %get3A_455 : i32 to index
          %get3A_458 = arith.index_cast %get3A_456 : i32 to index
          %get3A_459 = arith.index_cast %mul3A_238 : i32 to index
          %get3A_460 = tpu.vector_load %arg5[%get3A_457, %get3A_458, %get3A_459] {strides = array<i32>} : memref<2x128x256xf32, #tpu.memory_space<vmem>>, vector<1x1x16xf32>,
          %get3A_461 = vector.shape_cast %get3A_460 : vector<1x1x16xf32> to vector<16xf32>
          %mul3A_462 = arith.mulf %get3A_461, %get3A_251 : vector<16xf32>
          %add3A_463 = arith.addf %mul3A_454, %mul3A_462 : vector<16xf32>
          %get3A_464 = arith.constant 0 : i32
          %get3A_465 = arith.constant 34 : i32
          %get3A_466 = arith.index_cast %get3A_464 : i32 to index
          %get3A_467 = arith.index_cast %get3A_465 : i32 to index
          %get3A_468 = arith.index_cast %mul3A_238 : i32 to index
          %get3A_469 = tpu.vector_load %arg5[%get3A_466, %get3A_467, %get3A_468] {strides = array<i32>} : memref<2x128x256xf32, #tpu.memory_space<vmem>>, vector<1x1x16xf32>,
          %get3A_470 = vector.shape_cast %get3A_469 : vector<1x1x16xf32> to vector<16xf32>
          %mul3A_471 = arith.mulf %get3A_470, %get3A_258 : vector<16xf32>
          %add3A_472 = arith.addf %add3A_463, %mul3A_471 : vector<16xf32>
          %get3A_473 = arith.constant 0 : i32
          %get3A_474 = arith.constant 50 : i32
          %get3A_475 = arith.index_cast %get3A_473 : i32 to index
          %get3A_476 = arith.index_cast %get3A_474 : i32 to index
          %get3A_477 = arith.index_cast %mul3A_238 : i32 to index
          %get3A_478 = tpu.vector_load %arg5[%get3A_475, %get3A_476, %get3A_477] {strides = array<i32>} : memref<2x128x256xf32, #tpu.memory_space<vmem>>, vector<1x1x16xf32>,
          %get3A_479 = vector.shape_cast %get3A_478 : vector<1x1x16xf32> to vector<16xf32>
          %mul3A_480 = arith.mulf %get3A_479, %get3A_265 : vector<16xf32>
          %add3A_481 = arith.addf %add3A_472, %mul3A_480 : vector<16xf32>
          %get3A_482 = arith.constant 0 : i32
          %get3A_483 = arith.constant 66 : i32
          %get3A_484 = arith.index_cast %get3A_482 : i32 to index
          %get3A_485 = arith.index_cast %get3A_483 : i32 to index
          %get3A_486 = arith.index_cast %mul3A_238 : i32 to index
          %get3A_487 = tpu.vector_load %arg5[%get3A_484, %get3A_485, %get3A_486] {strides = array<i32>} : memref<2x128x256xf32, #tpu.memory_space<vmem>>, vector<1x1x16xf32>,
          %get3A_488 = vector.shape_cast %get3A_487 : vector<1x1x16xf32> to vector<16xf32>
          %mul3A_489 = arith.mulf %get3A_488, %get3A_272 : vector<16xf32>
          %add3A_490 = arith.addf %add3A_481, %mul3A_489 : vector<16xf32>
          %get3A_491 = arith.constant 0 : i32
          %get3A_492 = arith.constant 82 : i32
          %get3A_493 = arith.index_cast %get3A_491 : i32 to index
          %get3A_494 = arith.index_cast %get3A_492 : i32 to index
          %get3A_495 = arith.index_cast %mul3A_238 : i32 to index
          %get3A_496 = tpu.vector_load %arg5[%get3A_493, %get3A_494, %get3A_495] {strides = array<i32>} : memref<2x128x256xf32, #tpu.memory_space<vmem>>, vector<1x1x16xf32>,
          %get3A_497 = vector.shape_cast %get3A_496 : vector<1x1x16xf32> to vector<16xf32>
          %mul3A_498 = arith.mulf %get3A_497, %get3A_279 : vector<16xf32>
          %add3A_499 = arith.addf %add3A_490, %mul3A_498 : vector<16xf32>
          %get3A_500 = arith.constant 0 : i32
          %get3A_501 = arith.constant 98 : i32
          %get3A_502 = arith.index_cast %get3A_500 : i32 to index
          %get3A_503 = arith.index_cast %get3A_501 : i32 to index
          %get3A_504 = arith.index_cast %mul3A_238 : i32 to index
          %get3A_505 = tpu.vector_load %arg5[%get3A_502, %get3A_503, %get3A_504] {strides = array<i32>} : memref<2x128x256xf32, #tpu.memory_space<vmem>>, vector<1x1x16xf32>,
          %get3A_506 = vector.shape_cast %get3A_505 : vector<1x1x16xf32> to vector<16xf32>
          %mul3A_507 = arith.mulf %get3A_506, %get3A_286 : vector<16xf32>
          %add3A_508 = arith.addf %add3A_499, %mul3A_507 : vector<16xf32>
          %get3A_509 = arith.constant 0 : i32
          %get3A_510 = arith.constant 114 : i32
          %get3A_511 = arith.index_cast %get3A_509 : i32 to index
          %get3A_512 = arith.index_cast %get3A_510 : i32 to index
          %get3A_513 = arith.index_cast %mul3A_238 : i32 to index
          %get3A_514 = tpu.vector_load %arg5[%get3A_511, %get3A_512, %get3A_513] {strides = array<i32>} : memref<2x128x256xf32, #tpu.memory_space<vmem>>, vector<1x1x16xf32>,
          %get3A_515 = vector.shape_cast %get3A_514 : vector<1x1x16xf32> to vector<16xf32>
          %mul3A_516 = arith.mulf %get3A_515, %get3A_293 : vector<16xf32>
          %add3A_517 = arith.addf %add3A_508, %mul3A_516 : vector<16xf32>
          %swap3A_518 = arith.constant 2 : i32
          %swap3A_519 = arith.index_cast %swap3A_518 : i32 to index
          %swap3A_520 = arith.index_cast %mul3A_238 : i32 to index
          %swap3A_521 = tpu.vector_load %arg7[%swap3A_519, %swap3A_520] {strides = array<i32>} : memref<16x256xf32, #tpu.memory_space<vmem>>, vector<1x16xf32>,
          %swap3A_522 = vector.shape_cast %swap3A_521 : vector<1x16xf32> to vector<16xf32>
          %swap3A_523 = vector.shape_cast %add3A_517 : vector<16xf32> to vector<1x16xf32>
          tpu.vector_store %arg7[%swap3A_519, %swap3A_520], %swap3A_523 {add = true, strides = array<i32>} : memref<16x256xf32, #tpu.memory_space<vmem>>, vector<1x16xf32>,
          %get3A_524 = arith.constant 0 : i32
          %get3A_525 = arith.constant 3 : i32
          %get3A_526 = arith.index_cast %get3A_524 : i32 to index
          %get3A_527 = arith.index_cast %get3A_525 : i32 to index
          %get3A_528 = arith.index_cast %mul3A_238 : i32 to index
          %get3A_529 = tpu.vector_load %arg5[%get3A_526, %get3A_527, %get3A_528] {strides = array<i32>} : memref<2x128x256xf32, #tpu.memory_space<vmem>>, vector<1x1x16xf32>,
          %get3A_530 = vector.shape_cast %get3A_529 : vector<1x1x16xf32> to vector<16xf32>
          %mul3A_531 = arith.mulf %get3A_530, %get3A_244 : vector<16xf32>
          %get3A_532 = arith.constant 0 : i32
          %get3A_533 = arith.constant 19 : i32
          %get3A_534 = arith.index_cast %get3A_532 : i32 to index
          %get3A_535 = arith.index_cast %get3A_533 : i32 to index
          %get3A_536 = arith.index_cast %mul3A_238 : i32 to index
          %get3A_537 = tpu.vector_load %arg5[%get3A_534, %get3A_535, %get3A_536] {strides = array<i32>} : memref<2x128x256xf32, #tpu.memory_space<vmem>>, vector<1x1x16xf32>,
          %get3A_538 = vector.shape_cast %get3A_537 : vector<1x1x16xf32> to vector<16xf32>
          %mul3A_539 = arith.mulf %get3A_538, %get3A_251 : vector<16xf32>
          %add3A_540 = arith.addf %mul3A_531, %mul3A_539 : vector<16xf32>
          %get3A_541 = arith.constant 0 : i32
          %get3A_542 = arith.constant 35 : i32
          %get3A_543 = arith.index_cast %get3A_541 : i32 to index
          %get3A_544 = arith.index_cast %get3A_542 : i32 to index
          %get3A_545 = arith.index_cast %mul3A_238 : i32 to index
          %get3A_546 = tpu.vector_load %arg5[%get3A_543, %get3A_544, %get3A_545] {strides = array<i32>} : memref<2x128x256xf32, #tpu.memory_space<vmem>>, vector<1x1x16xf32>,
          %get3A_547 = vector.shape_cast %get3A_546 : vector<1x1x16xf32> to vector<16xf32>
          %mul3A_548 = arith.mulf %get3A_547, %get3A_258 : vector<16xf32>
          %add3A_549 = arith.addf %add3A_540, %mul3A_548 : vector<16xf32>
          %get3A_550 = arith.constant 0 : i32
          %get3A_551 = arith.constant 51 : i32
          %get3A_552 = arith.index_cast %get3A_550 : i32 to index
          %get3A_553 = arith.index_cast %get3A_551 : i32 to index
          %get3A_554 = arith.index_cast %mul3A_238 : i32 to index
          %get3A_555 = tpu.vector_load %arg5[%get3A_552, %get3A_553, %get3A_554] {strides = array<i32>} : memref<2x128x256xf32, #tpu.memory_space<vmem>>, vector<1x1x16xf32>,
          %get3A_556 = vector.shape_cast %get3A_555 : vector<1x1x16xf32> to vector<16xf32>
          %mul3A_557 = arith.mulf %get3A_556, %get3A_265 : vector<16xf32>
          %add3A_558 = arith.addf %add3A_549, %mul3A_557 : vector<16xf32>
          %get3A_559 = arith.constant 0 : i32
          %get3A_560 = arith.constant 67 : i32
          %get3A_561 = arith.index_cast %get3A_559 : i32 to index
          %get3A_562 = arith.index_cast %get3A_560 : i32 to index
          %get3A_563 = arith.index_cast %mul3A_238 : i32 to index
          %get3A_564 = tpu.vector_load %arg5[%get3A_561, %get3A_562, %get3A_563] {strides = array<i32>} : memref<2x128x256xf32, #tpu.memory_space<vmem>>, vector<1x1x16xf32>,
          %get3A_565 = vector.shape_cast %get3A_564 : vector<1x1x16xf32> to vector<16xf32>
          %mul3A_566 = arith.mulf %get3A_565, %get3A_272 : vector<16xf32>
          %add3A_567 = arith.addf %add3A_558, %mul3A_566 : vector<16xf32>
          %get3A_568 = arith.constant 0 : i32
          %get3A_569 = arith.constant 83 : i32
          %get3A_570 = arith.index_cast %get3A_568 : i32 to index
          %get3A_571 = arith.index_cast %get3A_569 : i32 to index
          %get3A_572 = arith.index_cast %mul3A_238 : i32 to index
          %get3A_573 = tpu.vector_load %arg5[%get3A_570, %get3A_571, %get3A_572] {strides = array<i32>} : memref<2x128x256xf32, #tpu.memory_space<vmem>>, vector<1x1x16xf32>,
          %get3A_574 = vector.shape_cast %get3A_573 : vector<1x1x16xf32> to vector<16xf32>
          %mul3A_575 = arith.mulf %get3A_574, %get3A_279 : vector<16xf32>
          %add3A_576 = arith.addf %add3A_567, %mul3A_575 : vector<16xf32>
          %get3A_577 = arith.constant 0 : i32
          %get3A_578 = arith.constant 99 : i32
          %get3A_579 = arith.index_cast %get3A_577 : i32 to index
          %get3A_580 = arith.index_cast %get3A_578 : i32 to index
          %get3A_581 = arith.index_cast %mul3A_238 : i32 to index
          %get3A_582 = tpu.vector_load %arg5[%get3A_579, %get3A_580, %get3A_581] {strides = array<i32>} : memref<2x128x256xf32, #tpu.memory_space<vmem>>, vector<1x1x16xf32>,
          %get3A_583 = vector.shape_cast %get3A_582 : vector<1x1x16xf32> to vector<16xf32>
          %mul3A_584 = arith.mulf %get3A_583, %get3A_286 : vector<16xf32>
          %add3A_585 = arith.addf %add3A_576, %mul3A_584 : vector<16xf32>
          %get3A_586 = arith.constant 0 : i32
          %get3A_587 = arith.constant 115 : i32
          %get3A_588 = arith.index_cast %get3A_586 : i32 to index
          %get3A_589 = arith.index_cast %get3A_587 : i32 to index
          %get3A_590 = arith.index_cast %mul3A_238 : i32 to index
          %get3A_591 = tpu.vector_load %arg5[%get3A_588, %get3A_589, %get3A_590] {strides = array<i32>} : memref<2x128x256xf32, #tpu.memory_space<vmem>>, vector<1x1x16xf32>,
          %get3A_592 = vector.shape_cast %get3A_591 : vector<1x1x16xf32> to vector<16xf32>
          %mul3A_593 = arith.mulf %get3A_592, %get3A_293 : vector<16xf32>
          %add3A_594 = arith.addf %add3A_585, %mul3A_593 : vector<16xf32>
          %swap3A_595 = arith.constant 3 : i32
          %swap3A_596 = arith.index_cast %swap3A_595 : i32 to index
          %swap3A_597 = arith.index_cast %mul3A_238 : i32 to index
          %swap3A_598 = tpu.vector_load %arg7[%swap3A_596, %swap3A_597] {strides = array<i32>} : memref<16x256xf32, #tpu.memory_space<vmem>>, vector<1x16xf32>,
          %swap3A_599 = vector.shape_cast %swap3A_598 : vector<1x16xf32> to vector<16xf32>
          %swap3A_600 = vector.shape_cast %add3A_594 : vector<16xf32> to vector<1x16xf32>
          tpu.vector_store %arg7[%swap3A_596, %swap3A_597], %swap3A_600 {add = true, strides = array<i32>} : memref<16x256xf32, #tpu.memory_space<vmem>>, vector<1x16xf32>,
          %get3A_601 = arith.constant 0 : i32
          %get3A_602 = arith.constant 4 : i32
          %get3A_603 = arith.index_cast %get3A_601 : i32 to index
          %get3A_604 = arith.index_cast %get3A_602 : i32 to index
          %get3A_605 = arith.index_cast %mul3A_238 : i32 to index
          %get3A_606 = tpu.vector_load %arg5[%get3A_603, %get3A_604, %get3A_605] {strides = array<i32>} : memref<2x128x256xf32, #tpu.memory_space<vmem>>, vector<1x1x16xf32>,
          %get3A_607 = vector.shape_cast %get3A_606 : vector<1x1x16xf32> to vector<16xf32>
          %mul3A_608 = arith.mulf %get3A_607, %get3A_244 : vector<16xf32>
          %get3A_609 = arith.constant 0 : i32
          %get3A_610 = arith.constant 20 : i32
          %get3A_611 = arith.index_cast %get3A_609 : i32 to index
          %get3A_612 = arith.index_cast %get3A_610 : i32 to index
          %get3A_613 = arith.index_cast %mul3A_238 : i32 to index
          %get3A_614 = tpu.vector_load %arg5[%get3A_611, %get3A_612, %get3A_613] {strides = array<i32>} : memref<2x128x256xf32, #tpu.memory_space<vmem>>, vector<1x1x16xf32>,
          %get3A_615 = vector.shape_cast %get3A_614 : vector<1x1x16xf32> to vector<16xf32>
          %mul3A_616 = arith.mulf %get3A_615, %get3A_251 : vector<16xf32>
          %add3A_617 = arith.addf %mul3A_608, %mul3A_616 : vector<16xf32>
          %get3A_618 = arith.constant 0 : i32
          %get3A_619 = arith.constant 36 : i32
          %get3A_620 = arith.index_cast %get3A_618 : i32 to index
          %get3A_621 = arith.index_cast %get3A_619 : i32 to index
          %get3A_622 = arith.index_cast %mul3A_238 : i32 to index
          %get3A_623 = tpu.vector_load %arg5[%get3A_620, %get3A_621, %get3A_622] {strides = array<i32>} : memref<2x128x256xf32, #tpu.memory_space<vmem>>, vector<1x1x16xf32>,
          %get3A_624 = vector.shape_cast %get3A_623 : vector<1x1x16xf32> to vector<16xf32>
          %mul3A_625 = arith.mulf %get3A_624, %get3A_258 : vector<16xf32>
          %add3A_626 = arith.addf %add3A_617, %mul3A_625 : vector<16xf32>
          %get3A_627 = arith.constant 0 : i32
          %get3A_628 = arith.constant 52 : i32
          %get3A_629 = arith.index_cast %get3A_627 : i32 to index
          %get3A_630 = arith.index_cast %get3A_628 : i32 to index
          %get3A_631 = arith.index_cast %mul3A_238 : i32 to index
          %get3A_632 = tpu.vector_load %arg5[%get3A_629, %get3A_630, %get3A_631] {strides = array<i32>} : memref<2x128x256xf32, #tpu.memory_space<vmem>>, vector<1x1x16xf32>,
          %get3A_633 = vector.shape_cast %get3A_632 : vector<1x1x16xf32> to vector<16xf32>
          %mul3A_634 = arith.mulf %get3A_633, %get3A_265 : vector<16xf32>
          %add3A_635 = arith.addf %add3A_626, %mul3A_634 : vector<16xf32>
          %get3A_636 = arith.constant 0 : i32
          %get3A_637 = arith.constant 68 : i32
          %get3A_638 = arith.index_cast %get3A_636 : i32 to index
          %get3A_639 = arith.index_cast %get3A_637 : i32 to index
          %get3A_640 = arith.index_cast %mul3A_238 : i32 to index
          %get3A_641 = tpu.vector_load %arg5[%get3A_638, %get3A_639, %get3A_640] {strides = array<i32>} : memref<2x128x256xf32, #tpu.memory_space<vmem>>, vector<1x1x16xf32>,
          %get3A_642 = vector.shape_cast %get3A_641 : vector<1x1x16xf32> to vector<16xf32>
          %mul3A_643 = arith.mulf %get3A_642, %get3A_272 : vector<16xf32>
          %add3A_644 = arith.addf %add3A_635, %mul3A_643 : vector<16xf32>
          %get3A_645 = arith.constant 0 : i32
          %get3A_646 = arith.constant 84 : i32
          %get3A_647 = arith.index_cast %get3A_645 : i32 to index
          %get3A_648 = arith.index_cast %get3A_646 : i32 to index
          %get3A_649 = arith.index_cast %mul3A_238 : i32 to index
          %get3A_650 = tpu.vector_load %arg5[%get3A_647, %get3A_648, %get3A_649] {strides = array<i32>} : memref<2x128x256xf32, #tpu.memory_space<vmem>>, vector<1x1x16xf32>,
          %get3A_651 = vector.shape_cast %get3A_650 : vector<1x1x16xf32> to vector<16xf32>
          %mul3A_652 = arith.mulf %get3A_651, %get3A_279 : vector<16xf32>
          %add3A_653 = arith.addf %add3A_644, %mul3A_652 : vector<16xf32>
          %get3A_654 = arith.constant 0 : i32
          %get3A_655 = arith.constant 100 : i32
          %get3A_656 = arith.index_cast %get3A_654 : i32 to index
          %get3A_657 = arith.index_cast %get3A_655 : i32 to index
          %get3A_658 = arith.index_cast %mul3A_238 : i32 to index
          %get3A_659 = tpu.vector_load %arg5[%get3A_656, %get3A_657, %get3A_658] {strides = array<i32>} : memref<2x128x256xf32, #tpu.memory_space<vmem>>, vector<1x1x16xf32>,
          %get3A_660 = vector.shape_cast %get3A_659 : vector<1x1x16xf32> to vector<16xf32>
          %mul3A_661 = arith.mulf %get3A_660, %get3A_286 : vector<16xf32>
          %add3A_662 = arith.addf %add3A_653, %mul3A_661 : vector<16xf32>
          %get3A_663 = arith.constant 0 : i32
          %get3A_664 = arith.constant 116 : i32
          %get3A_665 = arith.index_cast %get3A_663 : i32 to index
          %get3A_666 = arith.index_cast %get3A_664 : i32 to index
          %get3A_667 = arith.index_cast %mul3A_238 : i32 to index
          %get3A_668 = tpu.vector_load %arg5[%get3A_665, %get3A_666, %get3A_667] {strides = array<i32>} : memref<2x128x256xf32, #tpu.memory_space<vmem>>, vector<1x1x16xf32>,
          %get3A_669 = vector.shape_cast %get3A_668 : vector<1x1x16xf32> to vector<16xf32>
          %mul3A_670 = arith.mulf %get3A_669, %get3A_293 : vector<16xf32>
          %add3A_671 = arith.addf %add3A_662, %mul3A_670 : vector<16xf32>
          %swap3A_672 = arith.constant 4 : i32
          %swap3A_673 = arith.index_cast %swap3A_672 : i32 to index
          %swap3A_674 = arith.index_cast %mul3A_238 : i32 to index
          %swap3A_675 = tpu.vector_load %arg7[%swap3A_673, %swap3A_674] {strides = array<i32>} : memref<16x256xf32, #tpu.memory_space<vmem>>, vector<1x16xf32>,
          %swap3A_676 = vector.shape_cast %swap3A_675 : vector<1x16xf32> to vector<16xf32>
          %swap3A_677 = vector.shape_cast %add3A_671 : vector<16xf32> to vector<1x16xf32>
          tpu.vector_store %arg7[%swap3A_673, %swap3A_674], %swap3A_677 {add = true, strides = array<i32>} : memref<16x256xf32, #tpu.memory_space<vmem>>, vector<1x16xf32>,
          %get3A_678 = arith.constant 0 : i32
          %get3A_679 = arith.constant 5 : i32
          %get3A_680 = arith.index_cast %get3A_678 : i32 to index
          %get3A_681 = arith.index_cast %get3A_679 : i32 to index
          %get3A_682 = arith.index_cast %mul3A_238 : i32 to index
          %get3A_683 = tpu.vector_load %arg5[%get3A_680, %get3A_681, %get3A_682] {strides = array<i32>} : memref<2x128x256xf32, #tpu.memory_space<vmem>>, vector<1x1x16xf32>,
          %get3A_684 = vector.shape_cast %get3A_683 : vector<1x1x16xf32> to vector<16xf32>
          %mul3A_685 = arith.mulf %get3A_684, %get3A_244 : vector<16xf32>
          %get3A_686 = arith.constant 0 : i32
          %get3A_687 = arith.constant 21 : i32
          %get3A_688 = arith.index_cast %get3A_686 : i32 to index
          %get3A_689 = arith.index_cast %get3A_687 : i32 to index
          %get3A_690 = arith.index_cast %mul3A_238 : i32 to index
          %get3A_691 = tpu.vector_load %arg5[%get3A_688, %get3A_689, %get3A_690] {strides = array<i32>} : memref<2x128x256xf32, #tpu.memory_space<vmem>>, vector<1x1x16xf32>,
          %get3A_692 = vector.shape_cast %get3A_691 : vector<1x1x16xf32> to vector<16xf32>
          %mul3A_693 = arith.mulf %get3A_692, %get3A_251 : vector<16xf32>
          %add3A_694 = arith.addf %mul3A_685, %mul3A_693 : vector<16xf32>
          %get3A_695 = arith.constant 0 : i32
          %get3A_696 = arith.constant 37 : i32
          %get3A_697 = arith.index_cast %get3A_695 : i32 to index
          %get3A_698 = arith.index_cast %get3A_696 : i32 to index
          %get3A_699 = arith.index_cast %mul3A_238 : i32 to index
          %get3A_700 = tpu.vector_load %arg5[%get3A_697, %get3A_698, %get3A_699] {strides = array<i32>} : memref<2x128x256xf32, #tpu.memory_space<vmem>>, vector<1x1x16xf32>,
          %get3A_701 = vector.shape_cast %get3A_700 : vector<1x1x16xf32> to vector<16xf32>
          %mul3A_702 = arith.mulf %get3A_701, %get3A_258 : vector<16xf32>
          %add3A_703 = arith.addf %add3A_694, %mul3A_702 : vector<16xf32>
          %get3A_704 = arith.constant 0 : i32
          %get3A_705 = arith.constant 53 : i32
          %get3A_706 = arith.index_cast %get3A_704 : i32 to index
          %get3A_707 = arith.index_cast %get3A_705 : i32 to index
          %get3A_708 = arith.index_cast %mul3A_238 : i32 to index
          %get3A_709 = tpu.vector_load %arg5[%get3A_706, %get3A_707, %get3A_708] {strides = array<i32>} : memref<2x128x256xf32, #tpu.memory_space<vmem>>, vector<1x1x16xf32>,
          %get3A_710 = vector.shape_cast %get3A_709 : vector<1x1x16xf32> to vector<16xf32>
          %mul3A_711 = arith.mulf %get3A_710, %get3A_265 : vector<16xf32>
          %add3A_712 = arith.addf %add3A_703, %mul3A_711 : vector<16xf32>
          %get3A_713 = arith.constant 0 : i32
          %get3A_714 = arith.constant 69 : i32
          %get3A_715 = arith.index_cast %get3A_713 : i32 to index
          %get3A_716 = arith.index_cast %get3A_714 : i32 to index
          %get3A_717 = arith.index_cast %mul3A_238 : i32 to index
          %get3A_718 = tpu.vector_load %arg5[%get3A_715, %get3A_716, %get3A_717] {strides = array<i32>} : memref<2x128x256xf32, #tpu.memory_space<vmem>>, vector<1x1x16xf32>,
          %get3A_719 = vector.shape_cast %get3A_718 : vector<1x1x16xf32> to vector<16xf32>
          %mul3A_720 = arith.mulf %get3A_719, %get3A_272 : vector<16xf32>
          %add3A_721 = arith.addf %add3A_712, %mul3A_720 : vector<16xf32>
          %get3A_722 = arith.constant 0 : i32
          %get3A_723 = arith.constant 85 : i32
          %get3A_724 = arith.index_cast %get3A_722 : i32 to index
          %get3A_725 = arith.index_cast %get3A_723 : i32 to index
          %get3A_726 = arith.index_cast %mul3A_238 : i32 to index
          %get3A_727 = tpu.vector_load %arg5[%get3A_724, %get3A_725, %get3A_726] {strides = array<i32>} : memref<2x128x256xf32, #tpu.memory_space<vmem>>, vector<1x1x16xf32>,
          %get3A_728 = vector.shape_cast %get3A_727 : vector<1x1x16xf32> to vector<16xf32>
          %mul3A_729 = arith.mulf %get3A_728, %get3A_279 : vector<16xf32>
          %add3A_730 = arith.addf %add3A_721, %mul3A_729 : vector<16xf32>
          %get3A_731 = arith.constant 0 : i32
          %get3A_732 = arith.constant 101 : i32
          %get3A_733 = arith.index_cast %get3A_731 : i32 to index
          %get3A_734 = arith.index_cast %get3A_732 : i32 to index
          %get3A_735 = arith.index_cast %mul3A_238 : i32 to index
          %get3A_736 = tpu.vector_load %arg5[%get3A_733, %get3A_734, %get3A_735] {strides = array<i32>} : memref<2x128x256xf32, #tpu.memory_space<vmem>>, vector<1x1x16xf32>,
          %get3A_737 = vector.shape_cast %get3A_736 : vector<1x1x16xf32> to vector<16xf32>
          %mul3A_738 = arith.mulf %get3A_737, %get3A_286 : vector<16xf32>
          %add3A_739 = arith.addf %add3A_730, %mul3A_738 : vector<16xf32>
          %get3A_740 = arith.constant 0 : i32
          %get3A_741 = arith.constant 117 : i32
          %get3A_742 = arith.index_cast %get3A_740 : i32 to index
          %get3A_743 = arith.index_cast %get3A_741 : i32 to index
          %get3A_744 = arith.index_cast %mul3A_238 : i32 to index
          %get3A_745 = tpu.vector_load %arg5[%get3A_742, %get3A_743, %get3A_744] {strides = array<i32>} : memref<2x128x256xf32, #tpu.memory_space<vmem>>, vector<1x1x16xf32>,
          %get3A_746 = vector.shape_cast %get3A_745 : vector<1x1x16xf32> to vector<16xf32>
          %mul3A_747 = arith.mulf %get3A_746, %get3A_293 : vector<16xf32>
          %add3A_748 = arith.addf %add3A_739, %mul3A_747 : vector<16xf32>
          %swap3A_749 = arith.constant 5 : i32
          %swap3A_750 = arith.index_cast %swap3A_749 : i32 to index
          %swap3A_751 = arith.index_cast %mul3A_238 : i32 to index
          %swap3A_752 = tpu.vector_load %arg7[%swap3A_750, %swap3A_751] {strides = array<i32>} : memref<16x256xf32, #tpu.memory_space<vmem>>, vector<1x16xf32>,
          %swap3A_753 = vector.shape_cast %swap3A_752 : vector<1x16xf32> to vector<16xf32>
          %swap3A_754 = vector.shape_cast %add3A_748 : vector<16xf32> to vector<1x16xf32>
          tpu.vector_store %arg7[%swap3A_750, %swap3A_751], %swap3A_754 {add = true, strides = array<i32>} : memref<16x256xf32, #tpu.memory_space<vmem>>, vector<1x16xf32>,
          %get3A_755 = arith.constant 0 : i32
          %get3A_756 = arith.constant 6 : i32
          %get3A_757 = arith.index_cast %get3A_755 : i32 to index
          %get3A_758 = arith.index_cast %get3A_756 : i32 to index
          %get3A_759 = arith.index_cast %mul3A_238 : i32 to index
          %get3A_760 = tpu.vector_load %arg5[%get3A_757, %get3A_758, %get3A_759] {strides = array<i32>} : memref<2x128x256xf32, #tpu.memory_space<vmem>>, vector<1x1x16xf32>,
          %get3A_761 = vector.shape_cast %get3A_760 : vector<1x1x16xf32> to vector<16xf32>
          %mul3A_762 = arith.mulf %get3A_761, %get3A_244 : vector<16xf32>
          %get3A_763 = arith.constant 0 : i32
          %get3A_764 = arith.constant 22 : i32
          %get3A_765 = arith.index_cast %get3A_763 : i32 to index
          %get3A_766 = arith.index_cast %get3A_764 : i32 to index
          %get3A_767 = arith.index_cast %mul3A_238 : i32 to index
          %get3A_768 = tpu.vector_load %arg5[%get3A_765, %get3A_766, %get3A_767] {strides = array<i32>} : memref<2x128x256xf32, #tpu.memory_space<vmem>>, vector<1x1x16xf32>,
          %get3A_769 = vector.shape_cast %get3A_768 : vector<1x1x16xf32> to vector<16xf32>
          %mul3A_770 = arith.mulf %get3A_769, %get3A_251 : vector<16xf32>
          %add3A_771 = arith.addf %mul3A_762, %mul3A_770 : vector<16xf32>
          %get3A_772 = arith.constant 0 : i32
          %get3A_773 = arith.constant 38 : i32
          %get3A_774 = arith.index_cast %get3A_772 : i32 to index
          %get3A_775 = arith.index_cast %get3A_773 : i32 to index
          %get3A_776 = arith.index_cast %mul3A_238 : i32 to index
          %get3A_777 = tpu.vector_load %arg5[%get3A_774, %get3A_775, %get3A_776] {strides = array<i32>} : memref<2x128x256xf32, #tpu.memory_space<vmem>>, vector<1x1x16xf32>,
          %get3A_778 = vector.shape_cast %get3A_777 : vector<1x1x16xf32> to vector<16xf32>
          %mul3A_779 = arith.mulf %get3A_778, %get3A_258 : vector<16xf32>
          %add3A_780 = arith.addf %add3A_771, %mul3A_779 : vector<16xf32>
          %get3A_781 = arith.constant 0 : i32
          %get3A_782 = arith.constant 54 : i32
          %get3A_783 = arith.index_cast %get3A_781 : i32 to index
          %get3A_784 = arith.index_cast %get3A_782 : i32 to index
          %get3A_785 = arith.index_cast %mul3A_238 : i32 to index
          %get3A_786 = tpu.vector_load %arg5[%get3A_783, %get3A_784, %get3A_785] {strides = array<i32>} : memref<2x128x256xf32, #tpu.memory_space<vmem>>, vector<1x1x16xf32>,
          %get3A_787 = vector.shape_cast %get3A_786 : vector<1x1x16xf32> to vector<16xf32>
          %mul3A_788 = arith.mulf %get3A_787, %get3A_265 : vector<16xf32>
          %add3A_789 = arith.addf %add3A_780, %mul3A_788 : vector<16xf32>
          %get3A_790 = arith.constant 0 : i32
          %get3A_791 = arith.constant 70 : i32
          %get3A_792 = arith.index_cast %get3A_790 : i32 to index
          %get3A_793 = arith.index_cast %get3A_791 : i32 to index
          %get3A_794 = arith.index_cast %mul3A_238 : i32 to index
          %get3A_795 = tpu.vector_load %arg5[%get3A_792, %get3A_793, %get3A_794] {strides = array<i32>} : memref<2x128x256xf32, #tpu.memory_space<vmem>>, vector<1x1x16xf32>,
          %get3A_796 = vector.shape_cast %get3A_795 : vector<1x1x16xf32> to vector<16xf32>
          %mul3A_797 = arith.mulf %get3A_796, %get3A_272 : vector<16xf32>
          %add3A_798 = arith.addf %add3A_789, %mul3A_797 : vector<16xf32>
          %get3A_799 = arith.constant 0 : i32
          %get3A_800 = arith.constant 86 : i32
          %get3A_801 = arith.index_cast %get3A_799 : i32 to index
          %get3A_802 = arith.index_cast %get3A_800 : i32 to index
          %get3A_803 = arith.index_cast %mul3A_238 : i32 to index
          %get3A_804 = tpu.vector_load %arg5[%get3A_801, %get3A_802, %get3A_803] {strides = array<i32>} : memref<2x128x256xf32, #tpu.memory_space<vmem>>, vector<1x1x16xf32>,
          %get3A_805 = vector.shape_cast %get3A_804 : vector<1x1x16xf32> to vector<16xf32>
          %mul3A_806 = arith.mulf %get3A_805, %get3A_279 : vector<16xf32>
          %add3A_807 = arith.addf %add3A_798, %mul3A_806 : vector<16xf32>
          %get3A_808 = arith.constant 0 : i32
          %get3A_809 = arith.constant 102 : i32
          %get3A_810 = arith.index_cast %get3A_808 : i32 to index
          %get3A_811 = arith.index_cast %get3A_809 : i32 to index
          %get3A_812 = arith.index_cast %mul3A_238 : i32 to index
          %get3A_813 = tpu.vector_load %arg5[%get3A_810, %get3A_811, %get3A_812] {strides = array<i32>} : memref<2x128x256xf32, #tpu.memory_space<vmem>>, vector<1x1x16xf32>,
          %get3A_814 = vector.shape_cast %get3A_813 : vector<1x1x16xf32> to vector<16xf32>
          %mul3A_815 = arith.mulf %get3A_814, %get3A_286 : vector<16xf32>
          %add3A_816 = arith.addf %add3A_807, %mul3A_815 : vector<16xf32>
          %get3A_817 = arith.constant 0 : i32
          %get3A_818 = arith.constant 118 : i32
          %get3A_819 = arith.index_cast %get3A_817 : i32 to index
          %get3A_820 = arith.index_cast %get3A_818 : i32 to index
          %get3A_821 = arith.index_cast %mul3A_238 : i32 to index
          %get3A_822 = tpu.vector_load %arg5[%get3A_819, %get3A_820, %get3A_821] {strides = array<i32>} : memref<2x128x256xf32, #tpu.memory_space<vmem>>, vector<1x1x16xf32>,
          %get3A_823 = vector.shape_cast %get3A_822 : vector<1x1x16xf32> to vector<16xf32>
          %mul3A_824 = arith.mulf %get3A_823, %get3A_293 : vector<16xf32>
          %add3A_825 = arith.addf %add3A_816, %mul3A_824 : vector<16xf32>
          %swap3A_826 = arith.constant 6 : i32
          %swap3A_827 = arith.index_cast %swap3A_826 : i32 to index
          %swap3A_828 = arith.index_cast %mul3A_238 : i32 to index
          %swap3A_829 = tpu.vector_load %arg7[%swap3A_827, %swap3A_828] {strides = array<i32>} : memref<16x256xf32, #tpu.memory_space<vmem>>, vector<1x16xf32>,
          %swap3A_830 = vector.shape_cast %swap3A_829 : vector<1x16xf32> to vector<16xf32>
          %swap3A_831 = vector.shape_cast %add3A_825 : vector<16xf32> to vector<1x16xf32>
          tpu.vector_store %arg7[%swap3A_827, %swap3A_828], %swap3A_831 {add = true, strides = array<i32>} : memref<16x256xf32, #tpu.memory_space<vmem>>, vector<1x16xf32>,
          %get3A_832 = arith.constant 0 : i32
          %get3A_833 = arith.constant 7 : i32
          %get3A_834 = arith.index_cast %get3A_832 : i32 to index
          %get3A_835 = arith.index_cast %get3A_833 : i32 to index
          %get3A_836 = arith.index_cast %mul3A_238 : i32 to index
          %get3A_837 = tpu.vector_load %arg5[%get3A_834, %get3A_835, %get3A_836] {strides = array<i32>} : memref<2x128x256xf32, #tpu.memory_space<vmem>>, vector<1x1x16xf32>,
          %get3A_838 = vector.shape_cast %get3A_837 : vector<1x1x16xf32> to vector<16xf32>
          %mul3A_839 = arith.mulf %get3A_838, %get3A_244 : vector<16xf32>
          %get3A_840 = arith.constant 0 : i32
          %get3A_841 = arith.constant 23 : i32
          %get3A_842 = arith.index_cast %get3A_840 : i32 to index
          %get3A_843 = arith.index_cast %get3A_841 : i32 to index
          %get3A_844 = arith.index_cast %mul3A_238 : i32 to index
          %get3A_845 = tpu.vector_load %arg5[%get3A_842, %get3A_843, %get3A_844] {strides = array<i32>} : memref<2x128x256xf32, #tpu.memory_space<vmem>>, vector<1x1x16xf32>,
          %get3A_846 = vector.shape_cast %get3A_845 : vector<1x1x16xf32> to vector<16xf32>
          %mul3A_847 = arith.mulf %get3A_846, %get3A_251 : vector<16xf32>
          %add3A_848 = arith.addf %mul3A_839, %mul3A_847 : vector<16xf32>
          %get3A_849 = arith.constant 0 : i32
          %get3A_850 = arith.constant 39 : i32
          %get3A_851 = arith.index_cast %get3A_849 : i32 to index
          %get3A_852 = arith.index_cast %get3A_850 : i32 to index
          %get3A_853 = arith.index_cast %mul3A_238 : i32 to index
          %get3A_854 = tpu.vector_load %arg5[%get3A_851, %get3A_852, %get3A_853] {strides = array<i32>} : memref<2x128x256xf32, #tpu.memory_space<vmem>>, vector<1x1x16xf32>,
          %get3A_855 = vector.shape_cast %get3A_854 : vector<1x1x16xf32> to vector<16xf32>
          %mul3A_856 = arith.mulf %get3A_855, %get3A_258 : vector<16xf32>
          %add3A_857 = arith.addf %add3A_848, %mul3A_856 : vector<16xf32>
          %get3A_858 = arith.constant 0 : i32
          %get3A_859 = arith.constant 55 : i32
          %get3A_860 = arith.index_cast %get3A_858 : i32 to index
          %get3A_861 = arith.index_cast %get3A_859 : i32 to index
          %get3A_862 = arith.index_cast %mul3A_238 : i32 to index
          %get3A_863 = tpu.vector_load %arg5[%get3A_860, %get3A_861, %get3A_862] {strides = array<i32>} : memref<2x128x256xf32, #tpu.memory_space<vmem>>, vector<1x1x16xf32>,
          %get3A_864 = vector.shape_cast %get3A_863 : vector<1x1x16xf32> to vector<16xf32>
          %mul3A_865 = arith.mulf %get3A_864, %get3A_265 : vector<16xf32>
          %add3A_866 = arith.addf %add3A_857, %mul3A_865 : vector<16xf32>
          %get3A_867 = arith.constant 0 : i32
          %get3A_868 = arith.constant 71 : i32
          %get3A_869 = arith.index_cast %get3A_867 : i32 to index
          %get3A_870 = arith.index_cast %get3A_868 : i32 to index
          %get3A_871 = arith.index_cast %mul3A_238 : i32 to index
          %get3A_872 = tpu.vector_load %arg5[%get3A_869, %get3A_870, %get3A_871] {strides = array<i32>} : memref<2x128x256xf32, #tpu.memory_space<vmem>>, vector<1x1x16xf32>,
          %get3A_873 = vector.shape_cast %get3A_872 : vector<1x1x16xf32> to vector<16xf32>
          %mul3A_874 = arith.mulf %get3A_873, %get3A_272 : vector<16xf32>
          %add3A_875 = arith.addf %add3A_866, %mul3A_874 : vector<16xf32>
          %get3A_876 = arith.constant 0 : i32
          %get3A_877 = arith.constant 87 : i32
          %get3A_878 = arith.index_cast %get3A_876 : i32 to index
          %get3A_879 = arith.index_cast %get3A_877 : i32 to index
          %get3A_880 = arith.index_cast %mul3A_238 : i32 to index
          %get3A_881 = tpu.vector_load %arg5[%get3A_878, %get3A_879, %get3A_880] {strides = array<i32>} : memref<2x128x256xf32, #tpu.memory_space<vmem>>, vector<1x1x16xf32>,
          %get3A_882 = vector.shape_cast %get3A_881 : vector<1x1x16xf32> to vector<16xf32>
          %mul3A_883 = arith.mulf %get3A_882, %get3A_279 : vector<16xf32>
          %add3A_884 = arith.addf %add3A_875, %mul3A_883 : vector<16xf32>
          %get3A_885 = arith.constant 0 : i32
          %get3A_886 = arith.constant 103 : i32
          %get3A_887 = arith.index_cast %get3A_885 : i32 to index
          %get3A_888 = arith.index_cast %get3A_886 : i32 to index
          %get3A_889 = arith.index_cast %mul3A_238 : i32 to index
          %get3A_890 = tpu.vector_load %arg5[%get3A_887, %get3A_888, %get3A_889] {strides = array<i32>} : memref<2x128x256xf32, #tpu.memory_space<vmem>>, vector<1x1x16xf32>,
          %get3A_891 = vector.shape_cast %get3A_890 : vector<1x1x16xf32> to vector<16xf32>
          %mul3A_892 = arith.mulf %get3A_891, %get3A_286 : vector<16xf32>
          %add3A_893 = arith.addf %add3A_884, %mul3A_892 : vector<16xf32>
          %get3A_894 = arith.constant 0 : i32
          %get3A_895 = arith.constant 119 : i32
          %get3A_896 = arith.index_cast %get3A_894 : i32 to index
          %get3A_897 = arith.index_cast %get3A_895 : i32 to index
          %get3A_898 = arith.index_cast %mul3A_238 : i32 to index
          %get3A_899 = tpu.vector_load %arg5[%get3A_896, %get3A_897, %get3A_898] {strides = array<i32>} : memref<2x128x256xf32, #tpu.memory_space<vmem>>, vector<1x1x16xf32>,
          %get3A_900 = vector.shape_cast %get3A_899 : vector<1x1x16xf32> to vector<16xf32>
          %mul3A_901 = arith.mulf %get3A_900, %get3A_293 : vector<16xf32>
          %add3A_902 = arith.addf %add3A_893, %mul3A_901 : vector<16xf32>
          %swap3A_903 = arith.constant 7 : i32
          %swap3A_904 = arith.index_cast %swap3A_903 : i32 to index
          %swap3A_905 = arith.index_cast %mul3A_238 : i32 to index
          %swap3A_906 = tpu.vector_load %arg7[%swap3A_904, %swap3A_905] {strides = array<i32>} : memref<16x256xf32, #tpu.memory_space<vmem>>, vector<1x16xf32>,
          %swap3A_907 = vector.shape_cast %swap3A_906 : vector<1x16xf32> to vector<16xf32>
          %swap3A_908 = vector.shape_cast %add3A_902 : vector<16xf32> to vector<1x16xf32>
          tpu.vector_store %arg7[%swap3A_904, %swap3A_905], %swap3A_908 {add = true, strides = array<i32>} : memref<16x256xf32, #tpu.memory_space<vmem>>, vector<1x16xf32>,
          %get3A_909 = arith.constant 0 : i32
          %get3A_910 = arith.constant 8 : i32
          %get3A_911 = arith.index_cast %get3A_909 : i32 to index
          %get3A_912 = arith.index_cast %get3A_910 : i32 to index
          %get3A_913 = arith.index_cast %mul3A_238 : i32 to index
          %get3A_914 = tpu.vector_load %arg5[%get3A_911, %get3A_912, %get3A_913] {strides = array<i32>} : memref<2x128x256xf32, #tpu.memory_space<vmem>>, vector<1x1x16xf32>,
          %get3A_915 = vector.shape_cast %get3A_914 : vector<1x1x16xf32> to vector<16xf32>
          %mul3A_916 = arith.mulf %get3A_915, %get3A_244 : vector<16xf32>
          %get3A_917 = arith.constant 0 : i32
          %get3A_918 = arith.constant 24 : i32
          %get3A_919 = arith.index_cast %get3A_917 : i32 to index
          %get3A_920 = arith.index_cast %get3A_918 : i32 to index
          %get3A_921 = arith.index_cast %mul3A_238 : i32 to index
          %get3A_922 = tpu.vector_load %arg5[%get3A_919, %get3A_920, %get3A_921] {strides = array<i32>} : memref<2x128x256xf32, #tpu.memory_space<vmem>>, vector<1x1x16xf32>,
          %get3A_923 = vector.shape_cast %get3A_922 : vector<1x1x16xf32> to vector<16xf32>
          %mul3A_924 = arith.mulf %get3A_923, %get3A_251 : vector<16xf32>
          %add3A_925 = arith.addf %mul3A_916, %mul3A_924 : vector<16xf32>
          %get3A_926 = arith.constant 0 : i32
          %get3A_927 = arith.constant 40 : i32
          %get3A_928 = arith.index_cast %get3A_926 : i32 to index
          %get3A_929 = arith.index_cast %get3A_927 : i32 to index
          %get3A_930 = arith.index_cast %mul3A_238 : i32 to index
          %get3A_931 = tpu.vector_load %arg5[%get3A_928, %get3A_929, %get3A_930] {strides = array<i32>} : memref<2x128x256xf32, #tpu.memory_space<vmem>>, vector<1x1x16xf32>,
          %get3A_932 = vector.shape_cast %get3A_931 : vector<1x1x16xf32> to vector<16xf32>
          %mul3A_933 = arith.mulf %get3A_932, %get3A_258 : vector<16xf32>
          %add3A_934 = arith.addf %add3A_925, %mul3A_933 : vector<16xf32>
          %get3A_935 = arith.constant 0 : i32
          %get3A_936 = arith.constant 56 : i32
          %get3A_937 = arith.index_cast %get3A_935 : i32 to index
          %get3A_938 = arith.index_cast %get3A_936 : i32 to index
          %get3A_939 = arith.index_cast %mul3A_238 : i32 to index
          %get3A_940 = tpu.vector_load %arg5[%get3A_937, %get3A_938, %get3A_939] {strides = array<i32>} : memref<2x128x256xf32, #tpu.memory_space<vmem>>, vector<1x1x16xf32>,
          %get3A_941 = vector.shape_cast %get3A_940 : vector<1x1x16xf32> to vector<16xf32>
          %mul3A_942 = arith.mulf %get3A_941, %get3A_265 : vector<16xf32>
          %add3A_943 = arith.addf %add3A_934, %mul3A_942 : vector<16xf32>
          %get3A_944 = arith.constant 0 : i32
          %get3A_945 = arith.constant 72 : i32
          %get3A_946 = arith.index_cast %get3A_944 : i32 to index
          %get3A_947 = arith.index_cast %get3A_945 : i32 to index
          %get3A_948 = arith.index_cast %mul3A_238 : i32 to index
          %get3A_949 = tpu.vector_load %arg5[%get3A_946, %get3A_947, %get3A_948] {strides = array<i32>} : memref<2x128x256xf32, #tpu.memory_space<vmem>>, vector<1x1x16xf32>,
          %get3A_950 = vector.shape_cast %get3A_949 : vector<1x1x16xf32> to vector<16xf32>
          %mul3A_951 = arith.mulf %get3A_950, %get3A_272 : vector<16xf32>
          %add3A_952 = arith.addf %add3A_943, %mul3A_951 : vector<16xf32>
          %get3A_953 = arith.constant 0 : i32
          %get3A_954 = arith.constant 88 : i32
          %get3A_955 = arith.index_cast %get3A_953 : i32 to index
          %get3A_956 = arith.index_cast %get3A_954 : i32 to index
          %get3A_957 = arith.index_cast %mul3A_238 : i32 to index
          %get3A_958 = tpu.vector_load %arg5[%get3A_955, %get3A_956, %get3A_957] {strides = array<i32>} : memref<2x128x256xf32, #tpu.memory_space<vmem>>, vector<1x1x16xf32>,
          %get3A_959 = vector.shape_cast %get3A_958 : vector<1x1x16xf32> to vector<16xf32>
          %mul3A_960 = arith.mulf %get3A_959, %get3A_279 : vector<16xf32>
          %add3A_961 = arith.addf %add3A_952, %mul3A_960 : vector<16xf32>
          %get3A_962 = arith.constant 0 : i32
          %get3A_963 = arith.constant 104 : i32
          %get3A_964 = arith.index_cast %get3A_962 : i32 to index
          %get3A_965 = arith.index_cast %get3A_963 : i32 to index
          %get3A_966 = arith.index_cast %mul3A_238 : i32 to index
          %get3A_967 = tpu.vector_load %arg5[%get3A_964, %get3A_965, %get3A_966] {strides = array<i32>} : memref<2x128x256xf32, #tpu.memory_space<vmem>>, vector<1x1x16xf32>,
          %get3A_968 = vector.shape_cast %get3A_967 : vector<1x1x16xf32> to vector<16xf32>
          %mul3A_969 = arith.mulf %get3A_968, %get3A_286 : vector<16xf32>
          %add3A_970 = arith.addf %add3A_961, %mul3A_969 : vector<16xf32>
          %get3A_971 = arith.constant 0 : i32
          %get3A_972 = arith.constant 120 : i32
          %get3A_973 = arith.index_cast %get3A_971 : i32 to index
          %get3A_974 = arith.index_cast %get3A_972 : i32 to index
          %get3A_975 = arith.index_cast %mul3A_238 : i32 to index
          %get3A_976 = tpu.vector_load %arg5[%get3A_973, %get3A_974, %get3A_975] {strides = array<i32>} : memref<2x128x256xf32, #tpu.memory_space<vmem>>, vector<1x1x16xf32>,
          %get3A_977 = vector.shape_cast %get3A_976 : vector<1x1x16xf32> to vector<16xf32>
          %mul3A_978 = arith.mulf %get3A_977, %get3A_293 : vector<16xf32>
          %add3A_979 = arith.addf %add3A_970, %mul3A_978 : vector<16xf32>
          %swap3A_980 = arith.constant 8 : i32
          %swap3A_981 = arith.index_cast %swap3A_980 : i32 to index
          %swap3A_982 = arith.index_cast %mul3A_238 : i32 to index
          %swap3A_983 = tpu.vector_load %arg7[%swap3A_981, %swap3A_982] {strides = array<i32>} : memref<16x256xf32, #tpu.memory_space<vmem>>, vector<1x16xf32>,
          %swap3A_984 = vector.shape_cast %swap3A_983 : vector<1x16xf32> to vector<16xf32>
          %swap3A_985 = vector.shape_cast %add3A_979 : vector<16xf32> to vector<1x16xf32>
          tpu.vector_store %arg7[%swap3A_981, %swap3A_982], %swap3A_985 {add = true, strides = array<i32>} : memref<16x256xf32, #tpu.memory_space<vmem>>, vector<1x16xf32>,
          %get3A_986 = arith.constant 0 : i32
          %get3A_987 = arith.constant 9 : i32
          %get3A_988 = arith.index_cast %get3A_986 : i32 to index
          %get3A_989 = arith.index_cast %get3A_987 : i32 to index
          %get3A_990 = arith.index_cast %mul3A_238 : i32 to index
          %get3A_991 = tpu.vector_load %arg5[%get3A_988, %get3A_989, %get3A_990] {strides = array<i32>} : memref<2x128x256xf32, #tpu.memory_space<vmem>>, vector<1x1x16xf32>,
          %get3A_992 = vector.shape_cast %get3A_991 : vector<1x1x16xf32> to vector<16xf32>
          %mul3A_993 = arith.mulf %get3A_992, %get3A_244 : vector<16xf32>
          %get3A_994 = arith.constant 0 : i32
          %get3A_995 = arith.constant 25 : i32
          %get3A_996 = arith.index_cast %get3A_994 : i32 to index
          %get3A_997 = arith.index_cast %get3A_995 : i32 to index
          %get3A_998 = arith.index_cast %mul3A_238 : i32 to index
          %get3A_999 = tpu.vector_load %arg5[%get3A_996, %get3A_997, %get3A_998] {strides = array<i32>} : memref<2x128x256xf32, #tpu.memory_space<vmem>>, vector<1x1x16xf32>,
          %get3A_1000 = vector.shape_cast %get3A_999 : vector<1x1x16xf32> to vector<16xf32>
          %mul3A_1001 = arith.mulf %get3A_1000, %get3A_251 : vector<16xf32>
          %add3A_1002 = arith.addf %mul3A_993, %mul3A_1001 : vector<16xf32>
          %get3A_1003 = arith.constant 0 : i32
          %get3A_1004 = arith.constant 41 : i32
          %get3A_1005 = arith.index_cast %get3A_1003 : i32 to index
          %get3A_1006 = arith.index_cast %get3A_1004 : i32 to index
          %get3A_1007 = arith.index_cast %mul3A_238 : i32 to index
          %get3A_1008 = tpu.vector_load %arg5[%get3A_1005, %get3A_1006, %get3A_1007] {strides = array<i32>} : memref<2x128x256xf32, #tpu.memory_space<vmem>>, vector<1x1x16xf32>,
          %get3A_1009 = vector.shape_cast %get3A_1008 : vector<1x1x16xf32> to vector<16xf32>
          %mul3A_1010 = arith.mulf %get3A_1009, %get3A_258 : vector<16xf32>
          %add3A_1011 = arith.addf %add3A_1002, %mul3A_1010 : vector<16xf32>
          %get3A_1012 = arith.constant 0 : i32
          %get3A_1013 = arith.constant 57 : i32
          %get3A_1014 = arith.index_cast %get3A_1012 : i32 to index
          %get3A_1015 = arith.index_cast %get3A_1013 : i32 to index
          %get3A_1016 = arith.index_cast %mul3A_238 : i32 to index
          %get3A_1017 = tpu.vector_load %arg5[%get3A_1014, %get3A_1015, %get3A_1016] {strides = array<i32>} : memref<2x128x256xf32, #tpu.memory_space<vmem>>, vector<1x1x16xf32>,
          %get3A_1018 = vector.shape_cast %get3A_1017 : vector<1x1x16xf32> to vector<16xf32>
          %mul3A_1019 = arith.mulf %get3A_1018, %get3A_265 : vector<16xf32>
          %add3A_1020 = arith.addf %add3A_1011, %mul3A_1019 : vector<16xf32>
          %get3A_1021 = arith.constant 0 : i32
          %get3A_1022 = arith.constant 73 : i32
          %get3A_1023 = arith.index_cast %get3A_1021 : i32 to index
          %get3A_1024 = arith.index_cast %get3A_1022 : i32 to index
          %get3A_1025 = arith.index_cast %mul3A_238 : i32 to index
          %get3A_1026 = tpu.vector_load %arg5[%get3A_1023, %get3A_1024, %get3A_1025] {strides = array<i32>} : memref<2x128x256xf32, #tpu.memory_space<vmem>>, vector<1x1x16xf32>,
          %get3A_1027 = vector.shape_cast %get3A_1026 : vector<1x1x16xf32> to vector<16xf32>
          %mul3A_1028 = arith.mulf %get3A_1027, %get3A_272 : vector<16xf32>
          %add3A_1029 = arith.addf %add3A_1020, %mul3A_1028 : vector<16xf32>
          %get3A_1030 = arith.constant 0 : i32
          %get3A_1031 = arith.constant 89 : i32
          %get3A_1032 = arith.index_cast %get3A_1030 : i32 to index
          %get3A_1033 = arith.index_cast %get3A_1031 : i32 to index
          %get3A_1034 = arith.index_cast %mul3A_238 : i32 to index
          %get3A_1035 = tpu.vector_load %arg5[%get3A_1032, %get3A_1033, %get3A_1034] {strides = array<i32>} : memref<2x128x256xf32, #tpu.memory_space<vmem>>, vector<1x1x16xf32>,
          %get3A_1036 = vector.shape_cast %get3A_1035 : vector<1x1x16xf32> to vector<16xf32>
          %mul3A_1037 = arith.mulf %get3A_1036, %get3A_279 : vector<16xf32>
          %add3A_1038 = arith.addf %add3A_1029, %mul3A_1037 : vector<16xf32>
          %get3A_1039 = arith.constant 0 : i32
          %get3A_1040 = arith.constant 105 : i32
          %get3A_1041 = arith.index_cast %get3A_1039 : i32 to index
          %get3A_1042 = arith.index_cast %get3A_1040 : i32 to index
          %get3A_1043 = arith.index_cast %mul3A_238 : i32 to index
          %get3A_1044 = tpu.vector_load %arg5[%get3A_1041, %get3A_1042, %get3A_1043] {strides = array<i32>} : memref<2x128x256xf32, #tpu.memory_space<vmem>>, vector<1x1x16xf32>,
          %get3A_1045 = vector.shape_cast %get3A_1044 : vector<1x1x16xf32> to vector<16xf32>
          %mul3A_1046 = arith.mulf %get3A_1045, %get3A_286 : vector<16xf32>
          %add3A_1047 = arith.addf %add3A_1038, %mul3A_1046 : vector<16xf32>
          %get3A_1048 = arith.constant 0 : i32
          %get3A_1049 = arith.constant 121 : i32
          %get3A_1050 = arith.index_cast %get3A_1048 : i32 to index
          %get3A_1051 = arith.index_cast %get3A_1049 : i32 to index
          %get3A_1052 = arith.index_cast %mul3A_238 : i32 to index
          %get3A_1053 = tpu.vector_load %arg5[%get3A_1050, %get3A_1051, %get3A_1052] {strides = array<i32>} : memref<2x128x256xf32, #tpu.memory_space<vmem>>, vector<1x1x16xf32>,
          %get3A_1054 = vector.shape_cast %get3A_1053 : vector<1x1x16xf32> to vector<16xf32>
          %mul3A_1055 = arith.mulf %get3A_1054, %get3A_293 : vector<16xf32>
          %add3A_1056 = arith.addf %add3A_1047, %mul3A_1055 : vector<16xf32>
          %swap3A_1057 = arith.constant 9 : i32
          %swap3A_1058 = arith.index_cast %swap3A_1057 : i32 to index
          %swap3A_1059 = arith.index_cast %mul3A_238 : i32 to index
          %swap3A_1060 = tpu.vector_load %arg7[%swap3A_1058, %swap3A_1059] {strides = array<i32>} : memref<16x256xf32, #tpu.memory_space<vmem>>, vector<1x16xf32>,
          %swap3A_1061 = vector.shape_cast %swap3A_1060 : vector<1x16xf32> to vector<16xf32>
          %swap3A_1062 = vector.shape_cast %add3A_1056 : vector<16xf32> to vector<1x16xf32>
          tpu.vector_store %arg7[%swap3A_1058, %swap3A_1059], %swap3A_1062 {add = true, strides = array<i32>} : memref<16x256xf32, #tpu.memory_space<vmem>>, vector<1x16xf32>,
          %get3A_1063 = arith.constant 0 : i32
          %get3A_1064 = arith.constant 10 : i32
          %get3A_1065 = arith.index_cast %get3A_1063 : i32 to index
          %get3A_1066 = arith.index_cast %get3A_1064 : i32 to index
          %get3A_1067 = arith.index_cast %mul3A_238 : i32 to index
          %get3A_1068 = tpu.vector_load %arg5[%get3A_1065, %get3A_1066, %get3A_1067] {strides = array<i32>} : memref<2x128x256xf32, #tpu.memory_space<vmem>>, vector<1x1x16xf32>,
          %get3A_1069 = vector.shape_cast %get3A_1068 : vector<1x1x16xf32> to vector<16xf32>
          %mul3A_1070 = arith.mulf %get3A_1069, %get3A_244 : vector<16xf32>
          %get3A_1071 = arith.constant 0 : i32
          %get3A_1072 = arith.constant 26 : i32
          %get3A_1073 = arith.index_cast %get3A_1071 : i32 to index
          %get3A_1074 = arith.index_cast %get3A_1072 : i32 to index
          %get3A_1075 = arith.index_cast %mul3A_238 : i32 to index
          %get3A_1076 = tpu.vector_load %arg5[%get3A_1073, %get3A_1074, %get3A_1075] {strides = array<i32>} : memref<2x128x256xf32, #tpu.memory_space<vmem>>, vector<1x1x16xf32>,
          %get3A_1077 = vector.shape_cast %get3A_1076 : vector<1x1x16xf32> to vector<16xf32>
          %mul3A_1078 = arith.mulf %get3A_1077, %get3A_251 : vector<16xf32>
          %add3A_1079 = arith.addf %mul3A_1070, %mul3A_1078 : vector<16xf32>
          %get3A_1080 = arith.constant 0 : i32
          %get3A_1081 = arith.constant 42 : i32
          %get3A_1082 = arith.index_cast %get3A_1080 : i32 to index
          %get3A_1083 = arith.index_cast %get3A_1081 : i32 to index
          %get3A_1084 = arith.index_cast %mul3A_238 : i32 to index
          %get3A_1085 = tpu.vector_load %arg5[%get3A_1082, %get3A_1083, %get3A_1084] {strides = array<i32>} : memref<2x128x256xf32, #tpu.memory_space<vmem>>, vector<1x1x16xf32>,
          %get3A_1086 = vector.shape_cast %get3A_1085 : vector<1x1x16xf32> to vector<16xf32>
          %mul3A_1087 = arith.mulf %get3A_1086, %get3A_258 : vector<16xf32>
          %add3A_1088 = arith.addf %add3A_1079, %mul3A_1087 : vector<16xf32>
          %get3A_1089 = arith.constant 0 : i32
          %get3A_1090 = arith.constant 58 : i32
          %get3A_1091 = arith.index_cast %get3A_1089 : i32 to index
          %get3A_1092 = arith.index_cast %get3A_1090 : i32 to index
          %get3A_1093 = arith.index_cast %mul3A_238 : i32 to index
          %get3A_1094 = tpu.vector_load %arg5[%get3A_1091, %get3A_1092, %get3A_1093] {strides = array<i32>} : memref<2x128x256xf32, #tpu.memory_space<vmem>>, vector<1x1x16xf32>,
          %get3A_1095 = vector.shape_cast %get3A_1094 : vector<1x1x16xf32> to vector<16xf32>
          %mul3A_1096 = arith.mulf %get3A_1095, %get3A_265 : vector<16xf32>
          %add3A_1097 = arith.addf %add3A_1088, %mul3A_1096 : vector<16xf32>
          %get3A_1098 = arith.constant 0 : i32
          %get3A_1099 = arith.constant 74 : i32
          %get3A_1100 = arith.index_cast %get3A_1098 : i32 to index
          %get3A_1101 = arith.index_cast %get3A_1099 : i32 to index
          %get3A_1102 = arith.index_cast %mul3A_238 : i32 to index
          %get3A_1103 = tpu.vector_load %arg5[%get3A_1100, %get3A_1101, %get3A_1102] {strides = array<i32>} : memref<2x128x256xf32, #tpu.memory_space<vmem>>, vector<1x1x16xf32>,
          %get3A_1104 = vector.shape_cast %get3A_1103 : vector<1x1x16xf32> to vector<16xf32>
          %mul3A_1105 = arith.mulf %get3A_1104, %get3A_272 : vector<16xf32>
          %add3A_1106 = arith.addf %add3A_1097, %mul3A_1105 : vector<16xf32>
          %get3A_1107 = arith.constant 0 : i32
          %get3A_1108 = arith.constant 90 : i32
          %get3A_1109 = arith.index_cast %get3A_1107 : i32 to index
          %get3A_1110 = arith.index_cast %get3A_1108 : i32 to index
          %get3A_1111 = arith.index_cast %mul3A_238 : i32 to index
          %get3A_1112 = tpu.vector_load %arg5[%get3A_1109, %get3A_1110, %get3A_1111] {strides = array<i32>} : memref<2x128x256xf32, #tpu.memory_space<vmem>>, vector<1x1x16xf32>,
          %get3A_1113 = vector.shape_cast %get3A_1112 : vector<1x1x16xf32> to vector<16xf32>
          %mul3A_1114 = arith.mulf %get3A_1113, %get3A_279 : vector<16xf32>
          %add3A_1115 = arith.addf %add3A_1106, %mul3A_1114 : vector<16xf32>
          %get3A_1116 = arith.constant 0 : i32
          %get3A_1117 = arith.constant 106 : i32
          %get3A_1118 = arith.index_cast %get3A_1116 : i32 to index
          %get3A_1119 = arith.index_cast %get3A_1117 : i32 to index
          %get3A_1120 = arith.index_cast %mul3A_238 : i32 to index
          %get3A_1121 = tpu.vector_load %arg5[%get3A_1118, %get3A_1119, %get3A_1120] {strides = array<i32>} : memref<2x128x256xf32, #tpu.memory_space<vmem>>, vector<1x1x16xf32>,
          %get3A_1122 = vector.shape_cast %get3A_1121 : vector<1x1x16xf32> to vector<16xf32>
          %mul3A_1123 = arith.mulf %get3A_1122, %get3A_286 : vector<16xf32>
          %add3A_1124 = arith.addf %add3A_1115, %mul3A_1123 : vector<16xf32>
          %get3A_1125 = arith.constant 0 : i32
          %get3A_1126 = arith.constant 122 : i32
          %get3A_1127 = arith.index_cast %get3A_1125 : i32 to index
          %get3A_1128 = arith.index_cast %get3A_1126 : i32 to index
          %get3A_1129 = arith.index_cast %mul3A_238 : i32 to index
          %get3A_1130 = tpu.vector_load %arg5[%get3A_1127, %get3A_1128, %get3A_1129] {strides = array<i32>} : memref<2x128x256xf32, #tpu.memory_space<vmem>>, vector<1x1x16xf32>,
          %get3A_1131 = vector.shape_cast %get3A_1130 : vector<1x1x16xf32> to vector<16xf32>
          %mul3A_1132 = arith.mulf %get3A_1131, %get3A_293 : vector<16xf32>
          %add3A_1133 = arith.addf %add3A_1124, %mul3A_1132 : vector<16xf32>
          %swap3A_1134 = arith.constant 10 : i32
          %swap3A_1135 = arith.index_cast %swap3A_1134 : i32 to index
          %swap3A_1136 = arith.index_cast %mul3A_238 : i32 to index
          %swap3A_1137 = tpu.vector_load %arg7[%swap3A_1135, %swap3A_1136] {strides = array<i32>} : memref<16x256xf32, #tpu.memory_space<vmem>>, vector<1x16xf32>,
          %swap3A_1138 = vector.shape_cast %swap3A_1137 : vector<1x16xf32> to vector<16xf32>
          %swap3A_1139 = vector.shape_cast %add3A_1133 : vector<16xf32> to vector<1x16xf32>
          tpu.vector_store %arg7[%swap3A_1135, %swap3A_1136], %swap3A_1139 {add = true, strides = array<i32>} : memref<16x256xf32, #tpu.memory_space<vmem>>, vector<1x16xf32>,
          %get3A_1140 = arith.constant 0 : i32
          %get3A_1141 = arith.constant 11 : i32
          %get3A_1142 = arith.index_cast %get3A_1140 : i32 to index
          %get3A_1143 = arith.index_cast %get3A_1141 : i32 to index
          %get3A_1144 = arith.index_cast %mul3A_238 : i32 to index
          %get3A_1145 = tpu.vector_load %arg5[%get3A_1142, %get3A_1143, %get3A_1144] {strides = array<i32>} : memref<2x128x256xf32, #tpu.memory_space<vmem>>, vector<1x1x16xf32>,
          %get3A_1146 = vector.shape_cast %get3A_1145 : vector<1x1x16xf32> to vector<16xf32>
          %mul3A_1147 = arith.mulf %get3A_1146, %get3A_244 : vector<16xf32>
          %get3A_1148 = arith.constant 0 : i32
          %get3A_1149 = arith.constant 27 : i32
          %get3A_1150 = arith.index_cast %get3A_1148 : i32 to index
          %get3A_1151 = arith.index_cast %get3A_1149 : i32 to index
          %get3A_1152 = arith.index_cast %mul3A_238 : i32 to index
          %get3A_1153 = tpu.vector_load %arg5[%get3A_1150, %get3A_1151, %get3A_1152] {strides = array<i32>} : memref<2x128x256xf32, #tpu.memory_space<vmem>>, vector<1x1x16xf32>,
          %get3A_1154 = vector.shape_cast %get3A_1153 : vector<1x1x16xf32> to vector<16xf32>
          %mul3A_1155 = arith.mulf %get3A_1154, %get3A_251 : vector<16xf32>
          %add3A_1156 = arith.addf %mul3A_1147, %mul3A_1155 : vector<16xf32>
          %get3A_1157 = arith.constant 0 : i32
          %get3A_1158 = arith.constant 43 : i32
          %get3A_1159 = arith.index_cast %get3A_1157 : i32 to index
          %get3A_1160 = arith.index_cast %get3A_1158 : i32 to index
          %get3A_1161 = arith.index_cast %mul3A_238 : i32 to index
          %get3A_1162 = tpu.vector_load %arg5[%get3A_1159, %get3A_1160, %get3A_1161] {strides = array<i32>} : memref<2x128x256xf32, #tpu.memory_space<vmem>>, vector<1x1x16xf32>,
          %get3A_1163 = vector.shape_cast %get3A_1162 : vector<1x1x16xf32> to vector<16xf32>
          %mul3A_1164 = arith.mulf %get3A_1163, %get3A_258 : vector<16xf32>
          %add3A_1165 = arith.addf %add3A_1156, %mul3A_1164 : vector<16xf32>
          %get3A_1166 = arith.constant 0 : i32
          %get3A_1167 = arith.constant 59 : i32
          %get3A_1168 = arith.index_cast %get3A_1166 : i32 to index
          %get3A_1169 = arith.index_cast %get3A_1167 : i32 to index
          %get3A_1170 = arith.index_cast %mul3A_238 : i32 to index
          %get3A_1171 = tpu.vector_load %arg5[%get3A_1168, %get3A_1169, %get3A_1170] {strides = array<i32>} : memref<2x128x256xf32, #tpu.memory_space<vmem>>, vector<1x1x16xf32>,
          %get3A_1172 = vector.shape_cast %get3A_1171 : vector<1x1x16xf32> to vector<16xf32>
          %mul3A_1173 = arith.mulf %get3A_1172, %get3A_265 : vector<16xf32>
          %add3A_1174 = arith.addf %add3A_1165, %mul3A_1173 : vector<16xf32>
          %get3A_1175 = arith.constant 0 : i32
          %get3A_1176 = arith.constant 75 : i32
          %get3A_1177 = arith.index_cast %get3A_1175 : i32 to index
          %get3A_1178 = arith.index_cast %get3A_1176 : i32 to index
          %get3A_1179 = arith.index_cast %mul3A_238 : i32 to index
          %get3A_1180 = tpu.vector_load %arg5[%get3A_1177, %get3A_1178, %get3A_1179] {strides = array<i32>} : memref<2x128x256xf32, #tpu.memory_space<vmem>>, vector<1x1x16xf32>,
          %get3A_1181 = vector.shape_cast %get3A_1180 : vector<1x1x16xf32> to vector<16xf32>
          %mul3A_1182 = arith.mulf %get3A_1181, %get3A_272 : vector<16xf32>
          %add3A_1183 = arith.addf %add3A_1174, %mul3A_1182 : vector<16xf32>
          %get3A_1184 = arith.constant 0 : i32
          %get3A_1185 = arith.constant 91 : i32
          %get3A_1186 = arith.index_cast %get3A_1184 : i32 to index
          %get3A_1187 = arith.index_cast %get3A_1185 : i32 to index
          %get3A_1188 = arith.index_cast %mul3A_238 : i32 to index
          %get3A_1189 = tpu.vector_load %arg5[%get3A_1186, %get3A_1187, %get3A_1188] {strides = array<i32>} : memref<2x128x256xf32, #tpu.memory_space<vmem>>, vector<1x1x16xf32>,
          %get3A_1190 = vector.shape_cast %get3A_1189 : vector<1x1x16xf32> to vector<16xf32>
          %mul3A_1191 = arith.mulf %get3A_1190, %get3A_279 : vector<16xf32>
          %add3A_1192 = arith.addf %add3A_1183, %mul3A_1191 : vector<16xf32>
          %get3A_1193 = arith.constant 0 : i32
          %get3A_1194 = arith.constant 107 : i32
          %get3A_1195 = arith.index_cast %get3A_1193 : i32 to index
          %get3A_1196 = arith.index_cast %get3A_1194 : i32 to index
          %get3A_1197 = arith.index_cast %mul3A_238 : i32 to index
          %get3A_1198 = tpu.vector_load %arg5[%get3A_1195, %get3A_1196, %get3A_1197] {strides = array<i32>} : memref<2x128x256xf32, #tpu.memory_space<vmem>>, vector<1x1x16xf32>,
          %get3A_1199 = vector.shape_cast %get3A_1198 : vector<1x1x16xf32> to vector<16xf32>
          %mul3A_1200 = arith.mulf %get3A_1199, %get3A_286 : vector<16xf32>
          %add3A_1201 = arith.addf %add3A_1192, %mul3A_1200 : vector<16xf32>
          %get3A_1202 = arith.constant 0 : i32
          %get3A_1203 = arith.constant 123 : i32
          %get3A_1204 = arith.index_cast %get3A_1202 : i32 to index
          %get3A_1205 = arith.index_cast %get3A_1203 : i32 to index
          %get3A_1206 = arith.index_cast %mul3A_238 : i32 to index
          %get3A_1207 = tpu.vector_load %arg5[%get3A_1204, %get3A_1205, %get3A_1206] {strides = array<i32>} : memref<2x128x256xf32, #tpu.memory_space<vmem>>, vector<1x1x16xf32>,
          %get3A_1208 = vector.shape_cast %get3A_1207 : vector<1x1x16xf32> to vector<16xf32>
          %mul3A_1209 = arith.mulf %get3A_1208, %get3A_293 : vector<16xf32>
          %add3A_1210 = arith.addf %add3A_1201, %mul3A_1209 : vector<16xf32>
          %swap3A_1211 = arith.constant 11 : i32
          %swap3A_1212 = arith.index_cast %swap3A_1211 : i32 to index
          %swap3A_1213 = arith.index_cast %mul3A_238 : i32 to index
          %swap3A_1214 = tpu.vector_load %arg7[%swap3A_1212, %swap3A_1213] {strides = array<i32>} : memref<16x256xf32, #tpu.memory_space<vmem>>, vector<1x16xf32>,
          %swap3A_1215 = vector.shape_cast %swap3A_1214 : vector<1x16xf32> to vector<16xf32>
          %swap3A_1216 = vector.shape_cast %add3A_1210 : vector<16xf32> to vector<1x16xf32>
          tpu.vector_store %arg7[%swap3A_1212, %swap3A_1213], %swap3A_1216 {add = true, strides = array<i32>} : memref<16x256xf32, #tpu.memory_space<vmem>>, vector<1x16xf32>,
          %get3A_1217 = arith.constant 0 : i32
          %get3A_1218 = arith.constant 12 : i32
          %get3A_1219 = arith.index_cast %get3A_1217 : i32 to index
          %get3A_1220 = arith.index_cast %get3A_1218 : i32 to index
          %get3A_1221 = arith.index_cast %mul3A_238 : i32 to index
          %get3A_1222 = tpu.vector_load %arg5[%get3A_1219, %get3A_1220, %get3A_1221] {strides = array<i32>} : memref<2x128x256xf32, #tpu.memory_space<vmem>>, vector<1x1x16xf32>,
          %get3A_1223 = vector.shape_cast %get3A_1222 : vector<1x1x16xf32> to vector<16xf32>
          %mul3A_1224 = arith.mulf %get3A_1223, %get3A_244 : vector<16xf32>
          %get3A_1225 = arith.constant 0 : i32
          %get3A_1226 = arith.constant 28 : i32
          %get3A_1227 = arith.index_cast %get3A_1225 : i32 to index
          %get3A_1228 = arith.index_cast %get3A_1226 : i32 to index
          %get3A_1229 = arith.index_cast %mul3A_238 : i32 to index
          %get3A_1230 = tpu.vector_load %arg5[%get3A_1227, %get3A_1228, %get3A_1229] {strides = array<i32>} : memref<2x128x256xf32, #tpu.memory_space<vmem>>, vector<1x1x16xf32>,
          %get3A_1231 = vector.shape_cast %get3A_1230 : vector<1x1x16xf32> to vector<16xf32>
          %mul3A_1232 = arith.mulf %get3A_1231, %get3A_251 : vector<16xf32>
          %add3A_1233 = arith.addf %mul3A_1224, %mul3A_1232 : vector<16xf32>
          %get3A_1234 = arith.constant 0 : i32
          %get3A_1235 = arith.constant 44 : i32
          %get3A_1236 = arith.index_cast %get3A_1234 : i32 to index
          %get3A_1237 = arith.index_cast %get3A_1235 : i32 to index
          %get3A_1238 = arith.index_cast %mul3A_238 : i32 to index
          %get3A_1239 = tpu.vector_load %arg5[%get3A_1236, %get3A_1237, %get3A_1238] {strides = array<i32>} : memref<2x128x256xf32, #tpu.memory_space<vmem>>, vector<1x1x16xf32>,
          %get3A_1240 = vector.shape_cast %get3A_1239 : vector<1x1x16xf32> to vector<16xf32>
          %mul3A_1241 = arith.mulf %get3A_1240, %get3A_258 : vector<16xf32>
          %add3A_1242 = arith.addf %add3A_1233, %mul3A_1241 : vector<16xf32>
          %get3A_1243 = arith.constant 0 : i32
          %get3A_1244 = arith.constant 60 : i32
          %get3A_1245 = arith.index_cast %get3A_1243 : i32 to index
          %get3A_1246 = arith.index_cast %get3A_1244 : i32 to index
          %get3A_1247 = arith.index_cast %mul3A_238 : i32 to index
          %get3A_1248 = tpu.vector_load %arg5[%get3A_1245, %get3A_1246, %get3A_1247] {strides = array<i32>} : memref<2x128x256xf32, #tpu.memory_space<vmem>>, vector<1x1x16xf32>,
          %get3A_1249 = vector.shape_cast %get3A_1248 : vector<1x1x16xf32> to vector<16xf32>
          %mul3A_1250 = arith.mulf %get3A_1249, %get3A_265 : vector<16xf32>
          %add3A_1251 = arith.addf %add3A_1242, %mul3A_1250 : vector<16xf32>
          %get3A_1252 = arith.constant 0 : i32
          %get3A_1253 = arith.constant 76 : i32
          %get3A_1254 = arith.index_cast %get3A_1252 : i32 to index
          %get3A_1255 = arith.index_cast %get3A_1253 : i32 to index
          %get3A_1256 = arith.index_cast %mul3A_238 : i32 to index
          %get3A_1257 = tpu.vector_load %arg5[%get3A_1254, %get3A_1255, %get3A_1256] {strides = array<i32>} : memref<2x128x256xf32, #tpu.memory_space<vmem>>, vector<1x1x16xf32>,
          %get3A_1258 = vector.shape_cast %get3A_1257 : vector<1x1x16xf32> to vector<16xf32>
          %mul3A_1259 = arith.mulf %get3A_1258, %get3A_272 : vector<16xf32>
          %add3A_1260 = arith.addf %add3A_1251, %mul3A_1259 : vector<16xf32>
          %get3A_1261 = arith.constant 0 : i32
          %get3A_1262 = arith.constant 92 : i32
          %get3A_1263 = arith.index_cast %get3A_1261 : i32 to index
          %get3A_1264 = arith.index_cast %get3A_1262 : i32 to index
          %get3A_1265 = arith.index_cast %mul3A_238 : i32 to index
          %get3A_1266 = tpu.vector_load %arg5[%get3A_1263, %get3A_1264, %get3A_1265] {strides = array<i32>} : memref<2x128x256xf32, #tpu.memory_space<vmem>>, vector<1x1x16xf32>,
          %get3A_1267 = vector.shape_cast %get3A_1266 : vector<1x1x16xf32> to vector<16xf32>
          %mul3A_1268 = arith.mulf %get3A_1267, %get3A_279 : vector<16xf32>
          %add3A_1269 = arith.addf %add3A_1260, %mul3A_1268 : vector<16xf32>
          %get3A_1270 = arith.constant 0 : i32
          %get3A_1271 = arith.constant 108 : i32
          %get3A_1272 = arith.index_cast %get3A_1270 : i32 to index
          %get3A_1273 = arith.index_cast %get3A_1271 : i32 to index
          %get3A_1274 = arith.index_cast %mul3A_238 : i32 to index
          %get3A_1275 = tpu.vector_load %arg5[%get3A_1272, %get3A_1273, %get3A_1274] {strides = array<i32>} : memref<2x128x256xf32, #tpu.memory_space<vmem>>, vector<1x1x16xf32>,
          %get3A_1276 = vector.shape_cast %get3A_1275 : vector<1x1x16xf32> to vector<16xf32>
          %mul3A_1277 = arith.mulf %get3A_1276, %get3A_286 : vector<16xf32>
          %add3A_1278 = arith.addf %add3A_1269, %mul3A_1277 : vector<16xf32>
          %get3A_1279 = arith.constant 0 : i32
          %get3A_1280 = arith.constant 124 : i32
          %get3A_1281 = arith.index_cast %get3A_1279 : i32 to index
          %get3A_1282 = arith.index_cast %get3A_1280 : i32 to index
          %get3A_1283 = arith.index_cast %mul3A_238 : i32 to index
          %get3A_1284 = tpu.vector_load %arg5[%get3A_1281, %get3A_1282, %get3A_1283] {strides = array<i32>} : memref<2x128x256xf32, #tpu.memory_space<vmem>>, vector<1x1x16xf32>,
          %get3A_1285 = vector.shape_cast %get3A_1284 : vector<1x1x16xf32> to vector<16xf32>
          %mul3A_1286 = arith.mulf %get3A_1285, %get3A_293 : vector<16xf32>
          %add3A_1287 = arith.addf %add3A_1278, %mul3A_1286 : vector<16xf32>
          %swap3A_1288 = arith.constant 12 : i32
          %swap3A_1289 = arith.index_cast %swap3A_1288 : i32 to index
          %swap3A_1290 = arith.index_cast %mul3A_238 : i32 to index
          %swap3A_1291 = tpu.vector_load %arg7[%swap3A_1289, %swap3A_1290] {strides = array<i32>} : memref<16x256xf32, #tpu.memory_space<vmem>>, vector<1x16xf32>,
          %swap3A_1292 = vector.shape_cast %swap3A_1291 : vector<1x16xf32> to vector<16xf32>
          %swap3A_1293 = vector.shape_cast %add3A_1287 : vector<16xf32> to vector<1x16xf32>
          tpu.vector_store %arg7[%swap3A_1289, %swap3A_1290], %swap3A_1293 {add = true, strides = array<i32>} : memref<16x256xf32, #tpu.memory_space<vmem>>, vector<1x16xf32>,
          %get3A_1294 = arith.constant 0 : i32
          %get3A_1295 = arith.constant 13 : i32
          %get3A_1296 = arith.index_cast %get3A_1294 : i32 to index
          %get3A_1297 = arith.index_cast %get3A_1295 : i32 to index
          %get3A_1298 = arith.index_cast %mul3A_238 : i32 to index
          %get3A_1299 = tpu.vector_load %arg5[%get3A_1296, %get3A_1297, %get3A_1298] {strides = array<i32>} : memref<2x128x256xf32, #tpu.memory_space<vmem>>, vector<1x1x16xf32>,
          %get3A_1300 = vector.shape_cast %get3A_1299 : vector<1x1x16xf32> to vector<16xf32>
          %mul3A_1301 = arith.mulf %get3A_1300, %get3A_244 : vector<16xf32>
          %get3A_1302 = arith.constant 0 : i32
          %get3A_1303 = arith.constant 29 : i32
          %get3A_1304 = arith.index_cast %get3A_1302 : i32 to index
          %get3A_1305 = arith.index_cast %get3A_1303 : i32 to index
          %get3A_1306 = arith.index_cast %mul3A_238 : i32 to index
          %get3A_1307 = tpu.vector_load %arg5[%get3A_1304, %get3A_1305, %get3A_1306] {strides = array<i32>} : memref<2x128x256xf32, #tpu.memory_space<vmem>>, vector<1x1x16xf32>,
          %get3A_1308 = vector.shape_cast %get3A_1307 : vector<1x1x16xf32> to vector<16xf32>
          %mul3A_1309 = arith.mulf %get3A_1308, %get3A_251 : vector<16xf32>
          %add3A_1310 = arith.addf %mul3A_1301, %mul3A_1309 : vector<16xf32>
          %get3A_1311 = arith.constant 0 : i32
          %get3A_1312 = arith.constant 45 : i32
          %get3A_1313 = arith.index_cast %get3A_1311 : i32 to index
          %get3A_1314 = arith.index_cast %get3A_1312 : i32 to index
          %get3A_1315 = arith.index_cast %mul3A_238 : i32 to index
          %get3A_1316 = tpu.vector_load %arg5[%get3A_1313, %get3A_1314, %get3A_1315] {strides = array<i32>} : memref<2x128x256xf32, #tpu.memory_space<vmem>>, vector<1x1x16xf32>,
          %get3A_1317 = vector.shape_cast %get3A_1316 : vector<1x1x16xf32> to vector<16xf32>
          %mul3A_1318 = arith.mulf %get3A_1317, %get3A_258 : vector<16xf32>
          %add3A_1319 = arith.addf %add3A_1310, %mul3A_1318 : vector<16xf32>
          %get3A_1320 = arith.constant 0 : i32
          %get3A_1321 = arith.constant 61 : i32
          %get3A_1322 = arith.index_cast %get3A_1320 : i32 to index
          %get3A_1323 = arith.index_cast %get3A_1321 : i32 to index
          %get3A_1324 = arith.index_cast %mul3A_238 : i32 to index
          %get3A_1325 = tpu.vector_load %arg5[%get3A_1322, %get3A_1323, %get3A_1324] {strides = array<i32>} : memref<2x128x256xf32, #tpu.memory_space<vmem>>, vector<1x1x16xf32>,
          %get3A_1326 = vector.shape_cast %get3A_1325 : vector<1x1x16xf32> to vector<16xf32>
          %mul3A_1327 = arith.mulf %get3A_1326, %get3A_265 : vector<16xf32>
          %add3A_1328 = arith.addf %add3A_1319, %mul3A_1327 : vector<16xf32>
          %get3A_1329 = arith.constant 0 : i32
          %get3A_1330 = arith.constant 77 : i32
          %get3A_1331 = arith.index_cast %get3A_1329 : i32 to index
          %get3A_1332 = arith.index_cast %get3A_1330 : i32 to index
          %get3A_1333 = arith.index_cast %mul3A_238 : i32 to index
          %get3A_1334 = tpu.vector_load %arg5[%get3A_1331, %get3A_1332, %get3A_1333] {strides = array<i32>} : memref<2x128x256xf32, #tpu.memory_space<vmem>>, vector<1x1x16xf32>,
          %get3A_1335 = vector.shape_cast %get3A_1334 : vector<1x1x16xf32> to vector<16xf32>
          %mul3A_1336 = arith.mulf %get3A_1335, %get3A_272 : vector<16xf32>
          %add3A_1337 = arith.addf %add3A_1328, %mul3A_1336 : vector<16xf32>
          %get3A_1338 = arith.constant 0 : i32
          %get3A_1339 = arith.constant 93 : i32
          %get3A_1340 = arith.index_cast %get3A_1338 : i32 to index
          %get3A_1341 = arith.index_cast %get3A_1339 : i32 to index
          %get3A_1342 = arith.index_cast %mul3A_238 : i32 to index
          %get3A_1343 = tpu.vector_load %arg5[%get3A_1340, %get3A_1341, %get3A_1342] {strides = array<i32>} : memref<2x128x256xf32, #tpu.memory_space<vmem>>, vector<1x1x16xf32>,
          %get3A_1344 = vector.shape_cast %get3A_1343 : vector<1x1x16xf32> to vector<16xf32>
          %mul3A_1345 = arith.mulf %get3A_1344, %get3A_279 : vector<16xf32>
          %add3A_1346 = arith.addf %add3A_1337, %mul3A_1345 : vector<16xf32>
          %get3A_1347 = arith.constant 0 : i32
          %get3A_1348 = arith.constant 109 : i32
          %get3A_1349 = arith.index_cast %get3A_1347 : i32 to index
          %get3A_1350 = arith.index_cast %get3A_1348 : i32 to index
          %get3A_1351 = arith.index_cast %mul3A_238 : i32 to index
          %get3A_1352 = tpu.vector_load %arg5[%get3A_1349, %get3A_1350, %get3A_1351] {strides = array<i32>} : memref<2x128x256xf32, #tpu.memory_space<vmem>>, vector<1x1x16xf32>,
          %get3A_1353 = vector.shape_cast %get3A_1352 : vector<1x1x16xf32> to vector<16xf32>
          %mul3A_1354 = arith.mulf %get3A_1353, %get3A_286 : vector<16xf32>
          %add3A_1355 = arith.addf %add3A_1346, %mul3A_1354 : vector<16xf32>
          %get3A_1356 = arith.constant 0 : i32
          %get3A_1357 = arith.constant 125 : i32
          %get3A_1358 = arith.index_cast %get3A_1356 : i32 to index
          %get3A_1359 = arith.index_cast %get3A_1357 : i32 to index
          %get3A_1360 = arith.index_cast %mul3A_238 : i32 to index
          %get3A_1361 = tpu.vector_load %arg5[%get3A_1358, %get3A_1359, %get3A_1360] {strides = array<i32>} : memref<2x128x256xf32, #tpu.memory_space<vmem>>, vector<1x1x16xf32>,
          %get3A_1362 = vector.shape_cast %get3A_1361 : vector<1x1x16xf32> to vector<16xf32>
          %mul3A_1363 = arith.mulf %get3A_1362, %get3A_293 : vector<16xf32>
          %add3A_1364 = arith.addf %add3A_1355, %mul3A_1363 : vector<16xf32>
          %swap3A_1365 = arith.constant 13 : i32
          %swap3A_1366 = arith.index_cast %swap3A_1365 : i32 to index
          %swap3A_1367 = arith.index_cast %mul3A_238 : i32 to index
          %swap3A_1368 = tpu.vector_load %arg7[%swap3A_1366, %swap3A_1367] {strides = array<i32>} : memref<16x256xf32, #tpu.memory_space<vmem>>, vector<1x16xf32>,
          %swap3A_1369 = vector.shape_cast %swap3A_1368 : vector<1x16xf32> to vector<16xf32>
          %swap3A_1370 = vector.shape_cast %add3A_1364 : vector<16xf32> to vector<1x16xf32>
          tpu.vector_store %arg7[%swap3A_1366, %swap3A_1367], %swap3A_1370 {add = true, strides = array<i32>} : memref<16x256xf32, #tpu.memory_space<vmem>>, vector<1x16xf32>,
          %get3A_1371 = arith.constant 0 : i32
          %get3A_1372 = arith.constant 14 : i32
          %get3A_1373 = arith.index_cast %get3A_1371 : i32 to index
          %get3A_1374 = arith.index_cast %get3A_1372 : i32 to index
          %get3A_1375 = arith.index_cast %mul3A_238 : i32 to index
          %get3A_1376 = tpu.vector_load %arg5[%get3A_1373, %get3A_1374, %get3A_1375] {strides = array<i32>} : memref<2x128x256xf32, #tpu.memory_space<vmem>>, vector<1x1x16xf32>,
          %get3A_1377 = vector.shape_cast %get3A_1376 : vector<1x1x16xf32> to vector<16xf32>
          %mul3A_1378 = arith.mulf %get3A_1377, %get3A_244 : vector<16xf32>
          %get3A_1379 = arith.constant 0 : i32
          %get3A_1380 = arith.constant 30 : i32
          %get3A_1381 = arith.index_cast %get3A_1379 : i32 to index
          %get3A_1382 = arith.index_cast %get3A_1380 : i32 to index
          %get3A_1383 = arith.index_cast %mul3A_238 : i32 to index
          %get3A_1384 = tpu.vector_load %arg5[%get3A_1381, %get3A_1382, %get3A_1383] {strides = array<i32>} : memref<2x128x256xf32, #tpu.memory_space<vmem>>, vector<1x1x16xf32>,
          %get3A_1385 = vector.shape_cast %get3A_1384 : vector<1x1x16xf32> to vector<16xf32>
          %mul3A_1386 = arith.mulf %get3A_1385, %get3A_251 : vector<16xf32>
          %add3A_1387 = arith.addf %mul3A_1378, %mul3A_1386 : vector<16xf32>
          %get3A_1388 = arith.constant 0 : i32
          %get3A_1389 = arith.constant 46 : i32
          %get3A_1390 = arith.index_cast %get3A_1388 : i32 to index
          %get3A_1391 = arith.index_cast %get3A_1389 : i32 to index
          %get3A_1392 = arith.index_cast %mul3A_238 : i32 to index
          %get3A_1393 = tpu.vector_load %arg5[%get3A_1390, %get3A_1391, %get3A_1392] {strides = array<i32>} : memref<2x128x256xf32, #tpu.memory_space<vmem>>, vector<1x1x16xf32>,
          %get3A_1394 = vector.shape_cast %get3A_1393 : vector<1x1x16xf32> to vector<16xf32>
          %mul3A_1395 = arith.mulf %get3A_1394, %get3A_258 : vector<16xf32>
          %add3A_1396 = arith.addf %add3A_1387, %mul3A_1395 : vector<16xf32>
          %get3A_1397 = arith.constant 0 : i32
          %get3A_1398 = arith.constant 62 : i32
          %get3A_1399 = arith.index_cast %get3A_1397 : i32 to index
          %get3A_1400 = arith.index_cast %get3A_1398 : i32 to index
          %get3A_1401 = arith.index_cast %mul3A_238 : i32 to index
          %get3A_1402 = tpu.vector_load %arg5[%get3A_1399, %get3A_1400, %get3A_1401] {strides = array<i32>} : memref<2x128x256xf32, #tpu.memory_space<vmem>>, vector<1x1x16xf32>,
          %get3A_1403 = vector.shape_cast %get3A_1402 : vector<1x1x16xf32> to vector<16xf32>
          %mul3A_1404 = arith.mulf %get3A_1403, %get3A_265 : vector<16xf32>
          %add3A_1405 = arith.addf %add3A_1396, %mul3A_1404 : vector<16xf32>
          %get3A_1406 = arith.constant 0 : i32
          %get3A_1407 = arith.constant 78 : i32
          %get3A_1408 = arith.index_cast %get3A_1406 : i32 to index
          %get3A_1409 = arith.index_cast %get3A_1407 : i32 to index
          %get3A_1410 = arith.index_cast %mul3A_238 : i32 to index
          %get3A_1411 = tpu.vector_load %arg5[%get3A_1408, %get3A_1409, %get3A_1410] {strides = array<i32>} : memref<2x128x256xf32, #tpu.memory_space<vmem>>, vector<1x1x16xf32>,
          %get3A_1412 = vector.shape_cast %get3A_1411 : vector<1x1x16xf32> to vector<16xf32>
          %mul3A_1413 = arith.mulf %get3A_1412, %get3A_272 : vector<16xf32>
          %add3A_1414 = arith.addf %add3A_1405, %mul3A_1413 : vector<16xf32>
          %get3A_1415 = arith.constant 0 : i32
          %get3A_1416 = arith.constant 94 : i32
          %get3A_1417 = arith.index_cast %get3A_1415 : i32 to index
          %get3A_1418 = arith.index_cast %get3A_1416 : i32 to index
          %get3A_1419 = arith.index_cast %mul3A_238 : i32 to index
          %get3A_1420 = tpu.vector_load %arg5[%get3A_1417, %get3A_1418, %get3A_1419] {strides = array<i32>} : memref<2x128x256xf32, #tpu.memory_space<vmem>>, vector<1x1x16xf32>,
          %get3A_1421 = vector.shape_cast %get3A_1420 : vector<1x1x16xf32> to vector<16xf32>
          %mul3A_1422 = arith.mulf %get3A_1421, %get3A_279 : vector<16xf32>
          %add3A_1423 = arith.addf %add3A_1414, %mul3A_1422 : vector<16xf32>
          %get3A_1424 = arith.constant 0 : i32
          %get3A_1425 = arith.constant 110 : i32
          %get3A_1426 = arith.index_cast %get3A_1424 : i32 to index
          %get3A_1427 = arith.index_cast %get3A_1425 : i32 to index
          %get3A_1428 = arith.index_cast %mul3A_238 : i32 to index
          %get3A_1429 = tpu.vector_load %arg5[%get3A_1426, %get3A_1427, %get3A_1428] {strides = array<i32>} : memref<2x128x256xf32, #tpu.memory_space<vmem>>, vector<1x1x16xf32>,
          %get3A_1430 = vector.shape_cast %get3A_1429 : vector<1x1x16xf32> to vector<16xf32>
          %mul3A_1431 = arith.mulf %get3A_1430, %get3A_286 : vector<16xf32>
          %add3A_1432 = arith.addf %add3A_1423, %mul3A_1431 : vector<16xf32>
          %get3A_1433 = arith.constant 0 : i32
          %get3A_1434 = arith.constant 126 : i32
          %get3A_1435 = arith.index_cast %get3A_1433 : i32 to index
          %get3A_1436 = arith.index_cast %get3A_1434 : i32 to index
          %get3A_1437 = arith.index_cast %mul3A_238 : i32 to index
          %get3A_1438 = tpu.vector_load %arg5[%get3A_1435, %get3A_1436, %get3A_1437] {strides = array<i32>} : memref<2x128x256xf32, #tpu.memory_space<vmem>>, vector<1x1x16xf32>,
          %get3A_1439 = vector.shape_cast %get3A_1438 : vector<1x1x16xf32> to vector<16xf32>
          %mul3A_1440 = arith.mulf %get3A_1439, %get3A_293 : vector<16xf32>
          %add3A_1441 = arith.addf %add3A_1432, %mul3A_1440 : vector<16xf32>
          %swap3A_1442 = arith.constant 14 : i32
          %swap3A_1443 = arith.index_cast %swap3A_1442 : i32 to index
          %swap3A_1444 = arith.index_cast %mul3A_238 : i32 to index
          %swap3A_1445 = tpu.vector_load %arg7[%swap3A_1443, %swap3A_1444] {strides = array<i32>} : memref<16x256xf32, #tpu.memory_space<vmem>>, vector<1x16xf32>,
          %swap3A_1446 = vector.shape_cast %swap3A_1445 : vector<1x16xf32> to vector<16xf32>
          %swap3A_1447 = vector.shape_cast %add3A_1441 : vector<16xf32> to vector<1x16xf32>
          tpu.vector_store %arg7[%swap3A_1443, %swap3A_1444], %swap3A_1447 {add = true, strides = array<i32>} : memref<16x256xf32, #tpu.memory_space<vmem>>, vector<1x16xf32>,
          %get3A_1448 = arith.constant 0 : i32
          %get3A_1449 = arith.constant 15 : i32
          %get3A_1450 = arith.index_cast %get3A_1448 : i32 to index
          %get3A_1451 = arith.index_cast %get3A_1449 : i32 to index
          %get3A_1452 = arith.index_cast %mul3A_238 : i32 to index
          %get3A_1453 = tpu.vector_load %arg5[%get3A_1450, %get3A_1451, %get3A_1452] {strides = array<i32>} : memref<2x128x256xf32, #tpu.memory_space<vmem>>, vector<1x1x16xf32>,
          %get3A_1454 = vector.shape_cast %get3A_1453 : vector<1x1x16xf32> to vector<16xf32>
          %mul3A_1455 = arith.mulf %get3A_1454, %get3A_244 : vector<16xf32>
          %get3A_1456 = arith.constant 0 : i32
          %get3A_1457 = arith.constant 31 : i32
          %get3A_1458 = arith.index_cast %get3A_1456 : i32 to index
          %get3A_1459 = arith.index_cast %get3A_1457 : i32 to index
          %get3A_1460 = arith.index_cast %mul3A_238 : i32 to index
          %get3A_1461 = tpu.vector_load %arg5[%get3A_1458, %get3A_1459, %get3A_1460] {strides = array<i32>} : memref<2x128x256xf32, #tpu.memory_space<vmem>>, vector<1x1x16xf32>,
          %get3A_1462 = vector.shape_cast %get3A_1461 : vector<1x1x16xf32> to vector<16xf32>
          %mul3A_1463 = arith.mulf %get3A_1462, %get3A_251 : vector<16xf32>
          %add3A_1464 = arith.addf %mul3A_1455, %mul3A_1463 : vector<16xf32>
          %get3A_1465 = arith.constant 0 : i32
          %get3A_1466 = arith.constant 47 : i32
          %get3A_1467 = arith.index_cast %get3A_1465 : i32 to index
          %get3A_1468 = arith.index_cast %get3A_1466 : i32 to index
          %get3A_1469 = arith.index_cast %mul3A_238 : i32 to index
          %get3A_1470 = tpu.vector_load %arg5[%get3A_1467, %get3A_1468, %get3A_1469] {strides = array<i32>} : memref<2x128x256xf32, #tpu.memory_space<vmem>>, vector<1x1x16xf32>,
          %get3A_1471 = vector.shape_cast %get3A_1470 : vector<1x1x16xf32> to vector<16xf32>
          %mul3A_1472 = arith.mulf %get3A_1471, %get3A_258 : vector<16xf32>
          %add3A_1473 = arith.addf %add3A_1464, %mul3A_1472 : vector<16xf32>
          %get3A_1474 = arith.constant 0 : i32
          %get3A_1475 = arith.constant 63 : i32
          %get3A_1476 = arith.index_cast %get3A_1474 : i32 to index
          %get3A_1477 = arith.index_cast %get3A_1475 : i32 to index
          %get3A_1478 = arith.index_cast %mul3A_238 : i32 to index
          %get3A_1479 = tpu.vector_load %arg5[%get3A_1476, %get3A_1477, %get3A_1478] {strides = array<i32>} : memref<2x128x256xf32, #tpu.memory_space<vmem>>, vector<1x1x16xf32>,
          %get3A_1480 = vector.shape_cast %get3A_1479 : vector<1x1x16xf32> to vector<16xf32>
          %mul3A_1481 = arith.mulf %get3A_1480, %get3A_265 : vector<16xf32>
          %add3A_1482 = arith.addf %add3A_1473, %mul3A_1481 : vector<16xf32>
          %get3A_1483 = arith.constant 0 : i32
          %get3A_1484 = arith.constant 79 : i32
          %get3A_1485 = arith.index_cast %get3A_1483 : i32 to index
          %get3A_1486 = arith.index_cast %get3A_1484 : i32 to index
          %get3A_1487 = arith.index_cast %mul3A_238 : i32 to index
          %get3A_1488 = tpu.vector_load %arg5[%get3A_1485, %get3A_1486, %get3A_1487] {strides = array<i32>} : memref<2x128x256xf32, #tpu.memory_space<vmem>>, vector<1x1x16xf32>,
          %get3A_1489 = vector.shape_cast %get3A_1488 : vector<1x1x16xf32> to vector<16xf32>
          %mul3A_1490 = arith.mulf %get3A_1489, %get3A_272 : vector<16xf32>
          %add3A_1491 = arith.addf %add3A_1482, %mul3A_1490 : vector<16xf32>
          %get3A_1492 = arith.constant 0 : i32
          %get3A_1493 = arith.constant 95 : i32
          %get3A_1494 = arith.index_cast %get3A_1492 : i32 to index
          %get3A_1495 = arith.index_cast %get3A_1493 : i32 to index
          %get3A_1496 = arith.index_cast %mul3A_238 : i32 to index
          %get3A_1497 = tpu.vector_load %arg5[%get3A_1494, %get3A_1495, %get3A_1496] {strides = array<i32>} : memref<2x128x256xf32, #tpu.memory_space<vmem>>, vector<1x1x16xf32>,
          %get3A_1498 = vector.shape_cast %get3A_1497 : vector<1x1x16xf32> to vector<16xf32>
          %mul3A_1499 = arith.mulf %get3A_1498, %get3A_279 : vector<16xf32>
          %add3A_1500 = arith.addf %add3A_1491, %mul3A_1499 : vector<16xf32>
          %get3A_1501 = arith.constant 0 : i32
          %get3A_1502 = arith.constant 111 : i32
          %get3A_1503 = arith.index_cast %get3A_1501 : i32 to index
          %get3A_1504 = arith.index_cast %get3A_1502 : i32 to index
          %get3A_1505 = arith.index_cast %mul3A_238 : i32 to index
          %get3A_1506 = tpu.vector_load %arg5[%get3A_1503, %get3A_1504, %get3A_1505] {strides = array<i32>} : memref<2x128x256xf32, #tpu.memory_space<vmem>>, vector<1x1x16xf32>,
          %get3A_1507 = vector.shape_cast %get3A_1506 : vector<1x1x16xf32> to vector<16xf32>
          %mul3A_1508 = arith.mulf %get3A_1507, %get3A_286 : vector<16xf32>
          %add3A_1509 = arith.addf %add3A_1500, %mul3A_1508 : vector<16xf32>
          %get3A_1510 = arith.constant 0 : i32
          %get3A_1511 = arith.constant 127 : i32
          %get3A_1512 = arith.index_cast %get3A_1510 : i32 to index
          %get3A_1513 = arith.index_cast %get3A_1511 : i32 to index
          %get3A_1514 = arith.index_cast %mul3A_238 : i32 to index
          %get3A_1515 = tpu.vector_load %arg5[%get3A_1512, %get3A_1513, %get3A_1514] {strides = array<i32>} : memref<2x128x256xf32, #tpu.memory_space<vmem>>, vector<1x1x16xf32>,
          %get3A_1516 = vector.shape_cast %get3A_1515 : vector<1x1x16xf32> to vector<16xf32>
          %mul3A_1517 = arith.mulf %get3A_1516, %get3A_293 : vector<16xf32>
          %add3A_1518 = arith.addf %add3A_1509, %mul3A_1517 : vector<16xf32>
          %swap3A_1519 = arith.constant 15 : i32
          %swap3A_1520 = arith.index_cast %swap3A_1519 : i32 to index
          %swap3A_1521 = arith.index_cast %mul3A_238 : i32 to index
          %swap3A_1522 = tpu.vector_load %arg7[%swap3A_1520, %swap3A_1521] {strides = array<i32>} : memref<16x256xf32, #tpu.memory_space<vmem>>, vector<1x16xf32>,
          %swap3A_1523 = vector.shape_cast %swap3A_1522 : vector<1x16xf32> to vector<16xf32>
          %swap3A_1524 = vector.shape_cast %add3A_1518 : vector<16xf32> to vector<1x16xf32>
          tpu.vector_store %arg7[%swap3A_1520, %swap3A_1521], %swap3A_1524 {add = true, strides = array<i32>} : memref<16x256xf32, #tpu.memory_space<vmem>>, vector<1x16xf32>,
          %scan3A_1525 = arith.constant 0 : i32
          scf.yield %scan3A_1525 : i32
        }
        %scan3A_160 = arith.constant 16 : i32
        %mul3A_161 = arith.constant 2 : i32
        %mul3A_162 = arith.muli %scan3A_86, %mul3A_161 : i32
        %add3A_163 = arith.constant 1 : i32
        %add3A_164 = arith.addi %mul3A_162, %add3A_163 : i32
        %add3A_165 = arith.constant 20 : i32
        %add3A_166 = arith.addi %add3A_165, %add3A_164 : i32
        %mul3A_167 = arith.constant 128 : i32
        %mul3A_168 = arith.muli %add3A_166, %mul3A_167 : i32
        %dma_wait3A_169 = arith.constant 1 : i32
        %dma_wait3A_170 = arith.constant 0 : i32
        %dma_wait3A_171 = arith.constant 0 : i32
        %dma_wait3A_172 = tpu.memref_slice %arg5[%dma_wait3A_169, %dma_wait3A_170, %dma_wait3A_171] : memref<2x128x256xf32, #tpu.memory_space<vmem>> -> memref<1x128x256xf32, #tpu.memory_space<vmem>>
        %dma_wait3A_173 = tpu.memref_squeeze %dma_wait3A_172 : memref<1x128x256xf32, #tpu.memory_space<vmem>> -> memref<128x256xf32, #tpu.memory_space<vmem>>
        %dma_wait3A_174 = tpu.memref_slice %arg2[%mul3A_168, %add3A_13] : memref<3200x16384xf32, #tpu.memory_space<hbm>> -> memref<128x256xf32, #tpu.memory_space<hbm>>
        %dma_wait3A_175 = arith.constant 0 : i32
        %dma_wait3A_176 = arith.constant 0 : i32
        %dma_wait3A_177 = tpu.memref_slice %arg5[%dma_wait3A_169, %dma_wait3A_175, %dma_wait3A_176] : memref<2x128x256xf32, #tpu.memory_space<vmem>> -> memref<1x128x256xf32, #tpu.memory_space<vmem>>
        %dma_wait3A_178 = tpu.memref_squeeze %dma_wait3A_177 : memref<1x128x256xf32, #tpu.memory_space<vmem>> -> memref<128x256xf32, #tpu.memory_space<vmem>>
        %dma_wait3A_179 = tpu.memref_slice %arg2[%mul3A_168, %add3A_13] : memref<3200x16384xf32, #tpu.memory_space<hbm>> -> memref<128x256xf32, #tpu.memory_space<hbm>>
        tpu.wait_dma2 semaphore(%arg9 : memref<!tpu.dma_semaphore, #tpu.memory_space<semaphore_mem>>) src(%dma_wait3A_179 : memref<128x256xf32, #tpu.memory_space<hbm>>) dst(%dma_wait3A_178 : memref<128x256xf32, #tpu.memory_space<vmem>>)
        %mul3A_180 = arith.constant 8 : i32
        %mul3A_181 = arith.muli %add3A_164, %mul3A_180 : i32
        %add3A_182 = arith.constant 160 : i32
        %add3A_183 = arith.addi %add3A_182, %mul3A_181 : i32
        %dma_wait3A_184 = arith.constant 1 : i32
        %dma_wait3A_185 = arith.constant 0 : i32
        %dma_wait3A_186 = arith.constant 0 : i32
        %dma_wait3A_187 = tpu.memref_slice %arg6[%dma_wait3A_184, %dma_wait3A_185, %dma_wait3A_186] : memref<2x8x256xf32, #tpu.memory_space<vmem>> -> memref<1x8x256xf32, #tpu.memory_space<vmem>>
        %dma_wait3A_188 = tpu.memref_squeeze %dma_wait3A_187 : memref<1x8x256xf32, #tpu.memory_space<vmem>> -> memref<8x256xf32, #tpu.memory_space<vmem>>
        %dma_wait3A_189 = tpu.memref_slice %arg3[%add3A_183, %add3A_13] : memref<200x16384xf32, #tpu.memory_space<hbm>> -> memref<8x256xf32, #tpu.memory_space<hbm>>
        %dma_wait3A_190 = arith.constant 0 : i32
        %dma_wait3A_191 = arith.constant 0 : i32
        %dma_wait3A_192 = tpu.memref_slice %arg6[%dma_wait3A_184, %dma_wait3A_190, %dma_wait3A_191] : memref<2x8x256xf32, #tpu.memory_space<vmem>> -> memref<1x8x256xf32, #tpu.memory_space<vmem>>
        %dma_wait3A_193 = tpu.memref_squeeze %dma_wait3A_192 : memref<1x8x256xf32, #tpu.memory_space<vmem>> -> memref<8x256xf32, #tpu.memory_space<vmem>>
        %dma_wait3A_194 = tpu.memref_slice %arg3[%add3A_183, %add3A_13] : memref<200x16384xf32, #tpu.memory_space<hbm>> -> memref<8x256xf32, #tpu.memory_space<hbm>>
        tpu.wait_dma2 semaphore(%arg11 : memref<!tpu.dma_semaphore, #tpu.memory_space<semaphore_mem>>) src(%dma_wait3A_194 : memref<8x256xf32, #tpu.memory_space<hbm>>) dst(%dma_wait3A_193 : memref<8x256xf32, #tpu.memory_space<vmem>>)
        %add3A_195 = arith.constant 1 : i32
        %add3A_196 = arith.addi %add3A_164, %add3A_195 : i32
        %add3A_197 = arith.constant 20 : i32
        %add3A_198 = arith.addi %add3A_197, %add3A_196 : i32
        %mul3A_199 = arith.constant 128 : i32
        %mul3A_200 = arith.muli %add3A_198, %mul3A_199 : i32
        %dma_start3A_201 = arith.constant 0 : i32
        %dma_start3A_202 = arith.constant 0 : i32
        %dma_start3A_203 = arith.constant 0 : i32
        %dma_start3A_204 = tpu.memref_slice %arg5[%dma_start3A_201, %dma_start3A_202, %dma_start3A_203] : memref<2x128x256xf32, #tpu.memory_space<vmem>> -> memref<1x128x256xf32, #tpu.memory_space<vmem>>
        %dma_start3A_205 = tpu.memref_squeeze %dma_start3A_204 : memref<1x128x256xf32, #tpu.memory_space<vmem>> -> memref<128x256xf32, #tpu.memory_space<vmem>>
        %dma_start3A_206 = tpu.memref_slice %arg2[%mul3A_200, %add3A_13] : memref<3200x16384xf32, #tpu.memory_space<hbm>> -> memref<128x256xf32, #tpu.memory_space<hbm>>
        %dma_start3A_207 = arith.constant 0 : i32
        %dma_start3A_208 = arith.constant 0 : i32
        %dma_start3A_209 = tpu.memref_slice %arg5[%dma_start3A_201, %dma_start3A_207, %dma_start3A_208] : memref<2x128x256xf32, #tpu.memory_space<vmem>> -> memref<1x128x256xf32, #tpu.memory_space<vmem>>
        %dma_start3A_210 = tpu.memref_squeeze %dma_start3A_209 : memref<1x128x256xf32, #tpu.memory_space<vmem>> -> memref<128x256xf32, #tpu.memory_space<vmem>>
        %dma_start3A_211 = tpu.memref_slice %arg2[%mul3A_200, %add3A_13] : memref<3200x16384xf32, #tpu.memory_space<hbm>> -> memref<128x256xf32, #tpu.memory_space<hbm>>
        tpu.enqueue_dma source(%dma_start3A_211 : memref<128x256xf32, #tpu.memory_space<hbm>>) target(%dma_start3A_210 : memref<128x256xf32, #tpu.memory_space<vmem>>) target_semaphore(%arg8 : memref<!tpu.dma_semaphore, #tpu.memory_space<semaphore_mem>>)
        %mul3A_212 = arith.constant 8 : i32
        %mul3A_213 = arith.muli %add3A_196, %mul3A_212 : i32
        %add3A_214 = arith.constant 160 : i32
        %add3A_215 = arith.addi %add3A_214, %mul3A_213 : i32
        %dma_start3A_216 = arith.constant 0 : i32
        %dma_start3A_217 = arith.constant 0 : i32
        %dma_start3A_218 = arith.constant 0 : i32
        %dma_start3A_219 = tpu.memref_slice %arg6[%dma_start3A_216, %dma_start3A_217, %dma_start3A_218] : memref<2x8x256xf32, #tpu.memory_space<vmem>> -> memref<1x8x256xf32, #tpu.memory_space<vmem>>
        %dma_start3A_220 = tpu.memref_squeeze %dma_start3A_219 : memref<1x8x256xf32, #tpu.memory_space<vmem>> -> memref<8x256xf32, #tpu.memory_space<vmem>>
        %dma_start3A_221 = tpu.memref_slice %arg3[%add3A_215, %add3A_13] : memref<200x16384xf32, #tpu.memory_space<hbm>> -> memref<8x256xf32, #tpu.memory_space<hbm>>
        %dma_start3A_222 = arith.constant 0 : i32
        %dma_start3A_223 = arith.constant 0 : i32
        %dma_start3A_224 = tpu.memref_slice %arg6[%dma_start3A_216, %dma_start3A_222, %dma_start3A_223] : memref<2x8x256xf32, #tpu.memory_space<vmem>> -> memref<1x8x256xf32, #tpu.memory_space<vmem>>
        %dma_start3A_225 = tpu.memref_squeeze %dma_start3A_224 : memref<1x8x256xf32, #tpu.memory_space<vmem>> -> memref<8x256xf32, #tpu.memory_space<vmem>>
        %dma_start3A_226 = tpu.memref_slice %arg3[%add3A_215, %add3A_13] : memref<200x16384xf32, #tpu.memory_space<hbm>> -> memref<8x256xf32, #tpu.memory_space<hbm>>
        tpu.enqueue_dma source(%dma_start3A_226 : memref<8x256xf32, #tpu.memory_space<hbm>>) target(%dma_start3A_225 : memref<8x256xf32, #tpu.memory_space<vmem>>) target_semaphore(%arg10 : memref<!tpu.dma_semaphore, #tpu.memory_space<semaphore_mem>>)
        %scan3A_227 = arith.constant 0 : i32
        %scan3A_228 = arith.constant 0 : i32
        %scan3A_229 = arith.constant 16 : i32
        %scan3A_230 = arith.addi %scan3A_228, %scan3A_229 : i32
        %scan3A_231 = arith.constant 1 : i32
        %scan3A_232 = scf.for %scan3A_235 = %scan3A_228 to %scan3A_230 step %scan3A_231 iter_args(%scan3A_236 = %scan3A_227) -> (i32)  : i32 {
          %mul3A_237 = arith.constant 16 : i32
          %mul3A_238 = arith.muli %scan3A_235, %mul3A_237 : i32
          %get3A = arith.constant 1 : i32
          %get3A_239 = arith.constant 0 : i32
          %get3A_240 = arith.index_cast %get3A : i32 to index
          %get3A_241 = arith.index_cast %get3A_239 : i32 to index
          %get3A_242 = arith.index_cast %mul3A_238 : i32 to index
          %get3A_243 = tpu.vector_load %arg6[%get3A_240, %get3A_241, %get3A_242] {strides = array<i32>} : memref<2x8x256xf32, #tpu.memory_space<vmem>>, vector<1x1x16xf32>,
          %get3A_244 = vector.shape_cast %get3A_243 : vector<1x1x16xf32> to vector<16xf32>
          %get3A_245 = arith.constant 1 : i32
          %get3A_246 = arith.constant 1 : i32
          %get3A_247 = arith.index_cast %get3A_245 : i32 to index
          %get3A_248 = arith.index_cast %get3A_246 : i32 to index
          %get3A_249 = arith.index_cast %mul3A_238 : i32 to index
          %get3A_250 = tpu.vector_load %arg6[%get3A_247, %get3A_248, %get3A_249] {strides = array<i32>} : memref<2x8x256xf32, #tpu.memory_space<vmem>>, vector<1x1x16xf32>,
          %get3A_251 = vector.shape_cast %get3A_250 : vector<1x1x16xf32> to vector<16xf32>
          %get3A_252 = arith.constant 1 : i32
          %get3A_253 = arith.constant 2 : i32
          %get3A_254 = arith.index_cast %get3A_252 : i32 to index
          %get3A_255 = arith.index_cast %get3A_253 : i32 to index
          %get3A_256 = arith.index_cast %mul3A_238 : i32 to index
          %get3A_257 = tpu.vector_load %arg6[%get3A_254, %get3A_255, %get3A_256] {strides = array<i32>} : memref<2x8x256xf32, #tpu.memory_space<vmem>>, vector<1x1x16xf32>,
          %get3A_258 = vector.shape_cast %get3A_257 : vector<1x1x16xf32> to vector<16xf32>
          %get3A_259 = arith.constant 1 : i32
          %get3A_260 = arith.constant 3 : i32
          %get3A_261 = arith.index_cast %get3A_259 : i32 to index
          %get3A_262 = arith.index_cast %get3A_260 : i32 to index
          %get3A_263 = arith.index_cast %mul3A_238 : i32 to index
          %get3A_264 = tpu.vector_load %arg6[%get3A_261, %get3A_262, %get3A_263] {strides = array<i32>} : memref<2x8x256xf32, #tpu.memory_space<vmem>>, vector<1x1x16xf32>,
          %get3A_265 = vector.shape_cast %get3A_264 : vector<1x1x16xf32> to vector<16xf32>
          %get3A_266 = arith.constant 1 : i32
          %get3A_267 = arith.constant 4 : i32
          %get3A_268 = arith.index_cast %get3A_266 : i32 to index
          %get3A_269 = arith.index_cast %get3A_267 : i32 to index
          %get3A_270 = arith.index_cast %mul3A_238 : i32 to index
          %get3A_271 = tpu.vector_load %arg6[%get3A_268, %get3A_269, %get3A_270] {strides = array<i32>} : memref<2x8x256xf32, #tpu.memory_space<vmem>>, vector<1x1x16xf32>,
          %get3A_272 = vector.shape_cast %get3A_271 : vector<1x1x16xf32> to vector<16xf32>
          %get3A_273 = arith.constant 1 : i32
          %get3A_274 = arith.constant 5 : i32
          %get3A_275 = arith.index_cast %get3A_273 : i32 to index
          %get3A_276 = arith.index_cast %get3A_274 : i32 to index
          %get3A_277 = arith.index_cast %mul3A_238 : i32 to index
          %get3A_278 = tpu.vector_load %arg6[%get3A_275, %get3A_276, %get3A_277] {strides = array<i32>} : memref<2x8x256xf32, #tpu.memory_space<vmem>>, vector<1x1x16xf32>,
          %get3A_279 = vector.shape_cast %get3A_278 : vector<1x1x16xf32> to vector<16xf32>
          %get3A_280 = arith.constant 1 : i32
          %get3A_281 = arith.constant 6 : i32
          %get3A_282 = arith.index_cast %get3A_280 : i32 to index
          %get3A_283 = arith.index_cast %get3A_281 : i32 to index
          %get3A_284 = arith.index_cast %mul3A_238 : i32 to index
          %get3A_285 = tpu.vector_load %arg6[%get3A_282, %get3A_283, %get3A_284] {strides = array<i32>} : memref<2x8x256xf32, #tpu.memory_space<vmem>>, vector<1x1x16xf32>,
          %get3A_286 = vector.shape_cast %get3A_285 : vector<1x1x16xf32> to vector<16xf32>
          %get3A_287 = arith.constant 1 : i32
          %get3A_288 = arith.constant 7 : i32
          %get3A_289 = arith.index_cast %get3A_287 : i32 to index
          %get3A_290 = arith.index_cast %get3A_288 : i32 to index
          %get3A_291 = arith.index_cast %mul3A_238 : i32 to index
          %get3A_292 = tpu.vector_load %arg6[%get3A_289, %get3A_290, %get3A_291] {strides = array<i32>} : memref<2x8x256xf32, #tpu.memory_space<vmem>>, vector<1x1x16xf32>,
          %get3A_293 = vector.shape_cast %get3A_292 : vector<1x1x16xf32> to vector<16xf32>
          %get3A_294 = arith.constant 1 : i32
          %get3A_295 = arith.constant 0 : i32
          %get3A_296 = arith.index_cast %get3A_294 : i32 to index
          %get3A_297 = arith.index_cast %get3A_295 : i32 to index
          %get3A_298 = arith.index_cast %mul3A_238 : i32 to index
          %get3A_299 = tpu.vector_load %arg5[%get3A_296, %get3A_297, %get3A_298] {strides = array<i32>} : memref<2x128x256xf32, #tpu.memory_space<vmem>>, vector<1x1x16xf32>,
          %get3A_300 = vector.shape_cast %get3A_299 : vector<1x1x16xf32> to vector<16xf32>
          %mul3A_301 = arith.mulf %get3A_300, %get3A_244 : vector<16xf32>
          %get3A_302 = arith.constant 1 : i32
          %get3A_303 = arith.constant 16 : i32
          %get3A_304 = arith.index_cast %get3A_302 : i32 to index
          %get3A_305 = arith.index_cast %get3A_303 : i32 to index
          %get3A_306 = arith.index_cast %mul3A_238 : i32 to index
          %get3A_307 = tpu.vector_load %arg5[%get3A_304, %get3A_305, %get3A_306] {strides = array<i32>} : memref<2x128x256xf32, #tpu.memory_space<vmem>>, vector<1x1x16xf32>,
          %get3A_308 = vector.shape_cast %get3A_307 : vector<1x1x16xf32> to vector<16xf32>
          %mul3A_309 = arith.mulf %get3A_308, %get3A_251 : vector<16xf32>
          %add3A_310 = arith.addf %mul3A_301, %mul3A_309 : vector<16xf32>
          %get3A_311 = arith.constant 1 : i32
          %get3A_312 = arith.constant 32 : i32
          %get3A_313 = arith.index_cast %get3A_311 : i32 to index
          %get3A_314 = arith.index_cast %get3A_312 : i32 to index
          %get3A_315 = arith.index_cast %mul3A_238 : i32 to index
          %get3A_316 = tpu.vector_load %arg5[%get3A_313, %get3A_314, %get3A_315] {strides = array<i32>} : memref<2x128x256xf32, #tpu.memory_space<vmem>>, vector<1x1x16xf32>,
          %get3A_317 = vector.shape_cast %get3A_316 : vector<1x1x16xf32> to vector<16xf32>
          %mul3A_318 = arith.mulf %get3A_317, %get3A_258 : vector<16xf32>
          %add3A_319 = arith.addf %add3A_310, %mul3A_318 : vector<16xf32>
          %get3A_320 = arith.constant 1 : i32
          %get3A_321 = arith.constant 48 : i32
          %get3A_322 = arith.index_cast %get3A_320 : i32 to index
          %get3A_323 = arith.index_cast %get3A_321 : i32 to index
          %get3A_324 = arith.index_cast %mul3A_238 : i32 to index
          %get3A_325 = tpu.vector_load %arg5[%get3A_322, %get3A_323, %get3A_324] {strides = array<i32>} : memref<2x128x256xf32, #tpu.memory_space<vmem>>, vector<1x1x16xf32>,
          %get3A_326 = vector.shape_cast %get3A_325 : vector<1x1x16xf32> to vector<16xf32>
          %mul3A_327 = arith.mulf %get3A_326, %get3A_265 : vector<16xf32>
          %add3A_328 = arith.addf %add3A_319, %mul3A_327 : vector<16xf32>
          %get3A_329 = arith.constant 1 : i32
          %get3A_330 = arith.constant 64 : i32
          %get3A_331 = arith.index_cast %get3A_329 : i32 to index
          %get3A_332 = arith.index_cast %get3A_330 : i32 to index
          %get3A_333 = arith.index_cast %mul3A_238 : i32 to index
          %get3A_334 = tpu.vector_load %arg5[%get3A_331, %get3A_332, %get3A_333] {strides = array<i32>} : memref<2x128x256xf32, #tpu.memory_space<vmem>>, vector<1x1x16xf32>,
          %get3A_335 = vector.shape_cast %get3A_334 : vector<1x1x16xf32> to vector<16xf32>
          %mul3A_336 = arith.mulf %get3A_335, %get3A_272 : vector<16xf32>
          %add3A_337 = arith.addf %add3A_328, %mul3A_336 : vector<16xf32>
          %get3A_338 = arith.constant 1 : i32
          %get3A_339 = arith.constant 80 : i32
          %get3A_340 = arith.index_cast %get3A_338 : i32 to index
          %get3A_341 = arith.index_cast %get3A_339 : i32 to index
          %get3A_342 = arith.index_cast %mul3A_238 : i32 to index
          %get3A_343 = tpu.vector_load %arg5[%get3A_340, %get3A_341, %get3A_342] {strides = array<i32>} : memref<2x128x256xf32, #tpu.memory_space<vmem>>, vector<1x1x16xf32>,
          %get3A_344 = vector.shape_cast %get3A_343 : vector<1x1x16xf32> to vector<16xf32>
          %mul3A_345 = arith.mulf %get3A_344, %get3A_279 : vector<16xf32>
          %add3A_346 = arith.addf %add3A_337, %mul3A_345 : vector<16xf32>
          %get3A_347 = arith.constant 1 : i32
          %get3A_348 = arith.constant 96 : i32
          %get3A_349 = arith.index_cast %get3A_347 : i32 to index
          %get3A_350 = arith.index_cast %get3A_348 : i32 to index
          %get3A_351 = arith.index_cast %mul3A_238 : i32 to index
          %get3A_352 = tpu.vector_load %arg5[%get3A_349, %get3A_350, %get3A_351] {strides = array<i32>} : memref<2x128x256xf32, #tpu.memory_space<vmem>>, vector<1x1x16xf32>,
          %get3A_353 = vector.shape_cast %get3A_352 : vector<1x1x16xf32> to vector<16xf32>
          %mul3A_354 = arith.mulf %get3A_353, %get3A_286 : vector<16xf32>
          %add3A_355 = arith.addf %add3A_346, %mul3A_354 : vector<16xf32>
          %get3A_356 = arith.constant 1 : i32
          %get3A_357 = arith.constant 112 : i32
          %get3A_358 = arith.index_cast %get3A_356 : i32 to index
          %get3A_359 = arith.index_cast %get3A_357 : i32 to index
          %get3A_360 = arith.index_cast %mul3A_238 : i32 to index
          %get3A_361 = tpu.vector_load %arg5[%get3A_358, %get3A_359, %get3A_360] {strides = array<i32>} : memref<2x128x256xf32, #tpu.memory_space<vmem>>, vector<1x1x16xf32>,
          %get3A_362 = vector.shape_cast %get3A_361 : vector<1x1x16xf32> to vector<16xf32>
          %mul3A_363 = arith.mulf %get3A_362, %get3A_293 : vector<16xf32>
          %add3A_364 = arith.addf %add3A_355, %mul3A_363 : vector<16xf32>
          %swap3A = arith.constant 0 : i32
          %swap3A_365 = arith.index_cast %swap3A : i32 to index
          %swap3A_366 = arith.index_cast %mul3A_238 : i32 to index
          %swap3A_367 = tpu.vector_load %arg7[%swap3A_365, %swap3A_366] {strides = array<i32>} : memref<16x256xf32, #tpu.memory_space<vmem>>, vector<1x16xf32>,
          %swap3A_368 = vector.shape_cast %swap3A_367 : vector<1x16xf32> to vector<16xf32>
          %swap3A_369 = vector.shape_cast %add3A_364 : vector<16xf32> to vector<1x16xf32>
          tpu.vector_store %arg7[%swap3A_365, %swap3A_366], %swap3A_369 {add = true, strides = array<i32>} : memref<16x256xf32, #tpu.memory_space<vmem>>, vector<1x16xf32>,
          %get3A_370 = arith.constant 1 : i32
          %get3A_371 = arith.constant 1 : i32
          %get3A_372 = arith.index_cast %get3A_370 : i32 to index
          %get3A_373 = arith.index_cast %get3A_371 : i32 to index
          %get3A_374 = arith.index_cast %mul3A_238 : i32 to index
          %get3A_375 = tpu.vector_load %arg5[%get3A_372, %get3A_373, %get3A_374] {strides = array<i32>} : memref<2x128x256xf32, #tpu.memory_space<vmem>>, vector<1x1x16xf32>,
          %get3A_376 = vector.shape_cast %get3A_375 : vector<1x1x16xf32> to vector<16xf32>
          %mul3A_377 = arith.mulf %get3A_376, %get3A_244 : vector<16xf32>
          %get3A_378 = arith.constant 1 : i32
          %get3A_379 = arith.constant 17 : i32
          %get3A_380 = arith.index_cast %get3A_378 : i32 to index
          %get3A_381 = arith.index_cast %get3A_379 : i32 to index
          %get3A_382 = arith.index_cast %mul3A_238 : i32 to index
          %get3A_383 = tpu.vector_load %arg5[%get3A_380, %get3A_381, %get3A_382] {strides = array<i32>} : memref<2x128x256xf32, #tpu.memory_space<vmem>>, vector<1x1x16xf32>,
          %get3A_384 = vector.shape_cast %get3A_383 : vector<1x1x16xf32> to vector<16xf32>
          %mul3A_385 = arith.mulf %get3A_384, %get3A_251 : vector<16xf32>
          %add3A_386 = arith.addf %mul3A_377, %mul3A_385 : vector<16xf32>
          %get3A_387 = arith.constant 1 : i32
          %get3A_388 = arith.constant 33 : i32
          %get3A_389 = arith.index_cast %get3A_387 : i32 to index
          %get3A_390 = arith.index_cast %get3A_388 : i32 to index
          %get3A_391 = arith.index_cast %mul3A_238 : i32 to index
          %get3A_392 = tpu.vector_load %arg5[%get3A_389, %get3A_390, %get3A_391] {strides = array<i32>} : memref<2x128x256xf32, #tpu.memory_space<vmem>>, vector<1x1x16xf32>,
          %get3A_393 = vector.shape_cast %get3A_392 : vector<1x1x16xf32> to vector<16xf32>
          %mul3A_394 = arith.mulf %get3A_393, %get3A_258 : vector<16xf32>
          %add3A_395 = arith.addf %add3A_386, %mul3A_394 : vector<16xf32>
          %get3A_396 = arith.constant 1 : i32
          %get3A_397 = arith.constant 49 : i32
          %get3A_398 = arith.index_cast %get3A_396 : i32 to index
          %get3A_399 = arith.index_cast %get3A_397 : i32 to index
          %get3A_400 = arith.index_cast %mul3A_238 : i32 to index
          %get3A_401 = tpu.vector_load %arg5[%get3A_398, %get3A_399, %get3A_400] {strides = array<i32>} : memref<2x128x256xf32, #tpu.memory_space<vmem>>, vector<1x1x16xf32>,
          %get3A_402 = vector.shape_cast %get3A_401 : vector<1x1x16xf32> to vector<16xf32>
          %mul3A_403 = arith.mulf %get3A_402, %get3A_265 : vector<16xf32>
          %add3A_404 = arith.addf %add3A_395, %mul3A_403 : vector<16xf32>
          %get3A_405 = arith.constant 1 : i32
          %get3A_406 = arith.constant 65 : i32
          %get3A_407 = arith.index_cast %get3A_405 : i32 to index
          %get3A_408 = arith.index_cast %get3A_406 : i32 to index
          %get3A_409 = arith.index_cast %mul3A_238 : i32 to index
          %get3A_410 = tpu.vector_load %arg5[%get3A_407, %get3A_408, %get3A_409] {strides = array<i32>} : memref<2x128x256xf32, #tpu.memory_space<vmem>>, vector<1x1x16xf32>,
          %get3A_411 = vector.shape_cast %get3A_410 : vector<1x1x16xf32> to vector<16xf32>
          %mul3A_412 = arith.mulf %get3A_411, %get3A_272 : vector<16xf32>
          %add3A_413 = arith.addf %add3A_404, %mul3A_412 : vector<16xf32>
          %get3A_414 = arith.constant 1 : i32
          %get3A_415 = arith.constant 81 : i32
          %get3A_416 = arith.index_cast %get3A_414 : i32 to index
          %get3A_417 = arith.index_cast %get3A_415 : i32 to index
          %get3A_418 = arith.index_cast %mul3A_238 : i32 to index
          %get3A_419 = tpu.vector_load %arg5[%get3A_416, %get3A_417, %get3A_418] {strides = array<i32>} : memref<2x128x256xf32, #tpu.memory_space<vmem>>, vector<1x1x16xf32>,
          %get3A_420 = vector.shape_cast %get3A_419 : vector<1x1x16xf32> to vector<16xf32>
          %mul3A_421 = arith.mulf %get3A_420, %get3A_279 : vector<16xf32>
          %add3A_422 = arith.addf %add3A_413, %mul3A_421 : vector<16xf32>
          %get3A_423 = arith.constant 1 : i32
          %get3A_424 = arith.constant 97 : i32
          %get3A_425 = arith.index_cast %get3A_423 : i32 to index
          %get3A_426 = arith.index_cast %get3A_424 : i32 to index
          %get3A_427 = arith.index_cast %mul3A_238 : i32 to index
          %get3A_428 = tpu.vector_load %arg5[%get3A_425, %get3A_426, %get3A_427] {strides = array<i32>} : memref<2x128x256xf32, #tpu.memory_space<vmem>>, vector<1x1x16xf32>,
          %get3A_429 = vector.shape_cast %get3A_428 : vector<1x1x16xf32> to vector<16xf32>
          %mul3A_430 = arith.mulf %get3A_429, %get3A_286 : vector<16xf32>
          %add3A_431 = arith.addf %add3A_422, %mul3A_430 : vector<16xf32>
          %get3A_432 = arith.constant 1 : i32
          %get3A_433 = arith.constant 113 : i32
          %get3A_434 = arith.index_cast %get3A_432 : i32 to index
          %get3A_435 = arith.index_cast %get3A_433 : i32 to index
          %get3A_436 = arith.index_cast %mul3A_238 : i32 to index
          %get3A_437 = tpu.vector_load %arg5[%get3A_434, %get3A_435, %get3A_436] {strides = array<i32>} : memref<2x128x256xf32, #tpu.memory_space<vmem>>, vector<1x1x16xf32>,
          %get3A_438 = vector.shape_cast %get3A_437 : vector<1x1x16xf32> to vector<16xf32>
          %mul3A_439 = arith.mulf %get3A_438, %get3A_293 : vector<16xf32>
          %add3A_440 = arith.addf %add3A_431, %mul3A_439 : vector<16xf32>
          %swap3A_441 = arith.constant 1 : i32
          %swap3A_442 = arith.index_cast %swap3A_441 : i32 to index
          %swap3A_443 = arith.index_cast %mul3A_238 : i32 to index
          %swap3A_444 = tpu.vector_load %arg7[%swap3A_442, %swap3A_443] {strides = array<i32>} : memref<16x256xf32, #tpu.memory_space<vmem>>, vector<1x16xf32>,
          %swap3A_445 = vector.shape_cast %swap3A_444 : vector<1x16xf32> to vector<16xf32>
          %swap3A_446 = vector.shape_cast %add3A_440 : vector<16xf32> to vector<1x16xf32>
          tpu.vector_store %arg7[%swap3A_442, %swap3A_443], %swap3A_446 {add = true, strides = array<i32>} : memref<16x256xf32, #tpu.memory_space<vmem>>, vector<1x16xf32>,
          %get3A_447 = arith.constant 1 : i32
          %get3A_448 = arith.constant 2 : i32
          %get3A_449 = arith.index_cast %get3A_447 : i32 to index
          %get3A_450 = arith.index_cast %get3A_448 : i32 to index
          %get3A_451 = arith.index_cast %mul3A_238 : i32 to index
          %get3A_452 = tpu.vector_load %arg5[%get3A_449, %get3A_450, %get3A_451] {strides = array<i32>} : memref<2x128x256xf32, #tpu.memory_space<vmem>>, vector<1x1x16xf32>,
          %get3A_453 = vector.shape_cast %get3A_452 : vector<1x1x16xf32> to vector<16xf32>
          %mul3A_454 = arith.mulf %get3A_453, %get3A_244 : vector<16xf32>
          %get3A_455 = arith.constant 1 : i32
          %get3A_456 = arith.constant 18 : i32
          %get3A_457 = arith.index_cast %get3A_455 : i32 to index
          %get3A_458 = arith.index_cast %get3A_456 : i32 to index
          %get3A_459 = arith.index_cast %mul3A_238 : i32 to index
          %get3A_460 = tpu.vector_load %arg5[%get3A_457, %get3A_458, %get3A_459] {strides = array<i32>} : memref<2x128x256xf32, #tpu.memory_space<vmem>>, vector<1x1x16xf32>,
          %get3A_461 = vector.shape_cast %get3A_460 : vector<1x1x16xf32> to vector<16xf32>
          %mul3A_462 = arith.mulf %get3A_461, %get3A_251 : vector<16xf32>
          %add3A_463 = arith.addf %mul3A_454, %mul3A_462 : vector<16xf32>
          %get3A_464 = arith.constant 1 : i32
          %get3A_465 = arith.constant 34 : i32
          %get3A_466 = arith.index_cast %get3A_464 : i32 to index
          %get3A_467 = arith.index_cast %get3A_465 : i32 to index
          %get3A_468 = arith.index_cast %mul3A_238 : i32 to index
          %get3A_469 = tpu.vector_load %arg5[%get3A_466, %get3A_467, %get3A_468] {strides = array<i32>} : memref<2x128x256xf32, #tpu.memory_space<vmem>>, vector<1x1x16xf32>,
          %get3A_470 = vector.shape_cast %get3A_469 : vector<1x1x16xf32> to vector<16xf32>
          %mul3A_471 = arith.mulf %get3A_470, %get3A_258 : vector<16xf32>
          %add3A_472 = arith.addf %add3A_463, %mul3A_471 : vector<16xf32>
          %get3A_473 = arith.constant 1 : i32
          %get3A_474 = arith.constant 50 : i32
          %get3A_475 = arith.index_cast %get3A_473 : i32 to index
          %get3A_476 = arith.index_cast %get3A_474 : i32 to index
          %get3A_477 = arith.index_cast %mul3A_238 : i32 to index
          %get3A_478 = tpu.vector_load %arg5[%get3A_475, %get3A_476, %get3A_477] {strides = array<i32>} : memref<2x128x256xf32, #tpu.memory_space<vmem>>, vector<1x1x16xf32>,
          %get3A_479 = vector.shape_cast %get3A_478 : vector<1x1x16xf32> to vector<16xf32>
          %mul3A_480 = arith.mulf %get3A_479, %get3A_265 : vector<16xf32>
          %add3A_481 = arith.addf %add3A_472, %mul3A_480 : vector<16xf32>
          %get3A_482 = arith.constant 1 : i32
          %get3A_483 = arith.constant 66 : i32
          %get3A_484 = arith.index_cast %get3A_482 : i32 to index
          %get3A_485 = arith.index_cast %get3A_483 : i32 to index
          %get3A_486 = arith.index_cast %mul3A_238 : i32 to index
          %get3A_487 = tpu.vector_load %arg5[%get3A_484, %get3A_485, %get3A_486] {strides = array<i32>} : memref<2x128x256xf32, #tpu.memory_space<vmem>>, vector<1x1x16xf32>,
          %get3A_488 = vector.shape_cast %get3A_487 : vector<1x1x16xf32> to vector<16xf32>
          %mul3A_489 = arith.mulf %get3A_488, %get3A_272 : vector<16xf32>
          %add3A_490 = arith.addf %add3A_481, %mul3A_489 : vector<16xf32>
          %get3A_491 = arith.constant 1 : i32
          %get3A_492 = arith.constant 82 : i32
          %get3A_493 = arith.index_cast %get3A_491 : i32 to index
          %get3A_494 = arith.index_cast %get3A_492 : i32 to index
          %get3A_495 = arith.index_cast %mul3A_238 : i32 to index
          %get3A_496 = tpu.vector_load %arg5[%get3A_493, %get3A_494, %get3A_495] {strides = array<i32>} : memref<2x128x256xf32, #tpu.memory_space<vmem>>, vector<1x1x16xf32>,
          %get3A_497 = vector.shape_cast %get3A_496 : vector<1x1x16xf32> to vector<16xf32>
          %mul3A_498 = arith.mulf %get3A_497, %get3A_279 : vector<16xf32>
          %add3A_499 = arith.addf %add3A_490, %mul3A_498 : vector<16xf32>
          %get3A_500 = arith.constant 1 : i32
          %get3A_501 = arith.constant 98 : i32
          %get3A_502 = arith.index_cast %get3A_500 : i32 to index
          %get3A_503 = arith.index_cast %get3A_501 : i32 to index
          %get3A_504 = arith.index_cast %mul3A_238 : i32 to index
          %get3A_505 = tpu.vector_load %arg5[%get3A_502, %get3A_503, %get3A_504] {strides = array<i32>} : memref<2x128x256xf32, #tpu.memory_space<vmem>>, vector<1x1x16xf32>,
          %get3A_506 = vector.shape_cast %get3A_505 : vector<1x1x16xf32> to vector<16xf32>
          %mul3A_507 = arith.mulf %get3A_506, %get3A_286 : vector<16xf32>
          %add3A_508 = arith.addf %add3A_499, %mul3A_507 : vector<16xf32>
          %get3A_509 = arith.constant 1 : i32
          %get3A_510 = arith.constant 114 : i32
          %get3A_511 = arith.index_cast %get3A_509 : i32 to index
          %get3A_512 = arith.index_cast %get3A_510 : i32 to index
          %get3A_513 = arith.index_cast %mul3A_238 : i32 to index
          %get3A_514 = tpu.vector_load %arg5[%get3A_511, %get3A_512, %get3A_513] {strides = array<i32>} : memref<2x128x256xf32, #tpu.memory_space<vmem>>, vector<1x1x16xf32>,
          %get3A_515 = vector.shape_cast %get3A_514 : vector<1x1x16xf32> to vector<16xf32>
          %mul3A_516 = arith.mulf %get3A_515, %get3A_293 : vector<16xf32>
          %add3A_517 = arith.addf %add3A_508, %mul3A_516 : vector<16xf32>
          %swap3A_518 = arith.constant 2 : i32
          %swap3A_519 = arith.index_cast %swap3A_518 : i32 to index
          %swap3A_520 = arith.index_cast %mul3A_238 : i32 to index
          %swap3A_521 = tpu.vector_load %arg7[%swap3A_519, %swap3A_520] {strides = array<i32>} : memref<16x256xf32, #tpu.memory_space<vmem>>, vector<1x16xf32>,
          %swap3A_522 = vector.shape_cast %swap3A_521 : vector<1x16xf32> to vector<16xf32>
          %swap3A_523 = vector.shape_cast %add3A_517 : vector<16xf32> to vector<1x16xf32>
          tpu.vector_store %arg7[%swap3A_519, %swap3A_520], %swap3A_523 {add = true, strides = array<i32>} : memref<16x256xf32, #tpu.memory_space<vmem>>, vector<1x16xf32>,
          %get3A_524 = arith.constant 1 : i32
          %get3A_525 = arith.constant 3 : i32
          %get3A_526 = arith.index_cast %get3A_524 : i32 to index
          %get3A_527 = arith.index_cast %get3A_525 : i32 to index
          %get3A_528 = arith.index_cast %mul3A_238 : i32 to index
          %get3A_529 = tpu.vector_load %arg5[%get3A_526, %get3A_527, %get3A_528] {strides = array<i32>} : memref<2x128x256xf32, #tpu.memory_space<vmem>>, vector<1x1x16xf32>,
          %get3A_530 = vector.shape_cast %get3A_529 : vector<1x1x16xf32> to vector<16xf32>
          %mul3A_531 = arith.mulf %get3A_530, %get3A_244 : vector<16xf32>
          %get3A_532 = arith.constant 1 : i32
          %get3A_533 = arith.constant 19 : i32
          %get3A_534 = arith.index_cast %get3A_532 : i32 to index
          %get3A_535 = arith.index_cast %get3A_533 : i32 to index
          %get3A_536 = arith.index_cast %mul3A_238 : i32 to index
          %get3A_537 = tpu.vector_load %arg5[%get3A_534, %get3A_535, %get3A_536] {strides = array<i32>} : memref<2x128x256xf32, #tpu.memory_space<vmem>>, vector<1x1x16xf32>,
          %get3A_538 = vector.shape_cast %get3A_537 : vector<1x1x16xf32> to vector<16xf32>
          %mul3A_539 = arith.mulf %get3A_538, %get3A_251 : vector<16xf32>
          %add3A_540 = arith.addf %mul3A_531, %mul3A_539 : vector<16xf32>
          %get3A_541 = arith.constant 1 : i32
          %get3A_542 = arith.constant 35 : i32
          %get3A_543 = arith.index_cast %get3A_541 : i32 to index
          %get3A_544 = arith.index_cast %get3A_542 : i32 to index
          %get3A_545 = arith.index_cast %mul3A_238 : i32 to index
          %get3A_546 = tpu.vector_load %arg5[%get3A_543, %get3A_544, %get3A_545] {strides = array<i32>} : memref<2x128x256xf32, #tpu.memory_space<vmem>>, vector<1x1x16xf32>,
          %get3A_547 = vector.shape_cast %get3A_546 : vector<1x1x16xf32> to vector<16xf32>
          %mul3A_548 = arith.mulf %get3A_547, %get3A_258 : vector<16xf32>
          %add3A_549 = arith.addf %add3A_540, %mul3A_548 : vector<16xf32>
          %get3A_550 = arith.constant 1 : i32
          %get3A_551 = arith.constant 51 : i32
          %get3A_552 = arith.index_cast %get3A_550 : i32 to index
          %get3A_553 = arith.index_cast %get3A_551 : i32 to index
          %get3A_554 = arith.index_cast %mul3A_238 : i32 to index
          %get3A_555 = tpu.vector_load %arg5[%get3A_552, %get3A_553, %get3A_554] {strides = array<i32>} : memref<2x128x256xf32, #tpu.memory_space<vmem>>, vector<1x1x16xf32>,
          %get3A_556 = vector.shape_cast %get3A_555 : vector<1x1x16xf32> to vector<16xf32>
          %mul3A_557 = arith.mulf %get3A_556, %get3A_265 : vector<16xf32>
          %add3A_558 = arith.addf %add3A_549, %mul3A_557 : vector<16xf32>
          %get3A_559 = arith.constant 1 : i32
          %get3A_560 = arith.constant 67 : i32
          %get3A_561 = arith.index_cast %get3A_559 : i32 to index
          %get3A_562 = arith.index_cast %get3A_560 : i32 to index
          %get3A_563 = arith.index_cast %mul3A_238 : i32 to index
          %get3A_564 = tpu.vector_load %arg5[%get3A_561, %get3A_562, %get3A_563] {strides = array<i32>} : memref<2x128x256xf32, #tpu.memory_space<vmem>>, vector<1x1x16xf32>,
          %get3A_565 = vector.shape_cast %get3A_564 : vector<1x1x16xf32> to vector<16xf32>
          %mul3A_566 = arith.mulf %get3A_565, %get3A_272 : vector<16xf32>
          %add3A_567 = arith.addf %add3A_558, %mul3A_566 : vector<16xf32>
          %get3A_568 = arith.constant 1 : i32
          %get3A_569 = arith.constant 83 : i32
          %get3A_570 = arith.index_cast %get3A_568 : i32 to index
          %get3A_571 = arith.index_cast %get3A_569 : i32 to index
          %get3A_572 = arith.index_cast %mul3A_238 : i32 to index
          %get3A_573 = tpu.vector_load %arg5[%get3A_570, %get3A_571, %get3A_572] {strides = array<i32>} : memref<2x128x256xf32, #tpu.memory_space<vmem>>, vector<1x1x16xf32>,
          %get3A_574 = vector.shape_cast %get3A_573 : vector<1x1x16xf32> to vector<16xf32>
          %mul3A_575 = arith.mulf %get3A_574, %get3A_279 : vector<16xf32>
          %add3A_576 = arith.addf %add3A_567, %mul3A_575 : vector<16xf32>
          %get3A_577 = arith.constant 1 : i32
          %get3A_578 = arith.constant 99 : i32
          %get3A_579 = arith.index_cast %get3A_577 : i32 to index
          %get3A_580 = arith.index_cast %get3A_578 : i32 to index
          %get3A_581 = arith.index_cast %mul3A_238 : i32 to index
          %get3A_582 = tpu.vector_load %arg5[%get3A_579, %get3A_580, %get3A_581] {strides = array<i32>} : memref<2x128x256xf32, #tpu.memory_space<vmem>>, vector<1x1x16xf32>,
          %get3A_583 = vector.shape_cast %get3A_582 : vector<1x1x16xf32> to vector<16xf32>
          %mul3A_584 = arith.mulf %get3A_583, %get3A_286 : vector<16xf32>
          %add3A_585 = arith.addf %add3A_576, %mul3A_584 : vector<16xf32>
          %get3A_586 = arith.constant 1 : i32
          %get3A_587 = arith.constant 115 : i32
          %get3A_588 = arith.index_cast %get3A_586 : i32 to index
          %get3A_589 = arith.index_cast %get3A_587 : i32 to index
          %get3A_590 = arith.index_cast %mul3A_238 : i32 to index
          %get3A_591 = tpu.vector_load %arg5[%get3A_588, %get3A_589, %get3A_590] {strides = array<i32>} : memref<2x128x256xf32, #tpu.memory_space<vmem>>, vector<1x1x16xf32>,
          %get3A_592 = vector.shape_cast %get3A_591 : vector<1x1x16xf32> to vector<16xf32>
          %mul3A_593 = arith.mulf %get3A_592, %get3A_293 : vector<16xf32>
          %add3A_594 = arith.addf %add3A_585, %mul3A_593 : vector<16xf32>
          %swap3A_595 = arith.constant 3 : i32
          %swap3A_596 = arith.index_cast %swap3A_595 : i32 to index
          %swap3A_597 = arith.index_cast %mul3A_238 : i32 to index
          %swap3A_598 = tpu.vector_load %arg7[%swap3A_596, %swap3A_597] {strides = array<i32>} : memref<16x256xf32, #tpu.memory_space<vmem>>, vector<1x16xf32>,
          %swap3A_599 = vector.shape_cast %swap3A_598 : vector<1x16xf32> to vector<16xf32>
          %swap3A_600 = vector.shape_cast %add3A_594 : vector<16xf32> to vector<1x16xf32>
          tpu.vector_store %arg7[%swap3A_596, %swap3A_597], %swap3A_600 {add = true, strides = array<i32>} : memref<16x256xf32, #tpu.memory_space<vmem>>, vector<1x16xf32>,
          %get3A_601 = arith.constant 1 : i32
          %get3A_602 = arith.constant 4 : i32
          %get3A_603 = arith.index_cast %get3A_601 : i32 to index
          %get3A_604 = arith.index_cast %get3A_602 : i32 to index
          %get3A_605 = arith.index_cast %mul3A_238 : i32 to index
          %get3A_606 = tpu.vector_load %arg5[%get3A_603, %get3A_604, %get3A_605] {strides = array<i32>} : memref<2x128x256xf32, #tpu.memory_space<vmem>>, vector<1x1x16xf32>,
          %get3A_607 = vector.shape_cast %get3A_606 : vector<1x1x16xf32> to vector<16xf32>
          %mul3A_608 = arith.mulf %get3A_607, %get3A_244 : vector<16xf32>
          %get3A_609 = arith.constant 1 : i32
          %get3A_610 = arith.constant 20 : i32
          %get3A_611 = arith.index_cast %get3A_609 : i32 to index
          %get3A_612 = arith.index_cast %get3A_610 : i32 to index
          %get3A_613 = arith.index_cast %mul3A_238 : i32 to index
          %get3A_614 = tpu.vector_load %arg5[%get3A_611, %get3A_612, %get3A_613] {strides = array<i32>} : memref<2x128x256xf32, #tpu.memory_space<vmem>>, vector<1x1x16xf32>,
          %get3A_615 = vector.shape_cast %get3A_614 : vector<1x1x16xf32> to vector<16xf32>
          %mul3A_616 = arith.mulf %get3A_615, %get3A_251 : vector<16xf32>
          %add3A_617 = arith.addf %mul3A_608, %mul3A_616 : vector<16xf32>
          %get3A_618 = arith.constant 1 : i32
          %get3A_619 = arith.constant 36 : i32
          %get3A_620 = arith.index_cast %get3A_618 : i32 to index
          %get3A_621 = arith.index_cast %get3A_619 : i32 to index
          %get3A_622 = arith.index_cast %mul3A_238 : i32 to index
          %get3A_623 = tpu.vector_load %arg5[%get3A_620, %get3A_621, %get3A_622] {strides = array<i32>} : memref<2x128x256xf32, #tpu.memory_space<vmem>>, vector<1x1x16xf32>,
          %get3A_624 = vector.shape_cast %get3A_623 : vector<1x1x16xf32> to vector<16xf32>
          %mul3A_625 = arith.mulf %get3A_624, %get3A_258 : vector<16xf32>
          %add3A_626 = arith.addf %add3A_617, %mul3A_625 : vector<16xf32>
          %get3A_627 = arith.constant 1 : i32
          %get3A_628 = arith.constant 52 : i32
          %get3A_629 = arith.index_cast %get3A_627 : i32 to index
          %get3A_630 = arith.index_cast %get3A_628 : i32 to index
          %get3A_631 = arith.index_cast %mul3A_238 : i32 to index
          %get3A_632 = tpu.vector_load %arg5[%get3A_629, %get3A_630, %get3A_631] {strides = array<i32>} : memref<2x128x256xf32, #tpu.memory_space<vmem>>, vector<1x1x16xf32>,
          %get3A_633 = vector.shape_cast %get3A_632 : vector<1x1x16xf32> to vector<16xf32>
          %mul3A_634 = arith.mulf %get3A_633, %get3A_265 : vector<16xf32>
          %add3A_635 = arith.addf %add3A_626, %mul3A_634 : vector<16xf32>
          %get3A_636 = arith.constant 1 : i32
          %get3A_637 = arith.constant 68 : i32
          %get3A_638 = arith.index_cast %get3A_636 : i32 to index
          %get3A_639 = arith.index_cast %get3A_637 : i32 to index
          %get3A_640 = arith.index_cast %mul3A_238 : i32 to index
          %get3A_641 = tpu.vector_load %arg5[%get3A_638, %get3A_639, %get3A_640] {strides = array<i32>} : memref<2x128x256xf32, #tpu.memory_space<vmem>>, vector<1x1x16xf32>,
          %get3A_642 = vector.shape_cast %get3A_641 : vector<1x1x16xf32> to vector<16xf32>
          %mul3A_643 = arith.mulf %get3A_642, %get3A_272 : vector<16xf32>
          %add3A_644 = arith.addf %add3A_635, %mul3A_643 : vector<16xf32>
          %get3A_645 = arith.constant 1 : i32
          %get3A_646 = arith.constant 84 : i32
          %get3A_647 = arith.index_cast %get3A_645 : i32 to index
          %get3A_648 = arith.index_cast %get3A_646 : i32 to index
          %get3A_649 = arith.index_cast %mul3A_238 : i32 to index
          %get3A_650 = tpu.vector_load %arg5[%get3A_647, %get3A_648, %get3A_649] {strides = array<i32>} : memref<2x128x256xf32, #tpu.memory_space<vmem>>, vector<1x1x16xf32>,
          %get3A_651 = vector.shape_cast %get3A_650 : vector<1x1x16xf32> to vector<16xf32>
          %mul3A_652 = arith.mulf %get3A_651, %get3A_279 : vector<16xf32>
          %add3A_653 = arith.addf %add3A_644, %mul3A_652 : vector<16xf32>
          %get3A_654 = arith.constant 1 : i32
          %get3A_655 = arith.constant 100 : i32
          %get3A_656 = arith.index_cast %get3A_654 : i32 to index
          %get3A_657 = arith.index_cast %get3A_655 : i32 to index
          %get3A_658 = arith.index_cast %mul3A_238 : i32 to index
          %get3A_659 = tpu.vector_load %arg5[%get3A_656, %get3A_657, %get3A_658] {strides = array<i32>} : memref<2x128x256xf32, #tpu.memory_space<vmem>>, vector<1x1x16xf32>,
          %get3A_660 = vector.shape_cast %get3A_659 : vector<1x1x16xf32> to vector<16xf32>
          %mul3A_661 = arith.mulf %get3A_660, %get3A_286 : vector<16xf32>
          %add3A_662 = arith.addf %add3A_653, %mul3A_661 : vector<16xf32>
          %get3A_663 = arith.constant 1 : i32
          %get3A_664 = arith.constant 116 : i32
          %get3A_665 = arith.index_cast %get3A_663 : i32 to index
          %get3A_666 = arith.index_cast %get3A_664 : i32 to index
          %get3A_667 = arith.index_cast %mul3A_238 : i32 to index
          %get3A_668 = tpu.vector_load %arg5[%get3A_665, %get3A_666, %get3A_667] {strides = array<i32>} : memref<2x128x256xf32, #tpu.memory_space<vmem>>, vector<1x1x16xf32>,
          %get3A_669 = vector.shape_cast %get3A_668 : vector<1x1x16xf32> to vector<16xf32>
          %mul3A_670 = arith.mulf %get3A_669, %get3A_293 : vector<16xf32>
          %add3A_671 = arith.addf %add3A_662, %mul3A_670 : vector<16xf32>
          %swap3A_672 = arith.constant 4 : i32
          %swap3A_673 = arith.index_cast %swap3A_672 : i32 to index
          %swap3A_674 = arith.index_cast %mul3A_238 : i32 to index
          %swap3A_675 = tpu.vector_load %arg7[%swap3A_673, %swap3A_674] {strides = array<i32>} : memref<16x256xf32, #tpu.memory_space<vmem>>, vector<1x16xf32>,
          %swap3A_676 = vector.shape_cast %swap3A_675 : vector<1x16xf32> to vector<16xf32>
          %swap3A_677 = vector.shape_cast %add3A_671 : vector<16xf32> to vector<1x16xf32>
          tpu.vector_store %arg7[%swap3A_673, %swap3A_674], %swap3A_677 {add = true, strides = array<i32>} : memref<16x256xf32, #tpu.memory_space<vmem>>, vector<1x16xf32>,
          %get3A_678 = arith.constant 1 : i32
          %get3A_679 = arith.constant 5 : i32
          %get3A_680 = arith.index_cast %get3A_678 : i32 to index
          %get3A_681 = arith.index_cast %get3A_679 : i32 to index
          %get3A_682 = arith.index_cast %mul3A_238 : i32 to index
          %get3A_683 = tpu.vector_load %arg5[%get3A_680, %get3A_681, %get3A_682] {strides = array<i32>} : memref<2x128x256xf32, #tpu.memory_space<vmem>>, vector<1x1x16xf32>,
          %get3A_684 = vector.shape_cast %get3A_683 : vector<1x1x16xf32> to vector<16xf32>
          %mul3A_685 = arith.mulf %get3A_684, %get3A_244 : vector<16xf32>
          %get3A_686 = arith.constant 1 : i32
          %get3A_687 = arith.constant 21 : i32
          %get3A_688 = arith.index_cast %get3A_686 : i32 to index
          %get3A_689 = arith.index_cast %get3A_687 : i32 to index
          %get3A_690 = arith.index_cast %mul3A_238 : i32 to index
          %get3A_691 = tpu.vector_load %arg5[%get3A_688, %get3A_689, %get3A_690] {strides = array<i32>} : memref<2x128x256xf32, #tpu.memory_space<vmem>>, vector<1x1x16xf32>,
          %get3A_692 = vector.shape_cast %get3A_691 : vector<1x1x16xf32> to vector<16xf32>
          %mul3A_693 = arith.mulf %get3A_692, %get3A_251 : vector<16xf32>
          %add3A_694 = arith.addf %mul3A_685, %mul3A_693 : vector<16xf32>
          %get3A_695 = arith.constant 1 : i32
          %get3A_696 = arith.constant 37 : i32
          %get3A_697 = arith.index_cast %get3A_695 : i32 to index
          %get3A_698 = arith.index_cast %get3A_696 : i32 to index
          %get3A_699 = arith.index_cast %mul3A_238 : i32 to index
          %get3A_700 = tpu.vector_load %arg5[%get3A_697, %get3A_698, %get3A_699] {strides = array<i32>} : memref<2x128x256xf32, #tpu.memory_space<vmem>>, vector<1x1x16xf32>,
          %get3A_701 = vector.shape_cast %get3A_700 : vector<1x1x16xf32> to vector<16xf32>
          %mul3A_702 = arith.mulf %get3A_701, %get3A_258 : vector<16xf32>
          %add3A_703 = arith.addf %add3A_694, %mul3A_702 : vector<16xf32>
          %get3A_704 = arith.constant 1 : i32
          %get3A_705 = arith.constant 53 : i32
          %get3A_706 = arith.index_cast %get3A_704 : i32 to index
          %get3A_707 = arith.index_cast %get3A_705 : i32 to index
          %get3A_708 = arith.index_cast %mul3A_238 : i32 to index
          %get3A_709 = tpu.vector_load %arg5[%get3A_706, %get3A_707, %get3A_708] {strides = array<i32>} : memref<2x128x256xf32, #tpu.memory_space<vmem>>, vector<1x1x16xf32>,
          %get3A_710 = vector.shape_cast %get3A_709 : vector<1x1x16xf32> to vector<16xf32>
          %mul3A_711 = arith.mulf %get3A_710, %get3A_265 : vector<16xf32>
          %add3A_712 = arith.addf %add3A_703, %mul3A_711 : vector<16xf32>
          %get3A_713 = arith.constant 1 : i32
          %get3A_714 = arith.constant 69 : i32
          %get3A_715 = arith.index_cast %get3A_713 : i32 to index
          %get3A_716 = arith.index_cast %get3A_714 : i32 to index
          %get3A_717 = arith.index_cast %mul3A_238 : i32 to index
          %get3A_718 = tpu.vector_load %arg5[%get3A_715, %get3A_716, %get3A_717] {strides = array<i32>} : memref<2x128x256xf32, #tpu.memory_space<vmem>>, vector<1x1x16xf32>,
          %get3A_719 = vector.shape_cast %get3A_718 : vector<1x1x16xf32> to vector<16xf32>
          %mul3A_720 = arith.mulf %get3A_719, %get3A_272 : vector<16xf32>
          %add3A_721 = arith.addf %add3A_712, %mul3A_720 : vector<16xf32>
          %get3A_722 = arith.constant 1 : i32
          %get3A_723 = arith.constant 85 : i32
          %get3A_724 = arith.index_cast %get3A_722 : i32 to index
          %get3A_725 = arith.index_cast %get3A_723 : i32 to index
          %get3A_726 = arith.index_cast %mul3A_238 : i32 to index
          %get3A_727 = tpu.vector_load %arg5[%get3A_724, %get3A_725, %get3A_726] {strides = array<i32>} : memref<2x128x256xf32, #tpu.memory_space<vmem>>, vector<1x1x16xf32>,
          %get3A_728 = vector.shape_cast %get3A_727 : vector<1x1x16xf32> to vector<16xf32>
          %mul3A_729 = arith.mulf %get3A_728, %get3A_279 : vector<16xf32>
          %add3A_730 = arith.addf %add3A_721, %mul3A_729 : vector<16xf32>
          %get3A_731 = arith.constant 1 : i32
          %get3A_732 = arith.constant 101 : i32
          %get3A_733 = arith.index_cast %get3A_731 : i32 to index
          %get3A_734 = arith.index_cast %get3A_732 : i32 to index
          %get3A_735 = arith.index_cast %mul3A_238 : i32 to index
          %get3A_736 = tpu.vector_load %arg5[%get3A_733, %get3A_734, %get3A_735] {strides = array<i32>} : memref<2x128x256xf32, #tpu.memory_space<vmem>>, vector<1x1x16xf32>,
          %get3A_737 = vector.shape_cast %get3A_736 : vector<1x1x16xf32> to vector<16xf32>
          %mul3A_738 = arith.mulf %get3A_737, %get3A_286 : vector<16xf32>
          %add3A_739 = arith.addf %add3A_730, %mul3A_738 : vector<16xf32>
          %get3A_740 = arith.constant 1 : i32
          %get3A_741 = arith.constant 117 : i32
          %get3A_742 = arith.index_cast %get3A_740 : i32 to index
          %get3A_743 = arith.index_cast %get3A_741 : i32 to index
          %get3A_744 = arith.index_cast %mul3A_238 : i32 to index
          %get3A_745 = tpu.vector_load %arg5[%get3A_742, %get3A_743, %get3A_744] {strides = array<i32>} : memref<2x128x256xf32, #tpu.memory_space<vmem>>, vector<1x1x16xf32>,
          %get3A_746 = vector.shape_cast %get3A_745 : vector<1x1x16xf32> to vector<16xf32>
          %mul3A_747 = arith.mulf %get3A_746, %get3A_293 : vector<16xf32>
          %add3A_748 = arith.addf %add3A_739, %mul3A_747 : vector<16xf32>
          %swap3A_749 = arith.constant 5 : i32
          %swap3A_750 = arith.index_cast %swap3A_749 : i32 to index
          %swap3A_751 = arith.index_cast %mul3A_238 : i32 to index
          %swap3A_752 = tpu.vector_load %arg7[%swap3A_750, %swap3A_751] {strides = array<i32>} : memref<16x256xf32, #tpu.memory_space<vmem>>, vector<1x16xf32>,
          %swap3A_753 = vector.shape_cast %swap3A_752 : vector<1x16xf32> to vector<16xf32>
          %swap3A_754 = vector.shape_cast %add3A_748 : vector<16xf32> to vector<1x16xf32>
          tpu.vector_store %arg7[%swap3A_750, %swap3A_751], %swap3A_754 {add = true, strides = array<i32>} : memref<16x256xf32, #tpu.memory_space<vmem>>, vector<1x16xf32>,
          %get3A_755 = arith.constant 1 : i32
          %get3A_756 = arith.constant 6 : i32
          %get3A_757 = arith.index_cast %get3A_755 : i32 to index
          %get3A_758 = arith.index_cast %get3A_756 : i32 to index
          %get3A_759 = arith.index_cast %mul3A_238 : i32 to index
          %get3A_760 = tpu.vector_load %arg5[%get3A_757, %get3A_758, %get3A_759] {strides = array<i32>} : memref<2x128x256xf32, #tpu.memory_space<vmem>>, vector<1x1x16xf32>,
          %get3A_761 = vector.shape_cast %get3A_760 : vector<1x1x16xf32> to vector<16xf32>
          %mul3A_762 = arith.mulf %get3A_761, %get3A_244 : vector<16xf32>
          %get3A_763 = arith.constant 1 : i32
          %get3A_764 = arith.constant 22 : i32
          %get3A_765 = arith.index_cast %get3A_763 : i32 to index
          %get3A_766 = arith.index_cast %get3A_764 : i32 to index
          %get3A_767 = arith.index_cast %mul3A_238 : i32 to index
          %get3A_768 = tpu.vector_load %arg5[%get3A_765, %get3A_766, %get3A_767] {strides = array<i32>} : memref<2x128x256xf32, #tpu.memory_space<vmem>>, vector<1x1x16xf32>,
          %get3A_769 = vector.shape_cast %get3A_768 : vector<1x1x16xf32> to vector<16xf32>
          %mul3A_770 = arith.mulf %get3A_769, %get3A_251 : vector<16xf32>
          %add3A_771 = arith.addf %mul3A_762, %mul3A_770 : vector<16xf32>
          %get3A_772 = arith.constant 1 : i32
          %get3A_773 = arith.constant 38 : i32
          %get3A_774 = arith.index_cast %get3A_772 : i32 to index
          %get3A_775 = arith.index_cast %get3A_773 : i32 to index
          %get3A_776 = arith.index_cast %mul3A_238 : i32 to index
          %get3A_777 = tpu.vector_load %arg5[%get3A_774, %get3A_775, %get3A_776] {strides = array<i32>} : memref<2x128x256xf32, #tpu.memory_space<vmem>>, vector<1x1x16xf32>,
          %get3A_778 = vector.shape_cast %get3A_777 : vector<1x1x16xf32> to vector<16xf32>
          %mul3A_779 = arith.mulf %get3A_778, %get3A_258 : vector<16xf32>
          %add3A_780 = arith.addf %add3A_771, %mul3A_779 : vector<16xf32>
          %get3A_781 = arith.constant 1 : i32
          %get3A_782 = arith.constant 54 : i32
          %get3A_783 = arith.index_cast %get3A_781 : i32 to index
          %get3A_784 = arith.index_cast %get3A_782 : i32 to index
          %get3A_785 = arith.index_cast %mul3A_238 : i32 to index
          %get3A_786 = tpu.vector_load %arg5[%get3A_783, %get3A_784, %get3A_785] {strides = array<i32>} : memref<2x128x256xf32, #tpu.memory_space<vmem>>, vector<1x1x16xf32>,
          %get3A_787 = vector.shape_cast %get3A_786 : vector<1x1x16xf32> to vector<16xf32>
          %mul3A_788 = arith.mulf %get3A_787, %get3A_265 : vector<16xf32>
          %add3A_789 = arith.addf %add3A_780, %mul3A_788 : vector<16xf32>
          %get3A_790 = arith.constant 1 : i32
          %get3A_791 = arith.constant 70 : i32
          %get3A_792 = arith.index_cast %get3A_790 : i32 to index
          %get3A_793 = arith.index_cast %get3A_791 : i32 to index
          %get3A_794 = arith.index_cast %mul3A_238 : i32 to index
          %get3A_795 = tpu.vector_load %arg5[%get3A_792, %get3A_793, %get3A_794] {strides = array<i32>} : memref<2x128x256xf32, #tpu.memory_space<vmem>>, vector<1x1x16xf32>,
          %get3A_796 = vector.shape_cast %get3A_795 : vector<1x1x16xf32> to vector<16xf32>
          %mul3A_797 = arith.mulf %get3A_796, %get3A_272 : vector<16xf32>
          %add3A_798 = arith.addf %add3A_789, %mul3A_797 : vector<16xf32>
          %get3A_799 = arith.constant 1 : i32
          %get3A_800 = arith.constant 86 : i32
          %get3A_801 = arith.index_cast %get3A_799 : i32 to index
          %get3A_802 = arith.index_cast %get3A_800 : i32 to index
          %get3A_803 = arith.index_cast %mul3A_238 : i32 to index
          %get3A_804 = tpu.vector_load %arg5[%get3A_801, %get3A_802, %get3A_803] {strides = array<i32>} : memref<2x128x256xf32, #tpu.memory_space<vmem>>, vector<1x1x16xf32>,
          %get3A_805 = vector.shape_cast %get3A_804 : vector<1x1x16xf32> to vector<16xf32>
          %mul3A_806 = arith.mulf %get3A_805, %get3A_279 : vector<16xf32>
          %add3A_807 = arith.addf %add3A_798, %mul3A_806 : vector<16xf32>
          %get3A_808 = arith.constant 1 : i32
          %get3A_809 = arith.constant 102 : i32
          %get3A_810 = arith.index_cast %get3A_808 : i32 to index
          %get3A_811 = arith.index_cast %get3A_809 : i32 to index
          %get3A_812 = arith.index_cast %mul3A_238 : i32 to index
          %get3A_813 = tpu.vector_load %arg5[%get3A_810, %get3A_811, %get3A_812] {strides = array<i32>} : memref<2x128x256xf32, #tpu.memory_space<vmem>>, vector<1x1x16xf32>,
          %get3A_814 = vector.shape_cast %get3A_813 : vector<1x1x16xf32> to vector<16xf32>
          %mul3A_815 = arith.mulf %get3A_814, %get3A_286 : vector<16xf32>
          %add3A_816 = arith.addf %add3A_807, %mul3A_815 : vector<16xf32>
          %get3A_817 = arith.constant 1 : i32
          %get3A_818 = arith.constant 118 : i32
          %get3A_819 = arith.index_cast %get3A_817 : i32 to index
          %get3A_820 = arith.index_cast %get3A_818 : i32 to index
          %get3A_821 = arith.index_cast %mul3A_238 : i32 to index
          %get3A_822 = tpu.vector_load %arg5[%get3A_819, %get3A_820, %get3A_821] {strides = array<i32>} : memref<2x128x256xf32, #tpu.memory_space<vmem>>, vector<1x1x16xf32>,
          %get3A_823 = vector.shape_cast %get3A_822 : vector<1x1x16xf32> to vector<16xf32>
          %mul3A_824 = arith.mulf %get3A_823, %get3A_293 : vector<16xf32>
          %add3A_825 = arith.addf %add3A_816, %mul3A_824 : vector<16xf32>
          %swap3A_826 = arith.constant 6 : i32
          %swap3A_827 = arith.index_cast %swap3A_826 : i32 to index
          %swap3A_828 = arith.index_cast %mul3A_238 : i32 to index
          %swap3A_829 = tpu.vector_load %arg7[%swap3A_827, %swap3A_828] {strides = array<i32>} : memref<16x256xf32, #tpu.memory_space<vmem>>, vector<1x16xf32>,
          %swap3A_830 = vector.shape_cast %swap3A_829 : vector<1x16xf32> to vector<16xf32>
          %swap3A_831 = vector.shape_cast %add3A_825 : vector<16xf32> to vector<1x16xf32>
          tpu.vector_store %arg7[%swap3A_827, %swap3A_828], %swap3A_831 {add = true, strides = array<i32>} : memref<16x256xf32, #tpu.memory_space<vmem>>, vector<1x16xf32>,
          %get3A_832 = arith.constant 1 : i32
          %get3A_833 = arith.constant 7 : i32
          %get3A_834 = arith.index_cast %get3A_832 : i32 to index
          %get3A_835 = arith.index_cast %get3A_833 : i32 to index
          %get3A_836 = arith.index_cast %mul3A_238 : i32 to index
          %get3A_837 = tpu.vector_load %arg5[%get3A_834, %get3A_835, %get3A_836] {strides = array<i32>} : memref<2x128x256xf32, #tpu.memory_space<vmem>>, vector<1x1x16xf32>,
          %get3A_838 = vector.shape_cast %get3A_837 : vector<1x1x16xf32> to vector<16xf32>
          %mul3A_839 = arith.mulf %get3A_838, %get3A_244 : vector<16xf32>
          %get3A_840 = arith.constant 1 : i32
          %get3A_841 = arith.constant 23 : i32
          %get3A_842 = arith.index_cast %get3A_840 : i32 to index
          %get3A_843 = arith.index_cast %get3A_841 : i32 to index
          %get3A_844 = arith.index_cast %mul3A_238 : i32 to index
          %get3A_845 = tpu.vector_load %arg5[%get3A_842, %get3A_843, %get3A_844] {strides = array<i32>} : memref<2x128x256xf32, #tpu.memory_space<vmem>>, vector<1x1x16xf32>,
          %get3A_846 = vector.shape_cast %get3A_845 : vector<1x1x16xf32> to vector<16xf32>
          %mul3A_847 = arith.mulf %get3A_846, %get3A_251 : vector<16xf32>
          %add3A_848 = arith.addf %mul3A_839, %mul3A_847 : vector<16xf32>
          %get3A_849 = arith.constant 1 : i32
          %get3A_850 = arith.constant 39 : i32
          %get3A_851 = arith.index_cast %get3A_849 : i32 to index
          %get3A_852 = arith.index_cast %get3A_850 : i32 to index
          %get3A_853 = arith.index_cast %mul3A_238 : i32 to index
          %get3A_854 = tpu.vector_load %arg5[%get3A_851, %get3A_852, %get3A_853] {strides = array<i32>} : memref<2x128x256xf32, #tpu.memory_space<vmem>>, vector<1x1x16xf32>,
          %get3A_855 = vector.shape_cast %get3A_854 : vector<1x1x16xf32> to vector<16xf32>
          %mul3A_856 = arith.mulf %get3A_855, %get3A_258 : vector<16xf32>
          %add3A_857 = arith.addf %add3A_848, %mul3A_856 : vector<16xf32>
          %get3A_858 = arith.constant 1 : i32
          %get3A_859 = arith.constant 55 : i32
          %get3A_860 = arith.index_cast %get3A_858 : i32 to index
          %get3A_861 = arith.index_cast %get3A_859 : i32 to index
          %get3A_862 = arith.index_cast %mul3A_238 : i32 to index
          %get3A_863 = tpu.vector_load %arg5[%get3A_860, %get3A_861, %get3A_862] {strides = array<i32>} : memref<2x128x256xf32, #tpu.memory_space<vmem>>, vector<1x1x16xf32>,
          %get3A_864 = vector.shape_cast %get3A_863 : vector<1x1x16xf32> to vector<16xf32>
          %mul3A_865 = arith.mulf %get3A_864, %get3A_265 : vector<16xf32>
          %add3A_866 = arith.addf %add3A_857, %mul3A_865 : vector<16xf32>
          %get3A_867 = arith.constant 1 : i32
          %get3A_868 = arith.constant 71 : i32
          %get3A_869 = arith.index_cast %get3A_867 : i32 to index
          %get3A_870 = arith.index_cast %get3A_868 : i32 to index
          %get3A_871 = arith.index_cast %mul3A_238 : i32 to index
          %get3A_872 = tpu.vector_load %arg5[%get3A_869, %get3A_870, %get3A_871] {strides = array<i32>} : memref<2x128x256xf32, #tpu.memory_space<vmem>>, vector<1x1x16xf32>,
          %get3A_873 = vector.shape_cast %get3A_872 : vector<1x1x16xf32> to vector<16xf32>
          %mul3A_874 = arith.mulf %get3A_873, %get3A_272 : vector<16xf32>
          %add3A_875 = arith.addf %add3A_866, %mul3A_874 : vector<16xf32>
          %get3A_876 = arith.constant 1 : i32
          %get3A_877 = arith.constant 87 : i32
          %get3A_878 = arith.index_cast %get3A_876 : i32 to index
          %get3A_879 = arith.index_cast %get3A_877 : i32 to index
          %get3A_880 = arith.index_cast %mul3A_238 : i32 to index
          %get3A_881 = tpu.vector_load %arg5[%get3A_878, %get3A_879, %get3A_880] {strides = array<i32>} : memref<2x128x256xf32, #tpu.memory_space<vmem>>, vector<1x1x16xf32>,
          %get3A_882 = vector.shape_cast %get3A_881 : vector<1x1x16xf32> to vector<16xf32>
          %mul3A_883 = arith.mulf %get3A_882, %get3A_279 : vector<16xf32>
          %add3A_884 = arith.addf %add3A_875, %mul3A_883 : vector<16xf32>
          %get3A_885 = arith.constant 1 : i32
          %get3A_886 = arith.constant 103 : i32
          %get3A_887 = arith.index_cast %get3A_885 : i32 to index
          %get3A_888 = arith.index_cast %get3A_886 : i32 to index
          %get3A_889 = arith.index_cast %mul3A_238 : i32 to index
          %get3A_890 = tpu.vector_load %arg5[%get3A_887, %get3A_888, %get3A_889] {strides = array<i32>} : memref<2x128x256xf32, #tpu.memory_space<vmem>>, vector<1x1x16xf32>,
          %get3A_891 = vector.shape_cast %get3A_890 : vector<1x1x16xf32> to vector<16xf32>
          %mul3A_892 = arith.mulf %get3A_891, %get3A_286 : vector<16xf32>
          %add3A_893 = arith.addf %add3A_884, %mul3A_892 : vector<16xf32>
          %get3A_894 = arith.constant 1 : i32
          %get3A_895 = arith.constant 119 : i32
          %get3A_896 = arith.index_cast %get3A_894 : i32 to index
          %get3A_897 = arith.index_cast %get3A_895 : i32 to index
          %get3A_898 = arith.index_cast %mul3A_238 : i32 to index
          %get3A_899 = tpu.vector_load %arg5[%get3A_896, %get3A_897, %get3A_898] {strides = array<i32>} : memref<2x128x256xf32, #tpu.memory_space<vmem>>, vector<1x1x16xf32>,
          %get3A_900 = vector.shape_cast %get3A_899 : vector<1x1x16xf32> to vector<16xf32>
          %mul3A_901 = arith.mulf %get3A_900, %get3A_293 : vector<16xf32>
          %add3A_902 = arith.addf %add3A_893, %mul3A_901 : vector<16xf32>
          %swap3A_903 = arith.constant 7 : i32
          %swap3A_904 = arith.index_cast %swap3A_903 : i32 to index
          %swap3A_905 = arith.index_cast %mul3A_238 : i32 to index
          %swap3A_906 = tpu.vector_load %arg7[%swap3A_904, %swap3A_905] {strides = array<i32>} : memref<16x256xf32, #tpu.memory_space<vmem>>, vector<1x16xf32>,
          %swap3A_907 = vector.shape_cast %swap3A_906 : vector<1x16xf32> to vector<16xf32>
          %swap3A_908 = vector.shape_cast %add3A_902 : vector<16xf32> to vector<1x16xf32>
          tpu.vector_store %arg7[%swap3A_904, %swap3A_905], %swap3A_908 {add = true, strides = array<i32>} : memref<16x256xf32, #tpu.memory_space<vmem>>, vector<1x16xf32>,
          %get3A_909 = arith.constant 1 : i32
          %get3A_910 = arith.constant 8 : i32
          %get3A_911 = arith.index_cast %get3A_909 : i32 to index
          %get3A_912 = arith.index_cast %get3A_910 : i32 to index
          %get3A_913 = arith.index_cast %mul3A_238 : i32 to index
          %get3A_914 = tpu.vector_load %arg5[%get3A_911, %get3A_912, %get3A_913] {strides = array<i32>} : memref<2x128x256xf32, #tpu.memory_space<vmem>>, vector<1x1x16xf32>,
          %get3A_915 = vector.shape_cast %get3A_914 : vector<1x1x16xf32> to vector<16xf32>
          %mul3A_916 = arith.mulf %get3A_915, %get3A_244 : vector<16xf32>
          %get3A_917 = arith.constant 1 : i32
          %get3A_918 = arith.constant 24 : i32
          %get3A_919 = arith.index_cast %get3A_917 : i32 to index
          %get3A_920 = arith.index_cast %get3A_918 : i32 to index
          %get3A_921 = arith.index_cast %mul3A_238 : i32 to index
          %get3A_922 = tpu.vector_load %arg5[%get3A_919, %get3A_920, %get3A_921] {strides = array<i32>} : memref<2x128x256xf32, #tpu.memory_space<vmem>>, vector<1x1x16xf32>,
          %get3A_923 = vector.shape_cast %get3A_922 : vector<1x1x16xf32> to vector<16xf32>
          %mul3A_924 = arith.mulf %get3A_923, %get3A_251 : vector<16xf32>
          %add3A_925 = arith.addf %mul3A_916, %mul3A_924 : vector<16xf32>
          %get3A_926 = arith.constant 1 : i32
          %get3A_927 = arith.constant 40 : i32
          %get3A_928 = arith.index_cast %get3A_926 : i32 to index
          %get3A_929 = arith.index_cast %get3A_927 : i32 to index
          %get3A_930 = arith.index_cast %mul3A_238 : i32 to index
          %get3A_931 = tpu.vector_load %arg5[%get3A_928, %get3A_929, %get3A_930] {strides = array<i32>} : memref<2x128x256xf32, #tpu.memory_space<vmem>>, vector<1x1x16xf32>,
          %get3A_932 = vector.shape_cast %get3A_931 : vector<1x1x16xf32> to vector<16xf32>
          %mul3A_933 = arith.mulf %get3A_932, %get3A_258 : vector<16xf32>
          %add3A_934 = arith.addf %add3A_925, %mul3A_933 : vector<16xf32>
          %get3A_935 = arith.constant 1 : i32
          %get3A_936 = arith.constant 56 : i32
          %get3A_937 = arith.index_cast %get3A_935 : i32 to index
          %get3A_938 = arith.index_cast %get3A_936 : i32 to index
          %get3A_939 = arith.index_cast %mul3A_238 : i32 to index
          %get3A_940 = tpu.vector_load %arg5[%get3A_937, %get3A_938, %get3A_939] {strides = array<i32>} : memref<2x128x256xf32, #tpu.memory_space<vmem>>, vector<1x1x16xf32>,
          %get3A_941 = vector.shape_cast %get3A_940 : vector<1x1x16xf32> to vector<16xf32>
          %mul3A_942 = arith.mulf %get3A_941, %get3A_265 : vector<16xf32>
          %add3A_943 = arith.addf %add3A_934, %mul3A_942 : vector<16xf32>
          %get3A_944 = arith.constant 1 : i32
          %get3A_945 = arith.constant 72 : i32
          %get3A_946 = arith.index_cast %get3A_944 : i32 to index
          %get3A_947 = arith.index_cast %get3A_945 : i32 to index
          %get3A_948 = arith.index_cast %mul3A_238 : i32 to index
          %get3A_949 = tpu.vector_load %arg5[%get3A_946, %get3A_947, %get3A_948] {strides = array<i32>} : memref<2x128x256xf32, #tpu.memory_space<vmem>>, vector<1x1x16xf32>,
          %get3A_950 = vector.shape_cast %get3A_949 : vector<1x1x16xf32> to vector<16xf32>
          %mul3A_951 = arith.mulf %get3A_950, %get3A_272 : vector<16xf32>
          %add3A_952 = arith.addf %add3A_943, %mul3A_951 : vector<16xf32>
          %get3A_953 = arith.constant 1 : i32
          %get3A_954 = arith.constant 88 : i32
          %get3A_955 = arith.index_cast %get3A_953 : i32 to index
          %get3A_956 = arith.index_cast %get3A_954 : i32 to index
          %get3A_957 = arith.index_cast %mul3A_238 : i32 to index
          %get3A_958 = tpu.vector_load %arg5[%get3A_955, %get3A_956, %get3A_957] {strides = array<i32>} : memref<2x128x256xf32, #tpu.memory_space<vmem>>, vector<1x1x16xf32>,
          %get3A_959 = vector.shape_cast %get3A_958 : vector<1x1x16xf32> to vector<16xf32>
          %mul3A_960 = arith.mulf %get3A_959, %get3A_279 : vector<16xf32>
          %add3A_961 = arith.addf %add3A_952, %mul3A_960 : vector<16xf32>
          %get3A_962 = arith.constant 1 : i32
          %get3A_963 = arith.constant 104 : i32
          %get3A_964 = arith.index_cast %get3A_962 : i32 to index
          %get3A_965 = arith.index_cast %get3A_963 : i32 to index
          %get3A_966 = arith.index_cast %mul3A_238 : i32 to index
          %get3A_967 = tpu.vector_load %arg5[%get3A_964, %get3A_965, %get3A_966] {strides = array<i32>} : memref<2x128x256xf32, #tpu.memory_space<vmem>>, vector<1x1x16xf32>,
          %get3A_968 = vector.shape_cast %get3A_967 : vector<1x1x16xf32> to vector<16xf32>
          %mul3A_969 = arith.mulf %get3A_968, %get3A_286 : vector<16xf32>
          %add3A_970 = arith.addf %add3A_961, %mul3A_969 : vector<16xf32>
          %get3A_971 = arith.constant 1 : i32
          %get3A_972 = arith.constant 120 : i32
          %get3A_973 = arith.index_cast %get3A_971 : i32 to index
          %get3A_974 = arith.index_cast %get3A_972 : i32 to index
          %get3A_975 = arith.index_cast %mul3A_238 : i32 to index
          %get3A_976 = tpu.vector_load %arg5[%get3A_973, %get3A_974, %get3A_975] {strides = array<i32>} : memref<2x128x256xf32, #tpu.memory_space<vmem>>, vector<1x1x16xf32>,
          %get3A_977 = vector.shape_cast %get3A_976 : vector<1x1x16xf32> to vector<16xf32>
          %mul3A_978 = arith.mulf %get3A_977, %get3A_293 : vector<16xf32>
          %add3A_979 = arith.addf %add3A_970, %mul3A_978 : vector<16xf32>
          %swap3A_980 = arith.constant 8 : i32
          %swap3A_981 = arith.index_cast %swap3A_980 : i32 to index
          %swap3A_982 = arith.index_cast %mul3A_238 : i32 to index
          %swap3A_983 = tpu.vector_load %arg7[%swap3A_981, %swap3A_982] {strides = array<i32>} : memref<16x256xf32, #tpu.memory_space<vmem>>, vector<1x16xf32>,
          %swap3A_984 = vector.shape_cast %swap3A_983 : vector<1x16xf32> to vector<16xf32>
          %swap3A_985 = vector.shape_cast %add3A_979 : vector<16xf32> to vector<1x16xf32>
          tpu.vector_store %arg7[%swap3A_981, %swap3A_982], %swap3A_985 {add = true, strides = array<i32>} : memref<16x256xf32, #tpu.memory_space<vmem>>, vector<1x16xf32>,
          %get3A_986 = arith.constant 1 : i32
          %get3A_987 = arith.constant 9 : i32
          %get3A_988 = arith.index_cast %get3A_986 : i32 to index
          %get3A_989 = arith.index_cast %get3A_987 : i32 to index
          %get3A_990 = arith.index_cast %mul3A_238 : i32 to index
          %get3A_991 = tpu.vector_load %arg5[%get3A_988, %get3A_989, %get3A_990] {strides = array<i32>} : memref<2x128x256xf32, #tpu.memory_space<vmem>>, vector<1x1x16xf32>,
          %get3A_992 = vector.shape_cast %get3A_991 : vector<1x1x16xf32> to vector<16xf32>
          %mul3A_993 = arith.mulf %get3A_992, %get3A_244 : vector<16xf32>
          %get3A_994 = arith.constant 1 : i32
          %get3A_995 = arith.constant 25 : i32
          %get3A_996 = arith.index_cast %get3A_994 : i32 to index
          %get3A_997 = arith.index_cast %get3A_995 : i32 to index
          %get3A_998 = arith.index_cast %mul3A_238 : i32 to index
          %get3A_999 = tpu.vector_load %arg5[%get3A_996, %get3A_997, %get3A_998] {strides = array<i32>} : memref<2x128x256xf32, #tpu.memory_space<vmem>>, vector<1x1x16xf32>,
          %get3A_1000 = vector.shape_cast %get3A_999 : vector<1x1x16xf32> to vector<16xf32>
          %mul3A_1001 = arith.mulf %get3A_1000, %get3A_251 : vector<16xf32>
          %add3A_1002 = arith.addf %mul3A_993, %mul3A_1001 : vector<16xf32>
          %get3A_1003 = arith.constant 1 : i32
          %get3A_1004 = arith.constant 41 : i32
          %get3A_1005 = arith.index_cast %get3A_1003 : i32 to index
          %get3A_1006 = arith.index_cast %get3A_1004 : i32 to index
          %get3A_1007 = arith.index_cast %mul3A_238 : i32 to index
          %get3A_1008 = tpu.vector_load %arg5[%get3A_1005, %get3A_1006, %get3A_1007] {strides = array<i32>} : memref<2x128x256xf32, #tpu.memory_space<vmem>>, vector<1x1x16xf32>,
          %get3A_1009 = vector.shape_cast %get3A_1008 : vector<1x1x16xf32> to vector<16xf32>
          %mul3A_1010 = arith.mulf %get3A_1009, %get3A_258 : vector<16xf32>
          %add3A_1011 = arith.addf %add3A_1002, %mul3A_1010 : vector<16xf32>
          %get3A_1012 = arith.constant 1 : i32
          %get3A_1013 = arith.constant 57 : i32
          %get3A_1014 = arith.index_cast %get3A_1012 : i32 to index
          %get3A_1015 = arith.index_cast %get3A_1013 : i32 to index
          %get3A_1016 = arith.index_cast %mul3A_238 : i32 to index
          %get3A_1017 = tpu.vector_load %arg5[%get3A_1014, %get3A_1015, %get3A_1016] {strides = array<i32>} : memref<2x128x256xf32, #tpu.memory_space<vmem>>, vector<1x1x16xf32>,
          %get3A_1018 = vector.shape_cast %get3A_1017 : vector<1x1x16xf32> to vector<16xf32>
          %mul3A_1019 = arith.mulf %get3A_1018, %get3A_265 : vector<16xf32>
          %add3A_1020 = arith.addf %add3A_1011, %mul3A_1019 : vector<16xf32>
          %get3A_1021 = arith.constant 1 : i32
          %get3A_1022 = arith.constant 73 : i32
          %get3A_1023 = arith.index_cast %get3A_1021 : i32 to index
          %get3A_1024 = arith.index_cast %get3A_1022 : i32 to index
          %get3A_1025 = arith.index_cast %mul3A_238 : i32 to index
          %get3A_1026 = tpu.vector_load %arg5[%get3A_1023, %get3A_1024, %get3A_1025] {strides = array<i32>} : memref<2x128x256xf32, #tpu.memory_space<vmem>>, vector<1x1x16xf32>,
          %get3A_1027 = vector.shape_cast %get3A_1026 : vector<1x1x16xf32> to vector<16xf32>
          %mul3A_1028 = arith.mulf %get3A_1027, %get3A_272 : vector<16xf32>
          %add3A_1029 = arith.addf %add3A_1020, %mul3A_1028 : vector<16xf32>
          %get3A_1030 = arith.constant 1 : i32
          %get3A_1031 = arith.constant 89 : i32
          %get3A_1032 = arith.index_cast %get3A_1030 : i32 to index
          %get3A_1033 = arith.index_cast %get3A_1031 : i32 to index
          %get3A_1034 = arith.index_cast %mul3A_238 : i32 to index
          %get3A_1035 = tpu.vector_load %arg5[%get3A_1032, %get3A_1033, %get3A_1034] {strides = array<i32>} : memref<2x128x256xf32, #tpu.memory_space<vmem>>, vector<1x1x16xf32>,
          %get3A_1036 = vector.shape_cast %get3A_1035 : vector<1x1x16xf32> to vector<16xf32>
          %mul3A_1037 = arith.mulf %get3A_1036, %get3A_279 : vector<16xf32>
          %add3A_1038 = arith.addf %add3A_1029, %mul3A_1037 : vector<16xf32>
          %get3A_1039 = arith.constant 1 : i32
          %get3A_1040 = arith.constant 105 : i32
          %get3A_1041 = arith.index_cast %get3A_1039 : i32 to index
          %get3A_1042 = arith.index_cast %get3A_1040 : i32 to index
          %get3A_1043 = arith.index_cast %mul3A_238 : i32 to index
          %get3A_1044 = tpu.vector_load %arg5[%get3A_1041, %get3A_1042, %get3A_1043] {strides = array<i32>} : memref<2x128x256xf32, #tpu.memory_space<vmem>>, vector<1x1x16xf32>,
          %get3A_1045 = vector.shape_cast %get3A_1044 : vector<1x1x16xf32> to vector<16xf32>
          %mul3A_1046 = arith.mulf %get3A_1045, %get3A_286 : vector<16xf32>
          %add3A_1047 = arith.addf %add3A_1038, %mul3A_1046 : vector<16xf32>
          %get3A_1048 = arith.constant 1 : i32
          %get3A_1049 = arith.constant 121 : i32
          %get3A_1050 = arith.index_cast %get3A_1048 : i32 to index
          %get3A_1051 = arith.index_cast %get3A_1049 : i32 to index
          %get3A_1052 = arith.index_cast %mul3A_238 : i32 to index
          %get3A_1053 = tpu.vector_load %arg5[%get3A_1050, %get3A_1051, %get3A_1052] {strides = array<i32>} : memref<2x128x256xf32, #tpu.memory_space<vmem>>, vector<1x1x16xf32>,
          %get3A_1054 = vector.shape_cast %get3A_1053 : vector<1x1x16xf32> to vector<16xf32>
          %mul3A_1055 = arith.mulf %get3A_1054, %get3A_293 : vector<16xf32>
          %add3A_1056 = arith.addf %add3A_1047, %mul3A_1055 : vector<16xf32>
          %swap3A_1057 = arith.constant 9 : i32
          %swap3A_1058 = arith.index_cast %swap3A_1057 : i32 to index
          %swap3A_1059 = arith.index_cast %mul3A_238 : i32 to index
          %swap3A_1060 = tpu.vector_load %arg7[%swap3A_1058, %swap3A_1059] {strides = array<i32>} : memref<16x256xf32, #tpu.memory_space<vmem>>, vector<1x16xf32>,
          %swap3A_1061 = vector.shape_cast %swap3A_1060 : vector<1x16xf32> to vector<16xf32>
          %swap3A_1062 = vector.shape_cast %add3A_1056 : vector<16xf32> to vector<1x16xf32>
          tpu.vector_store %arg7[%swap3A_1058, %swap3A_1059], %swap3A_1062 {add = true, strides = array<i32>} : memref<16x256xf32, #tpu.memory_space<vmem>>, vector<1x16xf32>,
          %get3A_1063 = arith.constant 1 : i32
          %get3A_1064 = arith.constant 10 : i32
          %get3A_1065 = arith.index_cast %get3A_1063 : i32 to index
          %get3A_1066 = arith.index_cast %get3A_1064 : i32 to index
          %get3A_1067 = arith.index_cast %mul3A_238 : i32 to index
          %get3A_1068 = tpu.vector_load %arg5[%get3A_1065, %get3A_1066, %get3A_1067] {strides = array<i32>} : memref<2x128x256xf32, #tpu.memory_space<vmem>>, vector<1x1x16xf32>,
          %get3A_1069 = vector.shape_cast %get3A_1068 : vector<1x1x16xf32> to vector<16xf32>
          %mul3A_1070 = arith.mulf %get3A_1069, %get3A_244 : vector<16xf32>
          %get3A_1071 = arith.constant 1 : i32
          %get3A_1072 = arith.constant 26 : i32
          %get3A_1073 = arith.index_cast %get3A_1071 : i32 to index
          %get3A_1074 = arith.index_cast %get3A_1072 : i32 to index
          %get3A_1075 = arith.index_cast %mul3A_238 : i32 to index
          %get3A_1076 = tpu.vector_load %arg5[%get3A_1073, %get3A_1074, %get3A_1075] {strides = array<i32>} : memref<2x128x256xf32, #tpu.memory_space<vmem>>, vector<1x1x16xf32>,
          %get3A_1077 = vector.shape_cast %get3A_1076 : vector<1x1x16xf32> to vector<16xf32>
          %mul3A_1078 = arith.mulf %get3A_1077, %get3A_251 : vector<16xf32>
          %add3A_1079 = arith.addf %mul3A_1070, %mul3A_1078 : vector<16xf32>
          %get3A_1080 = arith.constant 1 : i32
          %get3A_1081 = arith.constant 42 : i32
          %get3A_1082 = arith.index_cast %get3A_1080 : i32 to index
          %get3A_1083 = arith.index_cast %get3A_1081 : i32 to index
          %get3A_1084 = arith.index_cast %mul3A_238 : i32 to index
          %get3A_1085 = tpu.vector_load %arg5[%get3A_1082, %get3A_1083, %get3A_1084] {strides = array<i32>} : memref<2x128x256xf32, #tpu.memory_space<vmem>>, vector<1x1x16xf32>,
          %get3A_1086 = vector.shape_cast %get3A_1085 : vector<1x1x16xf32> to vector<16xf32>
          %mul3A_1087 = arith.mulf %get3A_1086, %get3A_258 : vector<16xf32>
          %add3A_1088 = arith.addf %add3A_1079, %mul3A_1087 : vector<16xf32>
          %get3A_1089 = arith.constant 1 : i32
          %get3A_1090 = arith.constant 58 : i32
          %get3A_1091 = arith.index_cast %get3A_1089 : i32 to index
          %get3A_1092 = arith.index_cast %get3A_1090 : i32 to index
          %get3A_1093 = arith.index_cast %mul3A_238 : i32 to index
          %get3A_1094 = tpu.vector_load %arg5[%get3A_1091, %get3A_1092, %get3A_1093] {strides = array<i32>} : memref<2x128x256xf32, #tpu.memory_space<vmem>>, vector<1x1x16xf32>,
          %get3A_1095 = vector.shape_cast %get3A_1094 : vector<1x1x16xf32> to vector<16xf32>
          %mul3A_1096 = arith.mulf %get3A_1095, %get3A_265 : vector<16xf32>
          %add3A_1097 = arith.addf %add3A_1088, %mul3A_1096 : vector<16xf32>
          %get3A_1098 = arith.constant 1 : i32
          %get3A_1099 = arith.constant 74 : i32
          %get3A_1100 = arith.index_cast %get3A_1098 : i32 to index
          %get3A_1101 = arith.index_cast %get3A_1099 : i32 to index
          %get3A_1102 = arith.index_cast %mul3A_238 : i32 to index
          %get3A_1103 = tpu.vector_load %arg5[%get3A_1100, %get3A_1101, %get3A_1102] {strides = array<i32>} : memref<2x128x256xf32, #tpu.memory_space<vmem>>, vector<1x1x16xf32>,
          %get3A_1104 = vector.shape_cast %get3A_1103 : vector<1x1x16xf32> to vector<16xf32>
          %mul3A_1105 = arith.mulf %get3A_1104, %get3A_272 : vector<16xf32>
          %add3A_1106 = arith.addf %add3A_1097, %mul3A_1105 : vector<16xf32>
          %get3A_1107 = arith.constant 1 : i32
          %get3A_1108 = arith.constant 90 : i32
          %get3A_1109 = arith.index_cast %get3A_1107 : i32 to index
          %get3A_1110 = arith.index_cast %get3A_1108 : i32 to index
          %get3A_1111 = arith.index_cast %mul3A_238 : i32 to index
          %get3A_1112 = tpu.vector_load %arg5[%get3A_1109, %get3A_1110, %get3A_1111] {strides = array<i32>} : memref<2x128x256xf32, #tpu.memory_space<vmem>>, vector<1x1x16xf32>,
          %get3A_1113 = vector.shape_cast %get3A_1112 : vector<1x1x16xf32> to vector<16xf32>
          %mul3A_1114 = arith.mulf %get3A_1113, %get3A_279 : vector<16xf32>
          %add3A_1115 = arith.addf %add3A_1106, %mul3A_1114 : vector<16xf32>
          %get3A_1116 = arith.constant 1 : i32
          %get3A_1117 = arith.constant 106 : i32
          %get3A_1118 = arith.index_cast %get3A_1116 : i32 to index
          %get3A_1119 = arith.index_cast %get3A_1117 : i32 to index
          %get3A_1120 = arith.index_cast %mul3A_238 : i32 to index
          %get3A_1121 = tpu.vector_load %arg5[%get3A_1118, %get3A_1119, %get3A_1120] {strides = array<i32>} : memref<2x128x256xf32, #tpu.memory_space<vmem>>, vector<1x1x16xf32>,
          %get3A_1122 = vector.shape_cast %get3A_1121 : vector<1x1x16xf32> to vector<16xf32>
          %mul3A_1123 = arith.mulf %get3A_1122, %get3A_286 : vector<16xf32>
          %add3A_1124 = arith.addf %add3A_1115, %mul3A_1123 : vector<16xf32>
          %get3A_1125 = arith.constant 1 : i32
          %get3A_1126 = arith.constant 122 : i32
          %get3A_1127 = arith.index_cast %get3A_1125 : i32 to index
          %get3A_1128 = arith.index_cast %get3A_1126 : i32 to index
          %get3A_1129 = arith.index_cast %mul3A_238 : i32 to index
          %get3A_1130 = tpu.vector_load %arg5[%get3A_1127, %get3A_1128, %get3A_1129] {strides = array<i32>} : memref<2x128x256xf32, #tpu.memory_space<vmem>>, vector<1x1x16xf32>,
          %get3A_1131 = vector.shape_cast %get3A_1130 : vector<1x1x16xf32> to vector<16xf32>
          %mul3A_1132 = arith.mulf %get3A_1131, %get3A_293 : vector<16xf32>
          %add3A_1133 = arith.addf %add3A_1124, %mul3A_1132 : vector<16xf32>
          %swap3A_1134 = arith.constant 10 : i32
          %swap3A_1135 = arith.index_cast %swap3A_1134 : i32 to index
          %swap3A_1136 = arith.index_cast %mul3A_238 : i32 to index
          %swap3A_1137 = tpu.vector_load %arg7[%swap3A_1135, %swap3A_1136] {strides = array<i32>} : memref<16x256xf32, #tpu.memory_space<vmem>>, vector<1x16xf32>,
          %swap3A_1138 = vector.shape_cast %swap3A_1137 : vector<1x16xf32> to vector<16xf32>
          %swap3A_1139 = vector.shape_cast %add3A_1133 : vector<16xf32> to vector<1x16xf32>
          tpu.vector_store %arg7[%swap3A_1135, %swap3A_1136], %swap3A_1139 {add = true, strides = array<i32>} : memref<16x256xf32, #tpu.memory_space<vmem>>, vector<1x16xf32>,
          %get3A_1140 = arith.constant 1 : i32
          %get3A_1141 = arith.constant 11 : i32
          %get3A_1142 = arith.index_cast %get3A_1140 : i32 to index
          %get3A_1143 = arith.index_cast %get3A_1141 : i32 to index
          %get3A_1144 = arith.index_cast %mul3A_238 : i32 to index
          %get3A_1145 = tpu.vector_load %arg5[%get3A_1142, %get3A_1143, %get3A_1144] {strides = array<i32>} : memref<2x128x256xf32, #tpu.memory_space<vmem>>, vector<1x1x16xf32>,
          %get3A_1146 = vector.shape_cast %get3A_1145 : vector<1x1x16xf32> to vector<16xf32>
          %mul3A_1147 = arith.mulf %get3A_1146, %get3A_244 : vector<16xf32>
          %get3A_1148 = arith.constant 1 : i32
          %get3A_1149 = arith.constant 27 : i32
          %get3A_1150 = arith.index_cast %get3A_1148 : i32 to index
          %get3A_1151 = arith.index_cast %get3A_1149 : i32 to index
          %get3A_1152 = arith.index_cast %mul3A_238 : i32 to index
          %get3A_1153 = tpu.vector_load %arg5[%get3A_1150, %get3A_1151, %get3A_1152] {strides = array<i32>} : memref<2x128x256xf32, #tpu.memory_space<vmem>>, vector<1x1x16xf32>,
          %get3A_1154 = vector.shape_cast %get3A_1153 : vector<1x1x16xf32> to vector<16xf32>
          %mul3A_1155 = arith.mulf %get3A_1154, %get3A_251 : vector<16xf32>
          %add3A_1156 = arith.addf %mul3A_1147, %mul3A_1155 : vector<16xf32>
          %get3A_1157 = arith.constant 1 : i32
          %get3A_1158 = arith.constant 43 : i32
          %get3A_1159 = arith.index_cast %get3A_1157 : i32 to index
          %get3A_1160 = arith.index_cast %get3A_1158 : i32 to index
          %get3A_1161 = arith.index_cast %mul3A_238 : i32 to index
          %get3A_1162 = tpu.vector_load %arg5[%get3A_1159, %get3A_1160, %get3A_1161] {strides = array<i32>} : memref<2x128x256xf32, #tpu.memory_space<vmem>>, vector<1x1x16xf32>,
          %get3A_1163 = vector.shape_cast %get3A_1162 : vector<1x1x16xf32> to vector<16xf32>
          %mul3A_1164 = arith.mulf %get3A_1163, %get3A_258 : vector<16xf32>
          %add3A_1165 = arith.addf %add3A_1156, %mul3A_1164 : vector<16xf32>
          %get3A_1166 = arith.constant 1 : i32
          %get3A_1167 = arith.constant 59 : i32
          %get3A_1168 = arith.index_cast %get3A_1166 : i32 to index
          %get3A_1169 = arith.index_cast %get3A_1167 : i32 to index
          %get3A_1170 = arith.index_cast %mul3A_238 : i32 to index
          %get3A_1171 = tpu.vector_load %arg5[%get3A_1168, %get3A_1169, %get3A_1170] {strides = array<i32>} : memref<2x128x256xf32, #tpu.memory_space<vmem>>, vector<1x1x16xf32>,
          %get3A_1172 = vector.shape_cast %get3A_1171 : vector<1x1x16xf32> to vector<16xf32>
          %mul3A_1173 = arith.mulf %get3A_1172, %get3A_265 : vector<16xf32>
          %add3A_1174 = arith.addf %add3A_1165, %mul3A_1173 : vector<16xf32>
          %get3A_1175 = arith.constant 1 : i32
          %get3A_1176 = arith.constant 75 : i32
          %get3A_1177 = arith.index_cast %get3A_1175 : i32 to index
          %get3A_1178 = arith.index_cast %get3A_1176 : i32 to index
          %get3A_1179 = arith.index_cast %mul3A_238 : i32 to index
          %get3A_1180 = tpu.vector_load %arg5[%get3A_1177, %get3A_1178, %get3A_1179] {strides = array<i32>} : memref<2x128x256xf32, #tpu.memory_space<vmem>>, vector<1x1x16xf32>,
          %get3A_1181 = vector.shape_cast %get3A_1180 : vector<1x1x16xf32> to vector<16xf32>
          %mul3A_1182 = arith.mulf %get3A_1181, %get3A_272 : vector<16xf32>
          %add3A_1183 = arith.addf %add3A_1174, %mul3A_1182 : vector<16xf32>
          %get3A_1184 = arith.constant 1 : i32
          %get3A_1185 = arith.constant 91 : i32
          %get3A_1186 = arith.index_cast %get3A_1184 : i32 to index
          %get3A_1187 = arith.index_cast %get3A_1185 : i32 to index
          %get3A_1188 = arith.index_cast %mul3A_238 : i32 to index
          %get3A_1189 = tpu.vector_load %arg5[%get3A_1186, %get3A_1187, %get3A_1188] {strides = array<i32>} : memref<2x128x256xf32, #tpu.memory_space<vmem>>, vector<1x1x16xf32>,
          %get3A_1190 = vector.shape_cast %get3A_1189 : vector<1x1x16xf32> to vector<16xf32>
          %mul3A_1191 = arith.mulf %get3A_1190, %get3A_279 : vector<16xf32>
          %add3A_1192 = arith.addf %add3A_1183, %mul3A_1191 : vector<16xf32>
          %get3A_1193 = arith.constant 1 : i32
          %get3A_1194 = arith.constant 107 : i32
          %get3A_1195 = arith.index_cast %get3A_1193 : i32 to index
          %get3A_1196 = arith.index_cast %get3A_1194 : i32 to index
          %get3A_1197 = arith.index_cast %mul3A_238 : i32 to index
          %get3A_1198 = tpu.vector_load %arg5[%get3A_1195, %get3A_1196, %get3A_1197] {strides = array<i32>} : memref<2x128x256xf32, #tpu.memory_space<vmem>>, vector<1x1x16xf32>,
          %get3A_1199 = vector.shape_cast %get3A_1198 : vector<1x1x16xf32> to vector<16xf32>
          %mul3A_1200 = arith.mulf %get3A_1199, %get3A_286 : vector<16xf32>
          %add3A_1201 = arith.addf %add3A_1192, %mul3A_1200 : vector<16xf32>
          %get3A_1202 = arith.constant 1 : i32
          %get3A_1203 = arith.constant 123 : i32
          %get3A_1204 = arith.index_cast %get3A_1202 : i32 to index
          %get3A_1205 = arith.index_cast %get3A_1203 : i32 to index
          %get3A_1206 = arith.index_cast %mul3A_238 : i32 to index
          %get3A_1207 = tpu.vector_load %arg5[%get3A_1204, %get3A_1205, %get3A_1206] {strides = array<i32>} : memref<2x128x256xf32, #tpu.memory_space<vmem>>, vector<1x1x16xf32>,
          %get3A_1208 = vector.shape_cast %get3A_1207 : vector<1x1x16xf32> to vector<16xf32>
          %mul3A_1209 = arith.mulf %get3A_1208, %get3A_293 : vector<16xf32>
          %add3A_1210 = arith.addf %add3A_1201, %mul3A_1209 : vector<16xf32>
          %swap3A_1211 = arith.constant 11 : i32
          %swap3A_1212 = arith.index_cast %swap3A_1211 : i32 to index
          %swap3A_1213 = arith.index_cast %mul3A_238 : i32 to index
          %swap3A_1214 = tpu.vector_load %arg7[%swap3A_1212, %swap3A_1213] {strides = array<i32>} : memref<16x256xf32, #tpu.memory_space<vmem>>, vector<1x16xf32>,
          %swap3A_1215 = vector.shape_cast %swap3A_1214 : vector<1x16xf32> to vector<16xf32>
          %swap3A_1216 = vector.shape_cast %add3A_1210 : vector<16xf32> to vector<1x16xf32>
          tpu.vector_store %arg7[%swap3A_1212, %swap3A_1213], %swap3A_1216 {add = true, strides = array<i32>} : memref<16x256xf32, #tpu.memory_space<vmem>>, vector<1x16xf32>,
          %get3A_1217 = arith.constant 1 : i32
          %get3A_1218 = arith.constant 12 : i32
          %get3A_1219 = arith.index_cast %get3A_1217 : i32 to index
          %get3A_1220 = arith.index_cast %get3A_1218 : i32 to index
          %get3A_1221 = arith.index_cast %mul3A_238 : i32 to index
          %get3A_1222 = tpu.vector_load %arg5[%get3A_1219, %get3A_1220, %get3A_1221] {strides = array<i32>} : memref<2x128x256xf32, #tpu.memory_space<vmem>>, vector<1x1x16xf32>,
          %get3A_1223 = vector.shape_cast %get3A_1222 : vector<1x1x16xf32> to vector<16xf32>
          %mul3A_1224 = arith.mulf %get3A_1223, %get3A_244 : vector<16xf32>
          %get3A_1225 = arith.constant 1 : i32
          %get3A_1226 = arith.constant 28 : i32
          %get3A_1227 = arith.index_cast %get3A_1225 : i32 to index
          %get3A_1228 = arith.index_cast %get3A_1226 : i32 to index
          %get3A_1229 = arith.index_cast %mul3A_238 : i32 to index
          %get3A_1230 = tpu.vector_load %arg5[%get3A_1227, %get3A_1228, %get3A_1229] {strides = array<i32>} : memref<2x128x256xf32, #tpu.memory_space<vmem>>, vector<1x1x16xf32>,
          %get3A_1231 = vector.shape_cast %get3A_1230 : vector<1x1x16xf32> to vector<16xf32>
          %mul3A_1232 = arith.mulf %get3A_1231, %get3A_251 : vector<16xf32>
          %add3A_1233 = arith.addf %mul3A_1224, %mul3A_1232 : vector<16xf32>
          %get3A_1234 = arith.constant 1 : i32
          %get3A_1235 = arith.constant 44 : i32
          %get3A_1236 = arith.index_cast %get3A_1234 : i32 to index
          %get3A_1237 = arith.index_cast %get3A_1235 : i32 to index
          %get3A_1238 = arith.index_cast %mul3A_238 : i32 to index
          %get3A_1239 = tpu.vector_load %arg5[%get3A_1236, %get3A_1237, %get3A_1238] {strides = array<i32>} : memref<2x128x256xf32, #tpu.memory_space<vmem>>, vector<1x1x16xf32>,
          %get3A_1240 = vector.shape_cast %get3A_1239 : vector<1x1x16xf32> to vector<16xf32>
          %mul3A_1241 = arith.mulf %get3A_1240, %get3A_258 : vector<16xf32>
          %add3A_1242 = arith.addf %add3A_1233, %mul3A_1241 : vector<16xf32>
          %get3A_1243 = arith.constant 1 : i32
          %get3A_1244 = arith.constant 60 : i32
          %get3A_1245 = arith.index_cast %get3A_1243 : i32 to index
          %get3A_1246 = arith.index_cast %get3A_1244 : i32 to index
          %get3A_1247 = arith.index_cast %mul3A_238 : i32 to index
          %get3A_1248 = tpu.vector_load %arg5[%get3A_1245, %get3A_1246, %get3A_1247] {strides = array<i32>} : memref<2x128x256xf32, #tpu.memory_space<vmem>>, vector<1x1x16xf32>,
          %get3A_1249 = vector.shape_cast %get3A_1248 : vector<1x1x16xf32> to vector<16xf32>
          %mul3A_1250 = arith.mulf %get3A_1249, %get3A_265 : vector<16xf32>
          %add3A_1251 = arith.addf %add3A_1242, %mul3A_1250 : vector<16xf32>
          %get3A_1252 = arith.constant 1 : i32
          %get3A_1253 = arith.constant 76 : i32
          %get3A_1254 = arith.index_cast %get3A_1252 : i32 to index
          %get3A_1255 = arith.index_cast %get3A_1253 : i32 to index
          %get3A_1256 = arith.index_cast %mul3A_238 : i32 to index
          %get3A_1257 = tpu.vector_load %arg5[%get3A_1254, %get3A_1255, %get3A_1256] {strides = array<i32>} : memref<2x128x256xf32, #tpu.memory_space<vmem>>, vector<1x1x16xf32>,
          %get3A_1258 = vector.shape_cast %get3A_1257 : vector<1x1x16xf32> to vector<16xf32>
          %mul3A_1259 = arith.mulf %get3A_1258, %get3A_272 : vector<16xf32>
          %add3A_1260 = arith.addf %add3A_1251, %mul3A_1259 : vector<16xf32>
          %get3A_1261 = arith.constant 1 : i32
          %get3A_1262 = arith.constant 92 : i32
          %get3A_1263 = arith.index_cast %get3A_1261 : i32 to index
          %get3A_1264 = arith.index_cast %get3A_1262 : i32 to index
          %get3A_1265 = arith.index_cast %mul3A_238 : i32 to index
          %get3A_1266 = tpu.vector_load %arg5[%get3A_1263, %get3A_1264, %get3A_1265] {strides = array<i32>} : memref<2x128x256xf32, #tpu.memory_space<vmem>>, vector<1x1x16xf32>,
          %get3A_1267 = vector.shape_cast %get3A_1266 : vector<1x1x16xf32> to vector<16xf32>
          %mul3A_1268 = arith.mulf %get3A_1267, %get3A_279 : vector<16xf32>
          %add3A_1269 = arith.addf %add3A_1260, %mul3A_1268 : vector<16xf32>
          %get3A_1270 = arith.constant 1 : i32
          %get3A_1271 = arith.constant 108 : i32
          %get3A_1272 = arith.index_cast %get3A_1270 : i32 to index
          %get3A_1273 = arith.index_cast %get3A_1271 : i32 to index
          %get3A_1274 = arith.index_cast %mul3A_238 : i32 to index
          %get3A_1275 = tpu.vector_load %arg5[%get3A_1272, %get3A_1273, %get3A_1274] {strides = array<i32>} : memref<2x128x256xf32, #tpu.memory_space<vmem>>, vector<1x1x16xf32>,
          %get3A_1276 = vector.shape_cast %get3A_1275 : vector<1x1x16xf32> to vector<16xf32>
          %mul3A_1277 = arith.mulf %get3A_1276, %get3A_286 : vector<16xf32>
          %add3A_1278 = arith.addf %add3A_1269, %mul3A_1277 : vector<16xf32>
          %get3A_1279 = arith.constant 1 : i32
          %get3A_1280 = arith.constant 124 : i32
          %get3A_1281 = arith.index_cast %get3A_1279 : i32 to index
          %get3A_1282 = arith.index_cast %get3A_1280 : i32 to index
          %get3A_1283 = arith.index_cast %mul3A_238 : i32 to index
          %get3A_1284 = tpu.vector_load %arg5[%get3A_1281, %get3A_1282, %get3A_1283] {strides = array<i32>} : memref<2x128x256xf32, #tpu.memory_space<vmem>>, vector<1x1x16xf32>,
          %get3A_1285 = vector.shape_cast %get3A_1284 : vector<1x1x16xf32> to vector<16xf32>
          %mul3A_1286 = arith.mulf %get3A_1285, %get3A_293 : vector<16xf32>
          %add3A_1287 = arith.addf %add3A_1278, %mul3A_1286 : vector<16xf32>
          %swap3A_1288 = arith.constant 12 : i32
          %swap3A_1289 = arith.index_cast %swap3A_1288 : i32 to index
          %swap3A_1290 = arith.index_cast %mul3A_238 : i32 to index
          %swap3A_1291 = tpu.vector_load %arg7[%swap3A_1289, %swap3A_1290] {strides = array<i32>} : memref<16x256xf32, #tpu.memory_space<vmem>>, vector<1x16xf32>,
          %swap3A_1292 = vector.shape_cast %swap3A_1291 : vector<1x16xf32> to vector<16xf32>
          %swap3A_1293 = vector.shape_cast %add3A_1287 : vector<16xf32> to vector<1x16xf32>
          tpu.vector_store %arg7[%swap3A_1289, %swap3A_1290], %swap3A_1293 {add = true, strides = array<i32>} : memref<16x256xf32, #tpu.memory_space<vmem>>, vector<1x16xf32>,
          %get3A_1294 = arith.constant 1 : i32
          %get3A_1295 = arith.constant 13 : i32
          %get3A_1296 = arith.index_cast %get3A_1294 : i32 to index
          %get3A_1297 = arith.index_cast %get3A_1295 : i32 to index
          %get3A_1298 = arith.index_cast %mul3A_238 : i32 to index
          %get3A_1299 = tpu.vector_load %arg5[%get3A_1296, %get3A_1297, %get3A_1298] {strides = array<i32>} : memref<2x128x256xf32, #tpu.memory_space<vmem>>, vector<1x1x16xf32>,
          %get3A_1300 = vector.shape_cast %get3A_1299 : vector<1x1x16xf32> to vector<16xf32>
          %mul3A_1301 = arith.mulf %get3A_1300, %get3A_244 : vector<16xf32>
          %get3A_1302 = arith.constant 1 : i32
          %get3A_1303 = arith.constant 29 : i32
          %get3A_1304 = arith.index_cast %get3A_1302 : i32 to index
          %get3A_1305 = arith.index_cast %get3A_1303 : i32 to index
          %get3A_1306 = arith.index_cast %mul3A_238 : i32 to index
          %get3A_1307 = tpu.vector_load %arg5[%get3A_1304, %get3A_1305, %get3A_1306] {strides = array<i32>} : memref<2x128x256xf32, #tpu.memory_space<vmem>>, vector<1x1x16xf32>,
          %get3A_1308 = vector.shape_cast %get3A_1307 : vector<1x1x16xf32> to vector<16xf32>
          %mul3A_1309 = arith.mulf %get3A_1308, %get3A_251 : vector<16xf32>
          %add3A_1310 = arith.addf %mul3A_1301, %mul3A_1309 : vector<16xf32>
          %get3A_1311 = arith.constant 1 : i32
          %get3A_1312 = arith.constant 45 : i32
          %get3A_1313 = arith.index_cast %get3A_1311 : i32 to index
          %get3A_1314 = arith.index_cast %get3A_1312 : i32 to index
          %get3A_1315 = arith.index_cast %mul3A_238 : i32 to index
          %get3A_1316 = tpu.vector_load %arg5[%get3A_1313, %get3A_1314, %get3A_1315] {strides = array<i32>} : memref<2x128x256xf32, #tpu.memory_space<vmem>>, vector<1x1x16xf32>,
          %get3A_1317 = vector.shape_cast %get3A_1316 : vector<1x1x16xf32> to vector<16xf32>
          %mul3A_1318 = arith.mulf %get3A_1317, %get3A_258 : vector<16xf32>
          %add3A_1319 = arith.addf %add3A_1310, %mul3A_1318 : vector<16xf32>
          %get3A_1320 = arith.constant 1 : i32
          %get3A_1321 = arith.constant 61 : i32
          %get3A_1322 = arith.index_cast %get3A_1320 : i32 to index
          %get3A_1323 = arith.index_cast %get3A_1321 : i32 to index
          %get3A_1324 = arith.index_cast %mul3A_238 : i32 to index
          %get3A_1325 = tpu.vector_load %arg5[%get3A_1322, %get3A_1323, %get3A_1324] {strides = array<i32>} : memref<2x128x256xf32, #tpu.memory_space<vmem>>, vector<1x1x16xf32>,
          %get3A_1326 = vector.shape_cast %get3A_1325 : vector<1x1x16xf32> to vector<16xf32>
          %mul3A_1327 = arith.mulf %get3A_1326, %get3A_265 : vector<16xf32>
          %add3A_1328 = arith.addf %add3A_1319, %mul3A_1327 : vector<16xf32>
          %get3A_1329 = arith.constant 1 : i32
          %get3A_1330 = arith.constant 77 : i32
          %get3A_1331 = arith.index_cast %get3A_1329 : i32 to index
          %get3A_1332 = arith.index_cast %get3A_1330 : i32 to index
          %get3A_1333 = arith.index_cast %mul3A_238 : i32 to index
          %get3A_1334 = tpu.vector_load %arg5[%get3A_1331, %get3A_1332, %get3A_1333] {strides = array<i32>} : memref<2x128x256xf32, #tpu.memory_space<vmem>>, vector<1x1x16xf32>,
          %get3A_1335 = vector.shape_cast %get3A_1334 : vector<1x1x16xf32> to vector<16xf32>
          %mul3A_1336 = arith.mulf %get3A_1335, %get3A_272 : vector<16xf32>
          %add3A_1337 = arith.addf %add3A_1328, %mul3A_1336 : vector<16xf32>
          %get3A_1338 = arith.constant 1 : i32
          %get3A_1339 = arith.constant 93 : i32
          %get3A_1340 = arith.index_cast %get3A_1338 : i32 to index
          %get3A_1341 = arith.index_cast %get3A_1339 : i32 to index
          %get3A_1342 = arith.index_cast %mul3A_238 : i32 to index
          %get3A_1343 = tpu.vector_load %arg5[%get3A_1340, %get3A_1341, %get3A_1342] {strides = array<i32>} : memref<2x128x256xf32, #tpu.memory_space<vmem>>, vector<1x1x16xf32>,
          %get3A_1344 = vector.shape_cast %get3A_1343 : vector<1x1x16xf32> to vector<16xf32>
          %mul3A_1345 = arith.mulf %get3A_1344, %get3A_279 : vector<16xf32>
          %add3A_1346 = arith.addf %add3A_1337, %mul3A_1345 : vector<16xf32>
          %get3A_1347 = arith.constant 1 : i32
          %get3A_1348 = arith.constant 109 : i32
          %get3A_1349 = arith.index_cast %get3A_1347 : i32 to index
          %get3A_1350 = arith.index_cast %get3A_1348 : i32 to index
          %get3A_1351 = arith.index_cast %mul3A_238 : i32 to index
          %get3A_1352 = tpu.vector_load %arg5[%get3A_1349, %get3A_1350, %get3A_1351] {strides = array<i32>} : memref<2x128x256xf32, #tpu.memory_space<vmem>>, vector<1x1x16xf32>,
          %get3A_1353 = vector.shape_cast %get3A_1352 : vector<1x1x16xf32> to vector<16xf32>
          %mul3A_1354 = arith.mulf %get3A_1353, %get3A_286 : vector<16xf32>
          %add3A_1355 = arith.addf %add3A_1346, %mul3A_1354 : vector<16xf32>
          %get3A_1356 = arith.constant 1 : i32
          %get3A_1357 = arith.constant 125 : i32
          %get3A_1358 = arith.index_cast %get3A_1356 : i32 to index
          %get3A_1359 = arith.index_cast %get3A_1357 : i32 to index
          %get3A_1360 = arith.index_cast %mul3A_238 : i32 to index
          %get3A_1361 = tpu.vector_load %arg5[%get3A_1358, %get3A_1359, %get3A_1360] {strides = array<i32>} : memref<2x128x256xf32, #tpu.memory_space<vmem>>, vector<1x1x16xf32>,
          %get3A_1362 = vector.shape_cast %get3A_1361 : vector<1x1x16xf32> to vector<16xf32>
          %mul3A_1363 = arith.mulf %get3A_1362, %get3A_293 : vector<16xf32>
          %add3A_1364 = arith.addf %add3A_1355, %mul3A_1363 : vector<16xf32>
          %swap3A_1365 = arith.constant 13 : i32
          %swap3A_1366 = arith.index_cast %swap3A_1365 : i32 to index
          %swap3A_1367 = arith.index_cast %mul3A_238 : i32 to index
          %swap3A_1368 = tpu.vector_load %arg7[%swap3A_1366, %swap3A_1367] {strides = array<i32>} : memref<16x256xf32, #tpu.memory_space<vmem>>, vector<1x16xf32>,
          %swap3A_1369 = vector.shape_cast %swap3A_1368 : vector<1x16xf32> to vector<16xf32>
          %swap3A_1370 = vector.shape_cast %add3A_1364 : vector<16xf32> to vector<1x16xf32>
          tpu.vector_store %arg7[%swap3A_1366, %swap3A_1367], %swap3A_1370 {add = true, strides = array<i32>} : memref<16x256xf32, #tpu.memory_space<vmem>>, vector<1x16xf32>,
          %get3A_1371 = arith.constant 1 : i32
          %get3A_1372 = arith.constant 14 : i32
          %get3A_1373 = arith.index_cast %get3A_1371 : i32 to index
          %get3A_1374 = arith.index_cast %get3A_1372 : i32 to index
          %get3A_1375 = arith.index_cast %mul3A_238 : i32 to index
          %get3A_1376 = tpu.vector_load %arg5[%get3A_1373, %get3A_1374, %get3A_1375] {strides = array<i32>} : memref<2x128x256xf32, #tpu.memory_space<vmem>>, vector<1x1x16xf32>,
          %get3A_1377 = vector.shape_cast %get3A_1376 : vector<1x1x16xf32> to vector<16xf32>
          %mul3A_1378 = arith.mulf %get3A_1377, %get3A_244 : vector<16xf32>
          %get3A_1379 = arith.constant 1 : i32
          %get3A_1380 = arith.constant 30 : i32
          %get3A_1381 = arith.index_cast %get3A_1379 : i32 to index
          %get3A_1382 = arith.index_cast %get3A_1380 : i32 to index
          %get3A_1383 = arith.index_cast %mul3A_238 : i32 to index
          %get3A_1384 = tpu.vector_load %arg5[%get3A_1381, %get3A_1382, %get3A_1383] {strides = array<i32>} : memref<2x128x256xf32, #tpu.memory_space<vmem>>, vector<1x1x16xf32>,
          %get3A_1385 = vector.shape_cast %get3A_1384 : vector<1x1x16xf32> to vector<16xf32>
          %mul3A_1386 = arith.mulf %get3A_1385, %get3A_251 : vector<16xf32>
          %add3A_1387 = arith.addf %mul3A_1378, %mul3A_1386 : vector<16xf32>
          %get3A_1388 = arith.constant 1 : i32
          %get3A_1389 = arith.constant 46 : i32
          %get3A_1390 = arith.index_cast %get3A_1388 : i32 to index
          %get3A_1391 = arith.index_cast %get3A_1389 : i32 to index
          %get3A_1392 = arith.index_cast %mul3A_238 : i32 to index
          %get3A_1393 = tpu.vector_load %arg5[%get3A_1390, %get3A_1391, %get3A_1392] {strides = array<i32>} : memref<2x128x256xf32, #tpu.memory_space<vmem>>, vector<1x1x16xf32>,
          %get3A_1394 = vector.shape_cast %get3A_1393 : vector<1x1x16xf32> to vector<16xf32>
          %mul3A_1395 = arith.mulf %get3A_1394, %get3A_258 : vector<16xf32>
          %add3A_1396 = arith.addf %add3A_1387, %mul3A_1395 : vector<16xf32>
          %get3A_1397 = arith.constant 1 : i32
          %get3A_1398 = arith.constant 62 : i32
          %get3A_1399 = arith.index_cast %get3A_1397 : i32 to index
          %get3A_1400 = arith.index_cast %get3A_1398 : i32 to index
          %get3A_1401 = arith.index_cast %mul3A_238 : i32 to index
          %get3A_1402 = tpu.vector_load %arg5[%get3A_1399, %get3A_1400, %get3A_1401] {strides = array<i32>} : memref<2x128x256xf32, #tpu.memory_space<vmem>>, vector<1x1x16xf32>,
          %get3A_1403 = vector.shape_cast %get3A_1402 : vector<1x1x16xf32> to vector<16xf32>
          %mul3A_1404 = arith.mulf %get3A_1403, %get3A_265 : vector<16xf32>
          %add3A_1405 = arith.addf %add3A_1396, %mul3A_1404 : vector<16xf32>
          %get3A_1406 = arith.constant 1 : i32
          %get3A_1407 = arith.constant 78 : i32
          %get3A_1408 = arith.index_cast %get3A_1406 : i32 to index
          %get3A_1409 = arith.index_cast %get3A_1407 : i32 to index
          %get3A_1410 = arith.index_cast %mul3A_238 : i32 to index
          %get3A_1411 = tpu.vector_load %arg5[%get3A_1408, %get3A_1409, %get3A_1410] {strides = array<i32>} : memref<2x128x256xf32, #tpu.memory_space<vmem>>, vector<1x1x16xf32>,
          %get3A_1412 = vector.shape_cast %get3A_1411 : vector<1x1x16xf32> to vector<16xf32>
          %mul3A_1413 = arith.mulf %get3A_1412, %get3A_272 : vector<16xf32>
          %add3A_1414 = arith.addf %add3A_1405, %mul3A_1413 : vector<16xf32>
          %get3A_1415 = arith.constant 1 : i32
          %get3A_1416 = arith.constant 94 : i32
          %get3A_1417 = arith.index_cast %get3A_1415 : i32 to index
          %get3A_1418 = arith.index_cast %get3A_1416 : i32 to index
          %get3A_1419 = arith.index_cast %mul3A_238 : i32 to index
          %get3A_1420 = tpu.vector_load %arg5[%get3A_1417, %get3A_1418, %get3A_1419] {strides = array<i32>} : memref<2x128x256xf32, #tpu.memory_space<vmem>>, vector<1x1x16xf32>,
          %get3A_1421 = vector.shape_cast %get3A_1420 : vector<1x1x16xf32> to vector<16xf32>
          %mul3A_1422 = arith.mulf %get3A_1421, %get3A_279 : vector<16xf32>
          %add3A_1423 = arith.addf %add3A_1414, %mul3A_1422 : vector<16xf32>
          %get3A_1424 = arith.constant 1 : i32
          %get3A_1425 = arith.constant 110 : i32
          %get3A_1426 = arith.index_cast %get3A_1424 : i32 to index
          %get3A_1427 = arith.index_cast %get3A_1425 : i32 to index
          %get3A_1428 = arith.index_cast %mul3A_238 : i32 to index
          %get3A_1429 = tpu.vector_load %arg5[%get3A_1426, %get3A_1427, %get3A_1428] {strides = array<i32>} : memref<2x128x256xf32, #tpu.memory_space<vmem>>, vector<1x1x16xf32>,
          %get3A_1430 = vector.shape_cast %get3A_1429 : vector<1x1x16xf32> to vector<16xf32>
          %mul3A_1431 = arith.mulf %get3A_1430, %get3A_286 : vector<16xf32>
          %add3A_1432 = arith.addf %add3A_1423, %mul3A_1431 : vector<16xf32>
          %get3A_1433 = arith.constant 1 : i32
          %get3A_1434 = arith.constant 126 : i32
          %get3A_1435 = arith.index_cast %get3A_1433 : i32 to index
          %get3A_1436 = arith.index_cast %get3A_1434 : i32 to index
          %get3A_1437 = arith.index_cast %mul3A_238 : i32 to index
          %get3A_1438 = tpu.vector_load %arg5[%get3A_1435, %get3A_1436, %get3A_1437] {strides = array<i32>} : memref<2x128x256xf32, #tpu.memory_space<vmem>>, vector<1x1x16xf32>,
          %get3A_1439 = vector.shape_cast %get3A_1438 : vector<1x1x16xf32> to vector<16xf32>
          %mul3A_1440 = arith.mulf %get3A_1439, %get3A_293 : vector<16xf32>
          %add3A_1441 = arith.addf %add3A_1432, %mul3A_1440 : vector<16xf32>
          %swap3A_1442 = arith.constant 14 : i32
          %swap3A_1443 = arith.index_cast %swap3A_1442 : i32 to index
          %swap3A_1444 = arith.index_cast %mul3A_238 : i32 to index
          %swap3A_1445 = tpu.vector_load %arg7[%swap3A_1443, %swap3A_1444] {strides = array<i32>} : memref<16x256xf32, #tpu.memory_space<vmem>>, vector<1x16xf32>,
          %swap3A_1446 = vector.shape_cast %swap3A_1445 : vector<1x16xf32> to vector<16xf32>
          %swap3A_1447 = vector.shape_cast %add3A_1441 : vector<16xf32> to vector<1x16xf32>
          tpu.vector_store %arg7[%swap3A_1443, %swap3A_1444], %swap3A_1447 {add = true, strides = array<i32>} : memref<16x256xf32, #tpu.memory_space<vmem>>, vector<1x16xf32>,
          %get3A_1448 = arith.constant 1 : i32
          %get3A_1449 = arith.constant 15 : i32
          %get3A_1450 = arith.index_cast %get3A_1448 : i32 to index
          %get3A_1451 = arith.index_cast %get3A_1449 : i32 to index
          %get3A_1452 = arith.index_cast %mul3A_238 : i32 to index
          %get3A_1453 = tpu.vector_load %arg5[%get3A_1450, %get3A_1451, %get3A_1452] {strides = array<i32>} : memref<2x128x256xf32, #tpu.memory_space<vmem>>, vector<1x1x16xf32>,
          %get3A_1454 = vector.shape_cast %get3A_1453 : vector<1x1x16xf32> to vector<16xf32>
          %mul3A_1455 = arith.mulf %get3A_1454, %get3A_244 : vector<16xf32>
          %get3A_1456 = arith.constant 1 : i32
          %get3A_1457 = arith.constant 31 : i32
          %get3A_1458 = arith.index_cast %get3A_1456 : i32 to index
          %get3A_1459 = arith.index_cast %get3A_1457 : i32 to index
          %get3A_1460 = arith.index_cast %mul3A_238 : i32 to index
          %get3A_1461 = tpu.vector_load %arg5[%get3A_1458, %get3A_1459, %get3A_1460] {strides = array<i32>} : memref<2x128x256xf32, #tpu.memory_space<vmem>>, vector<1x1x16xf32>,
          %get3A_1462 = vector.shape_cast %get3A_1461 : vector<1x1x16xf32> to vector<16xf32>
          %mul3A_1463 = arith.mulf %get3A_1462, %get3A_251 : vector<16xf32>
          %add3A_1464 = arith.addf %mul3A_1455, %mul3A_1463 : vector<16xf32>
          %get3A_1465 = arith.constant 1 : i32
          %get3A_1466 = arith.constant 47 : i32
          %get3A_1467 = arith.index_cast %get3A_1465 : i32 to index
          %get3A_1468 = arith.index_cast %get3A_1466 : i32 to index
          %get3A_1469 = arith.index_cast %mul3A_238 : i32 to index
          %get3A_1470 = tpu.vector_load %arg5[%get3A_1467, %get3A_1468, %get3A_1469] {strides = array<i32>} : memref<2x128x256xf32, #tpu.memory_space<vmem>>, vector<1x1x16xf32>,
          %get3A_1471 = vector.shape_cast %get3A_1470 : vector<1x1x16xf32> to vector<16xf32>
          %mul3A_1472 = arith.mulf %get3A_1471, %get3A_258 : vector<16xf32>
          %add3A_1473 = arith.addf %add3A_1464, %mul3A_1472 : vector<16xf32>
          %get3A_1474 = arith.constant 1 : i32
          %get3A_1475 = arith.constant 63 : i32
          %get3A_1476 = arith.index_cast %get3A_1474 : i32 to index
          %get3A_1477 = arith.index_cast %get3A_1475 : i32 to index
          %get3A_1478 = arith.index_cast %mul3A_238 : i32 to index
          %get3A_1479 = tpu.vector_load %arg5[%get3A_1476, %get3A_1477, %get3A_1478] {strides = array<i32>} : memref<2x128x256xf32, #tpu.memory_space<vmem>>, vector<1x1x16xf32>,
          %get3A_1480 = vector.shape_cast %get3A_1479 : vector<1x1x16xf32> to vector<16xf32>
          %mul3A_1481 = arith.mulf %get3A_1480, %get3A_265 : vector<16xf32>
          %add3A_1482 = arith.addf %add3A_1473, %mul3A_1481 : vector<16xf32>
          %get3A_1483 = arith.constant 1 : i32
          %get3A_1484 = arith.constant 79 : i32
          %get3A_1485 = arith.index_cast %get3A_1483 : i32 to index
          %get3A_1486 = arith.index_cast %get3A_1484 : i32 to index
          %get3A_1487 = arith.index_cast %mul3A_238 : i32 to index
          %get3A_1488 = tpu.vector_load %arg5[%get3A_1485, %get3A_1486, %get3A_1487] {strides = array<i32>} : memref<2x128x256xf32, #tpu.memory_space<vmem>>, vector<1x1x16xf32>,
          %get3A_1489 = vector.shape_cast %get3A_1488 : vector<1x1x16xf32> to vector<16xf32>
          %mul3A_1490 = arith.mulf %get3A_1489, %get3A_272 : vector<16xf32>
          %add3A_1491 = arith.addf %add3A_1482, %mul3A_1490 : vector<16xf32>
          %get3A_1492 = arith.constant 1 : i32
          %get3A_1493 = arith.constant 95 : i32
          %get3A_1494 = arith.index_cast %get3A_1492 : i32 to index
          %get3A_1495 = arith.index_cast %get3A_1493 : i32 to index
          %get3A_1496 = arith.index_cast %mul3A_238 : i32 to index
          %get3A_1497 = tpu.vector_load %arg5[%get3A_1494, %get3A_1495, %get3A_1496] {strides = array<i32>} : memref<2x128x256xf32, #tpu.memory_space<vmem>>, vector<1x1x16xf32>,
          %get3A_1498 = vector.shape_cast %get3A_1497 : vector<1x1x16xf32> to vector<16xf32>
          %mul3A_1499 = arith.mulf %get3A_1498, %get3A_279 : vector<16xf32>
          %add3A_1500 = arith.addf %add3A_1491, %mul3A_1499 : vector<16xf32>
          %get3A_1501 = arith.constant 1 : i32
          %get3A_1502 = arith.constant 111 : i32
          %get3A_1503 = arith.index_cast %get3A_1501 : i32 to index
          %get3A_1504 = arith.index_cast %get3A_1502 : i32 to index
          %get3A_1505 = arith.index_cast %mul3A_238 : i32 to index
          %get3A_1506 = tpu.vector_load %arg5[%get3A_1503, %get3A_1504, %get3A_1505] {strides = array<i32>} : memref<2x128x256xf32, #tpu.memory_space<vmem>>, vector<1x1x16xf32>,
          %get3A_1507 = vector.shape_cast %get3A_1506 : vector<1x1x16xf32> to vector<16xf32>
          %mul3A_1508 = arith.mulf %get3A_1507, %get3A_286 : vector<16xf32>
          %add3A_1509 = arith.addf %add3A_1500, %mul3A_1508 : vector<16xf32>
          %get3A_1510 = arith.constant 1 : i32
          %get3A_1511 = arith.constant 127 : i32
          %get3A_1512 = arith.index_cast %get3A_1510 : i32 to index
          %get3A_1513 = arith.index_cast %get3A_1511 : i32 to index
          %get3A_1514 = arith.index_cast %mul3A_238 : i32 to index
          %get3A_1515 = tpu.vector_load %arg5[%get3A_1512, %get3A_1513, %get3A_1514] {strides = array<i32>} : memref<2x128x256xf32, #tpu.memory_space<vmem>>, vector<1x1x16xf32>,
          %get3A_1516 = vector.shape_cast %get3A_1515 : vector<1x1x16xf32> to vector<16xf32>
          %mul3A_1517 = arith.mulf %get3A_1516, %get3A_293 : vector<16xf32>
          %add3A_1518 = arith.addf %add3A_1509, %mul3A_1517 : vector<16xf32>
          %swap3A_1519 = arith.constant 15 : i32
          %swap3A_1520 = arith.index_cast %swap3A_1519 : i32 to index
          %swap3A_1521 = arith.index_cast %mul3A_238 : i32 to index
          %swap3A_1522 = tpu.vector_load %arg7[%swap3A_1520, %swap3A_1521] {strides = array<i32>} : memref<16x256xf32, #tpu.memory_space<vmem>>, vector<1x16xf32>,
          %swap3A_1523 = vector.shape_cast %swap3A_1522 : vector<1x16xf32> to vector<16xf32>
          %swap3A_1524 = vector.shape_cast %add3A_1518 : vector<16xf32> to vector<1x16xf32>
          tpu.vector_store %arg7[%swap3A_1520, %swap3A_1521], %swap3A_1524 {add = true, strides = array<i32>} : memref<16x256xf32, #tpu.memory_space<vmem>>, vector<1x16xf32>,
          %scan3A_1525 = arith.constant 0 : i32
          scf.yield %scan3A_1525 : i32
        }
        %scan3A_233 = arith.constant 16 : i32
        %scan3A_234 = arith.constant 0 : i32
        scf.yield %scan3A_234 : i32
      }
      %scan3A_52 = arith.constant 2 : i32
      %dma_wait3A = arith.constant 0 : i32
      %dma_wait3A_53 = arith.constant 0 : i32
      %dma_wait3A_54 = arith.constant 0 : i32
      %dma_wait3A_55 = tpu.memref_slice %arg5[%dma_wait3A, %dma_wait3A_53, %dma_wait3A_54] : memref<2x128x256xf32, #tpu.memory_space<vmem>> -> memref<1x128x256xf32, #tpu.memory_space<vmem>>
      %dma_wait3A_56 = tpu.memref_squeeze %dma_wait3A_55 : memref<1x128x256xf32, #tpu.memory_space<vmem>> -> memref<128x256xf32, #tpu.memory_space<vmem>>
      %dma_wait3A_57 = arith.constant 3072 : i32
      %dma_wait3A_58 = tpu.memref_slice %arg2[%dma_wait3A_57, %add3A_13] : memref<3200x16384xf32, #tpu.memory_space<hbm>> -> memref<128x256xf32, #tpu.memory_space<hbm>>
      %dma_wait3A_59 = arith.constant 0 : i32
      %dma_wait3A_60 = arith.constant 0 : i32
      %dma_wait3A_61 = tpu.memref_slice %arg5[%dma_wait3A, %dma_wait3A_59, %dma_wait3A_60] : memref<2x128x256xf32, #tpu.memory_space<vmem>> -> memref<1x128x256xf32, #tpu.memory_space<vmem>>
      %dma_wait3A_62 = tpu.memref_squeeze %dma_wait3A_61 : memref<1x128x256xf32, #tpu.memory_space<vmem>> -> memref<128x256xf32, #tpu.memory_space<vmem>>
      %dma_wait3A_63 = arith.constant 3072 : i32
      %dma_wait3A_64 = tpu.memref_slice %arg2[%dma_wait3A_63, %add3A_13] : memref<3200x16384xf32, #tpu.memory_space<hbm>> -> memref<128x256xf32, #tpu.memory_space<hbm>>
      tpu.wait_dma2 semaphore(%arg8 : memref<!tpu.dma_semaphore, #tpu.memory_space<semaphore_mem>>) src(%dma_wait3A_64 : memref<128x256xf32, #tpu.memory_space<hbm>>) dst(%dma_wait3A_62 : memref<128x256xf32, #tpu.memory_space<vmem>>)
      %dma_wait3A_65 = arith.constant 0 : i32
      %dma_wait3A_66 = arith.constant 0 : i32
      %dma_wait3A_67 = arith.constant 0 : i32
      %dma_wait3A_68 = tpu.memref_slice %arg6[%dma_wait3A_65, %dma_wait3A_66, %dma_wait3A_67] : memref<2x8x256xf32, #tpu.memory_space<vmem>> -> memref<1x8x256xf32, #tpu.memory_space<vmem>>
      %dma_wait3A_69 = tpu.memref_squeeze %dma_wait3A_68 : memref<1x8x256xf32, #tpu.memory_space<vmem>> -> memref<8x256xf32, #tpu.memory_space<vmem>>
      %dma_wait3A_70 = arith.constant 192 : i32
      %dma_wait3A_71 = tpu.memref_slice %arg3[%dma_wait3A_70, %add3A_13] : memref<200x16384xf32, #tpu.memory_space<hbm>> -> memref<8x256xf32, #tpu.memory_space<hbm>>
      %dma_wait3A_72 = arith.constant 0 : i32
      %dma_wait3A_73 = arith.constant 0 : i32
      %dma_wait3A_74 = tpu.memref_slice %arg6[%dma_wait3A_65, %dma_wait3A_72, %dma_wait3A_73] : memref<2x8x256xf32, #tpu.memory_space<vmem>> -> memref<1x8x256xf32, #tpu.memory_space<vmem>>
      %dma_wait3A_75 = tpu.memref_squeeze %dma_wait3A_74 : memref<1x8x256xf32, #tpu.memory_space<vmem>> -> memref<8x256xf32, #tpu.memory_space<vmem>>
      %dma_wait3A_76 = arith.constant 192 : i32
      %dma_wait3A_77 = tpu.memref_slice %arg3[%dma_wait3A_76, %add3A_13] : memref<200x16384xf32, #tpu.memory_space<hbm>> -> memref<8x256xf32, #tpu.memory_space<hbm>>
      tpu.wait_dma2 semaphore(%arg10 : memref<!tpu.dma_semaphore, #tpu.memory_space<semaphore_mem>>) src(%dma_wait3A_77 : memref<8x256xf32, #tpu.memory_space<hbm>>) dst(%dma_wait3A_75 : memref<8x256xf32, #tpu.memory_space<vmem>>)
      %scan3A_78 = arith.constant 0 : i32
      %scan3A_79 = arith.constant 0 : i32
      %scan3A_80 = arith.constant 16 : i32
      %scan3A_81 = arith.addi %scan3A_79, %scan3A_80 : i32
      %scan3A_82 = arith.constant 1 : i32
      %scan3A_83 = scf.for %scan3A_86 = %scan3A_79 to %scan3A_81 step %scan3A_82 iter_args(%scan3A_87 = %scan3A_78) -> (i32)  : i32 {
        %mul3A_88 = arith.constant 16 : i32
        %mul3A_89 = arith.muli %scan3A_86, %mul3A_88 : i32
        %get3A = arith.constant 0 : i32
        %get3A_90 = arith.constant 0 : i32
        %get3A_91 = arith.index_cast %get3A : i32 to index
        %get3A_92 = arith.index_cast %get3A_90 : i32 to index
        %get3A_93 = arith.index_cast %mul3A_89 : i32 to index
        %get3A_94 = tpu.vector_load %arg6[%get3A_91, %get3A_92, %get3A_93] {strides = array<i32>} : memref<2x8x256xf32, #tpu.memory_space<vmem>>, vector<1x1x16xf32>,
        %get3A_95 = vector.shape_cast %get3A_94 : vector<1x1x16xf32> to vector<16xf32>
        %get3A_96 = arith.constant 0 : i32
        %get3A_97 = arith.constant 1 : i32
        %get3A_98 = arith.index_cast %get3A_96 : i32 to index
        %get3A_99 = arith.index_cast %get3A_97 : i32 to index
        %get3A_100 = arith.index_cast %mul3A_89 : i32 to index
        %get3A_101 = tpu.vector_load %arg6[%get3A_98, %get3A_99, %get3A_100] {strides = array<i32>} : memref<2x8x256xf32, #tpu.memory_space<vmem>>, vector<1x1x16xf32>,
        %get3A_102 = vector.shape_cast %get3A_101 : vector<1x1x16xf32> to vector<16xf32>
        %get3A_103 = arith.constant 0 : i32
        %get3A_104 = arith.constant 2 : i32
        %get3A_105 = arith.index_cast %get3A_103 : i32 to index
        %get3A_106 = arith.index_cast %get3A_104 : i32 to index
        %get3A_107 = arith.index_cast %mul3A_89 : i32 to index
        %get3A_108 = tpu.vector_load %arg6[%get3A_105, %get3A_106, %get3A_107] {strides = array<i32>} : memref<2x8x256xf32, #tpu.memory_space<vmem>>, vector<1x1x16xf32>,
        %get3A_109 = vector.shape_cast %get3A_108 : vector<1x1x16xf32> to vector<16xf32>
        %get3A_110 = arith.constant 0 : i32
        %get3A_111 = arith.constant 3 : i32
        %get3A_112 = arith.index_cast %get3A_110 : i32 to index
        %get3A_113 = arith.index_cast %get3A_111 : i32 to index
        %get3A_114 = arith.index_cast %mul3A_89 : i32 to index
        %get3A_115 = tpu.vector_load %arg6[%get3A_112, %get3A_113, %get3A_114] {strides = array<i32>} : memref<2x8x256xf32, #tpu.memory_space<vmem>>, vector<1x1x16xf32>,
        %get3A_116 = vector.shape_cast %get3A_115 : vector<1x1x16xf32> to vector<16xf32>
        %get3A_117 = arith.constant 0 : i32
        %get3A_118 = arith.constant 4 : i32
        %get3A_119 = arith.index_cast %get3A_117 : i32 to index
        %get3A_120 = arith.index_cast %get3A_118 : i32 to index
        %get3A_121 = arith.index_cast %mul3A_89 : i32 to index
        %get3A_122 = tpu.vector_load %arg6[%get3A_119, %get3A_120, %get3A_121] {strides = array<i32>} : memref<2x8x256xf32, #tpu.memory_space<vmem>>, vector<1x1x16xf32>,
        %get3A_123 = vector.shape_cast %get3A_122 : vector<1x1x16xf32> to vector<16xf32>
        %get3A_124 = arith.constant 0 : i32
        %get3A_125 = arith.constant 5 : i32
        %get3A_126 = arith.index_cast %get3A_124 : i32 to index
        %get3A_127 = arith.index_cast %get3A_125 : i32 to index
        %get3A_128 = arith.index_cast %mul3A_89 : i32 to index
        %get3A_129 = tpu.vector_load %arg6[%get3A_126, %get3A_127, %get3A_128] {strides = array<i32>} : memref<2x8x256xf32, #tpu.memory_space<vmem>>, vector<1x1x16xf32>,
        %get3A_130 = vector.shape_cast %get3A_129 : vector<1x1x16xf32> to vector<16xf32>
        %get3A_131 = arith.constant 0 : i32
        %get3A_132 = arith.constant 6 : i32
        %get3A_133 = arith.index_cast %get3A_131 : i32 to index
        %get3A_134 = arith.index_cast %get3A_132 : i32 to index
        %get3A_135 = arith.index_cast %mul3A_89 : i32 to index
        %get3A_136 = tpu.vector_load %arg6[%get3A_133, %get3A_134, %get3A_135] {strides = array<i32>} : memref<2x8x256xf32, #tpu.memory_space<vmem>>, vector<1x1x16xf32>,
        %get3A_137 = vector.shape_cast %get3A_136 : vector<1x1x16xf32> to vector<16xf32>
        %get3A_138 = arith.constant 0 : i32
        %get3A_139 = arith.constant 7 : i32
        %get3A_140 = arith.index_cast %get3A_138 : i32 to index
        %get3A_141 = arith.index_cast %get3A_139 : i32 to index
        %get3A_142 = arith.index_cast %mul3A_89 : i32 to index
        %get3A_143 = tpu.vector_load %arg6[%get3A_140, %get3A_141, %get3A_142] {strides = array<i32>} : memref<2x8x256xf32, #tpu.memory_space<vmem>>, vector<1x1x16xf32>,
        %get3A_144 = vector.shape_cast %get3A_143 : vector<1x1x16xf32> to vector<16xf32>
        %get3A_145 = arith.constant 0 : i32
        %get3A_146 = arith.constant 0 : i32
        %get3A_147 = arith.index_cast %get3A_145 : i32 to index
        %get3A_148 = arith.index_cast %get3A_146 : i32 to index
        %get3A_149 = arith.index_cast %mul3A_89 : i32 to index
        %get3A_150 = tpu.vector_load %arg5[%get3A_147, %get3A_148, %get3A_149] {strides = array<i32>} : memref<2x128x256xf32, #tpu.memory_space<vmem>>, vector<1x1x16xf32>,
        %get3A_151 = vector.shape_cast %get3A_150 : vector<1x1x16xf32> to vector<16xf32>
        %mul3A_152 = arith.mulf %get3A_151, %get3A_95 : vector<16xf32>
        %get3A_153 = arith.constant 0 : i32
        %get3A_154 = arith.constant 16 : i32
        %get3A_155 = arith.index_cast %get3A_153 : i32 to index
        %get3A_156 = arith.index_cast %get3A_154 : i32 to index
        %get3A_157 = arith.index_cast %mul3A_89 : i32 to index
        %get3A_158 = tpu.vector_load %arg5[%get3A_155, %get3A_156, %get3A_157] {strides = array<i32>} : memref<2x128x256xf32, #tpu.memory_space<vmem>>, vector<1x1x16xf32>,
        %get3A_159 = vector.shape_cast %get3A_158 : vector<1x1x16xf32> to vector<16xf32>
        %mul3A_160 = arith.mulf %get3A_159, %get3A_102 : vector<16xf32>
        %add3A_161 = arith.addf %mul3A_152, %mul3A_160 : vector<16xf32>
        %get3A_162 = arith.constant 0 : i32
        %get3A_163 = arith.constant 32 : i32
        %get3A_164 = arith.index_cast %get3A_162 : i32 to index
        %get3A_165 = arith.index_cast %get3A_163 : i32 to index
        %get3A_166 = arith.index_cast %mul3A_89 : i32 to index
        %get3A_167 = tpu.vector_load %arg5[%get3A_164, %get3A_165, %get3A_166] {strides = array<i32>} : memref<2x128x256xf32, #tpu.memory_space<vmem>>, vector<1x1x16xf32>,
        %get3A_168 = vector.shape_cast %get3A_167 : vector<1x1x16xf32> to vector<16xf32>
        %mul3A_169 = arith.mulf %get3A_168, %get3A_109 : vector<16xf32>
        %add3A_170 = arith.addf %add3A_161, %mul3A_169 : vector<16xf32>
        %get3A_171 = arith.constant 0 : i32
        %get3A_172 = arith.constant 48 : i32
        %get3A_173 = arith.index_cast %get3A_171 : i32 to index
        %get3A_174 = arith.index_cast %get3A_172 : i32 to index
        %get3A_175 = arith.index_cast %mul3A_89 : i32 to index
        %get3A_176 = tpu.vector_load %arg5[%get3A_173, %get3A_174, %get3A_175] {strides = array<i32>} : memref<2x128x256xf32, #tpu.memory_space<vmem>>, vector<1x1x16xf32>,
        %get3A_177 = vector.shape_cast %get3A_176 : vector<1x1x16xf32> to vector<16xf32>
        %mul3A_178 = arith.mulf %get3A_177, %get3A_116 : vector<16xf32>
        %add3A_179 = arith.addf %add3A_170, %mul3A_178 : vector<16xf32>
        %get3A_180 = arith.constant 0 : i32
        %get3A_181 = arith.constant 64 : i32
        %get3A_182 = arith.index_cast %get3A_180 : i32 to index
        %get3A_183 = arith.index_cast %get3A_181 : i32 to index
        %get3A_184 = arith.index_cast %mul3A_89 : i32 to index
        %get3A_185 = tpu.vector_load %arg5[%get3A_182, %get3A_183, %get3A_184] {strides = array<i32>} : memref<2x128x256xf32, #tpu.memory_space<vmem>>, vector<1x1x16xf32>,
        %get3A_186 = vector.shape_cast %get3A_185 : vector<1x1x16xf32> to vector<16xf32>
        %mul3A_187 = arith.mulf %get3A_186, %get3A_123 : vector<16xf32>
        %add3A_188 = arith.addf %add3A_179, %mul3A_187 : vector<16xf32>
        %get3A_189 = arith.constant 0 : i32
        %get3A_190 = arith.constant 80 : i32
        %get3A_191 = arith.index_cast %get3A_189 : i32 to index
        %get3A_192 = arith.index_cast %get3A_190 : i32 to index
        %get3A_193 = arith.index_cast %mul3A_89 : i32 to index
        %get3A_194 = tpu.vector_load %arg5[%get3A_191, %get3A_192, %get3A_193] {strides = array<i32>} : memref<2x128x256xf32, #tpu.memory_space<vmem>>, vector<1x1x16xf32>,
        %get3A_195 = vector.shape_cast %get3A_194 : vector<1x1x16xf32> to vector<16xf32>
        %mul3A_196 = arith.mulf %get3A_195, %get3A_130 : vector<16xf32>
        %add3A_197 = arith.addf %add3A_188, %mul3A_196 : vector<16xf32>
        %get3A_198 = arith.constant 0 : i32
        %get3A_199 = arith.constant 96 : i32
        %get3A_200 = arith.index_cast %get3A_198 : i32 to index
        %get3A_201 = arith.index_cast %get3A_199 : i32 to index
        %get3A_202 = arith.index_cast %mul3A_89 : i32 to index
        %get3A_203 = tpu.vector_load %arg5[%get3A_200, %get3A_201, %get3A_202] {strides = array<i32>} : memref<2x128x256xf32, #tpu.memory_space<vmem>>, vector<1x1x16xf32>,
        %get3A_204 = vector.shape_cast %get3A_203 : vector<1x1x16xf32> to vector<16xf32>
        %mul3A_205 = arith.mulf %get3A_204, %get3A_137 : vector<16xf32>
        %add3A_206 = arith.addf %add3A_197, %mul3A_205 : vector<16xf32>
        %get3A_207 = arith.constant 0 : i32
        %get3A_208 = arith.constant 112 : i32
        %get3A_209 = arith.index_cast %get3A_207 : i32 to index
        %get3A_210 = arith.index_cast %get3A_208 : i32 to index
        %get3A_211 = arith.index_cast %mul3A_89 : i32 to index
        %get3A_212 = tpu.vector_load %arg5[%get3A_209, %get3A_210, %get3A_211] {strides = array<i32>} : memref<2x128x256xf32, #tpu.memory_space<vmem>>, vector<1x1x16xf32>,
        %get3A_213 = vector.shape_cast %get3A_212 : vector<1x1x16xf32> to vector<16xf32>
        %mul3A_214 = arith.mulf %get3A_213, %get3A_144 : vector<16xf32>
        %add3A_215 = arith.addf %add3A_206, %mul3A_214 : vector<16xf32>
        %swap3A = arith.constant 0 : i32
        %swap3A_216 = arith.index_cast %swap3A : i32 to index
        %swap3A_217 = arith.index_cast %mul3A_89 : i32 to index
        %swap3A_218 = tpu.vector_load %arg7[%swap3A_216, %swap3A_217] {strides = array<i32>} : memref<16x256xf32, #tpu.memory_space<vmem>>, vector<1x16xf32>,
        %swap3A_219 = vector.shape_cast %swap3A_218 : vector<1x16xf32> to vector<16xf32>
        %swap3A_220 = vector.shape_cast %add3A_215 : vector<16xf32> to vector<1x16xf32>
        tpu.vector_store %arg7[%swap3A_216, %swap3A_217], %swap3A_220 {add = true, strides = array<i32>} : memref<16x256xf32, #tpu.memory_space<vmem>>, vector<1x16xf32>,
        %get3A_221 = arith.constant 0 : i32
        %get3A_222 = arith.constant 1 : i32
        %get3A_223 = arith.index_cast %get3A_221 : i32 to index
        %get3A_224 = arith.index_cast %get3A_222 : i32 to index
        %get3A_225 = arith.index_cast %mul3A_89 : i32 to index
        %get3A_226 = tpu.vector_load %arg5[%get3A_223, %get3A_224, %get3A_225] {strides = array<i32>} : memref<2x128x256xf32, #tpu.memory_space<vmem>>, vector<1x1x16xf32>,
        %get3A_227 = vector.shape_cast %get3A_226 : vector<1x1x16xf32> to vector<16xf32>
        %mul3A_228 = arith.mulf %get3A_227, %get3A_95 : vector<16xf32>
        %get3A_229 = arith.constant 0 : i32
        %get3A_230 = arith.constant 17 : i32
        %get3A_231 = arith.index_cast %get3A_229 : i32 to index
        %get3A_232 = arith.index_cast %get3A_230 : i32 to index
        %get3A_233 = arith.index_cast %mul3A_89 : i32 to index
        %get3A_234 = tpu.vector_load %arg5[%get3A_231, %get3A_232, %get3A_233] {strides = array<i32>} : memref<2x128x256xf32, #tpu.memory_space<vmem>>, vector<1x1x16xf32>,
        %get3A_235 = vector.shape_cast %get3A_234 : vector<1x1x16xf32> to vector<16xf32>
        %mul3A_236 = arith.mulf %get3A_235, %get3A_102 : vector<16xf32>
        %add3A_237 = arith.addf %mul3A_228, %mul3A_236 : vector<16xf32>
        %get3A_238 = arith.constant 0 : i32
        %get3A_239 = arith.constant 33 : i32
        %get3A_240 = arith.index_cast %get3A_238 : i32 to index
        %get3A_241 = arith.index_cast %get3A_239 : i32 to index
        %get3A_242 = arith.index_cast %mul3A_89 : i32 to index
        %get3A_243 = tpu.vector_load %arg5[%get3A_240, %get3A_241, %get3A_242] {strides = array<i32>} : memref<2x128x256xf32, #tpu.memory_space<vmem>>, vector<1x1x16xf32>,
        %get3A_244 = vector.shape_cast %get3A_243 : vector<1x1x16xf32> to vector<16xf32>
        %mul3A_245 = arith.mulf %get3A_244, %get3A_109 : vector<16xf32>
        %add3A_246 = arith.addf %add3A_237, %mul3A_245 : vector<16xf32>
        %get3A_247 = arith.constant 0 : i32
        %get3A_248 = arith.constant 49 : i32
        %get3A_249 = arith.index_cast %get3A_247 : i32 to index
        %get3A_250 = arith.index_cast %get3A_248 : i32 to index
        %get3A_251 = arith.index_cast %mul3A_89 : i32 to index
        %get3A_252 = tpu.vector_load %arg5[%get3A_249, %get3A_250, %get3A_251] {strides = array<i32>} : memref<2x128x256xf32, #tpu.memory_space<vmem>>, vector<1x1x16xf32>,
        %get3A_253 = vector.shape_cast %get3A_252 : vector<1x1x16xf32> to vector<16xf32>
        %mul3A_254 = arith.mulf %get3A_253, %get3A_116 : vector<16xf32>
        %add3A_255 = arith.addf %add3A_246, %mul3A_254 : vector<16xf32>
        %get3A_256 = arith.constant 0 : i32
        %get3A_257 = arith.constant 65 : i32
        %get3A_258 = arith.index_cast %get3A_256 : i32 to index
        %get3A_259 = arith.index_cast %get3A_257 : i32 to index
        %get3A_260 = arith.index_cast %mul3A_89 : i32 to index
        %get3A_261 = tpu.vector_load %arg5[%get3A_258, %get3A_259, %get3A_260] {strides = array<i32>} : memref<2x128x256xf32, #tpu.memory_space<vmem>>, vector<1x1x16xf32>,
        %get3A_262 = vector.shape_cast %get3A_261 : vector<1x1x16xf32> to vector<16xf32>
        %mul3A_263 = arith.mulf %get3A_262, %get3A_123 : vector<16xf32>
        %add3A_264 = arith.addf %add3A_255, %mul3A_263 : vector<16xf32>
        %get3A_265 = arith.constant 0 : i32
        %get3A_266 = arith.constant 81 : i32
        %get3A_267 = arith.index_cast %get3A_265 : i32 to index
        %get3A_268 = arith.index_cast %get3A_266 : i32 to index
        %get3A_269 = arith.index_cast %mul3A_89 : i32 to index
        %get3A_270 = tpu.vector_load %arg5[%get3A_267, %get3A_268, %get3A_269] {strides = array<i32>} : memref<2x128x256xf32, #tpu.memory_space<vmem>>, vector<1x1x16xf32>,
        %get3A_271 = vector.shape_cast %get3A_270 : vector<1x1x16xf32> to vector<16xf32>
        %mul3A_272 = arith.mulf %get3A_271, %get3A_130 : vector<16xf32>
        %add3A_273 = arith.addf %add3A_264, %mul3A_272 : vector<16xf32>
        %get3A_274 = arith.constant 0 : i32
        %get3A_275 = arith.constant 97 : i32
        %get3A_276 = arith.index_cast %get3A_274 : i32 to index
        %get3A_277 = arith.index_cast %get3A_275 : i32 to index
        %get3A_278 = arith.index_cast %mul3A_89 : i32 to index
        %get3A_279 = tpu.vector_load %arg5[%get3A_276, %get3A_277, %get3A_278] {strides = array<i32>} : memref<2x128x256xf32, #tpu.memory_space<vmem>>, vector<1x1x16xf32>,
        %get3A_280 = vector.shape_cast %get3A_279 : vector<1x1x16xf32> to vector<16xf32>
        %mul3A_281 = arith.mulf %get3A_280, %get3A_137 : vector<16xf32>
        %add3A_282 = arith.addf %add3A_273, %mul3A_281 : vector<16xf32>
        %get3A_283 = arith.constant 0 : i32
        %get3A_284 = arith.constant 113 : i32
        %get3A_285 = arith.index_cast %get3A_283 : i32 to index
        %get3A_286 = arith.index_cast %get3A_284 : i32 to index
        %get3A_287 = arith.index_cast %mul3A_89 : i32 to index
        %get3A_288 = tpu.vector_load %arg5[%get3A_285, %get3A_286, %get3A_287] {strides = array<i32>} : memref<2x128x256xf32, #tpu.memory_space<vmem>>, vector<1x1x16xf32>,
        %get3A_289 = vector.shape_cast %get3A_288 : vector<1x1x16xf32> to vector<16xf32>
        %mul3A_290 = arith.mulf %get3A_289, %get3A_144 : vector<16xf32>
        %add3A_291 = arith.addf %add3A_282, %mul3A_290 : vector<16xf32>
        %swap3A_292 = arith.constant 1 : i32
        %swap3A_293 = arith.index_cast %swap3A_292 : i32 to index
        %swap3A_294 = arith.index_cast %mul3A_89 : i32 to index
        %swap3A_295 = tpu.vector_load %arg7[%swap3A_293, %swap3A_294] {strides = array<i32>} : memref<16x256xf32, #tpu.memory_space<vmem>>, vector<1x16xf32>,
        %swap3A_296 = vector.shape_cast %swap3A_295 : vector<1x16xf32> to vector<16xf32>
        %swap3A_297 = vector.shape_cast %add3A_291 : vector<16xf32> to vector<1x16xf32>
        tpu.vector_store %arg7[%swap3A_293, %swap3A_294], %swap3A_297 {add = true, strides = array<i32>} : memref<16x256xf32, #tpu.memory_space<vmem>>, vector<1x16xf32>,
        %get3A_298 = arith.constant 0 : i32
        %get3A_299 = arith.constant 2 : i32
        %get3A_300 = arith.index_cast %get3A_298 : i32 to index
        %get3A_301 = arith.index_cast %get3A_299 : i32 to index
        %get3A_302 = arith.index_cast %mul3A_89 : i32 to index
        %get3A_303 = tpu.vector_load %arg5[%get3A_300, %get3A_301, %get3A_302] {strides = array<i32>} : memref<2x128x256xf32, #tpu.memory_space<vmem>>, vector<1x1x16xf32>,
        %get3A_304 = vector.shape_cast %get3A_303 : vector<1x1x16xf32> to vector<16xf32>
        %mul3A_305 = arith.mulf %get3A_304, %get3A_95 : vector<16xf32>
        %get3A_306 = arith.constant 0 : i32
        %get3A_307 = arith.constant 18 : i32
        %get3A_308 = arith.index_cast %get3A_306 : i32 to index
        %get3A_309 = arith.index_cast %get3A_307 : i32 to index
        %get3A_310 = arith.index_cast %mul3A_89 : i32 to index
        %get3A_311 = tpu.vector_load %arg5[%get3A_308, %get3A_309, %get3A_310] {strides = array<i32>} : memref<2x128x256xf32, #tpu.memory_space<vmem>>, vector<1x1x16xf32>,
        %get3A_312 = vector.shape_cast %get3A_311 : vector<1x1x16xf32> to vector<16xf32>
        %mul3A_313 = arith.mulf %get3A_312, %get3A_102 : vector<16xf32>
        %add3A_314 = arith.addf %mul3A_305, %mul3A_313 : vector<16xf32>
        %get3A_315 = arith.constant 0 : i32
        %get3A_316 = arith.constant 34 : i32
        %get3A_317 = arith.index_cast %get3A_315 : i32 to index
        %get3A_318 = arith.index_cast %get3A_316 : i32 to index
        %get3A_319 = arith.index_cast %mul3A_89 : i32 to index
        %get3A_320 = tpu.vector_load %arg5[%get3A_317, %get3A_318, %get3A_319] {strides = array<i32>} : memref<2x128x256xf32, #tpu.memory_space<vmem>>, vector<1x1x16xf32>,
        %get3A_321 = vector.shape_cast %get3A_320 : vector<1x1x16xf32> to vector<16xf32>
        %mul3A_322 = arith.mulf %get3A_321, %get3A_109 : vector<16xf32>
        %add3A_323 = arith.addf %add3A_314, %mul3A_322 : vector<16xf32>
        %get3A_324 = arith.constant 0 : i32
        %get3A_325 = arith.constant 50 : i32
        %get3A_326 = arith.index_cast %get3A_324 : i32 to index
        %get3A_327 = arith.index_cast %get3A_325 : i32 to index
        %get3A_328 = arith.index_cast %mul3A_89 : i32 to index
        %get3A_329 = tpu.vector_load %arg5[%get3A_326, %get3A_327, %get3A_328] {strides = array<i32>} : memref<2x128x256xf32, #tpu.memory_space<vmem>>, vector<1x1x16xf32>,
        %get3A_330 = vector.shape_cast %get3A_329 : vector<1x1x16xf32> to vector<16xf32>
        %mul3A_331 = arith.mulf %get3A_330, %get3A_116 : vector<16xf32>
        %add3A_332 = arith.addf %add3A_323, %mul3A_331 : vector<16xf32>
        %get3A_333 = arith.constant 0 : i32
        %get3A_334 = arith.constant 66 : i32
        %get3A_335 = arith.index_cast %get3A_333 : i32 to index
        %get3A_336 = arith.index_cast %get3A_334 : i32 to index
        %get3A_337 = arith.index_cast %mul3A_89 : i32 to index
        %get3A_338 = tpu.vector_load %arg5[%get3A_335, %get3A_336, %get3A_337] {strides = array<i32>} : memref<2x128x256xf32, #tpu.memory_space<vmem>>, vector<1x1x16xf32>,
        %get3A_339 = vector.shape_cast %get3A_338 : vector<1x1x16xf32> to vector<16xf32>
        %mul3A_340 = arith.mulf %get3A_339, %get3A_123 : vector<16xf32>
        %add3A_341 = arith.addf %add3A_332, %mul3A_340 : vector<16xf32>
        %get3A_342 = arith.constant 0 : i32
        %get3A_343 = arith.constant 82 : i32
        %get3A_344 = arith.index_cast %get3A_342 : i32 to index
        %get3A_345 = arith.index_cast %get3A_343 : i32 to index
        %get3A_346 = arith.index_cast %mul3A_89 : i32 to index
        %get3A_347 = tpu.vector_load %arg5[%get3A_344, %get3A_345, %get3A_346] {strides = array<i32>} : memref<2x128x256xf32, #tpu.memory_space<vmem>>, vector<1x1x16xf32>,
        %get3A_348 = vector.shape_cast %get3A_347 : vector<1x1x16xf32> to vector<16xf32>
        %mul3A_349 = arith.mulf %get3A_348, %get3A_130 : vector<16xf32>
        %add3A_350 = arith.addf %add3A_341, %mul3A_349 : vector<16xf32>
        %get3A_351 = arith.constant 0 : i32
        %get3A_352 = arith.constant 98 : i32
        %get3A_353 = arith.index_cast %get3A_351 : i32 to index
        %get3A_354 = arith.index_cast %get3A_352 : i32 to index
        %get3A_355 = arith.index_cast %mul3A_89 : i32 to index
        %get3A_356 = tpu.vector_load %arg5[%get3A_353, %get3A_354, %get3A_355] {strides = array<i32>} : memref<2x128x256xf32, #tpu.memory_space<vmem>>, vector<1x1x16xf32>,
        %get3A_357 = vector.shape_cast %get3A_356 : vector<1x1x16xf32> to vector<16xf32>
        %mul3A_358 = arith.mulf %get3A_357, %get3A_137 : vector<16xf32>
        %add3A_359 = arith.addf %add3A_350, %mul3A_358 : vector<16xf32>
        %get3A_360 = arith.constant 0 : i32
        %get3A_361 = arith.constant 114 : i32
        %get3A_362 = arith.index_cast %get3A_360 : i32 to index
        %get3A_363 = arith.index_cast %get3A_361 : i32 to index
        %get3A_364 = arith.index_cast %mul3A_89 : i32 to index
        %get3A_365 = tpu.vector_load %arg5[%get3A_362, %get3A_363, %get3A_364] {strides = array<i32>} : memref<2x128x256xf32, #tpu.memory_space<vmem>>, vector<1x1x16xf32>,
        %get3A_366 = vector.shape_cast %get3A_365 : vector<1x1x16xf32> to vector<16xf32>
        %mul3A_367 = arith.mulf %get3A_366, %get3A_144 : vector<16xf32>
        %add3A_368 = arith.addf %add3A_359, %mul3A_367 : vector<16xf32>
        %swap3A_369 = arith.constant 2 : i32
        %swap3A_370 = arith.index_cast %swap3A_369 : i32 to index
        %swap3A_371 = arith.index_cast %mul3A_89 : i32 to index
        %swap3A_372 = tpu.vector_load %arg7[%swap3A_370, %swap3A_371] {strides = array<i32>} : memref<16x256xf32, #tpu.memory_space<vmem>>, vector<1x16xf32>,
        %swap3A_373 = vector.shape_cast %swap3A_372 : vector<1x16xf32> to vector<16xf32>
        %swap3A_374 = vector.shape_cast %add3A_368 : vector<16xf32> to vector<1x16xf32>
        tpu.vector_store %arg7[%swap3A_370, %swap3A_371], %swap3A_374 {add = true, strides = array<i32>} : memref<16x256xf32, #tpu.memory_space<vmem>>, vector<1x16xf32>,
        %get3A_375 = arith.constant 0 : i32
        %get3A_376 = arith.constant 3 : i32
        %get3A_377 = arith.index_cast %get3A_375 : i32 to index
        %get3A_378 = arith.index_cast %get3A_376 : i32 to index
        %get3A_379 = arith.index_cast %mul3A_89 : i32 to index
        %get3A_380 = tpu.vector_load %arg5[%get3A_377, %get3A_378, %get3A_379] {strides = array<i32>} : memref<2x128x256xf32, #tpu.memory_space<vmem>>, vector<1x1x16xf32>,
        %get3A_381 = vector.shape_cast %get3A_380 : vector<1x1x16xf32> to vector<16xf32>
        %mul3A_382 = arith.mulf %get3A_381, %get3A_95 : vector<16xf32>
        %get3A_383 = arith.constant 0 : i32
        %get3A_384 = arith.constant 19 : i32
        %get3A_385 = arith.index_cast %get3A_383 : i32 to index
        %get3A_386 = arith.index_cast %get3A_384 : i32 to index
        %get3A_387 = arith.index_cast %mul3A_89 : i32 to index
        %get3A_388 = tpu.vector_load %arg5[%get3A_385, %get3A_386, %get3A_387] {strides = array<i32>} : memref<2x128x256xf32, #tpu.memory_space<vmem>>, vector<1x1x16xf32>,
        %get3A_389 = vector.shape_cast %get3A_388 : vector<1x1x16xf32> to vector<16xf32>
        %mul3A_390 = arith.mulf %get3A_389, %get3A_102 : vector<16xf32>
        %add3A_391 = arith.addf %mul3A_382, %mul3A_390 : vector<16xf32>
        %get3A_392 = arith.constant 0 : i32
        %get3A_393 = arith.constant 35 : i32
        %get3A_394 = arith.index_cast %get3A_392 : i32 to index
        %get3A_395 = arith.index_cast %get3A_393 : i32 to index
        %get3A_396 = arith.index_cast %mul3A_89 : i32 to index
        %get3A_397 = tpu.vector_load %arg5[%get3A_394, %get3A_395, %get3A_396] {strides = array<i32>} : memref<2x128x256xf32, #tpu.memory_space<vmem>>, vector<1x1x16xf32>,
        %get3A_398 = vector.shape_cast %get3A_397 : vector<1x1x16xf32> to vector<16xf32>
        %mul3A_399 = arith.mulf %get3A_398, %get3A_109 : vector<16xf32>
        %add3A_400 = arith.addf %add3A_391, %mul3A_399 : vector<16xf32>
        %get3A_401 = arith.constant 0 : i32
        %get3A_402 = arith.constant 51 : i32
        %get3A_403 = arith.index_cast %get3A_401 : i32 to index
        %get3A_404 = arith.index_cast %get3A_402 : i32 to index
        %get3A_405 = arith.index_cast %mul3A_89 : i32 to index
        %get3A_406 = tpu.vector_load %arg5[%get3A_403, %get3A_404, %get3A_405] {strides = array<i32>} : memref<2x128x256xf32, #tpu.memory_space<vmem>>, vector<1x1x16xf32>,
        %get3A_407 = vector.shape_cast %get3A_406 : vector<1x1x16xf32> to vector<16xf32>
        %mul3A_408 = arith.mulf %get3A_407, %get3A_116 : vector<16xf32>
        %add3A_409 = arith.addf %add3A_400, %mul3A_408 : vector<16xf32>
        %get3A_410 = arith.constant 0 : i32
        %get3A_411 = arith.constant 67 : i32
        %get3A_412 = arith.index_cast %get3A_410 : i32 to index
        %get3A_413 = arith.index_cast %get3A_411 : i32 to index
        %get3A_414 = arith.index_cast %mul3A_89 : i32 to index
        %get3A_415 = tpu.vector_load %arg5[%get3A_412, %get3A_413, %get3A_414] {strides = array<i32>} : memref<2x128x256xf32, #tpu.memory_space<vmem>>, vector<1x1x16xf32>,
        %get3A_416 = vector.shape_cast %get3A_415 : vector<1x1x16xf32> to vector<16xf32>
        %mul3A_417 = arith.mulf %get3A_416, %get3A_123 : vector<16xf32>
        %add3A_418 = arith.addf %add3A_409, %mul3A_417 : vector<16xf32>
        %get3A_419 = arith.constant 0 : i32
        %get3A_420 = arith.constant 83 : i32
        %get3A_421 = arith.index_cast %get3A_419 : i32 to index
        %get3A_422 = arith.index_cast %get3A_420 : i32 to index
        %get3A_423 = arith.index_cast %mul3A_89 : i32 to index
        %get3A_424 = tpu.vector_load %arg5[%get3A_421, %get3A_422, %get3A_423] {strides = array<i32>} : memref<2x128x256xf32, #tpu.memory_space<vmem>>, vector<1x1x16xf32>,
        %get3A_425 = vector.shape_cast %get3A_424 : vector<1x1x16xf32> to vector<16xf32>
        %mul3A_426 = arith.mulf %get3A_425, %get3A_130 : vector<16xf32>
        %add3A_427 = arith.addf %add3A_418, %mul3A_426 : vector<16xf32>
        %get3A_428 = arith.constant 0 : i32
        %get3A_429 = arith.constant 99 : i32
        %get3A_430 = arith.index_cast %get3A_428 : i32 to index
        %get3A_431 = arith.index_cast %get3A_429 : i32 to index
        %get3A_432 = arith.index_cast %mul3A_89 : i32 to index
        %get3A_433 = tpu.vector_load %arg5[%get3A_430, %get3A_431, %get3A_432] {strides = array<i32>} : memref<2x128x256xf32, #tpu.memory_space<vmem>>, vector<1x1x16xf32>,
        %get3A_434 = vector.shape_cast %get3A_433 : vector<1x1x16xf32> to vector<16xf32>
        %mul3A_435 = arith.mulf %get3A_434, %get3A_137 : vector<16xf32>
        %add3A_436 = arith.addf %add3A_427, %mul3A_435 : vector<16xf32>
        %get3A_437 = arith.constant 0 : i32
        %get3A_438 = arith.constant 115 : i32
        %get3A_439 = arith.index_cast %get3A_437 : i32 to index
        %get3A_440 = arith.index_cast %get3A_438 : i32 to index
        %get3A_441 = arith.index_cast %mul3A_89 : i32 to index
        %get3A_442 = tpu.vector_load %arg5[%get3A_439, %get3A_440, %get3A_441] {strides = array<i32>} : memref<2x128x256xf32, #tpu.memory_space<vmem>>, vector<1x1x16xf32>,
        %get3A_443 = vector.shape_cast %get3A_442 : vector<1x1x16xf32> to vector<16xf32>
        %mul3A_444 = arith.mulf %get3A_443, %get3A_144 : vector<16xf32>
        %add3A_445 = arith.addf %add3A_436, %mul3A_444 : vector<16xf32>
        %swap3A_446 = arith.constant 3 : i32
        %swap3A_447 = arith.index_cast %swap3A_446 : i32 to index
        %swap3A_448 = arith.index_cast %mul3A_89 : i32 to index
        %swap3A_449 = tpu.vector_load %arg7[%swap3A_447, %swap3A_448] {strides = array<i32>} : memref<16x256xf32, #tpu.memory_space<vmem>>, vector<1x16xf32>,
        %swap3A_450 = vector.shape_cast %swap3A_449 : vector<1x16xf32> to vector<16xf32>
        %swap3A_451 = vector.shape_cast %add3A_445 : vector<16xf32> to vector<1x16xf32>
        tpu.vector_store %arg7[%swap3A_447, %swap3A_448], %swap3A_451 {add = true, strides = array<i32>} : memref<16x256xf32, #tpu.memory_space<vmem>>, vector<1x16xf32>,
        %get3A_452 = arith.constant 0 : i32
        %get3A_453 = arith.constant 4 : i32
        %get3A_454 = arith.index_cast %get3A_452 : i32 to index
        %get3A_455 = arith.index_cast %get3A_453 : i32 to index
        %get3A_456 = arith.index_cast %mul3A_89 : i32 to index
        %get3A_457 = tpu.vector_load %arg5[%get3A_454, %get3A_455, %get3A_456] {strides = array<i32>} : memref<2x128x256xf32, #tpu.memory_space<vmem>>, vector<1x1x16xf32>,
        %get3A_458 = vector.shape_cast %get3A_457 : vector<1x1x16xf32> to vector<16xf32>
        %mul3A_459 = arith.mulf %get3A_458, %get3A_95 : vector<16xf32>
        %get3A_460 = arith.constant 0 : i32
        %get3A_461 = arith.constant 20 : i32
        %get3A_462 = arith.index_cast %get3A_460 : i32 to index
        %get3A_463 = arith.index_cast %get3A_461 : i32 to index
        %get3A_464 = arith.index_cast %mul3A_89 : i32 to index
        %get3A_465 = tpu.vector_load %arg5[%get3A_462, %get3A_463, %get3A_464] {strides = array<i32>} : memref<2x128x256xf32, #tpu.memory_space<vmem>>, vector<1x1x16xf32>,
        %get3A_466 = vector.shape_cast %get3A_465 : vector<1x1x16xf32> to vector<16xf32>
        %mul3A_467 = arith.mulf %get3A_466, %get3A_102 : vector<16xf32>
        %add3A_468 = arith.addf %mul3A_459, %mul3A_467 : vector<16xf32>
        %get3A_469 = arith.constant 0 : i32
        %get3A_470 = arith.constant 36 : i32
        %get3A_471 = arith.index_cast %get3A_469 : i32 to index
        %get3A_472 = arith.index_cast %get3A_470 : i32 to index
        %get3A_473 = arith.index_cast %mul3A_89 : i32 to index
        %get3A_474 = tpu.vector_load %arg5[%get3A_471, %get3A_472, %get3A_473] {strides = array<i32>} : memref<2x128x256xf32, #tpu.memory_space<vmem>>, vector<1x1x16xf32>,
        %get3A_475 = vector.shape_cast %get3A_474 : vector<1x1x16xf32> to vector<16xf32>
        %mul3A_476 = arith.mulf %get3A_475, %get3A_109 : vector<16xf32>
        %add3A_477 = arith.addf %add3A_468, %mul3A_476 : vector<16xf32>
        %get3A_478 = arith.constant 0 : i32
        %get3A_479 = arith.constant 52 : i32
        %get3A_480 = arith.index_cast %get3A_478 : i32 to index
        %get3A_481 = arith.index_cast %get3A_479 : i32 to index
        %get3A_482 = arith.index_cast %mul3A_89 : i32 to index
        %get3A_483 = tpu.vector_load %arg5[%get3A_480, %get3A_481, %get3A_482] {strides = array<i32>} : memref<2x128x256xf32, #tpu.memory_space<vmem>>, vector<1x1x16xf32>,
        %get3A_484 = vector.shape_cast %get3A_483 : vector<1x1x16xf32> to vector<16xf32>
        %mul3A_485 = arith.mulf %get3A_484, %get3A_116 : vector<16xf32>
        %add3A_486 = arith.addf %add3A_477, %mul3A_485 : vector<16xf32>
        %get3A_487 = arith.constant 0 : i32
        %get3A_488 = arith.constant 68 : i32
        %get3A_489 = arith.index_cast %get3A_487 : i32 to index
        %get3A_490 = arith.index_cast %get3A_488 : i32 to index
        %get3A_491 = arith.index_cast %mul3A_89 : i32 to index
        %get3A_492 = tpu.vector_load %arg5[%get3A_489, %get3A_490, %get3A_491] {strides = array<i32>} : memref<2x128x256xf32, #tpu.memory_space<vmem>>, vector<1x1x16xf32>,
        %get3A_493 = vector.shape_cast %get3A_492 : vector<1x1x16xf32> to vector<16xf32>
        %mul3A_494 = arith.mulf %get3A_493, %get3A_123 : vector<16xf32>
        %add3A_495 = arith.addf %add3A_486, %mul3A_494 : vector<16xf32>
        %get3A_496 = arith.constant 0 : i32
        %get3A_497 = arith.constant 84 : i32
        %get3A_498 = arith.index_cast %get3A_496 : i32 to index
        %get3A_499 = arith.index_cast %get3A_497 : i32 to index
        %get3A_500 = arith.index_cast %mul3A_89 : i32 to index
        %get3A_501 = tpu.vector_load %arg5[%get3A_498, %get3A_499, %get3A_500] {strides = array<i32>} : memref<2x128x256xf32, #tpu.memory_space<vmem>>, vector<1x1x16xf32>,
        %get3A_502 = vector.shape_cast %get3A_501 : vector<1x1x16xf32> to vector<16xf32>
        %mul3A_503 = arith.mulf %get3A_502, %get3A_130 : vector<16xf32>
        %add3A_504 = arith.addf %add3A_495, %mul3A_503 : vector<16xf32>
        %get3A_505 = arith.constant 0 : i32
        %get3A_506 = arith.constant 100 : i32
        %get3A_507 = arith.index_cast %get3A_505 : i32 to index
        %get3A_508 = arith.index_cast %get3A_506 : i32 to index
        %get3A_509 = arith.index_cast %mul3A_89 : i32 to index
        %get3A_510 = tpu.vector_load %arg5[%get3A_507, %get3A_508, %get3A_509] {strides = array<i32>} : memref<2x128x256xf32, #tpu.memory_space<vmem>>, vector<1x1x16xf32>,
        %get3A_511 = vector.shape_cast %get3A_510 : vector<1x1x16xf32> to vector<16xf32>
        %mul3A_512 = arith.mulf %get3A_511, %get3A_137 : vector<16xf32>
        %add3A_513 = arith.addf %add3A_504, %mul3A_512 : vector<16xf32>
        %get3A_514 = arith.constant 0 : i32
        %get3A_515 = arith.constant 116 : i32
        %get3A_516 = arith.index_cast %get3A_514 : i32 to index
        %get3A_517 = arith.index_cast %get3A_515 : i32 to index
        %get3A_518 = arith.index_cast %mul3A_89 : i32 to index
        %get3A_519 = tpu.vector_load %arg5[%get3A_516, %get3A_517, %get3A_518] {strides = array<i32>} : memref<2x128x256xf32, #tpu.memory_space<vmem>>, vector<1x1x16xf32>,
        %get3A_520 = vector.shape_cast %get3A_519 : vector<1x1x16xf32> to vector<16xf32>
        %mul3A_521 = arith.mulf %get3A_520, %get3A_144 : vector<16xf32>
        %add3A_522 = arith.addf %add3A_513, %mul3A_521 : vector<16xf32>
        %swap3A_523 = arith.constant 4 : i32
        %swap3A_524 = arith.index_cast %swap3A_523 : i32 to index
        %swap3A_525 = arith.index_cast %mul3A_89 : i32 to index
        %swap3A_526 = tpu.vector_load %arg7[%swap3A_524, %swap3A_525] {strides = array<i32>} : memref<16x256xf32, #tpu.memory_space<vmem>>, vector<1x16xf32>,
        %swap3A_527 = vector.shape_cast %swap3A_526 : vector<1x16xf32> to vector<16xf32>
        %swap3A_528 = vector.shape_cast %add3A_522 : vector<16xf32> to vector<1x16xf32>
        tpu.vector_store %arg7[%swap3A_524, %swap3A_525], %swap3A_528 {add = true, strides = array<i32>} : memref<16x256xf32, #tpu.memory_space<vmem>>, vector<1x16xf32>,
        %get3A_529 = arith.constant 0 : i32
        %get3A_530 = arith.constant 5 : i32
        %get3A_531 = arith.index_cast %get3A_529 : i32 to index
        %get3A_532 = arith.index_cast %get3A_530 : i32 to index
        %get3A_533 = arith.index_cast %mul3A_89 : i32 to index
        %get3A_534 = tpu.vector_load %arg5[%get3A_531, %get3A_532, %get3A_533] {strides = array<i32>} : memref<2x128x256xf32, #tpu.memory_space<vmem>>, vector<1x1x16xf32>,
        %get3A_535 = vector.shape_cast %get3A_534 : vector<1x1x16xf32> to vector<16xf32>
        %mul3A_536 = arith.mulf %get3A_535, %get3A_95 : vector<16xf32>
        %get3A_537 = arith.constant 0 : i32
        %get3A_538 = arith.constant 21 : i32
        %get3A_539 = arith.index_cast %get3A_537 : i32 to index
        %get3A_540 = arith.index_cast %get3A_538 : i32 to index
        %get3A_541 = arith.index_cast %mul3A_89 : i32 to index
        %get3A_542 = tpu.vector_load %arg5[%get3A_539, %get3A_540, %get3A_541] {strides = array<i32>} : memref<2x128x256xf32, #tpu.memory_space<vmem>>, vector<1x1x16xf32>,
        %get3A_543 = vector.shape_cast %get3A_542 : vector<1x1x16xf32> to vector<16xf32>
        %mul3A_544 = arith.mulf %get3A_543, %get3A_102 : vector<16xf32>
        %add3A_545 = arith.addf %mul3A_536, %mul3A_544 : vector<16xf32>
        %get3A_546 = arith.constant 0 : i32
        %get3A_547 = arith.constant 37 : i32
        %get3A_548 = arith.index_cast %get3A_546 : i32 to index
        %get3A_549 = arith.index_cast %get3A_547 : i32 to index
        %get3A_550 = arith.index_cast %mul3A_89 : i32 to index
        %get3A_551 = tpu.vector_load %arg5[%get3A_548, %get3A_549, %get3A_550] {strides = array<i32>} : memref<2x128x256xf32, #tpu.memory_space<vmem>>, vector<1x1x16xf32>,
        %get3A_552 = vector.shape_cast %get3A_551 : vector<1x1x16xf32> to vector<16xf32>
        %mul3A_553 = arith.mulf %get3A_552, %get3A_109 : vector<16xf32>
        %add3A_554 = arith.addf %add3A_545, %mul3A_553 : vector<16xf32>
        %get3A_555 = arith.constant 0 : i32
        %get3A_556 = arith.constant 53 : i32
        %get3A_557 = arith.index_cast %get3A_555 : i32 to index
        %get3A_558 = arith.index_cast %get3A_556 : i32 to index
        %get3A_559 = arith.index_cast %mul3A_89 : i32 to index
        %get3A_560 = tpu.vector_load %arg5[%get3A_557, %get3A_558, %get3A_559] {strides = array<i32>} : memref<2x128x256xf32, #tpu.memory_space<vmem>>, vector<1x1x16xf32>,
        %get3A_561 = vector.shape_cast %get3A_560 : vector<1x1x16xf32> to vector<16xf32>
        %mul3A_562 = arith.mulf %get3A_561, %get3A_116 : vector<16xf32>
        %add3A_563 = arith.addf %add3A_554, %mul3A_562 : vector<16xf32>
        %get3A_564 = arith.constant 0 : i32
        %get3A_565 = arith.constant 69 : i32
        %get3A_566 = arith.index_cast %get3A_564 : i32 to index
        %get3A_567 = arith.index_cast %get3A_565 : i32 to index
        %get3A_568 = arith.index_cast %mul3A_89 : i32 to index
        %get3A_569 = tpu.vector_load %arg5[%get3A_566, %get3A_567, %get3A_568] {strides = array<i32>} : memref<2x128x256xf32, #tpu.memory_space<vmem>>, vector<1x1x16xf32>,
        %get3A_570 = vector.shape_cast %get3A_569 : vector<1x1x16xf32> to vector<16xf32>
        %mul3A_571 = arith.mulf %get3A_570, %get3A_123 : vector<16xf32>
        %add3A_572 = arith.addf %add3A_563, %mul3A_571 : vector<16xf32>
        %get3A_573 = arith.constant 0 : i32
        %get3A_574 = arith.constant 85 : i32
        %get3A_575 = arith.index_cast %get3A_573 : i32 to index
        %get3A_576 = arith.index_cast %get3A_574 : i32 to index
        %get3A_577 = arith.index_cast %mul3A_89 : i32 to index
        %get3A_578 = tpu.vector_load %arg5[%get3A_575, %get3A_576, %get3A_577] {strides = array<i32>} : memref<2x128x256xf32, #tpu.memory_space<vmem>>, vector<1x1x16xf32>,
        %get3A_579 = vector.shape_cast %get3A_578 : vector<1x1x16xf32> to vector<16xf32>
        %mul3A_580 = arith.mulf %get3A_579, %get3A_130 : vector<16xf32>
        %add3A_581 = arith.addf %add3A_572, %mul3A_580 : vector<16xf32>
        %get3A_582 = arith.constant 0 : i32
        %get3A_583 = arith.constant 101 : i32
        %get3A_584 = arith.index_cast %get3A_582 : i32 to index
        %get3A_585 = arith.index_cast %get3A_583 : i32 to index
        %get3A_586 = arith.index_cast %mul3A_89 : i32 to index
        %get3A_587 = tpu.vector_load %arg5[%get3A_584, %get3A_585, %get3A_586] {strides = array<i32>} : memref<2x128x256xf32, #tpu.memory_space<vmem>>, vector<1x1x16xf32>,
        %get3A_588 = vector.shape_cast %get3A_587 : vector<1x1x16xf32> to vector<16xf32>
        %mul3A_589 = arith.mulf %get3A_588, %get3A_137 : vector<16xf32>
        %add3A_590 = arith.addf %add3A_581, %mul3A_589 : vector<16xf32>
        %get3A_591 = arith.constant 0 : i32
        %get3A_592 = arith.constant 117 : i32
        %get3A_593 = arith.index_cast %get3A_591 : i32 to index
        %get3A_594 = arith.index_cast %get3A_592 : i32 to index
        %get3A_595 = arith.index_cast %mul3A_89 : i32 to index
        %get3A_596 = tpu.vector_load %arg5[%get3A_593, %get3A_594, %get3A_595] {strides = array<i32>} : memref<2x128x256xf32, #tpu.memory_space<vmem>>, vector<1x1x16xf32>,
        %get3A_597 = vector.shape_cast %get3A_596 : vector<1x1x16xf32> to vector<16xf32>
        %mul3A_598 = arith.mulf %get3A_597, %get3A_144 : vector<16xf32>
        %add3A_599 = arith.addf %add3A_590, %mul3A_598 : vector<16xf32>
        %swap3A_600 = arith.constant 5 : i32
        %swap3A_601 = arith.index_cast %swap3A_600 : i32 to index
        %swap3A_602 = arith.index_cast %mul3A_89 : i32 to index
        %swap3A_603 = tpu.vector_load %arg7[%swap3A_601, %swap3A_602] {strides = array<i32>} : memref<16x256xf32, #tpu.memory_space<vmem>>, vector<1x16xf32>,
        %swap3A_604 = vector.shape_cast %swap3A_603 : vector<1x16xf32> to vector<16xf32>
        %swap3A_605 = vector.shape_cast %add3A_599 : vector<16xf32> to vector<1x16xf32>
        tpu.vector_store %arg7[%swap3A_601, %swap3A_602], %swap3A_605 {add = true, strides = array<i32>} : memref<16x256xf32, #tpu.memory_space<vmem>>, vector<1x16xf32>,
        %get3A_606 = arith.constant 0 : i32
        %get3A_607 = arith.constant 6 : i32
        %get3A_608 = arith.index_cast %get3A_606 : i32 to index
        %get3A_609 = arith.index_cast %get3A_607 : i32 to index
        %get3A_610 = arith.index_cast %mul3A_89 : i32 to index
        %get3A_611 = tpu.vector_load %arg5[%get3A_608, %get3A_609, %get3A_610] {strides = array<i32>} : memref<2x128x256xf32, #tpu.memory_space<vmem>>, vector<1x1x16xf32>,
        %get3A_612 = vector.shape_cast %get3A_611 : vector<1x1x16xf32> to vector<16xf32>
        %mul3A_613 = arith.mulf %get3A_612, %get3A_95 : vector<16xf32>
        %get3A_614 = arith.constant 0 : i32
        %get3A_615 = arith.constant 22 : i32
        %get3A_616 = arith.index_cast %get3A_614 : i32 to index
        %get3A_617 = arith.index_cast %get3A_615 : i32 to index
        %get3A_618 = arith.index_cast %mul3A_89 : i32 to index
        %get3A_619 = tpu.vector_load %arg5[%get3A_616, %get3A_617, %get3A_618] {strides = array<i32>} : memref<2x128x256xf32, #tpu.memory_space<vmem>>, vector<1x1x16xf32>,
        %get3A_620 = vector.shape_cast %get3A_619 : vector<1x1x16xf32> to vector<16xf32>
        %mul3A_621 = arith.mulf %get3A_620, %get3A_102 : vector<16xf32>
        %add3A_622 = arith.addf %mul3A_613, %mul3A_621 : vector<16xf32>
        %get3A_623 = arith.constant 0 : i32
        %get3A_624 = arith.constant 38 : i32
        %get3A_625 = arith.index_cast %get3A_623 : i32 to index
        %get3A_626 = arith.index_cast %get3A_624 : i32 to index
        %get3A_627 = arith.index_cast %mul3A_89 : i32 to index
        %get3A_628 = tpu.vector_load %arg5[%get3A_625, %get3A_626, %get3A_627] {strides = array<i32>} : memref<2x128x256xf32, #tpu.memory_space<vmem>>, vector<1x1x16xf32>,
        %get3A_629 = vector.shape_cast %get3A_628 : vector<1x1x16xf32> to vector<16xf32>
        %mul3A_630 = arith.mulf %get3A_629, %get3A_109 : vector<16xf32>
        %add3A_631 = arith.addf %add3A_622, %mul3A_630 : vector<16xf32>
        %get3A_632 = arith.constant 0 : i32
        %get3A_633 = arith.constant 54 : i32
        %get3A_634 = arith.index_cast %get3A_632 : i32 to index
        %get3A_635 = arith.index_cast %get3A_633 : i32 to index
        %get3A_636 = arith.index_cast %mul3A_89 : i32 to index
        %get3A_637 = tpu.vector_load %arg5[%get3A_634, %get3A_635, %get3A_636] {strides = array<i32>} : memref<2x128x256xf32, #tpu.memory_space<vmem>>, vector<1x1x16xf32>,
        %get3A_638 = vector.shape_cast %get3A_637 : vector<1x1x16xf32> to vector<16xf32>
        %mul3A_639 = arith.mulf %get3A_638, %get3A_116 : vector<16xf32>
        %add3A_640 = arith.addf %add3A_631, %mul3A_639 : vector<16xf32>
        %get3A_641 = arith.constant 0 : i32
        %get3A_642 = arith.constant 70 : i32
        %get3A_643 = arith.index_cast %get3A_641 : i32 to index
        %get3A_644 = arith.index_cast %get3A_642 : i32 to index
        %get3A_645 = arith.index_cast %mul3A_89 : i32 to index
        %get3A_646 = tpu.vector_load %arg5[%get3A_643, %get3A_644, %get3A_645] {strides = array<i32>} : memref<2x128x256xf32, #tpu.memory_space<vmem>>, vector<1x1x16xf32>,
        %get3A_647 = vector.shape_cast %get3A_646 : vector<1x1x16xf32> to vector<16xf32>
        %mul3A_648 = arith.mulf %get3A_647, %get3A_123 : vector<16xf32>
        %add3A_649 = arith.addf %add3A_640, %mul3A_648 : vector<16xf32>
        %get3A_650 = arith.constant 0 : i32
        %get3A_651 = arith.constant 86 : i32
        %get3A_652 = arith.index_cast %get3A_650 : i32 to index
        %get3A_653 = arith.index_cast %get3A_651 : i32 to index
        %get3A_654 = arith.index_cast %mul3A_89 : i32 to index
        %get3A_655 = tpu.vector_load %arg5[%get3A_652, %get3A_653, %get3A_654] {strides = array<i32>} : memref<2x128x256xf32, #tpu.memory_space<vmem>>, vector<1x1x16xf32>,
        %get3A_656 = vector.shape_cast %get3A_655 : vector<1x1x16xf32> to vector<16xf32>
        %mul3A_657 = arith.mulf %get3A_656, %get3A_130 : vector<16xf32>
        %add3A_658 = arith.addf %add3A_649, %mul3A_657 : vector<16xf32>
        %get3A_659 = arith.constant 0 : i32
        %get3A_660 = arith.constant 102 : i32
        %get3A_661 = arith.index_cast %get3A_659 : i32 to index
        %get3A_662 = arith.index_cast %get3A_660 : i32 to index
        %get3A_663 = arith.index_cast %mul3A_89 : i32 to index
        %get3A_664 = tpu.vector_load %arg5[%get3A_661, %get3A_662, %get3A_663] {strides = array<i32>} : memref<2x128x256xf32, #tpu.memory_space<vmem>>, vector<1x1x16xf32>,
        %get3A_665 = vector.shape_cast %get3A_664 : vector<1x1x16xf32> to vector<16xf32>
        %mul3A_666 = arith.mulf %get3A_665, %get3A_137 : vector<16xf32>
        %add3A_667 = arith.addf %add3A_658, %mul3A_666 : vector<16xf32>
        %get3A_668 = arith.constant 0 : i32
        %get3A_669 = arith.constant 118 : i32
        %get3A_670 = arith.index_cast %get3A_668 : i32 to index
        %get3A_671 = arith.index_cast %get3A_669 : i32 to index
        %get3A_672 = arith.index_cast %mul3A_89 : i32 to index
        %get3A_673 = tpu.vector_load %arg5[%get3A_670, %get3A_671, %get3A_672] {strides = array<i32>} : memref<2x128x256xf32, #tpu.memory_space<vmem>>, vector<1x1x16xf32>,
        %get3A_674 = vector.shape_cast %get3A_673 : vector<1x1x16xf32> to vector<16xf32>
        %mul3A_675 = arith.mulf %get3A_674, %get3A_144 : vector<16xf32>
        %add3A_676 = arith.addf %add3A_667, %mul3A_675 : vector<16xf32>
        %swap3A_677 = arith.constant 6 : i32
        %swap3A_678 = arith.index_cast %swap3A_677 : i32 to index
        %swap3A_679 = arith.index_cast %mul3A_89 : i32 to index
        %swap3A_680 = tpu.vector_load %arg7[%swap3A_678, %swap3A_679] {strides = array<i32>} : memref<16x256xf32, #tpu.memory_space<vmem>>, vector<1x16xf32>,
        %swap3A_681 = vector.shape_cast %swap3A_680 : vector<1x16xf32> to vector<16xf32>
        %swap3A_682 = vector.shape_cast %add3A_676 : vector<16xf32> to vector<1x16xf32>
        tpu.vector_store %arg7[%swap3A_678, %swap3A_679], %swap3A_682 {add = true, strides = array<i32>} : memref<16x256xf32, #tpu.memory_space<vmem>>, vector<1x16xf32>,
        %get3A_683 = arith.constant 0 : i32
        %get3A_684 = arith.constant 7 : i32
        %get3A_685 = arith.index_cast %get3A_683 : i32 to index
        %get3A_686 = arith.index_cast %get3A_684 : i32 to index
        %get3A_687 = arith.index_cast %mul3A_89 : i32 to index
        %get3A_688 = tpu.vector_load %arg5[%get3A_685, %get3A_686, %get3A_687] {strides = array<i32>} : memref<2x128x256xf32, #tpu.memory_space<vmem>>, vector<1x1x16xf32>,
        %get3A_689 = vector.shape_cast %get3A_688 : vector<1x1x16xf32> to vector<16xf32>
        %mul3A_690 = arith.mulf %get3A_689, %get3A_95 : vector<16xf32>
        %get3A_691 = arith.constant 0 : i32
        %get3A_692 = arith.constant 23 : i32
        %get3A_693 = arith.index_cast %get3A_691 : i32 to index
        %get3A_694 = arith.index_cast %get3A_692 : i32 to index
        %get3A_695 = arith.index_cast %mul3A_89 : i32 to index
        %get3A_696 = tpu.vector_load %arg5[%get3A_693, %get3A_694, %get3A_695] {strides = array<i32>} : memref<2x128x256xf32, #tpu.memory_space<vmem>>, vector<1x1x16xf32>,
        %get3A_697 = vector.shape_cast %get3A_696 : vector<1x1x16xf32> to vector<16xf32>
        %mul3A_698 = arith.mulf %get3A_697, %get3A_102 : vector<16xf32>
        %add3A_699 = arith.addf %mul3A_690, %mul3A_698 : vector<16xf32>
        %get3A_700 = arith.constant 0 : i32
        %get3A_701 = arith.constant 39 : i32
        %get3A_702 = arith.index_cast %get3A_700 : i32 to index
        %get3A_703 = arith.index_cast %get3A_701 : i32 to index
        %get3A_704 = arith.index_cast %mul3A_89 : i32 to index
        %get3A_705 = tpu.vector_load %arg5[%get3A_702, %get3A_703, %get3A_704] {strides = array<i32>} : memref<2x128x256xf32, #tpu.memory_space<vmem>>, vector<1x1x16xf32>,
        %get3A_706 = vector.shape_cast %get3A_705 : vector<1x1x16xf32> to vector<16xf32>
        %mul3A_707 = arith.mulf %get3A_706, %get3A_109 : vector<16xf32>
        %add3A_708 = arith.addf %add3A_699, %mul3A_707 : vector<16xf32>
        %get3A_709 = arith.constant 0 : i32
        %get3A_710 = arith.constant 55 : i32
        %get3A_711 = arith.index_cast %get3A_709 : i32 to index
        %get3A_712 = arith.index_cast %get3A_710 : i32 to index
        %get3A_713 = arith.index_cast %mul3A_89 : i32 to index
        %get3A_714 = tpu.vector_load %arg5[%get3A_711, %get3A_712, %get3A_713] {strides = array<i32>} : memref<2x128x256xf32, #tpu.memory_space<vmem>>, vector<1x1x16xf32>,
        %get3A_715 = vector.shape_cast %get3A_714 : vector<1x1x16xf32> to vector<16xf32>
        %mul3A_716 = arith.mulf %get3A_715, %get3A_116 : vector<16xf32>
        %add3A_717 = arith.addf %add3A_708, %mul3A_716 : vector<16xf32>
        %get3A_718 = arith.constant 0 : i32
        %get3A_719 = arith.constant 71 : i32
        %get3A_720 = arith.index_cast %get3A_718 : i32 to index
        %get3A_721 = arith.index_cast %get3A_719 : i32 to index
        %get3A_722 = arith.index_cast %mul3A_89 : i32 to index
        %get3A_723 = tpu.vector_load %arg5[%get3A_720, %get3A_721, %get3A_722] {strides = array<i32>} : memref<2x128x256xf32, #tpu.memory_space<vmem>>, vector<1x1x16xf32>,
        %get3A_724 = vector.shape_cast %get3A_723 : vector<1x1x16xf32> to vector<16xf32>
        %mul3A_725 = arith.mulf %get3A_724, %get3A_123 : vector<16xf32>
        %add3A_726 = arith.addf %add3A_717, %mul3A_725 : vector<16xf32>
        %get3A_727 = arith.constant 0 : i32
        %get3A_728 = arith.constant 87 : i32
        %get3A_729 = arith.index_cast %get3A_727 : i32 to index
        %get3A_730 = arith.index_cast %get3A_728 : i32 to index
        %get3A_731 = arith.index_cast %mul3A_89 : i32 to index
        %get3A_732 = tpu.vector_load %arg5[%get3A_729, %get3A_730, %get3A_731] {strides = array<i32>} : memref<2x128x256xf32, #tpu.memory_space<vmem>>, vector<1x1x16xf32>,
        %get3A_733 = vector.shape_cast %get3A_732 : vector<1x1x16xf32> to vector<16xf32>
        %mul3A_734 = arith.mulf %get3A_733, %get3A_130 : vector<16xf32>
        %add3A_735 = arith.addf %add3A_726, %mul3A_734 : vector<16xf32>
        %get3A_736 = arith.constant 0 : i32
        %get3A_737 = arith.constant 103 : i32
        %get3A_738 = arith.index_cast %get3A_736 : i32 to index
        %get3A_739 = arith.index_cast %get3A_737 : i32 to index
        %get3A_740 = arith.index_cast %mul3A_89 : i32 to index
        %get3A_741 = tpu.vector_load %arg5[%get3A_738, %get3A_739, %get3A_740] {strides = array<i32>} : memref<2x128x256xf32, #tpu.memory_space<vmem>>, vector<1x1x16xf32>,
        %get3A_742 = vector.shape_cast %get3A_741 : vector<1x1x16xf32> to vector<16xf32>
        %mul3A_743 = arith.mulf %get3A_742, %get3A_137 : vector<16xf32>
        %add3A_744 = arith.addf %add3A_735, %mul3A_743 : vector<16xf32>
        %get3A_745 = arith.constant 0 : i32
        %get3A_746 = arith.constant 119 : i32
        %get3A_747 = arith.index_cast %get3A_745 : i32 to index
        %get3A_748 = arith.index_cast %get3A_746 : i32 to index
        %get3A_749 = arith.index_cast %mul3A_89 : i32 to index
        %get3A_750 = tpu.vector_load %arg5[%get3A_747, %get3A_748, %get3A_749] {strides = array<i32>} : memref<2x128x256xf32, #tpu.memory_space<vmem>>, vector<1x1x16xf32>,
        %get3A_751 = vector.shape_cast %get3A_750 : vector<1x1x16xf32> to vector<16xf32>
        %mul3A_752 = arith.mulf %get3A_751, %get3A_144 : vector<16xf32>
        %add3A_753 = arith.addf %add3A_744, %mul3A_752 : vector<16xf32>
        %swap3A_754 = arith.constant 7 : i32
        %swap3A_755 = arith.index_cast %swap3A_754 : i32 to index
        %swap3A_756 = arith.index_cast %mul3A_89 : i32 to index
        %swap3A_757 = tpu.vector_load %arg7[%swap3A_755, %swap3A_756] {strides = array<i32>} : memref<16x256xf32, #tpu.memory_space<vmem>>, vector<1x16xf32>,
        %swap3A_758 = vector.shape_cast %swap3A_757 : vector<1x16xf32> to vector<16xf32>
        %swap3A_759 = vector.shape_cast %add3A_753 : vector<16xf32> to vector<1x16xf32>
        tpu.vector_store %arg7[%swap3A_755, %swap3A_756], %swap3A_759 {add = true, strides = array<i32>} : memref<16x256xf32, #tpu.memory_space<vmem>>, vector<1x16xf32>,
        %get3A_760 = arith.constant 0 : i32
        %get3A_761 = arith.constant 8 : i32
        %get3A_762 = arith.index_cast %get3A_760 : i32 to index
        %get3A_763 = arith.index_cast %get3A_761 : i32 to index
        %get3A_764 = arith.index_cast %mul3A_89 : i32 to index
        %get3A_765 = tpu.vector_load %arg5[%get3A_762, %get3A_763, %get3A_764] {strides = array<i32>} : memref<2x128x256xf32, #tpu.memory_space<vmem>>, vector<1x1x16xf32>,
        %get3A_766 = vector.shape_cast %get3A_765 : vector<1x1x16xf32> to vector<16xf32>
        %mul3A_767 = arith.mulf %get3A_766, %get3A_95 : vector<16xf32>
        %get3A_768 = arith.constant 0 : i32
        %get3A_769 = arith.constant 24 : i32
        %get3A_770 = arith.index_cast %get3A_768 : i32 to index
        %get3A_771 = arith.index_cast %get3A_769 : i32 to index
        %get3A_772 = arith.index_cast %mul3A_89 : i32 to index
        %get3A_773 = tpu.vector_load %arg5[%get3A_770, %get3A_771, %get3A_772] {strides = array<i32>} : memref<2x128x256xf32, #tpu.memory_space<vmem>>, vector<1x1x16xf32>,
        %get3A_774 = vector.shape_cast %get3A_773 : vector<1x1x16xf32> to vector<16xf32>
        %mul3A_775 = arith.mulf %get3A_774, %get3A_102 : vector<16xf32>
        %add3A_776 = arith.addf %mul3A_767, %mul3A_775 : vector<16xf32>
        %get3A_777 = arith.constant 0 : i32
        %get3A_778 = arith.constant 40 : i32
        %get3A_779 = arith.index_cast %get3A_777 : i32 to index
        %get3A_780 = arith.index_cast %get3A_778 : i32 to index
        %get3A_781 = arith.index_cast %mul3A_89 : i32 to index
        %get3A_782 = tpu.vector_load %arg5[%get3A_779, %get3A_780, %get3A_781] {strides = array<i32>} : memref<2x128x256xf32, #tpu.memory_space<vmem>>, vector<1x1x16xf32>,
        %get3A_783 = vector.shape_cast %get3A_782 : vector<1x1x16xf32> to vector<16xf32>
        %mul3A_784 = arith.mulf %get3A_783, %get3A_109 : vector<16xf32>
        %add3A_785 = arith.addf %add3A_776, %mul3A_784 : vector<16xf32>
        %get3A_786 = arith.constant 0 : i32
        %get3A_787 = arith.constant 56 : i32
        %get3A_788 = arith.index_cast %get3A_786 : i32 to index
        %get3A_789 = arith.index_cast %get3A_787 : i32 to index
        %get3A_790 = arith.index_cast %mul3A_89 : i32 to index
        %get3A_791 = tpu.vector_load %arg5[%get3A_788, %get3A_789, %get3A_790] {strides = array<i32>} : memref<2x128x256xf32, #tpu.memory_space<vmem>>, vector<1x1x16xf32>,
        %get3A_792 = vector.shape_cast %get3A_791 : vector<1x1x16xf32> to vector<16xf32>
        %mul3A_793 = arith.mulf %get3A_792, %get3A_116 : vector<16xf32>
        %add3A_794 = arith.addf %add3A_785, %mul3A_793 : vector<16xf32>
        %get3A_795 = arith.constant 0 : i32
        %get3A_796 = arith.constant 72 : i32
        %get3A_797 = arith.index_cast %get3A_795 : i32 to index
        %get3A_798 = arith.index_cast %get3A_796 : i32 to index
        %get3A_799 = arith.index_cast %mul3A_89 : i32 to index
        %get3A_800 = tpu.vector_load %arg5[%get3A_797, %get3A_798, %get3A_799] {strides = array<i32>} : memref<2x128x256xf32, #tpu.memory_space<vmem>>, vector<1x1x16xf32>,
        %get3A_801 = vector.shape_cast %get3A_800 : vector<1x1x16xf32> to vector<16xf32>
        %mul3A_802 = arith.mulf %get3A_801, %get3A_123 : vector<16xf32>
        %add3A_803 = arith.addf %add3A_794, %mul3A_802 : vector<16xf32>
        %get3A_804 = arith.constant 0 : i32
        %get3A_805 = arith.constant 88 : i32
        %get3A_806 = arith.index_cast %get3A_804 : i32 to index
        %get3A_807 = arith.index_cast %get3A_805 : i32 to index
        %get3A_808 = arith.index_cast %mul3A_89 : i32 to index
        %get3A_809 = tpu.vector_load %arg5[%get3A_806, %get3A_807, %get3A_808] {strides = array<i32>} : memref<2x128x256xf32, #tpu.memory_space<vmem>>, vector<1x1x16xf32>,
        %get3A_810 = vector.shape_cast %get3A_809 : vector<1x1x16xf32> to vector<16xf32>
        %mul3A_811 = arith.mulf %get3A_810, %get3A_130 : vector<16xf32>
        %add3A_812 = arith.addf %add3A_803, %mul3A_811 : vector<16xf32>
        %get3A_813 = arith.constant 0 : i32
        %get3A_814 = arith.constant 104 : i32
        %get3A_815 = arith.index_cast %get3A_813 : i32 to index
        %get3A_816 = arith.index_cast %get3A_814 : i32 to index
        %get3A_817 = arith.index_cast %mul3A_89 : i32 to index
        %get3A_818 = tpu.vector_load %arg5[%get3A_815, %get3A_816, %get3A_817] {strides = array<i32>} : memref<2x128x256xf32, #tpu.memory_space<vmem>>, vector<1x1x16xf32>,
        %get3A_819 = vector.shape_cast %get3A_818 : vector<1x1x16xf32> to vector<16xf32>
        %mul3A_820 = arith.mulf %get3A_819, %get3A_137 : vector<16xf32>
        %add3A_821 = arith.addf %add3A_812, %mul3A_820 : vector<16xf32>
        %get3A_822 = arith.constant 0 : i32
        %get3A_823 = arith.constant 120 : i32
        %get3A_824 = arith.index_cast %get3A_822 : i32 to index
        %get3A_825 = arith.index_cast %get3A_823 : i32 to index
        %get3A_826 = arith.index_cast %mul3A_89 : i32 to index
        %get3A_827 = tpu.vector_load %arg5[%get3A_824, %get3A_825, %get3A_826] {strides = array<i32>} : memref<2x128x256xf32, #tpu.memory_space<vmem>>, vector<1x1x16xf32>,
        %get3A_828 = vector.shape_cast %get3A_827 : vector<1x1x16xf32> to vector<16xf32>
        %mul3A_829 = arith.mulf %get3A_828, %get3A_144 : vector<16xf32>
        %add3A_830 = arith.addf %add3A_821, %mul3A_829 : vector<16xf32>
        %swap3A_831 = arith.constant 8 : i32
        %swap3A_832 = arith.index_cast %swap3A_831 : i32 to index
        %swap3A_833 = arith.index_cast %mul3A_89 : i32 to index
        %swap3A_834 = tpu.vector_load %arg7[%swap3A_832, %swap3A_833] {strides = array<i32>} : memref<16x256xf32, #tpu.memory_space<vmem>>, vector<1x16xf32>,
        %swap3A_835 = vector.shape_cast %swap3A_834 : vector<1x16xf32> to vector<16xf32>
        %swap3A_836 = vector.shape_cast %add3A_830 : vector<16xf32> to vector<1x16xf32>
        tpu.vector_store %arg7[%swap3A_832, %swap3A_833], %swap3A_836 {add = true, strides = array<i32>} : memref<16x256xf32, #tpu.memory_space<vmem>>, vector<1x16xf32>,
        %get3A_837 = arith.constant 0 : i32
        %get3A_838 = arith.constant 9 : i32
        %get3A_839 = arith.index_cast %get3A_837 : i32 to index
        %get3A_840 = arith.index_cast %get3A_838 : i32 to index
        %get3A_841 = arith.index_cast %mul3A_89 : i32 to index
        %get3A_842 = tpu.vector_load %arg5[%get3A_839, %get3A_840, %get3A_841] {strides = array<i32>} : memref<2x128x256xf32, #tpu.memory_space<vmem>>, vector<1x1x16xf32>,
        %get3A_843 = vector.shape_cast %get3A_842 : vector<1x1x16xf32> to vector<16xf32>
        %mul3A_844 = arith.mulf %get3A_843, %get3A_95 : vector<16xf32>
        %get3A_845 = arith.constant 0 : i32
        %get3A_846 = arith.constant 25 : i32
        %get3A_847 = arith.index_cast %get3A_845 : i32 to index
        %get3A_848 = arith.index_cast %get3A_846 : i32 to index
        %get3A_849 = arith.index_cast %mul3A_89 : i32 to index
        %get3A_850 = tpu.vector_load %arg5[%get3A_847, %get3A_848, %get3A_849] {strides = array<i32>} : memref<2x128x256xf32, #tpu.memory_space<vmem>>, vector<1x1x16xf32>,
        %get3A_851 = vector.shape_cast %get3A_850 : vector<1x1x16xf32> to vector<16xf32>
        %mul3A_852 = arith.mulf %get3A_851, %get3A_102 : vector<16xf32>
        %add3A_853 = arith.addf %mul3A_844, %mul3A_852 : vector<16xf32>
        %get3A_854 = arith.constant 0 : i32
        %get3A_855 = arith.constant 41 : i32
        %get3A_856 = arith.index_cast %get3A_854 : i32 to index
        %get3A_857 = arith.index_cast %get3A_855 : i32 to index
        %get3A_858 = arith.index_cast %mul3A_89 : i32 to index
        %get3A_859 = tpu.vector_load %arg5[%get3A_856, %get3A_857, %get3A_858] {strides = array<i32>} : memref<2x128x256xf32, #tpu.memory_space<vmem>>, vector<1x1x16xf32>,
        %get3A_860 = vector.shape_cast %get3A_859 : vector<1x1x16xf32> to vector<16xf32>
        %mul3A_861 = arith.mulf %get3A_860, %get3A_109 : vector<16xf32>
        %add3A_862 = arith.addf %add3A_853, %mul3A_861 : vector<16xf32>
        %get3A_863 = arith.constant 0 : i32
        %get3A_864 = arith.constant 57 : i32
        %get3A_865 = arith.index_cast %get3A_863 : i32 to index
        %get3A_866 = arith.index_cast %get3A_864 : i32 to index
        %get3A_867 = arith.index_cast %mul3A_89 : i32 to index
        %get3A_868 = tpu.vector_load %arg5[%get3A_865, %get3A_866, %get3A_867] {strides = array<i32>} : memref<2x128x256xf32, #tpu.memory_space<vmem>>, vector<1x1x16xf32>,
        %get3A_869 = vector.shape_cast %get3A_868 : vector<1x1x16xf32> to vector<16xf32>
        %mul3A_870 = arith.mulf %get3A_869, %get3A_116 : vector<16xf32>
        %add3A_871 = arith.addf %add3A_862, %mul3A_870 : vector<16xf32>
        %get3A_872 = arith.constant 0 : i32
        %get3A_873 = arith.constant 73 : i32
        %get3A_874 = arith.index_cast %get3A_872 : i32 to index
        %get3A_875 = arith.index_cast %get3A_873 : i32 to index
        %get3A_876 = arith.index_cast %mul3A_89 : i32 to index
        %get3A_877 = tpu.vector_load %arg5[%get3A_874, %get3A_875, %get3A_876] {strides = array<i32>} : memref<2x128x256xf32, #tpu.memory_space<vmem>>, vector<1x1x16xf32>,
        %get3A_878 = vector.shape_cast %get3A_877 : vector<1x1x16xf32> to vector<16xf32>
        %mul3A_879 = arith.mulf %get3A_878, %get3A_123 : vector<16xf32>
        %add3A_880 = arith.addf %add3A_871, %mul3A_879 : vector<16xf32>
        %get3A_881 = arith.constant 0 : i32
        %get3A_882 = arith.constant 89 : i32
        %get3A_883 = arith.index_cast %get3A_881 : i32 to index
        %get3A_884 = arith.index_cast %get3A_882 : i32 to index
        %get3A_885 = arith.index_cast %mul3A_89 : i32 to index
        %get3A_886 = tpu.vector_load %arg5[%get3A_883, %get3A_884, %get3A_885] {strides = array<i32>} : memref<2x128x256xf32, #tpu.memory_space<vmem>>, vector<1x1x16xf32>,
        %get3A_887 = vector.shape_cast %get3A_886 : vector<1x1x16xf32> to vector<16xf32>
        %mul3A_888 = arith.mulf %get3A_887, %get3A_130 : vector<16xf32>
        %add3A_889 = arith.addf %add3A_880, %mul3A_888 : vector<16xf32>
        %get3A_890 = arith.constant 0 : i32
        %get3A_891 = arith.constant 105 : i32
        %get3A_892 = arith.index_cast %get3A_890 : i32 to index
        %get3A_893 = arith.index_cast %get3A_891 : i32 to index
        %get3A_894 = arith.index_cast %mul3A_89 : i32 to index
        %get3A_895 = tpu.vector_load %arg5[%get3A_892, %get3A_893, %get3A_894] {strides = array<i32>} : memref<2x128x256xf32, #tpu.memory_space<vmem>>, vector<1x1x16xf32>,
        %get3A_896 = vector.shape_cast %get3A_895 : vector<1x1x16xf32> to vector<16xf32>
        %mul3A_897 = arith.mulf %get3A_896, %get3A_137 : vector<16xf32>
        %add3A_898 = arith.addf %add3A_889, %mul3A_897 : vector<16xf32>
        %get3A_899 = arith.constant 0 : i32
        %get3A_900 = arith.constant 121 : i32
        %get3A_901 = arith.index_cast %get3A_899 : i32 to index
        %get3A_902 = arith.index_cast %get3A_900 : i32 to index
        %get3A_903 = arith.index_cast %mul3A_89 : i32 to index
        %get3A_904 = tpu.vector_load %arg5[%get3A_901, %get3A_902, %get3A_903] {strides = array<i32>} : memref<2x128x256xf32, #tpu.memory_space<vmem>>, vector<1x1x16xf32>,
        %get3A_905 = vector.shape_cast %get3A_904 : vector<1x1x16xf32> to vector<16xf32>
        %mul3A_906 = arith.mulf %get3A_905, %get3A_144 : vector<16xf32>
        %add3A_907 = arith.addf %add3A_898, %mul3A_906 : vector<16xf32>
        %swap3A_908 = arith.constant 9 : i32
        %swap3A_909 = arith.index_cast %swap3A_908 : i32 to index
        %swap3A_910 = arith.index_cast %mul3A_89 : i32 to index
        %swap3A_911 = tpu.vector_load %arg7[%swap3A_909, %swap3A_910] {strides = array<i32>} : memref<16x256xf32, #tpu.memory_space<vmem>>, vector<1x16xf32>,
        %swap3A_912 = vector.shape_cast %swap3A_911 : vector<1x16xf32> to vector<16xf32>
        %swap3A_913 = vector.shape_cast %add3A_907 : vector<16xf32> to vector<1x16xf32>
        tpu.vector_store %arg7[%swap3A_909, %swap3A_910], %swap3A_913 {add = true, strides = array<i32>} : memref<16x256xf32, #tpu.memory_space<vmem>>, vector<1x16xf32>,
        %get3A_914 = arith.constant 0 : i32
        %get3A_915 = arith.constant 10 : i32
        %get3A_916 = arith.index_cast %get3A_914 : i32 to index
        %get3A_917 = arith.index_cast %get3A_915 : i32 to index
        %get3A_918 = arith.index_cast %mul3A_89 : i32 to index
        %get3A_919 = tpu.vector_load %arg5[%get3A_916, %get3A_917, %get3A_918] {strides = array<i32>} : memref<2x128x256xf32, #tpu.memory_space<vmem>>, vector<1x1x16xf32>,
        %get3A_920 = vector.shape_cast %get3A_919 : vector<1x1x16xf32> to vector<16xf32>
        %mul3A_921 = arith.mulf %get3A_920, %get3A_95 : vector<16xf32>
        %get3A_922 = arith.constant 0 : i32
        %get3A_923 = arith.constant 26 : i32
        %get3A_924 = arith.index_cast %get3A_922 : i32 to index
        %get3A_925 = arith.index_cast %get3A_923 : i32 to index
        %get3A_926 = arith.index_cast %mul3A_89 : i32 to index
        %get3A_927 = tpu.vector_load %arg5[%get3A_924, %get3A_925, %get3A_926] {strides = array<i32>} : memref<2x128x256xf32, #tpu.memory_space<vmem>>, vector<1x1x16xf32>,
        %get3A_928 = vector.shape_cast %get3A_927 : vector<1x1x16xf32> to vector<16xf32>
        %mul3A_929 = arith.mulf %get3A_928, %get3A_102 : vector<16xf32>
        %add3A_930 = arith.addf %mul3A_921, %mul3A_929 : vector<16xf32>
        %get3A_931 = arith.constant 0 : i32
        %get3A_932 = arith.constant 42 : i32
        %get3A_933 = arith.index_cast %get3A_931 : i32 to index
        %get3A_934 = arith.index_cast %get3A_932 : i32 to index
        %get3A_935 = arith.index_cast %mul3A_89 : i32 to index
        %get3A_936 = tpu.vector_load %arg5[%get3A_933, %get3A_934, %get3A_935] {strides = array<i32>} : memref<2x128x256xf32, #tpu.memory_space<vmem>>, vector<1x1x16xf32>,
        %get3A_937 = vector.shape_cast %get3A_936 : vector<1x1x16xf32> to vector<16xf32>
        %mul3A_938 = arith.mulf %get3A_937, %get3A_109 : vector<16xf32>
        %add3A_939 = arith.addf %add3A_930, %mul3A_938 : vector<16xf32>
        %get3A_940 = arith.constant 0 : i32
        %get3A_941 = arith.constant 58 : i32
        %get3A_942 = arith.index_cast %get3A_940 : i32 to index
        %get3A_943 = arith.index_cast %get3A_941 : i32 to index
        %get3A_944 = arith.index_cast %mul3A_89 : i32 to index
        %get3A_945 = tpu.vector_load %arg5[%get3A_942, %get3A_943, %get3A_944] {strides = array<i32>} : memref<2x128x256xf32, #tpu.memory_space<vmem>>, vector<1x1x16xf32>,
        %get3A_946 = vector.shape_cast %get3A_945 : vector<1x1x16xf32> to vector<16xf32>
        %mul3A_947 = arith.mulf %get3A_946, %get3A_116 : vector<16xf32>
        %add3A_948 = arith.addf %add3A_939, %mul3A_947 : vector<16xf32>
        %get3A_949 = arith.constant 0 : i32
        %get3A_950 = arith.constant 74 : i32
        %get3A_951 = arith.index_cast %get3A_949 : i32 to index
        %get3A_952 = arith.index_cast %get3A_950 : i32 to index
        %get3A_953 = arith.index_cast %mul3A_89 : i32 to index
        %get3A_954 = tpu.vector_load %arg5[%get3A_951, %get3A_952, %get3A_953] {strides = array<i32>} : memref<2x128x256xf32, #tpu.memory_space<vmem>>, vector<1x1x16xf32>,
        %get3A_955 = vector.shape_cast %get3A_954 : vector<1x1x16xf32> to vector<16xf32>
        %mul3A_956 = arith.mulf %get3A_955, %get3A_123 : vector<16xf32>
        %add3A_957 = arith.addf %add3A_948, %mul3A_956 : vector<16xf32>
        %get3A_958 = arith.constant 0 : i32
        %get3A_959 = arith.constant 90 : i32
        %get3A_960 = arith.index_cast %get3A_958 : i32 to index
        %get3A_961 = arith.index_cast %get3A_959 : i32 to index
        %get3A_962 = arith.index_cast %mul3A_89 : i32 to index
        %get3A_963 = tpu.vector_load %arg5[%get3A_960, %get3A_961, %get3A_962] {strides = array<i32>} : memref<2x128x256xf32, #tpu.memory_space<vmem>>, vector<1x1x16xf32>,
        %get3A_964 = vector.shape_cast %get3A_963 : vector<1x1x16xf32> to vector<16xf32>
        %mul3A_965 = arith.mulf %get3A_964, %get3A_130 : vector<16xf32>
        %add3A_966 = arith.addf %add3A_957, %mul3A_965 : vector<16xf32>
        %get3A_967 = arith.constant 0 : i32
        %get3A_968 = arith.constant 106 : i32
        %get3A_969 = arith.index_cast %get3A_967 : i32 to index
        %get3A_970 = arith.index_cast %get3A_968 : i32 to index
        %get3A_971 = arith.index_cast %mul3A_89 : i32 to index
        %get3A_972 = tpu.vector_load %arg5[%get3A_969, %get3A_970, %get3A_971] {strides = array<i32>} : memref<2x128x256xf32, #tpu.memory_space<vmem>>, vector<1x1x16xf32>,
        %get3A_973 = vector.shape_cast %get3A_972 : vector<1x1x16xf32> to vector<16xf32>
        %mul3A_974 = arith.mulf %get3A_973, %get3A_137 : vector<16xf32>
        %add3A_975 = arith.addf %add3A_966, %mul3A_974 : vector<16xf32>
        %get3A_976 = arith.constant 0 : i32
        %get3A_977 = arith.constant 122 : i32
        %get3A_978 = arith.index_cast %get3A_976 : i32 to index
        %get3A_979 = arith.index_cast %get3A_977 : i32 to index
        %get3A_980 = arith.index_cast %mul3A_89 : i32 to index
        %get3A_981 = tpu.vector_load %arg5[%get3A_978, %get3A_979, %get3A_980] {strides = array<i32>} : memref<2x128x256xf32, #tpu.memory_space<vmem>>, vector<1x1x16xf32>,
        %get3A_982 = vector.shape_cast %get3A_981 : vector<1x1x16xf32> to vector<16xf32>
        %mul3A_983 = arith.mulf %get3A_982, %get3A_144 : vector<16xf32>
        %add3A_984 = arith.addf %add3A_975, %mul3A_983 : vector<16xf32>
        %swap3A_985 = arith.constant 10 : i32
        %swap3A_986 = arith.index_cast %swap3A_985 : i32 to index
        %swap3A_987 = arith.index_cast %mul3A_89 : i32 to index
        %swap3A_988 = tpu.vector_load %arg7[%swap3A_986, %swap3A_987] {strides = array<i32>} : memref<16x256xf32, #tpu.memory_space<vmem>>, vector<1x16xf32>,
        %swap3A_989 = vector.shape_cast %swap3A_988 : vector<1x16xf32> to vector<16xf32>
        %swap3A_990 = vector.shape_cast %add3A_984 : vector<16xf32> to vector<1x16xf32>
        tpu.vector_store %arg7[%swap3A_986, %swap3A_987], %swap3A_990 {add = true, strides = array<i32>} : memref<16x256xf32, #tpu.memory_space<vmem>>, vector<1x16xf32>,
        %get3A_991 = arith.constant 0 : i32
        %get3A_992 = arith.constant 11 : i32
        %get3A_993 = arith.index_cast %get3A_991 : i32 to index
        %get3A_994 = arith.index_cast %get3A_992 : i32 to index
        %get3A_995 = arith.index_cast %mul3A_89 : i32 to index
        %get3A_996 = tpu.vector_load %arg5[%get3A_993, %get3A_994, %get3A_995] {strides = array<i32>} : memref<2x128x256xf32, #tpu.memory_space<vmem>>, vector<1x1x16xf32>,
        %get3A_997 = vector.shape_cast %get3A_996 : vector<1x1x16xf32> to vector<16xf32>
        %mul3A_998 = arith.mulf %get3A_997, %get3A_95 : vector<16xf32>
        %get3A_999 = arith.constant 0 : i32
        %get3A_1000 = arith.constant 27 : i32
        %get3A_1001 = arith.index_cast %get3A_999 : i32 to index
        %get3A_1002 = arith.index_cast %get3A_1000 : i32 to index
        %get3A_1003 = arith.index_cast %mul3A_89 : i32 to index
        %get3A_1004 = tpu.vector_load %arg5[%get3A_1001, %get3A_1002, %get3A_1003] {strides = array<i32>} : memref<2x128x256xf32, #tpu.memory_space<vmem>>, vector<1x1x16xf32>,
        %get3A_1005 = vector.shape_cast %get3A_1004 : vector<1x1x16xf32> to vector<16xf32>
        %mul3A_1006 = arith.mulf %get3A_1005, %get3A_102 : vector<16xf32>
        %add3A_1007 = arith.addf %mul3A_998, %mul3A_1006 : vector<16xf32>
        %get3A_1008 = arith.constant 0 : i32
        %get3A_1009 = arith.constant 43 : i32
        %get3A_1010 = arith.index_cast %get3A_1008 : i32 to index
        %get3A_1011 = arith.index_cast %get3A_1009 : i32 to index
        %get3A_1012 = arith.index_cast %mul3A_89 : i32 to index
        %get3A_1013 = tpu.vector_load %arg5[%get3A_1010, %get3A_1011, %get3A_1012] {strides = array<i32>} : memref<2x128x256xf32, #tpu.memory_space<vmem>>, vector<1x1x16xf32>,
        %get3A_1014 = vector.shape_cast %get3A_1013 : vector<1x1x16xf32> to vector<16xf32>
        %mul3A_1015 = arith.mulf %get3A_1014, %get3A_109 : vector<16xf32>
        %add3A_1016 = arith.addf %add3A_1007, %mul3A_1015 : vector<16xf32>
        %get3A_1017 = arith.constant 0 : i32
        %get3A_1018 = arith.constant 59 : i32
        %get3A_1019 = arith.index_cast %get3A_1017 : i32 to index
        %get3A_1020 = arith.index_cast %get3A_1018 : i32 to index
        %get3A_1021 = arith.index_cast %mul3A_89 : i32 to index
        %get3A_1022 = tpu.vector_load %arg5[%get3A_1019, %get3A_1020, %get3A_1021] {strides = array<i32>} : memref<2x128x256xf32, #tpu.memory_space<vmem>>, vector<1x1x16xf32>,
        %get3A_1023 = vector.shape_cast %get3A_1022 : vector<1x1x16xf32> to vector<16xf32>
        %mul3A_1024 = arith.mulf %get3A_1023, %get3A_116 : vector<16xf32>
        %add3A_1025 = arith.addf %add3A_1016, %mul3A_1024 : vector<16xf32>
        %get3A_1026 = arith.constant 0 : i32
        %get3A_1027 = arith.constant 75 : i32
        %get3A_1028 = arith.index_cast %get3A_1026 : i32 to index
        %get3A_1029 = arith.index_cast %get3A_1027 : i32 to index
        %get3A_1030 = arith.index_cast %mul3A_89 : i32 to index
        %get3A_1031 = tpu.vector_load %arg5[%get3A_1028, %get3A_1029, %get3A_1030] {strides = array<i32>} : memref<2x128x256xf32, #tpu.memory_space<vmem>>, vector<1x1x16xf32>,
        %get3A_1032 = vector.shape_cast %get3A_1031 : vector<1x1x16xf32> to vector<16xf32>
        %mul3A_1033 = arith.mulf %get3A_1032, %get3A_123 : vector<16xf32>
        %add3A_1034 = arith.addf %add3A_1025, %mul3A_1033 : vector<16xf32>
        %get3A_1035 = arith.constant 0 : i32
        %get3A_1036 = arith.constant 91 : i32
        %get3A_1037 = arith.index_cast %get3A_1035 : i32 to index
        %get3A_1038 = arith.index_cast %get3A_1036 : i32 to index
        %get3A_1039 = arith.index_cast %mul3A_89 : i32 to index
        %get3A_1040 = tpu.vector_load %arg5[%get3A_1037, %get3A_1038, %get3A_1039] {strides = array<i32>} : memref<2x128x256xf32, #tpu.memory_space<vmem>>, vector<1x1x16xf32>,
        %get3A_1041 = vector.shape_cast %get3A_1040 : vector<1x1x16xf32> to vector<16xf32>
        %mul3A_1042 = arith.mulf %get3A_1041, %get3A_130 : vector<16xf32>
        %add3A_1043 = arith.addf %add3A_1034, %mul3A_1042 : vector<16xf32>
        %get3A_1044 = arith.constant 0 : i32
        %get3A_1045 = arith.constant 107 : i32
        %get3A_1046 = arith.index_cast %get3A_1044 : i32 to index
        %get3A_1047 = arith.index_cast %get3A_1045 : i32 to index
        %get3A_1048 = arith.index_cast %mul3A_89 : i32 to index
        %get3A_1049 = tpu.vector_load %arg5[%get3A_1046, %get3A_1047, %get3A_1048] {strides = array<i32>} : memref<2x128x256xf32, #tpu.memory_space<vmem>>, vector<1x1x16xf32>,
        %get3A_1050 = vector.shape_cast %get3A_1049 : vector<1x1x16xf32> to vector<16xf32>
        %mul3A_1051 = arith.mulf %get3A_1050, %get3A_137 : vector<16xf32>
        %add3A_1052 = arith.addf %add3A_1043, %mul3A_1051 : vector<16xf32>
        %get3A_1053 = arith.constant 0 : i32
        %get3A_1054 = arith.constant 123 : i32
        %get3A_1055 = arith.index_cast %get3A_1053 : i32 to index
        %get3A_1056 = arith.index_cast %get3A_1054 : i32 to index
        %get3A_1057 = arith.index_cast %mul3A_89 : i32 to index
        %get3A_1058 = tpu.vector_load %arg5[%get3A_1055, %get3A_1056, %get3A_1057] {strides = array<i32>} : memref<2x128x256xf32, #tpu.memory_space<vmem>>, vector<1x1x16xf32>,
        %get3A_1059 = vector.shape_cast %get3A_1058 : vector<1x1x16xf32> to vector<16xf32>
        %mul3A_1060 = arith.mulf %get3A_1059, %get3A_144 : vector<16xf32>
        %add3A_1061 = arith.addf %add3A_1052, %mul3A_1060 : vector<16xf32>
        %swap3A_1062 = arith.constant 11 : i32
        %swap3A_1063 = arith.index_cast %swap3A_1062 : i32 to index
        %swap3A_1064 = arith.index_cast %mul3A_89 : i32 to index
        %swap3A_1065 = tpu.vector_load %arg7[%swap3A_1063, %swap3A_1064] {strides = array<i32>} : memref<16x256xf32, #tpu.memory_space<vmem>>, vector<1x16xf32>,
        %swap3A_1066 = vector.shape_cast %swap3A_1065 : vector<1x16xf32> to vector<16xf32>
        %swap3A_1067 = vector.shape_cast %add3A_1061 : vector<16xf32> to vector<1x16xf32>
        tpu.vector_store %arg7[%swap3A_1063, %swap3A_1064], %swap3A_1067 {add = true, strides = array<i32>} : memref<16x256xf32, #tpu.memory_space<vmem>>, vector<1x16xf32>,
        %get3A_1068 = arith.constant 0 : i32
        %get3A_1069 = arith.constant 12 : i32
        %get3A_1070 = arith.index_cast %get3A_1068 : i32 to index
        %get3A_1071 = arith.index_cast %get3A_1069 : i32 to index
        %get3A_1072 = arith.index_cast %mul3A_89 : i32 to index
        %get3A_1073 = tpu.vector_load %arg5[%get3A_1070, %get3A_1071, %get3A_1072] {strides = array<i32>} : memref<2x128x256xf32, #tpu.memory_space<vmem>>, vector<1x1x16xf32>,
        %get3A_1074 = vector.shape_cast %get3A_1073 : vector<1x1x16xf32> to vector<16xf32>
        %mul3A_1075 = arith.mulf %get3A_1074, %get3A_95 : vector<16xf32>
        %get3A_1076 = arith.constant 0 : i32
        %get3A_1077 = arith.constant 28 : i32
        %get3A_1078 = arith.index_cast %get3A_1076 : i32 to index
        %get3A_1079 = arith.index_cast %get3A_1077 : i32 to index
        %get3A_1080 = arith.index_cast %mul3A_89 : i32 to index
        %get3A_1081 = tpu.vector_load %arg5[%get3A_1078, %get3A_1079, %get3A_1080] {strides = array<i32>} : memref<2x128x256xf32, #tpu.memory_space<vmem>>, vector<1x1x16xf32>,
        %get3A_1082 = vector.shape_cast %get3A_1081 : vector<1x1x16xf32> to vector<16xf32>
        %mul3A_1083 = arith.mulf %get3A_1082, %get3A_102 : vector<16xf32>
        %add3A_1084 = arith.addf %mul3A_1075, %mul3A_1083 : vector<16xf32>
        %get3A_1085 = arith.constant 0 : i32
        %get3A_1086 = arith.constant 44 : i32
        %get3A_1087 = arith.index_cast %get3A_1085 : i32 to index
        %get3A_1088 = arith.index_cast %get3A_1086 : i32 to index
        %get3A_1089 = arith.index_cast %mul3A_89 : i32 to index
        %get3A_1090 = tpu.vector_load %arg5[%get3A_1087, %get3A_1088, %get3A_1089] {strides = array<i32>} : memref<2x128x256xf32, #tpu.memory_space<vmem>>, vector<1x1x16xf32>,
        %get3A_1091 = vector.shape_cast %get3A_1090 : vector<1x1x16xf32> to vector<16xf32>
        %mul3A_1092 = arith.mulf %get3A_1091, %get3A_109 : vector<16xf32>
        %add3A_1093 = arith.addf %add3A_1084, %mul3A_1092 : vector<16xf32>
        %get3A_1094 = arith.constant 0 : i32
        %get3A_1095 = arith.constant 60 : i32
        %get3A_1096 = arith.index_cast %get3A_1094 : i32 to index
        %get3A_1097 = arith.index_cast %get3A_1095 : i32 to index
        %get3A_1098 = arith.index_cast %mul3A_89 : i32 to index
        %get3A_1099 = tpu.vector_load %arg5[%get3A_1096, %get3A_1097, %get3A_1098] {strides = array<i32>} : memref<2x128x256xf32, #tpu.memory_space<vmem>>, vector<1x1x16xf32>,
        %get3A_1100 = vector.shape_cast %get3A_1099 : vector<1x1x16xf32> to vector<16xf32>
        %mul3A_1101 = arith.mulf %get3A_1100, %get3A_116 : vector<16xf32>
        %add3A_1102 = arith.addf %add3A_1093, %mul3A_1101 : vector<16xf32>
        %get3A_1103 = arith.constant 0 : i32
        %get3A_1104 = arith.constant 76 : i32
        %get3A_1105 = arith.index_cast %get3A_1103 : i32 to index
        %get3A_1106 = arith.index_cast %get3A_1104 : i32 to index
        %get3A_1107 = arith.index_cast %mul3A_89 : i32 to index
        %get3A_1108 = tpu.vector_load %arg5[%get3A_1105, %get3A_1106, %get3A_1107] {strides = array<i32>} : memref<2x128x256xf32, #tpu.memory_space<vmem>>, vector<1x1x16xf32>,
        %get3A_1109 = vector.shape_cast %get3A_1108 : vector<1x1x16xf32> to vector<16xf32>
        %mul3A_1110 = arith.mulf %get3A_1109, %get3A_123 : vector<16xf32>
        %add3A_1111 = arith.addf %add3A_1102, %mul3A_1110 : vector<16xf32>
        %get3A_1112 = arith.constant 0 : i32
        %get3A_1113 = arith.constant 92 : i32
        %get3A_1114 = arith.index_cast %get3A_1112 : i32 to index
        %get3A_1115 = arith.index_cast %get3A_1113 : i32 to index
        %get3A_1116 = arith.index_cast %mul3A_89 : i32 to index
        %get3A_1117 = tpu.vector_load %arg5[%get3A_1114, %get3A_1115, %get3A_1116] {strides = array<i32>} : memref<2x128x256xf32, #tpu.memory_space<vmem>>, vector<1x1x16xf32>,
        %get3A_1118 = vector.shape_cast %get3A_1117 : vector<1x1x16xf32> to vector<16xf32>
        %mul3A_1119 = arith.mulf %get3A_1118, %get3A_130 : vector<16xf32>
        %add3A_1120 = arith.addf %add3A_1111, %mul3A_1119 : vector<16xf32>
        %get3A_1121 = arith.constant 0 : i32
        %get3A_1122 = arith.constant 108 : i32
        %get3A_1123 = arith.index_cast %get3A_1121 : i32 to index
        %get3A_1124 = arith.index_cast %get3A_1122 : i32 to index
        %get3A_1125 = arith.index_cast %mul3A_89 : i32 to index
        %get3A_1126 = tpu.vector_load %arg5[%get3A_1123, %get3A_1124, %get3A_1125] {strides = array<i32>} : memref<2x128x256xf32, #tpu.memory_space<vmem>>, vector<1x1x16xf32>,
        %get3A_1127 = vector.shape_cast %get3A_1126 : vector<1x1x16xf32> to vector<16xf32>
        %mul3A_1128 = arith.mulf %get3A_1127, %get3A_137 : vector<16xf32>
        %add3A_1129 = arith.addf %add3A_1120, %mul3A_1128 : vector<16xf32>
        %get3A_1130 = arith.constant 0 : i32
        %get3A_1131 = arith.constant 124 : i32
        %get3A_1132 = arith.index_cast %get3A_1130 : i32 to index
        %get3A_1133 = arith.index_cast %get3A_1131 : i32 to index
        %get3A_1134 = arith.index_cast %mul3A_89 : i32 to index
        %get3A_1135 = tpu.vector_load %arg5[%get3A_1132, %get3A_1133, %get3A_1134] {strides = array<i32>} : memref<2x128x256xf32, #tpu.memory_space<vmem>>, vector<1x1x16xf32>,
        %get3A_1136 = vector.shape_cast %get3A_1135 : vector<1x1x16xf32> to vector<16xf32>
        %mul3A_1137 = arith.mulf %get3A_1136, %get3A_144 : vector<16xf32>
        %add3A_1138 = arith.addf %add3A_1129, %mul3A_1137 : vector<16xf32>
        %swap3A_1139 = arith.constant 12 : i32
        %swap3A_1140 = arith.index_cast %swap3A_1139 : i32 to index
        %swap3A_1141 = arith.index_cast %mul3A_89 : i32 to index
        %swap3A_1142 = tpu.vector_load %arg7[%swap3A_1140, %swap3A_1141] {strides = array<i32>} : memref<16x256xf32, #tpu.memory_space<vmem>>, vector<1x16xf32>,
        %swap3A_1143 = vector.shape_cast %swap3A_1142 : vector<1x16xf32> to vector<16xf32>
        %swap3A_1144 = vector.shape_cast %add3A_1138 : vector<16xf32> to vector<1x16xf32>
        tpu.vector_store %arg7[%swap3A_1140, %swap3A_1141], %swap3A_1144 {add = true, strides = array<i32>} : memref<16x256xf32, #tpu.memory_space<vmem>>, vector<1x16xf32>,
        %get3A_1145 = arith.constant 0 : i32
        %get3A_1146 = arith.constant 13 : i32
        %get3A_1147 = arith.index_cast %get3A_1145 : i32 to index
        %get3A_1148 = arith.index_cast %get3A_1146 : i32 to index
        %get3A_1149 = arith.index_cast %mul3A_89 : i32 to index
        %get3A_1150 = tpu.vector_load %arg5[%get3A_1147, %get3A_1148, %get3A_1149] {strides = array<i32>} : memref<2x128x256xf32, #tpu.memory_space<vmem>>, vector<1x1x16xf32>,
        %get3A_1151 = vector.shape_cast %get3A_1150 : vector<1x1x16xf32> to vector<16xf32>
        %mul3A_1152 = arith.mulf %get3A_1151, %get3A_95 : vector<16xf32>
        %get3A_1153 = arith.constant 0 : i32
        %get3A_1154 = arith.constant 29 : i32
        %get3A_1155 = arith.index_cast %get3A_1153 : i32 to index
        %get3A_1156 = arith.index_cast %get3A_1154 : i32 to index
        %get3A_1157 = arith.index_cast %mul3A_89 : i32 to index
        %get3A_1158 = tpu.vector_load %arg5[%get3A_1155, %get3A_1156, %get3A_1157] {strides = array<i32>} : memref<2x128x256xf32, #tpu.memory_space<vmem>>, vector<1x1x16xf32>,
        %get3A_1159 = vector.shape_cast %get3A_1158 : vector<1x1x16xf32> to vector<16xf32>
        %mul3A_1160 = arith.mulf %get3A_1159, %get3A_102 : vector<16xf32>
        %add3A_1161 = arith.addf %mul3A_1152, %mul3A_1160 : vector<16xf32>
        %get3A_1162 = arith.constant 0 : i32
        %get3A_1163 = arith.constant 45 : i32
        %get3A_1164 = arith.index_cast %get3A_1162 : i32 to index
        %get3A_1165 = arith.index_cast %get3A_1163 : i32 to index
        %get3A_1166 = arith.index_cast %mul3A_89 : i32 to index
        %get3A_1167 = tpu.vector_load %arg5[%get3A_1164, %get3A_1165, %get3A_1166] {strides = array<i32>} : memref<2x128x256xf32, #tpu.memory_space<vmem>>, vector<1x1x16xf32>,
        %get3A_1168 = vector.shape_cast %get3A_1167 : vector<1x1x16xf32> to vector<16xf32>
        %mul3A_1169 = arith.mulf %get3A_1168, %get3A_109 : vector<16xf32>
        %add3A_1170 = arith.addf %add3A_1161, %mul3A_1169 : vector<16xf32>
        %get3A_1171 = arith.constant 0 : i32
        %get3A_1172 = arith.constant 61 : i32
        %get3A_1173 = arith.index_cast %get3A_1171 : i32 to index
        %get3A_1174 = arith.index_cast %get3A_1172 : i32 to index
        %get3A_1175 = arith.index_cast %mul3A_89 : i32 to index
        %get3A_1176 = tpu.vector_load %arg5[%get3A_1173, %get3A_1174, %get3A_1175] {strides = array<i32>} : memref<2x128x256xf32, #tpu.memory_space<vmem>>, vector<1x1x16xf32>,
        %get3A_1177 = vector.shape_cast %get3A_1176 : vector<1x1x16xf32> to vector<16xf32>
        %mul3A_1178 = arith.mulf %get3A_1177, %get3A_116 : vector<16xf32>
        %add3A_1179 = arith.addf %add3A_1170, %mul3A_1178 : vector<16xf32>
        %get3A_1180 = arith.constant 0 : i32
        %get3A_1181 = arith.constant 77 : i32
        %get3A_1182 = arith.index_cast %get3A_1180 : i32 to index
        %get3A_1183 = arith.index_cast %get3A_1181 : i32 to index
        %get3A_1184 = arith.index_cast %mul3A_89 : i32 to index
        %get3A_1185 = tpu.vector_load %arg5[%get3A_1182, %get3A_1183, %get3A_1184] {strides = array<i32>} : memref<2x128x256xf32, #tpu.memory_space<vmem>>, vector<1x1x16xf32>,
        %get3A_1186 = vector.shape_cast %get3A_1185 : vector<1x1x16xf32> to vector<16xf32>
        %mul3A_1187 = arith.mulf %get3A_1186, %get3A_123 : vector<16xf32>
        %add3A_1188 = arith.addf %add3A_1179, %mul3A_1187 : vector<16xf32>
        %get3A_1189 = arith.constant 0 : i32
        %get3A_1190 = arith.constant 93 : i32
        %get3A_1191 = arith.index_cast %get3A_1189 : i32 to index
        %get3A_1192 = arith.index_cast %get3A_1190 : i32 to index
        %get3A_1193 = arith.index_cast %mul3A_89 : i32 to index
        %get3A_1194 = tpu.vector_load %arg5[%get3A_1191, %get3A_1192, %get3A_1193] {strides = array<i32>} : memref<2x128x256xf32, #tpu.memory_space<vmem>>, vector<1x1x16xf32>,
        %get3A_1195 = vector.shape_cast %get3A_1194 : vector<1x1x16xf32> to vector<16xf32>
        %mul3A_1196 = arith.mulf %get3A_1195, %get3A_130 : vector<16xf32>
        %add3A_1197 = arith.addf %add3A_1188, %mul3A_1196 : vector<16xf32>
        %get3A_1198 = arith.constant 0 : i32
        %get3A_1199 = arith.constant 109 : i32
        %get3A_1200 = arith.index_cast %get3A_1198 : i32 to index
        %get3A_1201 = arith.index_cast %get3A_1199 : i32 to index
        %get3A_1202 = arith.index_cast %mul3A_89 : i32 to index
        %get3A_1203 = tpu.vector_load %arg5[%get3A_1200, %get3A_1201, %get3A_1202] {strides = array<i32>} : memref<2x128x256xf32, #tpu.memory_space<vmem>>, vector<1x1x16xf32>,
        %get3A_1204 = vector.shape_cast %get3A_1203 : vector<1x1x16xf32> to vector<16xf32>
        %mul3A_1205 = arith.mulf %get3A_1204, %get3A_137 : vector<16xf32>
        %add3A_1206 = arith.addf %add3A_1197, %mul3A_1205 : vector<16xf32>
        %get3A_1207 = arith.constant 0 : i32
        %get3A_1208 = arith.constant 125 : i32
        %get3A_1209 = arith.index_cast %get3A_1207 : i32 to index
        %get3A_1210 = arith.index_cast %get3A_1208 : i32 to index
        %get3A_1211 = arith.index_cast %mul3A_89 : i32 to index
        %get3A_1212 = tpu.vector_load %arg5[%get3A_1209, %get3A_1210, %get3A_1211] {strides = array<i32>} : memref<2x128x256xf32, #tpu.memory_space<vmem>>, vector<1x1x16xf32>,
        %get3A_1213 = vector.shape_cast %get3A_1212 : vector<1x1x16xf32> to vector<16xf32>
        %mul3A_1214 = arith.mulf %get3A_1213, %get3A_144 : vector<16xf32>
        %add3A_1215 = arith.addf %add3A_1206, %mul3A_1214 : vector<16xf32>
        %swap3A_1216 = arith.constant 13 : i32
        %swap3A_1217 = arith.index_cast %swap3A_1216 : i32 to index
        %swap3A_1218 = arith.index_cast %mul3A_89 : i32 to index
        %swap3A_1219 = tpu.vector_load %arg7[%swap3A_1217, %swap3A_1218] {strides = array<i32>} : memref<16x256xf32, #tpu.memory_space<vmem>>, vector<1x16xf32>,
        %swap3A_1220 = vector.shape_cast %swap3A_1219 : vector<1x16xf32> to vector<16xf32>
        %swap3A_1221 = vector.shape_cast %add3A_1215 : vector<16xf32> to vector<1x16xf32>
        tpu.vector_store %arg7[%swap3A_1217, %swap3A_1218], %swap3A_1221 {add = true, strides = array<i32>} : memref<16x256xf32, #tpu.memory_space<vmem>>, vector<1x16xf32>,
        %get3A_1222 = arith.constant 0 : i32
        %get3A_1223 = arith.constant 14 : i32
        %get3A_1224 = arith.index_cast %get3A_1222 : i32 to index
        %get3A_1225 = arith.index_cast %get3A_1223 : i32 to index
        %get3A_1226 = arith.index_cast %mul3A_89 : i32 to index
        %get3A_1227 = tpu.vector_load %arg5[%get3A_1224, %get3A_1225, %get3A_1226] {strides = array<i32>} : memref<2x128x256xf32, #tpu.memory_space<vmem>>, vector<1x1x16xf32>,
        %get3A_1228 = vector.shape_cast %get3A_1227 : vector<1x1x16xf32> to vector<16xf32>
        %mul3A_1229 = arith.mulf %get3A_1228, %get3A_95 : vector<16xf32>
        %get3A_1230 = arith.constant 0 : i32
        %get3A_1231 = arith.constant 30 : i32
        %get3A_1232 = arith.index_cast %get3A_1230 : i32 to index
        %get3A_1233 = arith.index_cast %get3A_1231 : i32 to index
        %get3A_1234 = arith.index_cast %mul3A_89 : i32 to index
        %get3A_1235 = tpu.vector_load %arg5[%get3A_1232, %get3A_1233, %get3A_1234] {strides = array<i32>} : memref<2x128x256xf32, #tpu.memory_space<vmem>>, vector<1x1x16xf32>,
        %get3A_1236 = vector.shape_cast %get3A_1235 : vector<1x1x16xf32> to vector<16xf32>
        %mul3A_1237 = arith.mulf %get3A_1236, %get3A_102 : vector<16xf32>
        %add3A_1238 = arith.addf %mul3A_1229, %mul3A_1237 : vector<16xf32>
        %get3A_1239 = arith.constant 0 : i32
        %get3A_1240 = arith.constant 46 : i32
        %get3A_1241 = arith.index_cast %get3A_1239 : i32 to index
        %get3A_1242 = arith.index_cast %get3A_1240 : i32 to index
        %get3A_1243 = arith.index_cast %mul3A_89 : i32 to index
        %get3A_1244 = tpu.vector_load %arg5[%get3A_1241, %get3A_1242, %get3A_1243] {strides = array<i32>} : memref<2x128x256xf32, #tpu.memory_space<vmem>>, vector<1x1x16xf32>,
        %get3A_1245 = vector.shape_cast %get3A_1244 : vector<1x1x16xf32> to vector<16xf32>
        %mul3A_1246 = arith.mulf %get3A_1245, %get3A_109 : vector<16xf32>
        %add3A_1247 = arith.addf %add3A_1238, %mul3A_1246 : vector<16xf32>
        %get3A_1248 = arith.constant 0 : i32
        %get3A_1249 = arith.constant 62 : i32
        %get3A_1250 = arith.index_cast %get3A_1248 : i32 to index
        %get3A_1251 = arith.index_cast %get3A_1249 : i32 to index
        %get3A_1252 = arith.index_cast %mul3A_89 : i32 to index
        %get3A_1253 = tpu.vector_load %arg5[%get3A_1250, %get3A_1251, %get3A_1252] {strides = array<i32>} : memref<2x128x256xf32, #tpu.memory_space<vmem>>, vector<1x1x16xf32>,
        %get3A_1254 = vector.shape_cast %get3A_1253 : vector<1x1x16xf32> to vector<16xf32>
        %mul3A_1255 = arith.mulf %get3A_1254, %get3A_116 : vector<16xf32>
        %add3A_1256 = arith.addf %add3A_1247, %mul3A_1255 : vector<16xf32>
        %get3A_1257 = arith.constant 0 : i32
        %get3A_1258 = arith.constant 78 : i32
        %get3A_1259 = arith.index_cast %get3A_1257 : i32 to index
        %get3A_1260 = arith.index_cast %get3A_1258 : i32 to index
        %get3A_1261 = arith.index_cast %mul3A_89 : i32 to index
        %get3A_1262 = tpu.vector_load %arg5[%get3A_1259, %get3A_1260, %get3A_1261] {strides = array<i32>} : memref<2x128x256xf32, #tpu.memory_space<vmem>>, vector<1x1x16xf32>,
        %get3A_1263 = vector.shape_cast %get3A_1262 : vector<1x1x16xf32> to vector<16xf32>
        %mul3A_1264 = arith.mulf %get3A_1263, %get3A_123 : vector<16xf32>
        %add3A_1265 = arith.addf %add3A_1256, %mul3A_1264 : vector<16xf32>
        %get3A_1266 = arith.constant 0 : i32
        %get3A_1267 = arith.constant 94 : i32
        %get3A_1268 = arith.index_cast %get3A_1266 : i32 to index
        %get3A_1269 = arith.index_cast %get3A_1267 : i32 to index
        %get3A_1270 = arith.index_cast %mul3A_89 : i32 to index
        %get3A_1271 = tpu.vector_load %arg5[%get3A_1268, %get3A_1269, %get3A_1270] {strides = array<i32>} : memref<2x128x256xf32, #tpu.memory_space<vmem>>, vector<1x1x16xf32>,
        %get3A_1272 = vector.shape_cast %get3A_1271 : vector<1x1x16xf32> to vector<16xf32>
        %mul3A_1273 = arith.mulf %get3A_1272, %get3A_130 : vector<16xf32>
        %add3A_1274 = arith.addf %add3A_1265, %mul3A_1273 : vector<16xf32>
        %get3A_1275 = arith.constant 0 : i32
        %get3A_1276 = arith.constant 110 : i32
        %get3A_1277 = arith.index_cast %get3A_1275 : i32 to index
        %get3A_1278 = arith.index_cast %get3A_1276 : i32 to index
        %get3A_1279 = arith.index_cast %mul3A_89 : i32 to index
        %get3A_1280 = tpu.vector_load %arg5[%get3A_1277, %get3A_1278, %get3A_1279] {strides = array<i32>} : memref<2x128x256xf32, #tpu.memory_space<vmem>>, vector<1x1x16xf32>,
        %get3A_1281 = vector.shape_cast %get3A_1280 : vector<1x1x16xf32> to vector<16xf32>
        %mul3A_1282 = arith.mulf %get3A_1281, %get3A_137 : vector<16xf32>
        %add3A_1283 = arith.addf %add3A_1274, %mul3A_1282 : vector<16xf32>
        %get3A_1284 = arith.constant 0 : i32
        %get3A_1285 = arith.constant 126 : i32
        %get3A_1286 = arith.index_cast %get3A_1284 : i32 to index
        %get3A_1287 = arith.index_cast %get3A_1285 : i32 to index
        %get3A_1288 = arith.index_cast %mul3A_89 : i32 to index
        %get3A_1289 = tpu.vector_load %arg5[%get3A_1286, %get3A_1287, %get3A_1288] {strides = array<i32>} : memref<2x128x256xf32, #tpu.memory_space<vmem>>, vector<1x1x16xf32>,
        %get3A_1290 = vector.shape_cast %get3A_1289 : vector<1x1x16xf32> to vector<16xf32>
        %mul3A_1291 = arith.mulf %get3A_1290, %get3A_144 : vector<16xf32>
        %add3A_1292 = arith.addf %add3A_1283, %mul3A_1291 : vector<16xf32>
        %swap3A_1293 = arith.constant 14 : i32
        %swap3A_1294 = arith.index_cast %swap3A_1293 : i32 to index
        %swap3A_1295 = arith.index_cast %mul3A_89 : i32 to index
        %swap3A_1296 = tpu.vector_load %arg7[%swap3A_1294, %swap3A_1295] {strides = array<i32>} : memref<16x256xf32, #tpu.memory_space<vmem>>, vector<1x16xf32>,
        %swap3A_1297 = vector.shape_cast %swap3A_1296 : vector<1x16xf32> to vector<16xf32>
        %swap3A_1298 = vector.shape_cast %add3A_1292 : vector<16xf32> to vector<1x16xf32>
        tpu.vector_store %arg7[%swap3A_1294, %swap3A_1295], %swap3A_1298 {add = true, strides = array<i32>} : memref<16x256xf32, #tpu.memory_space<vmem>>, vector<1x16xf32>,
        %get3A_1299 = arith.constant 0 : i32
        %get3A_1300 = arith.constant 15 : i32
        %get3A_1301 = arith.index_cast %get3A_1299 : i32 to index
        %get3A_1302 = arith.index_cast %get3A_1300 : i32 to index
        %get3A_1303 = arith.index_cast %mul3A_89 : i32 to index
        %get3A_1304 = tpu.vector_load %arg5[%get3A_1301, %get3A_1302, %get3A_1303] {strides = array<i32>} : memref<2x128x256xf32, #tpu.memory_space<vmem>>, vector<1x1x16xf32>,
        %get3A_1305 = vector.shape_cast %get3A_1304 : vector<1x1x16xf32> to vector<16xf32>
        %mul3A_1306 = arith.mulf %get3A_1305, %get3A_95 : vector<16xf32>
        %get3A_1307 = arith.constant 0 : i32
        %get3A_1308 = arith.constant 31 : i32
        %get3A_1309 = arith.index_cast %get3A_1307 : i32 to index
        %get3A_1310 = arith.index_cast %get3A_1308 : i32 to index
        %get3A_1311 = arith.index_cast %mul3A_89 : i32 to index
        %get3A_1312 = tpu.vector_load %arg5[%get3A_1309, %get3A_1310, %get3A_1311] {strides = array<i32>} : memref<2x128x256xf32, #tpu.memory_space<vmem>>, vector<1x1x16xf32>,
        %get3A_1313 = vector.shape_cast %get3A_1312 : vector<1x1x16xf32> to vector<16xf32>
        %mul3A_1314 = arith.mulf %get3A_1313, %get3A_102 : vector<16xf32>
        %add3A_1315 = arith.addf %mul3A_1306, %mul3A_1314 : vector<16xf32>
        %get3A_1316 = arith.constant 0 : i32
        %get3A_1317 = arith.constant 47 : i32
        %get3A_1318 = arith.index_cast %get3A_1316 : i32 to index
        %get3A_1319 = arith.index_cast %get3A_1317 : i32 to index
        %get3A_1320 = arith.index_cast %mul3A_89 : i32 to index
        %get3A_1321 = tpu.vector_load %arg5[%get3A_1318, %get3A_1319, %get3A_1320] {strides = array<i32>} : memref<2x128x256xf32, #tpu.memory_space<vmem>>, vector<1x1x16xf32>,
        %get3A_1322 = vector.shape_cast %get3A_1321 : vector<1x1x16xf32> to vector<16xf32>
        %mul3A_1323 = arith.mulf %get3A_1322, %get3A_109 : vector<16xf32>
        %add3A_1324 = arith.addf %add3A_1315, %mul3A_1323 : vector<16xf32>
        %get3A_1325 = arith.constant 0 : i32
        %get3A_1326 = arith.constant 63 : i32
        %get3A_1327 = arith.index_cast %get3A_1325 : i32 to index
        %get3A_1328 = arith.index_cast %get3A_1326 : i32 to index
        %get3A_1329 = arith.index_cast %mul3A_89 : i32 to index
        %get3A_1330 = tpu.vector_load %arg5[%get3A_1327, %get3A_1328, %get3A_1329] {strides = array<i32>} : memref<2x128x256xf32, #tpu.memory_space<vmem>>, vector<1x1x16xf32>,
        %get3A_1331 = vector.shape_cast %get3A_1330 : vector<1x1x16xf32> to vector<16xf32>
        %mul3A_1332 = arith.mulf %get3A_1331, %get3A_116 : vector<16xf32>
        %add3A_1333 = arith.addf %add3A_1324, %mul3A_1332 : vector<16xf32>
        %get3A_1334 = arith.constant 0 : i32
        %get3A_1335 = arith.constant 79 : i32
        %get3A_1336 = arith.index_cast %get3A_1334 : i32 to index
        %get3A_1337 = arith.index_cast %get3A_1335 : i32 to index
        %get3A_1338 = arith.index_cast %mul3A_89 : i32 to index
        %get3A_1339 = tpu.vector_load %arg5[%get3A_1336, %get3A_1337, %get3A_1338] {strides = array<i32>} : memref<2x128x256xf32, #tpu.memory_space<vmem>>, vector<1x1x16xf32>,
        %get3A_1340 = vector.shape_cast %get3A_1339 : vector<1x1x16xf32> to vector<16xf32>
        %mul3A_1341 = arith.mulf %get3A_1340, %get3A_123 : vector<16xf32>
        %add3A_1342 = arith.addf %add3A_1333, %mul3A_1341 : vector<16xf32>
        %get3A_1343 = arith.constant 0 : i32
        %get3A_1344 = arith.constant 95 : i32
        %get3A_1345 = arith.index_cast %get3A_1343 : i32 to index
        %get3A_1346 = arith.index_cast %get3A_1344 : i32 to index
        %get3A_1347 = arith.index_cast %mul3A_89 : i32 to index
        %get3A_1348 = tpu.vector_load %arg5[%get3A_1345, %get3A_1346, %get3A_1347] {strides = array<i32>} : memref<2x128x256xf32, #tpu.memory_space<vmem>>, vector<1x1x16xf32>,
        %get3A_1349 = vector.shape_cast %get3A_1348 : vector<1x1x16xf32> to vector<16xf32>
        %mul3A_1350 = arith.mulf %get3A_1349, %get3A_130 : vector<16xf32>
        %add3A_1351 = arith.addf %add3A_1342, %mul3A_1350 : vector<16xf32>
        %get3A_1352 = arith.constant 0 : i32
        %get3A_1353 = arith.constant 111 : i32
        %get3A_1354 = arith.index_cast %get3A_1352 : i32 to index
        %get3A_1355 = arith.index_cast %get3A_1353 : i32 to index
        %get3A_1356 = arith.index_cast %mul3A_89 : i32 to index
        %get3A_1357 = tpu.vector_load %arg5[%get3A_1354, %get3A_1355, %get3A_1356] {strides = array<i32>} : memref<2x128x256xf32, #tpu.memory_space<vmem>>, vector<1x1x16xf32>,
        %get3A_1358 = vector.shape_cast %get3A_1357 : vector<1x1x16xf32> to vector<16xf32>
        %mul3A_1359 = arith.mulf %get3A_1358, %get3A_137 : vector<16xf32>
        %add3A_1360 = arith.addf %add3A_1351, %mul3A_1359 : vector<16xf32>
        %get3A_1361 = arith.constant 0 : i32
        %get3A_1362 = arith.constant 127 : i32
        %get3A_1363 = arith.index_cast %get3A_1361 : i32 to index
        %get3A_1364 = arith.index_cast %get3A_1362 : i32 to index
        %get3A_1365 = arith.index_cast %mul3A_89 : i32 to index
        %get3A_1366 = tpu.vector_load %arg5[%get3A_1363, %get3A_1364, %get3A_1365] {strides = array<i32>} : memref<2x128x256xf32, #tpu.memory_space<vmem>>, vector<1x1x16xf32>,
        %get3A_1367 = vector.shape_cast %get3A_1366 : vector<1x1x16xf32> to vector<16xf32>
        %mul3A_1368 = arith.mulf %get3A_1367, %get3A_144 : vector<16xf32>
        %add3A_1369 = arith.addf %add3A_1360, %mul3A_1368 : vector<16xf32>
        %swap3A_1370 = arith.constant 15 : i32
        %swap3A_1371 = arith.index_cast %swap3A_1370 : i32 to index
        %swap3A_1372 = arith.index_cast %mul3A_89 : i32 to index
        %swap3A_1373 = tpu.vector_load %arg7[%swap3A_1371, %swap3A_1372] {strides = array<i32>} : memref<16x256xf32, #tpu.memory_space<vmem>>, vector<1x16xf32>,
        %swap3A_1374 = vector.shape_cast %swap3A_1373 : vector<1x16xf32> to vector<16xf32>
        %swap3A_1375 = vector.shape_cast %add3A_1369 : vector<16xf32> to vector<1x16xf32>
        tpu.vector_store %arg7[%swap3A_1371, %swap3A_1372], %swap3A_1375 {add = true, strides = array<i32>} : memref<16x256xf32, #tpu.memory_space<vmem>>, vector<1x16xf32>,
        %scan3A_1376 = arith.constant 0 : i32
        scf.yield %scan3A_1376 : i32
      }
      %scan3A_84 = arith.constant 16 : i32
      "tpu.region"() ({
        %run_scoped3A = tpu.sem_alloc : memref<!tpu.dma_semaphore, #tpu.memory_space<semaphore_mem>>
        %dma_start3A_86 = arith.constant 0 : i32
        %dma_start3A_87 = tpu.memref_slice %arg4[%dma_start3A_86, %add3A_13] : memref<16x16384xf32, #tpu.memory_space<hbm>> -> memref<16x256xf32, #tpu.memory_space<hbm>>
        %dma_start3A_88 = arith.constant 0 : i32
        %dma_start3A_89 = tpu.memref_slice %arg4[%dma_start3A_88, %add3A_13] : memref<16x16384xf32, #tpu.memory_space<hbm>> -> memref<16x256xf32, #tpu.memory_space<hbm>>
        tpu.enqueue_dma source(%arg7 : memref<16x256xf32, #tpu.memory_space<vmem>>) target(%dma_start3A_89 : memref<16x256xf32, #tpu.memory_space<hbm>>) target_semaphore(%run_scoped3A : memref<!tpu.dma_semaphore, #tpu.memory_space<semaphore_mem>>)
        %dma_wait3A_90 = arith.constant 0 : i32
        %dma_wait3A_91 = tpu.memref_slice %arg4[%dma_wait3A_90, %add3A_13] : memref<16x16384xf32, #tpu.memory_space<hbm>> -> memref<16x256xf32, #tpu.memory_space<hbm>>
        %dma_wait3A_92 = arith.constant 0 : i32
        %dma_wait3A_93 = tpu.memref_slice %arg4[%dma_wait3A_92, %add3A_13] : memref<16x16384xf32, #tpu.memory_space<hbm>> -> memref<16x256xf32, #tpu.memory_space<hbm>>
        tpu.wait_dma2 semaphore(%run_scoped3A : memref<!tpu.dma_semaphore, #tpu.memory_space<semaphore_mem>>) src(%arg7 : memref<16x256xf32, #tpu.memory_space<vmem>>) dst(%dma_wait3A_93 : memref<16x256xf32, #tpu.memory_space<hbm>>)
        tpu.yield
      }) : () -> ()
      %scan3A_85 = arith.constant 0 : i32
      scf.yield %scan3A_85 : i32
    }
    %scan3A_6 = arith.constant 2 : i32
    return
  }
}

module attributes {stable_mosaic.version = 14 : i64} {
  func.func @_tc_body(%arg0: i32, %arg1: i32, %arg2: memref<40x2048xf32, #tpu.memory_space<vmem>>, %arg3: memref<40x16x2048xf32, #tpu.memory_space<vmem>>, %arg4: memref<16x2048xf32, #tpu.memory_space<vmem>>) attributes {dimension_semantics = [#tpu.dimension_semantics<parallel>, #tpu.dimension_semantics<arbitrary>], iteration_bounds = array<i64: 8, 4>, scalar_prefetch = 0 : i64, scratch_operands = 0 : i64, tpu.core_type = #tpu.core_type<tc>, window_params = [{transform_indices = @transform_0, window_bounds = array<i64: 40, 2048>}, {transform_indices = @transform_1, window_bounds = array<i64: 40, 16, 2048>}, {transform_indices = @transform_2, window_bounds = array<i64: 16, 2048>}]} {
    %get3A = arith.constant 0 : index
    %get3A_0 = arith.constant 0 : index
    %get3A_1 = arith.constant 0 : index
    %get3A_2 = vector.load %arg3[%get3A, %get3A_0, %get3A_1] : memref<40x16x2048xf32, #tpu.memory_space<vmem>>, vector<40x16x2048xf32>
    %get3A_3 = arith.constant 0 : index
    %get3A_4 = arith.constant 0 : index
    %get3A_5 = vector.load %arg2[%get3A_3, %get3A_4] : memref<40x2048xf32, #tpu.memory_space<vmem>>, vector<40x2048xf32>
    %broadcast_in_dim3A = vector.shape_cast %get3A_5 : vector<40x2048xf32> to vector<40x1x2048xf32>
    %mul3A = vector.broadcast %broadcast_in_dim3A : vector<40x1x2048xf32> to vector<40x16x2048xf32>
    %mul3A_6 = arith.mulf %get3A_2, %mul3A : vector<40x16x2048xf32>
    %reduce_sum3A = arith.constant dense<0.000000e+00> : vector<16x2048xf32>
    %reduce_sum3A_7 = vector.multi_reduction <add>, %mul3A_6, %reduce_sum3A [0] : vector<40x16x2048xf32> to vector<16x2048xf32>
    %eq3A = arith.constant 0 : i32
    %eq3A_8 = arith.cmpi eq, %arg1, %eq3A : i32
    %convert_element_type3A = arith.extui %eq3A_8 : i1 to i32
    %cond3A = arith.constant 0 : i32
    %cond3A_9 = arith.cmpi ne, %convert_element_type3A, %cond3A : i32
    scf.if %cond3A_9 {
      %swap3A = arith.constant 0 : index
      %swap3A_14 = arith.constant 0 : index
      %swap3A_15 = vector.load %arg4[%swap3A, %swap3A_14] : memref<16x2048xf32, #tpu.memory_space<vmem>>, vector<16x2048xf32>
      tpu.vector_store %arg4[%swap3A, %swap3A_14], %reduce_sum3A_7 {strides = array<i32>} : memref<16x2048xf32, #tpu.memory_space<vmem>>, vector<16x2048xf32>,
    } else {
    }
    %gt3A = arith.constant 0 : i32
    %gt3A_10 = arith.cmpi sgt, %arg1, %gt3A : i32
    %convert_element_type3A_11 = arith.extui %gt3A_10 : i1 to i32
    %cond3A_12 = arith.constant 0 : i32
    %cond3A_13 = arith.cmpi ne, %convert_element_type3A_11, %cond3A_12 : i32
    scf.if %cond3A_13 {
      %get3A_14 = arith.constant 0 : index
      %get3A_15 = arith.constant 0 : index
      %get3A_16 = vector.load %arg4[%get3A_14, %get3A_15] : memref<16x2048xf32, #tpu.memory_space<vmem>>, vector<16x2048xf32>
      %add3A = arith.addf %get3A_16, %reduce_sum3A_7 : vector<16x2048xf32>
      %swap3A = arith.constant 0 : index
      %swap3A_17 = arith.constant 0 : index
      %swap3A_18 = vector.load %arg4[%swap3A, %swap3A_17] : memref<16x2048xf32, #tpu.memory_space<vmem>>, vector<16x2048xf32>
      tpu.vector_store %arg4[%swap3A, %swap3A_17], %add3A {strides = array<i32>} : memref<16x2048xf32, #tpu.memory_space<vmem>>, vector<16x2048xf32>,
    } else {
    }
    return
  }
  func.func @transform_0(%arg0: i32, %arg1: i32) -> (i32, i32) {
    %c0_i32 = arith.constant 0 : i32
    return %arg1, %arg0 : i32, i32
  }
  func.func @transform_1(%arg0: i32, %arg1: i32) -> (i32, i32, i32) {
    %c0_i32 = arith.constant 0 : i32
    %c0_i32_0 = arith.constant 0 : i32
    return %arg1, %c0_i32, %arg0 : i32, i32, i32
  }
  func.func @transform_2(%arg0: i32, %arg1: i32) -> (i32, i32) {
    %c0_i32 = arith.constant 0 : i32
    %c0_i32_0 = arith.constant 0 : i32
    return %c0_i32, %arg0 : i32, i32
  }
}

</mosaic_0001>

<sc_bundles>
// kernel: kernel.4.cloned.1.call-start
scs
__scs_entry_jumppad:
0x0: {  	(pc) =	sbr.rel $0x88, $3  }
0x1: {  	(tag) =	ssettag $0x0;
	lr =	simm.s32 $0x1  }
0x2: {  	[smem:$0x3F9F] =	sst lr;
	_ =	strace $0xD0000000  }
0x3: {  	_ = 	snop  }
0x4: {  	_ = 	snop  }
0x5: {  	_ = 	snop  }
0x6: {  	_ = 	snop  }
0x7: {  	_ = 	snop  }
__scs_overlays_trampoline_lowered:
0x8: {  	[smem:$0x3FAE] =	sst s0  }
0x9: {  	[smem:$0x3FAF] =	sst s1  }
0xa: {  	[smem:$0x3FB0] =	sst s2  }
0xb: {  	[smem:$0x3FB1] =	sst s3  }
0xc: {  	[smem:$0x3FB2] =	sst s4  }
0xd: {  	[smem:$0x3FB3] =	sst s5  }
0xe: {  	[smem:$0x3FB4] =	sst s6  }
0xf: {  	[smem:$0x3FB5] =	sst s7  }
0x10: {  	[smem:$0x3FB6] =	sst s8  }
0x11: {  	[smem:$0x3FB7] =	sst s9;
	s0 =	simm.s32 @!p0 $0x0  }
0x12: {  	s1 =	sld [smem:$0x3F9D];
	s0 =	simm.s32 @p0 $0x1  }
0x13: {  	[smem:$0x3FB8] =	sst s0;
	s0 =	simm.s32 @!p1 $0x0  }
0x14: {  	s2 =	sld [smem:$0x3F9C];
	s0 =	simm.s32 @p1 $0x1  }
0x15: {  	[smem:$0x3FB9] =	sst s0;
	s0 =	simm.s32 @!p2 $0x0  }
0x16: {  	s3 =	sld [smem:$0x3FDB];
	s0 =	simm.s32 @p2 $0x1  }
0x17: {  	s4 =	simm.s32 $0x1BF5;
	[smem:$0x3FBB] =	sst s0  }
0x18: {  	s0 =	sld [smem:$0x3F9E];
	_ =	swait.ge [sflag:s4], $0x0  }
0x19: {  	s7 =	sld [smem:$0x3F9F]  }
0x1a: {  	s8 =	sadd.s32 $0xFFFFE003, lr  }
0x1b: {  	s9 =	sadd.s32 $0xFFFFFEF7, lr;
	s5 =	simm.s32 $0xFFFFFFFF;
	p2 =	slt.u32 s8, $0xFFFFF086  }
0x1c: {  	p1 =	slt.u32 s9, $0xF7A;
	s5 =	simm.s32 @!p2 $0x0  }
0x1d: {  	s5 =	simm.s32 @p1 $0x1;
	p0 =	seq.s32 s7, s2  }
0x1e: {  	s7 =	smul.u32 @!p0 $0xF7A, s2;
	p2 =	seq.s32 @!p0 s5, $0x0  }
0x1f: {  	s9 =	smul.u32 $0xF7A, s1;
	s8 =	simm.s32 @!p0 $0x1BF5;
	p2 =	por !p2, p0  }
0x20: {  	[sflag:s8] =	ssyncset.s32 @!p0 $0xFFFFF086;
	s6 =	sadd.s32 @!p0 s3, s7;
	s7 =	simm.s32 @!p0 $0x108  }
0x21: {  	s3 =	sadd.s32 s3, s9;
	s6 =	sadd.s32 @!p0 $0x88, s6;
	s7 =	simm.s32 @p2 $0x1082  }
0x22: {  	[simem:s7], [sflag:s8] =	dma.local @!p0 [hbm:s6], $0xF7A  }
0x23: {  	s9 =	sor.u32 $0xD0000000, s2;
	s6 =	simm.s32 $0x108;
	_ =	swait.ge @!p0 [sflag:s8], $0x0  }
0x24: {  	s3 =	sadd.s32 $0x88, s3;
	s6 =	simm.s32 @!p1 $0x1082;
	[sflag:s4] =	ssyncset.s32 $0xFFFFF086  }
0x25: {  	[simem:s6], [sflag:s4] =	dma.local [hbm:s3], $0xF7A  }
0x26: {  	[smem:$0x3F9F] =	sst s1;
	(tag) =	ssettag s2;
	_ =	strace s9  }
0x27: {  	s1 =	sld [smem:$0x3FAF]  }
0x28: {  	s2 =	sld [smem:$0x3FB0]  }
0x29: {  	s4 =	sld [smem:$0x3FB2]  }
0x2a: {  	p0 =	seq.s32 s5, $0x0;
	s5 =	sld [smem:$0x3FB3]  }
0x2b: {  	s6 =	sld [smem:$0x3FB4]  }
0x2c: {  	s7 =	sld [smem:$0x3FB5]  }
0x2d: {  	s3 =	simm.s32 $0x108;
	s8 =	sld [smem:$0x3FB6]  }
0x2e: {  	s3 =	simm.s32 @!p0 $0x1082;
	s9 =	sld [smem:$0x3FB7]  }
0x2f: {  	lr =	sadd.s32 s0, s3;
	s0 =	sld [smem:$0x3FAE]  }
0x30: {  	s3 =	sld [smem:$0x3FB1]  }
0x31: {  	[smem:$0x3FBA] =	sst s10  }
0x32: {  	s10 =	sld [smem:$0x3FB8];
	_ =	sdelay $0x3  }
0x33: {  	p0 =	seq.s32 s10, $0x1;
	s10 =	sld [smem:$0x3FBA];
	_ =	sdelay $0x3  }
0x34: {  	[smem:$0x3FBA] =	sst s10  }
0x35: {  	s10 =	sld [smem:$0x3FB9];
	_ =	sdelay $0x3  }
0x36: {  	p1 =	seq.s32 s10, $0x1;
	s10 =	sld [smem:$0x3FBA];
	_ =	sdelay $0x3  }
0x37: {  	[smem:$0x3FBA] =	sst s10  }
0x38: {  	s10 =	sld [smem:$0x3FBB]  }
0x39: {  	_ = 	snop;
	(pc) =	sbr.ind lr, $3  }
0x3a: {  	_ = 	snop  }
0x3b: {  	_ = 	snop  }
0x3c: {  	p2 =	seq.s32 s10, $0x1;
	s10 =	sld [smem:$0x3FBA]  }
0x3d: {  	_ =	shalt  }
0x3e: {  	_ =	shalt  }
0x3f: {  	_ =	shalt  }
0x40: {  	_ =	shalt  }
0x41: {  	_ =	shalt  }
0x42: {  	_ =	shalt  }
0x43: {  	_ =	shalt  }
0x44: {  	_ =	shalt  }
0x45: {  	_ =	shalt  }
0x46: {  	_ =	shalt  }
0x47: {  	_ =	shalt  }
0x48: {  	_ =	shalt  }
0x49: {  	_ =	shalt  }
0x4a: {  	_ =	shalt  }
0x4b: {  	_ =	shalt  }
0x4c: {  	_ =	shalt  }
0x4d: {  	_ =	shalt  }
0x4e: {  	_ =	shalt  }
0x4f: {  	_ =	shalt  }
0x50: {  	_ =	shalt  }
0x51: {  	_ =	shalt  }
0x52: {  	_ =	shalt  }
0x53: {  	_ =	shalt  }
0x54: {  	_ =	shalt  }
0x55: {  	_ =	shalt  }
0x56: {  	_ =	shalt  }
0x57: {  	_ =	shalt  }
0x58: {  	_ =	shalt  }
0x59: {  	_ =	shalt  }
0x5a: {  	_ =	shalt  }
0x5b: {  	_ =	shalt  }
0x5c: {  	_ =	shalt  }
0x5d: {  	_ =	shalt  }
0x5e: {  	_ =	shalt  }
0x5f: {  	_ =	shalt  }
0x60: {  	_ =	shalt  }
0x61: {  	_ =	shalt  }
0x62: {  	_ =	shalt  }
0x63: {  	_ =	shalt  }
0x64: {  	_ =	shalt  }
0x65: {  	_ =	shalt  }
0x66: {  	_ =	shalt  }
0x67: {  	_ =	shalt  }
0x68: {  	_ =	shalt  }
0x69: {  	_ =	shalt  }
0x6a: {  	_ =	shalt  }
0x6b: {  	_ =	shalt  }
0x6c: {  	_ =	shalt  }
0x6d: {  	_ =	shalt  }
0x6e: {  	_ =	shalt  }
0x6f: {  	_ =	shalt  }
0x70: {  	_ =	shalt  }
0x71: {  	_ =	shalt  }
0x72: {  	_ =	shalt  }
0x73: {  	_ =	shalt  }
0x74: {  	_ =	shalt  }
0x75: {  	_ =	shalt  }
0x76: {  	_ =	shalt  }
0x77: {  	_ =	shalt  }
0x78: {  	_ =	shalt  }
0x79: {  	_ =	shalt  }
0x7a: {  	_ =	shalt  }
0x7b: {  	_ =	shalt  }
0x7c: {  	_ =	shalt  }
0x7d: {  	_ =	shalt  }
0x7e: {  	_ =	shalt  }
0x7f: {  	_ =	shalt  }
0x80: {  	_ =	shalt  }
0x81: {  	_ =	shalt  }
0x82: {  	_ =	shalt  }
0x83: {  	_ =	shalt  }
0x84: {  	_ =	shalt  }
0x85: {  	_ =	shalt  }
0x86: {  	_ =	shalt  }
0x87: {  	_ =	shalt  }
.Lfunc_end0:
.L_simem_size_0:
called_computation_lowered:
.L_overlay_start_0:
0x88: {  	s2 =	sld [smem:$0x3FD9]  }
0x89: {  	s3 =	sld [smem:$0x3FFE];
	_ =	sdelay $0x1  }
0x8a: {  	s1 =	srdreg.scid  }
0x8b: {  	s0 =	sand.u32 $0x1, s1  }
0x8c: {  	s17 =	sshll.u32 s0, $0xA;
	s2 =	sadd.s32 s3, s2  }
0x8d: {  	s2 =	sadd.s32 s2, s17  }
0x8e: {  	[smem:$0x3FC6] =	sst s2  }
0x8f: {  	_ = 	snop  }
0x90: {  	s2 =	sld [smem:$0x3FC9]  }
0x91: {  	s18 =	sld [smem:$0x3FD0];
	(tm) =	ssettm $0x1  }
0x92: {  	s4 =	sld [smem:$0x3FFB];
	_ =	sdelay $0x3  }
0x93: {  	_ =	strace s4  }
0x94: {  	s4 =	sld [smem:$0x3FFC];
	_ =	sdelay $0x3  }
0x95: {  	_ =	strace s4  }
0x96: {  	s4 =	sld [smem:$0x3FFD];
	_ =	sdelay $0x3  }
0x97: {  	_ =	strace s4  }
0x98: {  	_ =	strace $0x8FFFFFFF  }
0x99: {  	s19 =	sld [smem:$0x3FDB];
	_ =	sdelay $0x1  }
0x9a: {  	s5 =	simm.s32 $_scs_section_size  }
0x9b: {  	s6 =	simm.s32 $_size__tile_overlayer_lowered;
	s7 =	simm.s32 $_tile_overlayer_lowered  }
0x9c: {  	s22 =	simm.s32 $0x1BFF;
	s21 =	sshll.u32 s7, $0x1;
	s4 =	sadd.s32 s5, s19  }
0x9d: {  	s8 =	simm.s32 $0x0;
	s20 =	sshll.u32 s6, $0x1;
	s6 =	sadd.s32 s21, s4  }
0x9e: {  	[timem:s8], [sflag:s22] =	dma.local [hbm:s6], s20  }
0x9f: {  	_ =	swait.ge [sflag:s22], s20  }
0xa0: {  	s5 =	ssub.s32 $0x0, s20;
	[sflag:s22] =	ssyncset.done $0x0  }
0xa1: {  	[sflag:s22] =	ssyncadd.s32 s5;
	_ =	sdelay $0x1  }
0xa2: {  	s23 =	simm.s32 $0x1B8B  }
0xa3: {  	_ =	swait.ge [sflag:s23], $0x1  }
0xa4: {  	[sflag:s23] =	ssyncset.done $0x0  }
0xa5: {  	s25 =	simm.s32 $0x1B8E;
	s24 =	sld [smem:$0x3FFE];
	[sflag:s23] =	ssyncadd.s32 $0xFFFFFFFF  }
0xa6: {  	s26 =	simm.s32 $execute0_lowered;
	[smem:$0x3FD2] =	sst s25  }
0xa7: {  	s6 =	sshll.u32 s26, $0x1;
	_ =	strace $0x80000046;
	[dreg:$0x1] =	wrdreg $0xFFFFFFFF  }
0xa8: {  	s28 =	simm.s32 $_size_execute0_lowered;
	s4 =	sadd.s32 s4, s6;
	[dreg:$0x0] =	wrdreg $0x0  }
0xa9: {  	s6 =	sshll.u32 s28, $0x1;
	[dreg:$0x2] =	wrdreg s4  }
0xaa: {  	[dreg:$0x3] =	wrdreg s6  }
0xab: {  	[dreg:$0x4] =	wrdreg $0xC0  }
0xac: {  	_ =	task [dreg:s8], $0x5FFFF  }
0xad: {  	[dreg:$0x1] =	wrdreg $0xFFFFFFFF  }
0xae: {  	[dreg:$0x0] =	wrdreg $0x60  }
0xaf: {  	[dreg:$0x2] =	wrdreg s2  }
0xb0: {  	[dreg:$0x3] =	wrdreg s24  }
0xb1: {  	[dreg:$0x4] =	wrdreg s18  }
0xb2: {  	[dreg:$0x5] =	wrdreg $0x9  }
0xb3: {  	_ =	task.clear_ibuf [dreg:s8], $0x6FFFF;
	_ =	strace $0x90000046  }
0xb4: {  	s29 =	simm.s32 $0x9;
	_ =	strace $0x80000048  }
0xb5: {  	_ =	swait.ge [sflag:s29], $0x1  }
0xb6: {  	[sflag:s29] =	ssyncadd.s32 $0xFFFFFFFF  }
0xb7: {  	_ =	strace $0x90000048  }
0xb8: {  	_ =	sfence  }
0xb9: {  	s30 =	sld [smem:$0x0];
	_ =	sdelay $0x2  }
0xba: {  	s31 =	sshll.u32 s1, $0xD;
	s1 =	sshrl.u32 s1, $0x2  }
0xbb: {  	s3 =	sand.u32 $0x4000, s31;
	s1 =	sadd.s32 s1, s30  }
0xbc: {  	s0 =	sor.u32 s3, s0;
	s1 =	sshll.u32 s1, $0x11  }
0xbd: {  	s0 =	sor.u32 s1, s0  }
0xbe: {  	s0 =	sadd.s32 $0x8F2B, s0  }
0xbf: {  	[sflag:s0] =	ssyncadd.remote.s32 $0x1  }
0xc0: {  	_ =	sfence.sel $0xFFFF  }
0xc1: {  	[dreg:$0x0] =	wrdreg $0xFFFFFFFF;
	(pc) =	sbr.abs _section_cstart, $3  }
0xc2: {  	[dreg:$0x1] =	wrdreg $0xFFFFFFFF  }
0xc3: {  	_ =	task.clear_ibuf [dreg:s8], $0x2FFFF;
	_ =	strace $0x9FFFFFFF  }
0xc4: {  	(tm) =	ssettm $0x7FFFFFFF  }
0xc5: {  	_ =	shalt  }
tec
execute0_lowered:
.L_overlay_start_1:
0x0: {  	(tag) =	ssettag $0x1  }
0x1: {  	s1 =	rddreg [dreg:$0x0]  }
0x2: {  	s0 =	rddreg [dreg:$0x1];
	s6 =	simm.s32 $0x0  }
0x3: {  	s2 =	srdreg.scid;
	s7 =	stileid.u32;
	s10 =	simm.s32 $0x800  }
0x4: {  	s11 =	simm.s32 $0x20000;
	s12 =	simm.s32 $0x10000;
	s13 =	simm.s32 $0x1  }
0x5: {  	s14 =	simm.s32 $0x3;
	s15 =	simm.s32 $0x8000;
	s16 =	simm.s32 $0x10800  }
0x6: {  	s17 =	simm.s32 $0x2;
	s18 =	simm.s32 $0x4;
	s2 =	sand.u32 $0x1, s2  }
0x7: {  	s20 =	simm.s32 $0x5;
	[smem:$0x7FF] =	sst s6;
	s3 =	ssub.s32 $0x2, s2  }
0x8: {  	s30 =	sshll.u32 s7, $0xC;
	s2 =	sshll.u32 s2, $0x10;
	s4 =	sshrl.u32 s3, $0x1  }
0x9: {  	s5 =	sadd.s32 $0x600, s0;
	s2 =	sor.u32 s30, s2;
	s3 =	ssub.s32 s3, s4  }
0xa: {  	_ =	strace $0x80000047;
	[dreg:$0x5] =	wrdreg s2;
	s31 =	smax.u32 s3, $0x1  }
0xb: {  	v0 =	vimm.f32 $0.0e+00;
	s7 =	sadd.s32 $0x500000, s1;
	s8 =	sadd.s32 $0x50600, s0;
	[dreg:$0x6] =	wrdreg s31  }
.LBB2_1:
0xc: {  	[dreg:$0x4] =	wrdreg s6;
	p1 =	por $0x1, $0x1;
	s0 =	simm.s32 $0x0  }
.LBB2_2:
0xd: {  	s2 =	simm.s32 $0x0  }
0xe: {  	s3 =	sand.u32 $0x800, s2;
	s2 =	sand.u32 $0x380, s2  }
0xf: {  	s2 =	sor.u32 s2, s3  }
0x10: {  	[tilespmem:s2+$0x11470] =	vst v0  }
0x11: {  	[tilespmem:s2+$0x11000] =	vst v0  }
0x12: {  	[tilespmem:s2+$0x11010] =	vst v0  }
0x13: {  	[tilespmem:s2+$0x11020] =	vst v0  }
0x14: {  	[tilespmem:s2+$0x11030] =	vst v0  }
0x15: {  	[tilespmem:s2+$0x11040] =	vst v0  }
0x16: {  	[tilespmem:s2+$0x11050] =	vst v0  }
0x17: {  	[tilespmem:s2+$0x11060] =	vst v0  }
0x18: {  	[tilespmem:s2+$0x11070] =	vst v0  }
0x19: {  	[tilespmem:s2+$0x11400] =	vst v0  }
0x1a: {  	[tilespmem:s2+$0x11410] =	vst v0  }
0x1b: {  	[tilespmem:s2+$0x11420] =	vst v0  }
0x1c: {  	[tilespmem:s2+$0x11430] =	vst v0  }
0x1d: {  	s4 =	simm.s32 $0x100;
	p0 =	por p1, p1;
	s3 =	simm.s32 $0x80;
	[tilespmem:s2+$0x11440] =	vst v0  }
0x1e: {  	s9 =	sand.u32 $0x800, s4;
	s4 =	simm.s32 $0x200;
	s19 =	sand.u32 $0x380, s3;
	[tilespmem:s2+$0x11450] =	vst v0  }
.LBB2_3:
0x1f: {  	p1 =	sne.s32 s4, $0xF00;
	[tilespmem:s2+$0x11460] =	vst v0;
	s2 =	sor.u32 s19, s9  }
0x20: {  	[tilespmem:s2+$0x11470] =	vst v0  }
0x21: {  	[tilespmem:s2+$0x11000] =	vst v0  }
0x22: {  	[tilespmem:s2+$0x11010] =	vst v0  }
0x23: {  	[tilespmem:s2+$0x11020] =	vst v0  }
0x24: {  	[tilespmem:s2+$0x11030] =	vst v0  }
0x25: {  	[tilespmem:s2+$0x11040] =	vst v0  }
0x26: {  	[tilespmem:s2+$0x11050] =	vst v0  }
0x27: {  	[tilespmem:s2+$0x11060] =	vst v0  }
0x28: {  	[tilespmem:s2+$0x11070] =	vst v0  }
0x29: {  	[tilespmem:s2+$0x11400] =	vst v0  }
.Ltmp0:
0x2a: {  	[tilespmem:s2+$0x11410] =	vst v0;
	(pc) =	sbr.rel @p1 .LBB2_3-.Ltmp0, $4  }
0x2b: {  	[tilespmem:s2+$0x11420] =	vst v0  }
0x2c: {  	[tilespmem:s2+$0x11430] =	vst v0  }
0x2d: {  	s3 =	sadd.s32 $0x80, s3;
	[tilespmem:s2+$0x11440] =	vst v0  }
0x2e: {  	s9 =	sand.u32 $0x800, s4;
	s4 =	sadd.s32 $0x100, s4;
	s19 =	sand.u32 $0x380, s3;
	[tilespmem:s2+$0x11450] =	vst v0  }
0x2f: {  	s3 =	sor.u32 s19, s9;
	[tilespmem:s2+$0x11460] =	vst v0  }
0x30: {  	[tilespmem:s3+$0x11470] =	vst v0  }
0x31: {  	[tilespmem:s3+$0x11000] =	vst v0  }
0x32: {  	[tilespmem:s3+$0x11010] =	vst v0  }
0x33: {  	[tilespmem:s3+$0x11020] =	vst v0  }
0x34: {  	[tilespmem:s3+$0x11030] =	vst v0  }
0x35: {  	[tilespmem:s3+$0x11040] =	vst v0  }
0x36: {  	[tilespmem:s3+$0x11050] =	vst v0  }
0x37: {  	[tilespmem:s3+$0x11060] =	vst v0  }
0x38: {  	[tilespmem:s3+$0x11070] =	vst v0  }
0x39: {  	[tilespmem:s3+$0x11400] =	vst v0  }
0x3a: {  	[tilespmem:s3+$0x11410] =	vst v0  }
0x3b: {  	[tilespmem:s3+$0x11420] =	vst v0  }
0x3c: {  	s29 =	rddreg [dreg:$0x5];
	[tilespmem:s3+$0x11430] =	vst v0  }
0x3d: {  	[tilespmem:s3+$0x11440] =	vst v0;
	s22 =	sor.u32 s29, s0  }
0x3e: {  	s23 =	simm.s32 $0x0;
	[tilespmem:s3+$0x11450] =	vst v0;
	s21 =	sshrl.u32 s22, $0x3  }
0x3f: {  	p2 =	por $0x1, $0x1;
	[tilespmem:s3+$0x11460] =	vst v0;
	s0 =	simm.s32 $0x0;
	s30 =	sadd.s32 s21, s7  }
0x40: {  	[tilespmem:s23], [sflag:$0x1] =	stream.strided.gather [hbm4b:s30+s10], $0x8000, s11, s10, $0x38;
	[tilespmem:$0x12000] =	vst v63  }
0x41: {  	s24 =	sor.u32 $0x2C00000, s22;
	s25 =	sor.u32 $0x2C0000, s22;
	s31 =	sadd.s32 s21, s8  }
0x42: {  	[tilespmem:s12], [sflag:$0x3] =	stream.linear.gather [hbm4b:s31+s23], $0x800, $0x38;
	[tilespmem:$0x12000] =	vst v63  }
.LBB2_5:
0x43: {  	_ =	swait.ge [sflag:s13], $0x8000;
	s28 =	sshll.u32 s0, $0x16  }
0x44: {  	s26 =	sshll.u32 s0, $0x12;
	s4 =	sand.u32 $0x400, s23;
	[sflag:s13] =	ssyncset.done $0x0  }
0x45: {  	s2 =	sor.u32 s22, s28;
	s19 =	sor.u32 s22, s26;
	[sflag:s13] =	ssyncadd.s32 $0xFFFF8000  }
0x46: {  	s2 =	sshrl.u32 s2, $0x3;
	s0 =	sshrl.u32 s19, $0x3;
	_ =	swait.ge [sflag:s14], $0x800  }
0x47: {  	s2 =	sor.u32 $0x540000, s2;
	s0 =	sor.u32 $0x54000, s0;
	[sflag:s14] =	ssyncset.done $0x0  }
0x48: {  	s9 =	sadd.s32 s1, s2;
	s2 =	sand.u32 $0x70, s23;
	[sflag:s14] =	ssyncadd.s32 $0xFFFFF800  }
0x49: {  	[tilespmem:s15], [sflag:$0x2] =	stream.strided.gather [hbm4b:s9+s10], $0x8000, s11, s10, $0x38;
	[tilespmem:$0x12000] =	vst v63  }
0x4a: {  	s3 =	sand.u32 $0xFFFFFC00, s23;
	s0 =	sadd.s32 s5, s0;
	s29 =	sor.u32 s2, s4  }
0x4b: {  	[tilespmem:s16], [sflag:$0x4] =	stream.linear.gather [hbm4b:s0+s23], $0x800, $0x38;
	[tilespmem:$0x12000] =	vst v63  }
0x4c: {  	s4 =	sadd.s32 $0x0, s3;
	v5 =	vld [tilespmem:s29+$0x1000]  }
0x4d: {  	s19 =	sor.u32 $0x80, s4;
	v2 =	vld [tilespmem:s29+$0x10000]  }
0x4e: {  	v1 =	vld [tilespmem:s19+$0x10000]  }
0x4f: {  	v6 =	vld [tilespmem:s29+$0x0]  }
0x50: {  	v7 =	vld [tilespmem:s29+$0x2000]  }
0x51: {  	v3 =	vld [tilespmem:s29+$0x10100]  }
0x52: {  	s9 =	sor.u32 $0x180, s4;
	v8 =	vld [tilespmem:s29+$0x3000]  }
0x53: {  	v4 =	vld [tilespmem:s9+$0x10000]  }
0x54: {  	v10 =	vld [tilespmem:s29+$0x4000];
	v9 =	vmul.f32 v5, v1;
	v6 =	vmul.f32 v6, v2  }
0x55: {  	v5 =	vld [tilespmem:s29+$0x10200]  }
0x56: {  	s3 =	sor.u32 $0x280, s4;
	v11 =	vld [tilespmem:s29+$0x5000];
	v7 =	vmul.f32 v7, v3;
	v9 =	vadd.f32 v9, v6  }
0x57: {  	v6 =	vld [tilespmem:s3+$0x10000]  }
0x58: {  	v12 =	vld [tilespmem:s29+$0x6000];
	v7 =	vadd.f32 v7, v9;
	v9 =	vmul.f32 v8, v4  }
0x59: {  	s0 =	sor.u32 s23, s23;
	v8 =	vld [tilespmem:s29+$0x10300]  }
0x5a: {  	s2 =	sor.u32 $0x380, s0;
	v13 =	vld [tilespmem:s29+$0x7000];
	v10 =	vmul.f32 v10, v5;
	v9 =	vadd.f32 v9, v7  }
0x5b: {  	v7 =	vld [tilespmem:s2+$0x10000]  }
0x5c: {  	v9 =	vadd.f32 v10, v9;
	v10 =	vmul.f32 v11, v6;
	_ =	sdelay $0x1  }
0x5d: {  	v9 =	vadd.f32 v10, v9;
	v10 =	vmul.f32 v12, v8;
	_ =	sdelay $0x1  }
0x5e: {  	v9 =	vadd.f32 v10, v9;
	v10 =	vmul.f32 v13, v7;
	_ =	sdelay $0x1  }
0x5f: {  	v9 =	vadd.f32 v10, v9  }
0x60: {  	s30 =	sor.u32 $0x11000, s29  }
0x61: {  	[tilespmem:s30+$0x0] =	vst.add.f32.msk $0xffff, v9  }
0x62: {  	v9 =	vld [tilespmem:s19+$0x0]  }
0x63: {  	v10 =	vld [tilespmem:s29+$0x1080];
	_ =	sdelay $0x1  }
0x64: {  	v11 =	vld [tilespmem:s29+$0x2080];
	_ =	sdelay $0x1  }
0x65: {  	v17 =	vld [tilespmem:s29+$0x3080]  }
0x66: {  	v9 =	vmul.f32 v9, v2;
	v10 =	vmul.f32 v10, v1  }
0x67: {  	v18 =	vld [tilespmem:s29+$0x4080]  }
0x68: {  	v9 =	vadd.f32 v10, v9;
	v10 =	vmul.f32 v11, v3  }
0x69: {  	v11 =	vld [tilespmem:s29+$0x5080]  }
0x6a: {  	v9 =	vadd.f32 v10, v9;
	v10 =	vmul.f32 v17, v4  }
0x6b: {  	v19 =	vld [tilespmem:s29+$0x6080]  }
0x6c: {  	v9 =	vadd.f32 v10, v9;
	v10 =	vmul.f32 v18, v5  }
0x6d: {  	v20 =	vld [tilespmem:s29+$0x7080]  }
0x6e: {  	v9 =	vadd.f32 v10, v9;
	v10 =	vmul.f32 v11, v6;
	_ =	sdelay $0x1  }
0x6f: {  	v9 =	vadd.f32 v10, v9;
	v10 =	vmul.f32 v19, v8;
	_ =	sdelay $0x1  }
0x70: {  	v9 =	vadd.f32 v10, v9;
	v10 =	vmul.f32 v20, v7;
	_ =	sdelay $0x1  }
0x71: {  	v9 =	vadd.f32 v10, v9;
	_ =	sdelay $0x1  }
0x72: {  	[tilespmem:s19+$0x11000] =	vst.add.f32.msk $0xffff, v9  }
0x73: {  	v9 =	vld [tilespmem:s29+$0x100]  }
0x74: {  	v10 =	vld [tilespmem:s29+$0x1100];
	_ =	sdelay $0x1  }
0x75: {  	v11 =	vld [tilespmem:s29+$0x2100];
	_ =	sdelay $0x1  }
0x76: {  	v21 =	vld [tilespmem:s29+$0x3100]  }
0x77: {  	v9 =	vmul.f32 v9, v2;
	v10 =	vmul.f32 v10, v1  }
0x78: {  	v22 =	vld [tilespmem:s29+$0x4100]  }
0x79: {  	v9 =	vadd.f32 v10, v9;
	v10 =	vmul.f32 v11, v3  }
0x7a: {  	v11 =	vld [tilespmem:s29+$0x5100]  }
0x7b: {  	v9 =	vadd.f32 v10, v9;
	v10 =	vmul.f32 v21, v4  }
0x7c: {  	v23 =	vld [tilespmem:s29+$0x6100]  }
0x7d: {  	v9 =	vadd.f32 v10, v9;
	v10 =	vmul.f32 v22, v5  }
0x7e: {  	v24 =	vld [tilespmem:s29+$0x7100]  }
0x7f: {  	v9 =	vadd.f32 v10, v9;
	v10 =	vmul.f32 v11, v6;
	_ =	sdelay $0x1  }
0x80: {  	v9 =	vadd.f32 v10, v9;
	v10 =	vmul.f32 v23, v8;
	_ =	sdelay $0x1  }
0x81: {  	v9 =	vadd.f32 v10, v9;
	v10 =	vmul.f32 v24, v7;
	_ =	sdelay $0x1  }
0x82: {  	v9 =	vadd.f32 v10, v9  }
0x83: {  	s6 =	sor.u32 $0x11100, s29  }
0x84: {  	[tilespmem:s6+$0x0] =	vst.add.f32.msk $0xffff, v9  }
0x85: {  	v9 =	vld [tilespmem:s9+$0x0]  }
0x86: {  	v10 =	vld [tilespmem:s29+$0x1180];
	_ =	sdelay $0x1  }
0x87: {  	v11 =	vld [tilespmem:s29+$0x2180];
	_ =	sdelay $0x1  }
0x88: {  	v25 =	vld [tilespmem:s29+$0x3180]  }
0x89: {  	v9 =	vmul.f32 v9, v2;
	v10 =	vmul.f32 v10, v1  }
0x8a: {  	v26 =	vld [tilespmem:s29+$0x4180]  }
0x8b: {  	v9 =	vadd.f32 v10, v9;
	v10 =	vmul.f32 v11, v3  }
0x8c: {  	v11 =	vld [tilespmem:s29+$0x5180]  }
0x8d: {  	v9 =	vadd.f32 v10, v9;
	v10 =	vmul.f32 v25, v4  }
0x8e: {  	v27 =	vld [tilespmem:s29+$0x6180]  }
0x8f: {  	v9 =	vadd.f32 v10, v9;
	v10 =	vmul.f32 v26, v5  }
0x90: {  	v28 =	vld [tilespmem:s29+$0x7180]  }
0x91: {  	v9 =	vadd.f32 v10, v9;
	v10 =	vmul.f32 v11, v6;
	_ =	sdelay $0x1  }
0x92: {  	v9 =	vadd.f32 v10, v9;
	v10 =	vmul.f32 v27, v8;
	_ =	sdelay $0x1  }
0x93: {  	v9 =	vadd.f32 v10, v9;
	v10 =	vmul.f32 v28, v7;
	_ =	sdelay $0x1  }
0x94: {  	v9 =	vadd.f32 v10, v9;
	_ =	sdelay $0x1  }
0x95: {  	[tilespmem:s9+$0x11000] =	vst.add.f32.msk $0xffff, v9  }
0x96: {  	v9 =	vld [tilespmem:s29+$0x200]  }
0x97: {  	v10 =	vld [tilespmem:s29+$0x1200];
	_ =	sdelay $0x1  }
0x98: {  	v11 =	vld [tilespmem:s29+$0x2200];
	_ =	sdelay $0x1  }
0x99: {  	v29 =	vld [tilespmem:s29+$0x3200]  }
0x9a: {  	v9 =	vmul.f32 v9, v2;
	v10 =	vmul.f32 v10, v1  }
0x9b: {  	v30 =	vld [tilespmem:s29+$0x4200]  }
0x9c: {  	v9 =	vadd.f32 v10, v9;
	v10 =	vmul.f32 v11, v3  }
0x9d: {  	v11 =	vld [tilespmem:s29+$0x5200]  }
0x9e: {  	v9 =	vadd.f32 v10, v9;
	v10 =	vmul.f32 v29, v4  }
0x9f: {  	v31 =	vld [tilespmem:s29+$0x6200]  }
0xa0: {  	v9 =	vadd.f32 v10, v9;
	v10 =	vmul.f32 v30, v5  }
0xa1: {  	v32 =	vld [tilespmem:s29+$0x7200]  }
0xa2: {  	v9 =	vadd.f32 v10, v9;
	v10 =	vmul.f32 v11, v6;
	_ =	sdelay $0x1  }
0xa3: {  	v9 =	vadd.f32 v10, v9;
	v10 =	vmul.f32 v31, v8;
	_ =	sdelay $0x1  }
0xa4: {  	v9 =	vadd.f32 v10, v9;
	v10 =	vmul.f32 v32, v7;
	_ =	sdelay $0x1  }
0xa5: {  	v9 =	vadd.f32 v10, v9  }
0xa6: {  	s6 =	sor.u32 $0x11200, s29  }
0xa7: {  	[tilespmem:s6+$0x0] =	vst.add.f32.msk $0xffff, v9  }
0xa8: {  	v9 =	vld [tilespmem:s3+$0x0]  }
0xa9: {  	v10 =	vld [tilespmem:s29+$0x1280];
	_ =	sdelay $0x1  }
0xaa: {  	v11 =	vld [tilespmem:s29+$0x2280];
	_ =	sdelay $0x1  }
0xab: {  	v33 =	vld [tilespmem:s29+$0x3280]  }
0xac: {  	v9 =	vmul.f32 v9, v2;
	v10 =	vmul.f32 v10, v1  }
0xad: {  	v34 =	vld [tilespmem:s29+$0x4280]  }
0xae: {  	v9 =	vadd.f32 v10, v9;
	v10 =	vmul.f32 v11, v3  }
0xaf: {  	v11 =	vld [tilespmem:s29+$0x5280]  }
0xb0: {  	v9 =	vadd.f32 v10, v9;
	v10 =	vmul.f32 v33, v4  }
0xb1: {  	v35 =	vld [tilespmem:s29+$0x6280]  }
0xb2: {  	v9 =	vadd.f32 v10, v9;
	v10 =	vmul.f32 v34, v5  }
0xb3: {  	v36 =	vld [tilespmem:s29+$0x7280]  }
0xb4: {  	v9 =	vadd.f32 v10, v9;
	v10 =	vmul.f32 v11, v6;
	_ =	sdelay $0x1  }
0xb5: {  	v9 =	vadd.f32 v10, v9;
	v10 =	vmul.f32 v35, v8;
	_ =	sdelay $0x1  }
0xb6: {  	v9 =	vadd.f32 v10, v9;
	v10 =	vmul.f32 v36, v7;
	_ =	sdelay $0x1  }
0xb7: {  	v9 =	vadd.f32 v10, v9;
	_ =	sdelay $0x1  }
0xb8: {  	[tilespmem:s3+$0x11000] =	vst.add.f32.msk $0xffff, v9  }
0xb9: {  	v9 =	vld [tilespmem:s29+$0x300]  }
0xba: {  	v10 =	vld [tilespmem:s29+$0x1300];
	_ =	sdelay $0x1  }
0xbb: {  	v11 =	vld [tilespmem:s29+$0x2300];
	_ =	sdelay $0x1  }
0xbc: {  	v37 =	vld [tilespmem:s29+$0x3300]  }
0xbd: {  	v9 =	vmul.f32 v9, v2;
	v10 =	vmul.f32 v10, v1  }
0xbe: {  	v38 =	vld [tilespmem:s29+$0x4300]  }
0xbf: {  	v11 =	vmul.f32 v11, v3;
	v9 =	vadd.f32 v10, v9  }
0xc0: {  	v10 =	vld [tilespmem:s29+$0x5300]  }
0xc1: {  	v12 =	vmul.f32 v37, v4;
	v9 =	vadd.f32 v11, v9  }
0xc2: {  	v11 =	vld [tilespmem:s29+$0x6300]  }
0xc3: {  	v13 =	vmul.f32 v38, v5;
	v9 =	vadd.f32 v12, v9  }
0xc4: {  	v39 =	vld [tilespmem:s29+$0x7300]  }
0xc5: {  	v10 =	vmul.f32 v10, v6;
	v9 =	vadd.f32 v13, v9;
	_ =	sdelay $0x1  }
0xc6: {  	v9 =	vadd.f32 v10, v9;
	v10 =	vmul.f32 v11, v8;
	_ =	sdelay $0x1  }
0xc7: {  	v9 =	vadd.f32 v10, v9;
	v10 =	vmul.f32 v39, v7;
	_ =	sdelay $0x1  }
0xc8: {  	v9 =	vadd.f32 v10, v9  }
0xc9: {  	s19 =	sor.u32 $0x11300, s29  }
0xca: {  	[tilespmem:s19+$0x0] =	vst.add.f32.msk $0xffff, v9  }
0xcb: {  	v9 =	vld [tilespmem:s2+$0x0]  }
0xcc: {  	v10 =	vld [tilespmem:s29+$0x1380];
	_ =	sdelay $0x1  }
0xcd: {  	v11 =	vld [tilespmem:s29+$0x2380];
	_ =	sdelay $0x1  }
0xce: {  	v40 =	vld [tilespmem:s29+$0x3380]  }
0xcf: {  	v9 =	vmul.f32 v9, v2;
	v10 =	vmul.f32 v10, v1  }
0xd0: {  	v41 =	vld [tilespmem:s29+$0x4380]  }
0xd1: {  	v9 =	vadd.f32 v10, v9;
	v10 =	vmul.f32 v11, v3  }
0xd2: {  	v11 =	vld [tilespmem:s29+$0x5380]  }
0xd3: {  	v12 =	vmul.f32 v40, v4;
	v9 =	vadd.f32 v10, v9  }
0xd4: {  	v10 =	vld [tilespmem:s29+$0x6380]  }
0xd5: {  	v13 =	vmul.f32 v41, v5;
	v9 =	vadd.f32 v12, v9  }
0xd6: {  	v42 =	vld [tilespmem:s29+$0x7380]  }
0xd7: {  	v11 =	vmul.f32 v11, v6;
	v9 =	vadd.f32 v13, v9;
	_ =	sdelay $0x1  }
0xd8: {  	v10 =	vmul.f32 v10, v8;
	v9 =	vadd.f32 v11, v9;
	_ =	sdelay $0x1  }
0xd9: {  	v9 =	vadd.f32 v10, v9;
	v10 =	vmul.f32 v42, v7;
	_ =	sdelay $0x1  }
0xda: {  	v9 =	vadd.f32 v10, v9;
	_ =	sdelay $0x1  }
0xdb: {  	[tilespmem:s2+$0x11000] =	vst.add.f32.msk $0xffff, v9  }
0xdc: {  	v9 =	vld [tilespmem:s29+$0x800]  }
0xdd: {  	v10 =	vld [tilespmem:s29+$0x1800];
	_ =	sdelay $0x1  }
0xde: {  	v11 =	vld [tilespmem:s29+$0x2800];
	_ =	sdelay $0x1  }
0xdf: {  	v43 =	vld [tilespmem:s29+$0x3800]  }
0xe0: {  	v9 =	vmul.f32 v9, v2;
	v10 =	vmul.f32 v10, v1  }
0xe1: {  	v44 =	vld [tilespmem:s29+$0x4800]  }
0xe2: {  	v11 =	vmul.f32 v11, v3;
	v9 =	vadd.f32 v10, v9  }
0xe3: {  	v10 =	vld [tilespmem:s29+$0x5800]  }
0xe4: {  	v12 =	vmul.f32 v43, v4;
	v9 =	vadd.f32 v11, v9  }
0xe5: {  	v11 =	vld [tilespmem:s29+$0x6800]  }
0xe6: {  	v13 =	vmul.f32 v44, v5;
	v9 =	vadd.f32 v12, v9  }
0xe7: {  	v45 =	vld [tilespmem:s29+$0x7800]  }
0xe8: {  	v10 =	vmul.f32 v10, v6;
	v9 =	vadd.f32 v13, v9;
	_ =	sdelay $0x1  }
0xe9: {  	v11 =	vmul.f32 v11, v8;
	v9 =	vadd.f32 v10, v9;
	_ =	sdelay $0x1  }
0xea: {  	v10 =	vmul.f32 v45, v7;
	v9 =	vadd.f32 v11, v9;
	_ =	sdelay $0x1  }
0xeb: {  	v9 =	vadd.f32 v10, v9  }
0xec: {  	s6 =	sor.u32 $0x11800, s29  }
0xed: {  	s9 =	sor.u32 $0x880, s4;
	[tilespmem:s6+$0x0] =	vst.add.f32.msk $0xffff, v9  }
0xee: {  	v9 =	vld [tilespmem:s9+$0x0]  }
0xef: {  	v10 =	vld [tilespmem:s29+$0x1880];
	_ =	sdelay $0x1  }
0xf0: {  	v11 =	vld [tilespmem:s29+$0x2880];
	_ =	sdelay $0x1  }
0xf1: {  	v46 =	vld [tilespmem:s29+$0x3880]  }
0xf2: {  	v9 =	vmul.f32 v9, v2;
	v10 =	vmul.f32 v10, v1  }
0xf3: {  	v47 =	vld [tilespmem:s29+$0x4880]  }
0xf4: {  	v11 =	vmul.f32 v11, v3;
	v9 =	vadd.f32 v10, v9  }
0xf5: {  	v10 =	vld [tilespmem:s29+$0x5880]  }
0xf6: {  	v12 =	vmul.f32 v46, v4;
	v9 =	vadd.f32 v11, v9  }
0xf7: {  	v11 =	vld [tilespmem:s29+$0x6880]  }
0xf8: {  	v13 =	vmul.f32 v47, v5;
	v9 =	vadd.f32 v12, v9  }
0xf9: {  	v48 =	vld [tilespmem:s29+$0x7880]  }
0xfa: {  	v10 =	vmul.f32 v10, v6;
	v9 =	vadd.f32 v13, v9;
	_ =	sdelay $0x1  }
0xfb: {  	v11 =	vmul.f32 v11, v8;
	v9 =	vadd.f32 v10, v9;
	_ =	sdelay $0x1  }
0xfc: {  	v10 =	vmul.f32 v48, v7;
	v9 =	vadd.f32 v11, v9;
	_ =	sdelay $0x1  }
0xfd: {  	v9 =	vadd.f32 v10, v9;
	_ =	sdelay $0x1  }
0xfe: {  	[tilespmem:s9+$0x11000] =	vst.add.f32.msk $0xffff, v9  }
0xff: {  	v9 =	vld [tilespmem:s29+$0x900]  }
0x100: {  	v10 =	vld [tilespmem:s29+$0x1900];
	_ =	sdelay $0x1  }
0x101: {  	v11 =	vld [tilespmem:s29+$0x2900];
	_ =	sdelay $0x1  }
0x102: {  	v49 =	vld [tilespmem:s29+$0x3900]  }
0x103: {  	v9 =	vmul.f32 v9, v2;
	v10 =	vmul.f32 v10, v1  }
0x104: {  	v50 =	vld [tilespmem:s29+$0x4900]  }
0x105: {  	v11 =	vmul.f32 v11, v3;
	v9 =	vadd.f32 v10, v9  }
0x106: {  	v10 =	vld [tilespmem:s29+$0x5900]  }
0x107: {  	v12 =	vmul.f32 v49, v4;
	v9 =	vadd.f32 v11, v9  }
0x108: {  	v11 =	vld [tilespmem:s29+$0x6900]  }
0x109: {  	v13 =	vmul.f32 v50, v5;
	v9 =	vadd.f32 v12, v9  }
0x10a: {  	v51 =	vld [tilespmem:s29+$0x7900]  }
0x10b: {  	v10 =	vmul.f32 v10, v6;
	v9 =	vadd.f32 v13, v9;
	_ =	sdelay $0x1  }
0x10c: {  	v11 =	vmul.f32 v11, v8;
	v9 =	vadd.f32 v10, v9;
	_ =	sdelay $0x1  }
0x10d: {  	v10 =	vmul.f32 v51, v7;
	v9 =	vadd.f32 v11, v9;
	_ =	sdelay $0x1  }
0x10e: {  	v9 =	vadd.f32 v10, v9  }
0x10f: {  	s19 =	sor.u32 $0x11900, s29  }
0x110: {  	s3 =	sor.u32 $0x980, s4;
	[tilespmem:s19+$0x0] =	vst.add.f32.msk $0xffff, v9  }
0x111: {  	v9 =	vld [tilespmem:s3+$0x0]  }
0x112: {  	v10 =	vld [tilespmem:s29+$0x1980];
	_ =	sdelay $0x1  }
0x113: {  	v11 =	vld [tilespmem:s29+$0x2980];
	_ =	sdelay $0x1  }
0x114: {  	v52 =	vld [tilespmem:s29+$0x3980]  }
0x115: {  	v9 =	vmul.f32 v9, v2;
	v10 =	vmul.f32 v10, v1  }
0x116: {  	v53 =	vld [tilespmem:s29+$0x4980]  }
0x117: {  	v11 =	vmul.f32 v11, v3;
	v9 =	vadd.f32 v10, v9  }
0x118: {  	v10 =	vld [tilespmem:s29+$0x5980]  }
0x119: {  	v12 =	vmul.f32 v52, v4;
	v9 =	vadd.f32 v11, v9  }
0x11a: {  	v11 =	vld [tilespmem:s29+$0x6980]  }
0x11b: {  	v13 =	vmul.f32 v53, v5;
	v9 =	vadd.f32 v12, v9  }
0x11c: {  	v54 =	vld [tilespmem:s29+$0x7980]  }
0x11d: {  	v10 =	vmul.f32 v10, v6;
	v9 =	vadd.f32 v13, v9;
	_ =	sdelay $0x1  }
0x11e: {  	v11 =	vmul.f32 v11, v8;
	v9 =	vadd.f32 v10, v9;
	_ =	sdelay $0x1  }
0x11f: {  	v10 =	vmul.f32 v54, v7;
	v9 =	vadd.f32 v11, v9;
	_ =	sdelay $0x1  }
0x120: {  	v9 =	vadd.f32 v10, v9;
	_ =	sdelay $0x1  }
0x121: {  	[tilespmem:s3+$0x11000] =	vst.add.f32.msk $0xffff, v9  }
0x122: {  	v9 =	vld [tilespmem:s29+$0xA00]  }
0x123: {  	v10 =	vld [tilespmem:s29+$0x1A00];
	_ =	sdelay $0x1  }
0x124: {  	v11 =	vld [tilespmem:s29+$0x2A00];
	_ =	sdelay $0x1  }
0x125: {  	v55 =	vld [tilespmem:s29+$0x3A00]  }
0x126: {  	v9 =	vmul.f32 v9, v2;
	v10 =	vmul.f32 v10, v1  }
0x127: {  	v56 =	vld [tilespmem:s29+$0x4A00]  }
0x128: {  	v11 =	vmul.f32 v11, v3;
	v9 =	vadd.f32 v10, v9  }
0x129: {  	v10 =	vld [tilespmem:s29+$0x5A00]  }
0x12a: {  	v12 =	vmul.f32 v55, v4;
	v9 =	vadd.f32 v11, v9  }
0x12b: {  	v11 =	vld [tilespmem:s29+$0x6A00]  }
0x12c: {  	v13 =	vmul.f32 v56, v5;
	v9 =	vadd.f32 v12, v9  }
0x12d: {  	v57 =	vld [tilespmem:s29+$0x7A00]  }
0x12e: {  	v10 =	vmul.f32 v10, v6;
	v9 =	vadd.f32 v13, v9;
	_ =	sdelay $0x1  }
0x12f: {  	v11 =	vmul.f32 v11, v8;
	v9 =	vadd.f32 v10, v9;
	_ =	sdelay $0x1  }
0x130: {  	v10 =	vmul.f32 v57, v7;
	v9 =	vadd.f32 v11, v9;
	_ =	sdelay $0x1  }
0x131: {  	v9 =	vadd.f32 v10, v9  }
0x132: {  	s6 =	sor.u32 $0x11A00, s29  }
0x133: {  	s9 =	sor.u32 $0xA80, s4;
	[tilespmem:s6+$0x0] =	vst.add.f32.msk $0xffff, v9  }
0x134: {  	v9 =	vld [tilespmem:s9+$0x0]  }
0x135: {  	v10 =	vld [tilespmem:s29+$0x1A80];
	_ =	sdelay $0x1  }
0x136: {  	v11 =	vld [tilespmem:s29+$0x2A80];
	_ =	sdelay $0x1  }
0x137: {  	v58 =	vld [tilespmem:s29+$0x3A80]  }
0x138: {  	v9 =	vmul.f32 v9, v2;
	v10 =	vmul.f32 v10, v1  }
0x139: {  	v59 =	vld [tilespmem:s29+$0x4A80]  }
0x13a: {  	v11 =	vmul.f32 v11, v3;
	v9 =	vadd.f32 v10, v9  }
0x13b: {  	v10 =	vld [tilespmem:s29+$0x5A80]  }
0x13c: {  	v9 =	vadd.f32 v11, v9;
	v11 =	vmul.f32 v58, v4  }
0x13d: {  	v60 =	vld [tilespmem:s29+$0x6A80]  }
0x13e: {  	v13 =	vmul.f32 v59, v5;
	v9 =	vadd.f32 v11, v9  }
0x13f: {  	v11 =	vld [tilespmem:s29+$0x7A80]  }
0x140: {  	v10 =	vmul.f32 v10, v6;
	v9 =	vadd.f32 v13, v9;
	_ =	sdelay $0x1  }
0x141: {  	v12 =	vmul.f32 v60, v8;
	v9 =	vadd.f32 v10, v9;
	_ =	sdelay $0x1  }
0x142: {  	v10 =	vmul.f32 v11, v7;
	v9 =	vadd.f32 v12, v9;
	_ =	sdelay $0x1  }
0x143: {  	v9 =	vadd.f32 v10, v9;
	_ =	sdelay $0x1  }
0x144: {  	[tilespmem:s9+$0x11000] =	vst.add.f32.msk $0xffff, v9  }
0x145: {  	v9 =	vld [tilespmem:s29+$0xB00]  }
0x146: {  	v10 =	vld [tilespmem:s29+$0x1B00];
	_ =	sdelay $0x1  }
0x147: {  	v11 =	vld [tilespmem:s29+$0x2B00];
	_ =	sdelay $0x1  }
0x148: {  	v61 =	vld [tilespmem:s29+$0x3B00]  }
0x149: {  	v9 =	vmul.f32 v9, v2;
	v10 =	vmul.f32 v10, v1  }
0x14a: {  	v62 =	vld [tilespmem:s29+$0x4B00]  }
0x14b: {  	v11 =	vmul.f32 v11, v3;
	v9 =	vadd.f32 v10, v9  }
0x14c: {  	v10 =	vld [tilespmem:s29+$0x5B00]  }
0x14d: {  	v12 =	vmul.f32 v61, v4;
	v9 =	vadd.f32 v11, v9  }
0x14e: {  	v11 =	vld [tilespmem:s29+$0x6B00]  }
0x14f: {  	v13 =	vmul.f32 v62, v5;
	v9 =	vadd.f32 v12, v9  }
0x150: {  	v63 =	vld [tilespmem:s29+$0x7B00]  }
0x151: {  	v10 =	vmul.f32 v10, v6;
	v9 =	vadd.f32 v13, v9;
	_ =	sdelay $0x1  }
0x152: {  	v11 =	vmul.f32 v11, v8;
	v9 =	vadd.f32 v10, v9;
	_ =	sdelay $0x1  }
0x153: {  	v10 =	vmul.f32 v63, v7;
	v9 =	vadd.f32 v11, v9;
	_ =	sdelay $0x1  }
0x154: {  	v9 =	vadd.f32 v10, v9  }
0x155: {  	s19 =	sor.u32 $0x11B00, s29  }
0x156: {  	s2 =	sor.u32 $0xB80, s0;
	[tilespmem:s19+$0x0] =	vst.add.f32.msk $0xffff, v9  }
0x157: {  	p1 =	por p2, p2;
	s31 =	simm.s32 $0x0;
	s30 =	simm.s32 $0x10;
	v9 =	vld [tilespmem:s2+$0x0]  }
.LBB2_6:
0x158: {  	p2 =	sne.s32 s30, $0xF0  }
0x159: {  	v10 =	vld [tilespmem:s29+$0x1B80];
	s31 =	sadd.s32 $0x80, s31;
	s0 =	smov.u32 s30;
	s30 =	sadd.s32 $0x10, s30  }
0x15a: {  	v11 =	vld [tilespmem:s29+$0x2B80]  }
0x15b: {  	v12 =	vld [tilespmem:s29+$0x3B80]  }
0x15c: {  	v13 =	vld [tilespmem:s29+$0x4B80]  }
0x15d: {  	v2 =	vmul.f32 v9, v2;
	v9 =	vld [tilespmem:s29+$0x5B80]  }
0x15e: {  	v1 =	vmul.f32 v10, v1;
	v10 =	vld [tilespmem:s29+$0x6B80]  }
0x15f: {  	v3 =	vmul.f32 v11, v3;
	v11 =	vld [tilespmem:s29+$0x7B80]  }
0x160: {  	v1 =	vadd.f32 v1, v2;
	v2 =	vmul.f32 v12, v4  }
0x161: {  	v4 =	vmul.f32 v13, v5  }
0x162: {  	v1 =	vadd.f32 v3, v1;
	v3 =	vmul.f32 v9, v6  }
0x163: {  	v5 =	vmul.f32 v10, v8  }
0x164: {  	v1 =	vadd.f32 v2, v1;
	_ =	sdelay $0x1  }
0x165: {  	v1 =	vadd.f32 v4, v1;
	_ =	sdelay $0x1  }
0x166: {  	v1 =	vadd.f32 v3, v1;
	_ =	sdelay $0x1  }
0x167: {  	v2 =	vmul.f32 v11, v7;
	v1 =	vadd.f32 v5, v1;
	_ =	sdelay $0x1  }
0x168: {  	v1 =	vadd.f32 v2, v1  }
0x169: {  	s3 =	sand.u32 $0xFFFFFC00, s31;
	s4 =	sand.u32 $0x70, s0;
	s9 =	sand.u32 $0x400, s31  }
0x16a: {  	s29 =	sor.u32 s4, s9;
	s4 =	sadd.s32 s3, s0;
	[tilespmem:s2+$0x11000] =	vst.add.f32.msk $0xffff, v1  }
0x16b: {  	s19 =	sor.u32 $0x80, s4;
	v5 =	vld [tilespmem:s29+$0x1000]  }
0x16c: {  	v2 =	vld [tilespmem:s29+$0x10000]  }
0x16d: {  	v1 =	vld [tilespmem:s19+$0x10000]  }
0x16e: {  	v6 =	vld [tilespmem:s29+$0x0]  }
0x16f: {  	v7 =	vld [tilespmem:s29+$0x2000]  }
0x170: {  	v3 =	vld [tilespmem:s29+$0x10100]  }
0x171: {  	s2 =	sor.u32 $0x180, s4;
	v8 =	vld [tilespmem:s29+$0x3000]  }
0x172: {  	v4 =	vld [tilespmem:s2+$0x10000];
	v9 =	vmul.f32 v5, v1  }
0x173: {  	v6 =	vmul.f32 v6, v2;
	v10 =	vld [tilespmem:s29+$0x4000]  }
0x174: {  	v5 =	vld [tilespmem:s29+$0x10200]  }
0x175: {  	s3 =	sor.u32 $0x280, s4;
	v9 =	vadd.f32 v9, v6;
	v7 =	vmul.f32 v7, v3;
	v11 =	vld [tilespmem:s29+$0x5000]  }
0x176: {  	v6 =	vld [tilespmem:s3+$0x10000]  }
0x177: {  	v7 =	vadd.f32 v7, v9;
	v9 =	vmul.f32 v8, v4;
	v12 =	vld [tilespmem:s29+$0x6000]  }
0x178: {  	s0 =	sor.u32 s0, s31;
	v8 =	vld [tilespmem:s29+$0x10300]  }
0x179: {  	s9 =	sor.u32 $0x380, s0;
	v9 =	vadd.f32 v9, v7;
	v10 =	vmul.f32 v10, v5;
	v13 =	vld [tilespmem:s29+$0x7000]  }
0x17a: {  	v7 =	vld [tilespmem:s9+$0x10000]  }
0x17b: {  	v9 =	vadd.f32 v10, v9;
	v10 =	vmul.f32 v11, v6;
	_ =	sdelay $0x1  }
0x17c: {  	v9 =	vadd.f32 v10, v9;
	v10 =	vmul.f32 v12, v8;
	_ =	sdelay $0x1  }
0x17d: {  	v9 =	vadd.f32 v10, v9;
	v10 =	vmul.f32 v13, v7;
	_ =	sdelay $0x1  }
0x17e: {  	v9 =	vadd.f32 v10, v9  }
0x17f: {  	s6 =	sor.u32 $0x11000, s29  }
0x180: {  	[tilespmem:s6+$0x0] =	vst.add.f32.msk $0xffff, v9  }
0x181: {  	v9 =	vld [tilespmem:s19+$0x0]  }
0x182: {  	v10 =	vld [tilespmem:s29+$0x1080]  }
0x183: {  	v11 =	vld [tilespmem:s29+$0x5080]  }
0x184: {  	v12 =	vld [tilespmem:s29+$0x2080];
	_ =	sdelay $0x1  }
0x185: {  	v9 =	vmul.f32 v9, v2;
	v13 =	vld [tilespmem:s29+$0x3080]  }
0x186: {  	v10 =	vmul.f32 v10, v1  }
0x187: {  	v14 =	vld [tilespmem:s29+$0x4080]  }
0x188: {  	v9 =	vadd.f32 v10, v9;
	v10 =	vmul.f32 v12, v3;
	_ =	sdelay $0x1  }
0x189: {  	v9 =	vadd.f32 v10, v9;
	v10 =	vmul.f32 v13, v4  }
0x18a: {  	v12 =	vld [tilespmem:s29+$0x6080]  }
0x18b: {  	v9 =	vadd.f32 v10, v9;
	v10 =	vmul.f32 v14, v5  }
0x18c: {  	v13 =	vld [tilespmem:s29+$0x7080]  }
0x18d: {  	v9 =	vadd.f32 v10, v9;
	v10 =	vmul.f32 v11, v6;
	_ =	sdelay $0x1  }
0x18e: {  	v9 =	vadd.f32 v10, v9;
	v10 =	vmul.f32 v12, v8;
	_ =	sdelay $0x1  }
0x18f: {  	v9 =	vadd.f32 v10, v9;
	v10 =	vmul.f32 v13, v7;
	_ =	sdelay $0x1  }
0x190: {  	v9 =	vadd.f32 v10, v9;
	_ =	sdelay $0x1  }
0x191: {  	[tilespmem:s19+$0x11000] =	vst.add.f32.msk $0xffff, v9  }
0x192: {  	v9 =	vld [tilespmem:s29+$0x100]  }
0x193: {  	v10 =	vld [tilespmem:s29+$0x1100];
	_ =	sdelay $0x1  }
0x194: {  	v11 =	vld [tilespmem:s29+$0x2100];
	_ =	sdelay $0x1  }
0x195: {  	v9 =	vmul.f32 v9, v2;
	v12 =	vld [tilespmem:s29+$0x3100]  }
0x196: {  	v10 =	vmul.f32 v10, v1  }
0x197: {  	v13 =	vld [tilespmem:s29+$0x4100]  }
0x198: {  	v9 =	vadd.f32 v10, v9;
	v10 =	vmul.f32 v11, v3  }
0x199: {  	v11 =	vld [tilespmem:s29+$0x5100]  }
0x19a: {  	v9 =	vadd.f32 v10, v9;
	v10 =	vmul.f32 v12, v4  }
0x19b: {  	v12 =	vld [tilespmem:s29+$0x6100]  }
0x19c: {  	v9 =	vadd.f32 v10, v9;
	v10 =	vmul.f32 v13, v5  }
0x19d: {  	v13 =	vld [tilespmem:s29+$0x7100]  }
0x19e: {  	v9 =	vadd.f32 v10, v9;
	v10 =	vmul.f32 v11, v6;
	_ =	sdelay $0x1  }
0x19f: {  	v9 =	vadd.f32 v10, v9;
	v10 =	vmul.f32 v12, v8;
	_ =	sdelay $0x1  }
0x1a0: {  	v9 =	vadd.f32 v10, v9;
	v10 =	vmul.f32 v13, v7;
	_ =	sdelay $0x1  }
0x1a1: {  	v9 =	vadd.f32 v10, v9  }
0x1a2: {  	s6 =	sor.u32 $0x11100, s29  }
0x1a3: {  	[tilespmem:s6+$0x0] =	vst.add.f32.msk $0xffff, v9  }
0x1a4: {  	v9 =	vld [tilespmem:s2+$0x0]  }
0x1a5: {  	v10 =	vld [tilespmem:s29+$0x1180]  }
0x1a6: {  	v11 =	vld [tilespmem:s29+$0x3180]  }
0x1a7: {  	v12 =	vld [tilespmem:s29+$0x2180]  }
0x1a8: {  	v13 =	vld [tilespmem:s29+$0x4180]  }
0x1a9: {  	v9 =	vmul.f32 v9, v2;
	v14 =	vld [tilespmem:s29+$0x5180]  }
0x1aa: {  	v10 =	vmul.f32 v10, v1;
	v15 =	vld [tilespmem:s29+$0x6180]  }
0x1ab: {  	v16 =	vld [tilespmem:s29+$0x7180]  }
0x1ac: {  	v9 =	vadd.f32 v10, v9;
	v10 =	vmul.f32 v12, v3;
	_ =	sdelay $0x1  }
0x1ad: {  	v9 =	vadd.f32 v10, v9;
	v10 =	vmul.f32 v11, v4;
	_ =	sdelay $0x1  }
0x1ae: {  	v9 =	vadd.f32 v10, v9;
	v10 =	vmul.f32 v13, v5;
	_ =	sdelay $0x1  }
0x1af: {  	v9 =	vadd.f32 v10, v9;
	v10 =	vmul.f32 v14, v6;
	_ =	sdelay $0x1  }
0x1b0: {  	v9 =	vadd.f32 v10, v9;
	v10 =	vmul.f32 v15, v8;
	_ =	sdelay $0x1  }
0x1b1: {  	v9 =	vadd.f32 v10, v9;
	v10 =	vmul.f32 v16, v7;
	_ =	sdelay $0x1  }
0x1b2: {  	v9 =	vadd.f32 v10, v9;
	_ =	sdelay $0x1  }
0x1b3: {  	[tilespmem:s2+$0x11000] =	vst.add.f32.msk $0xffff, v9  }
0x1b4: {  	v9 =	vld [tilespmem:s29+$0x200]  }
0x1b5: {  	v10 =	vld [tilespmem:s29+$0x1200]  }
0x1b6: {  	v11 =	vld [tilespmem:s29+$0x2200]  }
0x1b7: {  	v12 =	vld [tilespmem:s29+$0x3200]  }
0x1b8: {  	v13 =	vld [tilespmem:s29+$0x4200]  }
0x1b9: {  	v9 =	vmul.f32 v9, v2;
	v14 =	vld [tilespmem:s29+$0x5200]  }
0x1ba: {  	v10 =	vmul.f32 v10, v1;
	v15 =	vld [tilespmem:s29+$0x6200]  }
0x1bb: {  	v16 =	vld [tilespmem:s29+$0x7200]  }
0x1bc: {  	v9 =	vadd.f32 v10, v9;
	v10 =	vmul.f32 v11, v3;
	_ =	sdelay $0x1  }
0x1bd: {  	v9 =	vadd.f32 v10, v9;
	v10 =	vmul.f32 v12, v4;
	_ =	sdelay $0x1  }
0x1be: {  	v9 =	vadd.f32 v10, v9;
	v10 =	vmul.f32 v13, v5;
	_ =	sdelay $0x1  }
0x1bf: {  	v9 =	vadd.f32 v10, v9;
	v10 =	vmul.f32 v14, v6;
	_ =	sdelay $0x1  }
0x1c0: {  	v9 =	vadd.f32 v10, v9;
	v10 =	vmul.f32 v15, v8;
	_ =	sdelay $0x1  }
0x1c1: {  	v9 =	vadd.f32 v10, v9;
	v10 =	vmul.f32 v16, v7;
	_ =	sdelay $0x1  }
0x1c2: {  	v9 =	vadd.f32 v10, v9  }
0x1c3: {  	s2 =	sor.u32 $0x11200, s29  }
0x1c4: {  	[tilespmem:s2+$0x0] =	vst.add.f32.msk $0xffff, v9  }
0x1c5: {  	v9 =	vld [tilespmem:s3+$0x0]  }
0x1c6: {  	v10 =	vld [tilespmem:s29+$0x1280]  }
0x1c7: {  	v11 =	vld [tilespmem:s29+$0x2280]  }
0x1c8: {  	v12 =	vld [tilespmem:s29+$0x3280]  }
0x1c9: {  	v13 =	vld [tilespmem:s29+$0x4280]  }
0x1ca: {  	v9 =	vmul.f32 v9, v2;
	v14 =	vld [tilespmem:s29+$0x5280]  }
0x1cb: {  	v10 =	vmul.f32 v10, v1;
	v15 =	vld [tilespmem:s29+$0x6280]  }
0x1cc: {  	v16 =	vld [tilespmem:s29+$0x7280]  }
0x1cd: {  	v9 =	vadd.f32 v10, v9;
	v10 =	vmul.f32 v11, v3;
	_ =	sdelay $0x1  }
0x1ce: {  	v9 =	vadd.f32 v10, v9;
	v10 =	vmul.f32 v12, v4;
	_ =	sdelay $0x1  }
0x1cf: {  	v9 =	vadd.f32 v10, v9;
	v10 =	vmul.f32 v13, v5;
	_ =	sdelay $0x1  }
0x1d0: {  	v9 =	vadd.f32 v10, v9;
	v10 =	vmul.f32 v14, v6;
	_ =	sdelay $0x1  }
0x1d1: {  	v9 =	vadd.f32 v10, v9;
	v10 =	vmul.f32 v15, v8;
	_ =	sdelay $0x1  }
0x1d2: {  	v9 =	vadd.f32 v10, v9;
	v10 =	vmul.f32 v16, v7;
	_ =	sdelay $0x1  }
0x1d3: {  	v9 =	vadd.f32 v10, v9;
	_ =	sdelay $0x1  }
0x1d4: {  	[tilespmem:s3+$0x11000] =	vst.add.f32.msk $0xffff, v9  }
0x1d5: {  	v9 =	vld [tilespmem:s29+$0x300]  }
0x1d6: {  	v10 =	vld [tilespmem:s29+$0x1300]  }
0x1d7: {  	v11 =	vld [tilespmem:s29+$0x2300]  }
0x1d8: {  	v12 =	vld [tilespmem:s29+$0x3300]  }
0x1d9: {  	v13 =	vld [tilespmem:s29+$0x4300]  }
0x1da: {  	v9 =	vmul.f32 v9, v2  }
0x1db: {  	v10 =	vmul.f32 v10, v1  }
0x1dc: {  	v11 =	vmul.f32 v11, v3  }
0x1dd: {  	v9 =	vadd.f32 v10, v9;
	v10 =	vmul.f32 v12, v4  }
0x1de: {  	v12 =	vmul.f32 v13, v5;
	v13 =	vld [tilespmem:s29+$0x5300]  }
0x1df: {  	v9 =	vadd.f32 v11, v9  }
0x1e0: {  	v11 =	vld [tilespmem:s29+$0x6300]  }
0x1e1: {  	v9 =	vadd.f32 v10, v9  }
0x1e2: {  	v10 =	vld [tilespmem:s29+$0x7300]  }
0x1e3: {  	v9 =	vadd.f32 v12, v9;
	v12 =	vmul.f32 v13, v6;
	_ =	sdelay $0x1  }
0x1e4: {  	v9 =	vadd.f32 v12, v9;
	v11 =	vmul.f32 v11, v8;
	_ =	sdelay $0x1  }
0x1e5: {  	v9 =	vadd.f32 v11, v9;
	v10 =	vmul.f32 v10, v7;
	_ =	sdelay $0x1  }
0x1e6: {  	v9 =	vadd.f32 v10, v9  }
0x1e7: {  	s2 =	sor.u32 $0x11300, s29  }
0x1e8: {  	[tilespmem:s2+$0x0] =	vst.add.f32.msk $0xffff, v9  }
0x1e9: {  	v9 =	vld [tilespmem:s9+$0x0]  }
0x1ea: {  	v10 =	vld [tilespmem:s29+$0x1380]  }
0x1eb: {  	v11 =	vld [tilespmem:s29+$0x5380]  }
0x1ec: {  	v12 =	vld [tilespmem:s29+$0x2380]  }
0x1ed: {  	v13 =	vld [tilespmem:s29+$0x3380]  }
0x1ee: {  	v9 =	vmul.f32 v9, v2;
	v14 =	vld [tilespmem:s29+$0x4380]  }
0x1ef: {  	v10 =	vmul.f32 v10, v1  }
0x1f0: {  	v11 =	vmul.f32 v11, v6  }
0x1f1: {  	v9 =	vadd.f32 v10, v9;
	v10 =	vmul.f32 v12, v3  }
0x1f2: {  	v12 =	vmul.f32 v13, v4  }
0x1f3: {  	v9 =	vadd.f32 v10, v9;
	v10 =	vmul.f32 v14, v5  }
0x1f4: {  	v13 =	vld [tilespmem:s29+$0x6380]  }
0x1f5: {  	v9 =	vadd.f32 v12, v9  }
0x1f6: {  	v12 =	vld [tilespmem:s29+$0x7380]  }
0x1f7: {  	v9 =	vadd.f32 v10, v9;
	_ =	sdelay $0x1  }
0x1f8: {  	v9 =	vadd.f32 v11, v9;
	v10 =	vmul.f32 v13, v8;
	_ =	sdelay $0x1  }
0x1f9: {  	v9 =	vadd.f32 v10, v9;
	v10 =	vmul.f32 v12, v7;
	_ =	sdelay $0x1  }
0x1fa: {  	v9 =	vadd.f32 v10, v9;
	_ =	sdelay $0x1  }
0x1fb: {  	[tilespmem:s9+$0x11000] =	vst.add.f32.msk $0xffff, v9  }
0x1fc: {  	v9 =	vld [tilespmem:s29+$0x800]  }
0x1fd: {  	v10 =	vld [tilespmem:s29+$0x1800]  }
0x1fe: {  	v11 =	vld [tilespmem:s29+$0x2800]  }
0x1ff: {  	v12 =	vld [tilespmem:s29+$0x3800]  }
0x200: {  	v13 =	vld [tilespmem:s29+$0x4800]  }
0x201: {  	v9 =	vmul.f32 v9, v2;
	v14 =	vld [tilespmem:s29+$0x5800]  }
0x202: {  	v10 =	vmul.f32 v10, v1;
	v15 =	vld [tilespmem:s29+$0x6800]  }
0x203: {  	v11 =	vmul.f32 v11, v3;
	v16 =	vld [tilespmem:s29+$0x7800]  }
0x204: {  	v9 =	vadd.f32 v10, v9;
	v10 =	vmul.f32 v12, v4  }
0x205: {  	v12 =	vmul.f32 v13, v5  }
0x206: {  	v9 =	vadd.f32 v11, v9;
	v11 =	vmul.f32 v14, v6  }
0x207: {  	v13 =	vmul.f32 v15, v8  }
0x208: {  	v9 =	vadd.f32 v10, v9;
	_ =	sdelay $0x1  }
0x209: {  	v9 =	vadd.f32 v12, v9;
	_ =	sdelay $0x1  }
0x20a: {  	v9 =	vadd.f32 v11, v9;
	_ =	sdelay $0x1  }
0x20b: {  	v10 =	vmul.f32 v16, v7;
	v9 =	vadd.f32 v13, v9;
	_ =	sdelay $0x1  }
0x20c: {  	v9 =	vadd.f32 v10, v9  }
0x20d: {  	s2 =	sor.u32 $0x11800, s29  }
0x20e: {  	[tilespmem:s2+$0x0] =	vst.add.f32.msk $0xffff, v9;
	s2 =	sor.u32 $0x880, s4  }
0x20f: {  	v9 =	vld [tilespmem:s2+$0x0]  }
0x210: {  	v10 =	vld [tilespmem:s29+$0x2880]  }
0x211: {  	v11 =	vld [tilespmem:s29+$0x3880]  }
0x212: {  	v12 =	vld [tilespmem:s29+$0x4880]  }
0x213: {  	v13 =	vld [tilespmem:s29+$0x1880]  }
0x214: {  	v9 =	vmul.f32 v9, v2;
	v14 =	vld [tilespmem:s29+$0x5880]  }
0x215: {  	v10 =	vmul.f32 v10, v3;
	v15 =	vld [tilespmem:s29+$0x6880]  }
0x216: {  	v11 =	vmul.f32 v11, v4;
	v16 =	vld [tilespmem:s29+$0x7880]  }
0x217: {  	v12 =	vmul.f32 v12, v5  }
0x218: {  	v13 =	vmul.f32 v13, v1  }
0x219: {  	v14 =	vmul.f32 v14, v6  }
0x21a: {  	v9 =	vadd.f32 v13, v9;
	v13 =	vmul.f32 v15, v8  }
0x21b: {  	v15 =	vmul.f32 v16, v7  }
0x21c: {  	v9 =	vadd.f32 v10, v9;
	_ =	sdelay $0x1  }
0x21d: {  	v9 =	vadd.f32 v11, v9;
	_ =	sdelay $0x1  }
0x21e: {  	v9 =	vadd.f32 v12, v9;
	_ =	sdelay $0x1  }
0x21f: {  	v9 =	vadd.f32 v14, v9;
	_ =	sdelay $0x1  }
0x220: {  	v9 =	vadd.f32 v13, v9;
	_ =	sdelay $0x1  }
0x221: {  	v9 =	vadd.f32 v15, v9;
	_ =	sdelay $0x1  }
0x222: {  	[tilespmem:s2+$0x11000] =	vst.add.f32.msk $0xffff, v9  }
0x223: {  	v9 =	vld [tilespmem:s29+$0x900]  }
0x224: {  	v10 =	vld [tilespmem:s29+$0x1900]  }
0x225: {  	v11 =	vld [tilespmem:s29+$0x2900]  }
0x226: {  	v12 =	vld [tilespmem:s29+$0x3900]  }
0x227: {  	v13 =	vld [tilespmem:s29+$0x4900]  }
0x228: {  	v9 =	vmul.f32 v9, v2;
	v14 =	vld [tilespmem:s29+$0x5900]  }
0x229: {  	v10 =	vmul.f32 v10, v1;
	v15 =	vld [tilespmem:s29+$0x6900]  }
0x22a: {  	v11 =	vmul.f32 v11, v3;
	v16 =	vld [tilespmem:s29+$0x7900]  }
0x22b: {  	v9 =	vadd.f32 v10, v9;
	v10 =	vmul.f32 v12, v4  }
0x22c: {  	v12 =	vmul.f32 v13, v5  }
0x22d: {  	v9 =	vadd.f32 v11, v9;
	v11 =	vmul.f32 v14, v6  }
0x22e: {  	v13 =	vmul.f32 v15, v8  }
0x22f: {  	v9 =	vadd.f32 v10, v9;
	_ =	sdelay $0x1  }
0x230: {  	v9 =	vadd.f32 v12, v9;
	_ =	sdelay $0x1  }
0x231: {  	v9 =	vadd.f32 v11, v9;
	_ =	sdelay $0x1  }
0x232: {  	v10 =	vmul.f32 v16, v7;
	v9 =	vadd.f32 v13, v9;
	_ =	sdelay $0x1  }
0x233: {  	v9 =	vadd.f32 v10, v9  }
0x234: {  	s2 =	sor.u32 $0x11900, s29  }
0x235: {  	[tilespmem:s2+$0x0] =	vst.add.f32.msk $0xffff, v9;
	s2 =	sor.u32 $0x980, s4  }
0x236: {  	v9 =	vld [tilespmem:s2+$0x0]  }
0x237: {  	v10 =	vld [tilespmem:s29+$0x1980]  }
0x238: {  	v11 =	vld [tilespmem:s29+$0x2980]  }
0x239: {  	v12 =	vld [tilespmem:s29+$0x3980]  }
0x23a: {  	v13 =	vld [tilespmem:s29+$0x4980]  }
0x23b: {  	v9 =	vmul.f32 v9, v2;
	v14 =	vld [tilespmem:s29+$0x5980]  }
0x23c: {  	v10 =	vmul.f32 v10, v1;
	v15 =	vld [tilespmem:s29+$0x6980]  }
0x23d: {  	v11 =	vmul.f32 v11, v3;
	v16 =	vld [tilespmem:s29+$0x7980]  }
0x23e: {  	v9 =	vadd.f32 v10, v9;
	v10 =	vmul.f32 v12, v4  }
0x23f: {  	v12 =	vmul.f32 v13, v5  }
0x240: {  	v9 =	vadd.f32 v11, v9;
	v11 =	vmul.f32 v14, v6  }
0x241: {  	v13 =	vmul.f32 v15, v8  }
0x242: {  	v9 =	vadd.f32 v10, v9;
	_ =	sdelay $0x1  }
0x243: {  	v9 =	vadd.f32 v12, v9;
	_ =	sdelay $0x1  }
0x244: {  	v9 =	vadd.f32 v11, v9;
	_ =	sdelay $0x1  }
0x245: {  	v10 =	vmul.f32 v16, v7;
	v9 =	vadd.f32 v13, v9;
	_ =	sdelay $0x1  }
0x246: {  	v9 =	vadd.f32 v10, v9;
	_ =	sdelay $0x1  }
0x247: {  	[tilespmem:s2+$0x11000] =	vst.add.f32.msk $0xffff, v9  }
0x248: {  	v9 =	vld [tilespmem:s29+$0xA00]  }
0x249: {  	v10 =	vld [tilespmem:s29+$0x2A00]  }
0x24a: {  	v11 =	vld [tilespmem:s29+$0x1A00]  }
0x24b: {  	v12 =	vld [tilespmem:s29+$0x3A00]  }
0x24c: {  	v13 =	vld [tilespmem:s29+$0x4A00]  }
0x24d: {  	v9 =	vmul.f32 v9, v2;
	v14 =	vld [tilespmem:s29+$0x5A00]  }
0x24e: {  	v10 =	vmul.f32 v10, v3;
	v15 =	vld [tilespmem:s29+$0x6A00]  }
0x24f: {  	v11 =	vmul.f32 v11, v1;
	v16 =	vld [tilespmem:s29+$0x7A00]  }
0x250: {  	v12 =	vmul.f32 v12, v4  }
0x251: {  	v9 =	vadd.f32 v11, v9;
	v11 =	vmul.f32 v13, v5  }
0x252: {  	v13 =	vmul.f32 v14, v6  }
0x253: {  	v9 =	vadd.f32 v10, v9;
	v10 =	vmul.f32 v15, v8;
	_ =	sdelay $0x1  }
0x254: {  	v9 =	vadd.f32 v12, v9;
	_ =	sdelay $0x1  }
0x255: {  	v9 =	vadd.f32 v11, v9;
	_ =	sdelay $0x1  }
0x256: {  	v9 =	vadd.f32 v13, v9;
	_ =	sdelay $0x1  }
0x257: {  	v9 =	vadd.f32 v10, v9;
	v10 =	vmul.f32 v16, v7;
	_ =	sdelay $0x1  }
0x258: {  	v9 =	vadd.f32 v10, v9  }
0x259: {  	s2 =	sor.u32 $0x11A00, s29  }
0x25a: {  	[tilespmem:s2+$0x0] =	vst.add.f32.msk $0xffff, v9;
	s2 =	sor.u32 $0xA80, s4  }
0x25b: {  	v9 =	vld [tilespmem:s2+$0x0]  }
0x25c: {  	v10 =	vld [tilespmem:s29+$0x1A80]  }
0x25d: {  	v11 =	vld [tilespmem:s29+$0x2A80]  }
0x25e: {  	v12 =	vld [tilespmem:s29+$0x3A80]  }
0x25f: {  	v13 =	vld [tilespmem:s29+$0x4A80]  }
0x260: {  	v9 =	vmul.f32 v9, v2;
	v14 =	vld [tilespmem:s29+$0x5A80]  }
0x261: {  	v10 =	vmul.f32 v10, v1;
	v15 =	vld [tilespmem:s29+$0x6A80]  }
0x262: {  	v11 =	vmul.f32 v11, v3;
	v16 =	vld [tilespmem:s29+$0x7A80]  }
0x263: {  	v9 =	vadd.f32 v10, v9  }
0x264: {  	v10 =	vmul.f32 v13, v5  }
0x265: {  	v9 =	vadd.f32 v11, v9;
	v11 =	vmul.f32 v12, v4;
	v12 =	vmul.f32 v14, v6  }
0x266: {  	v13 =	vmul.f32 v15, v8  }
0x267: {  	v9 =	vadd.f32 v11, v9;
	_ =	sdelay $0x1  }
0x268: {  	v9 =	vadd.f32 v10, v9;
	_ =	sdelay $0x1  }
0x269: {  	v9 =	vadd.f32 v12, v9;
	_ =	sdelay $0x1  }
0x26a: {  	v10 =	vmul.f32 v16, v7;
	v9 =	vadd.f32 v13, v9;
	_ =	sdelay $0x1  }
0x26b: {  	v9 =	vadd.f32 v10, v9;
	_ =	sdelay $0x1  }
0x26c: {  	[tilespmem:s2+$0x11000] =	vst.add.f32.msk $0xffff, v9  }
0x26d: {  	v9 =	vld [tilespmem:s29+$0xB00]  }
0x26e: {  	v10 =	vld [tilespmem:s29+$0x1B00]  }
0x26f: {  	v11 =	vld [tilespmem:s29+$0x2B00]  }
0x270: {  	v12 =	vld [tilespmem:s29+$0x3B00]  }
0x271: {  	v13 =	vld [tilespmem:s29+$0x4B00]  }
0x272: {  	v9 =	vmul.f32 v9, v2;
	v14 =	vld [tilespmem:s29+$0x5B00]  }
0x273: {  	v10 =	vmul.f32 v10, v1;
	v15 =	vld [tilespmem:s29+$0x6B00]  }
0x274: {  	v11 =	vmul.f32 v11, v3;
	v16 =	vld [tilespmem:s29+$0x7B00]  }
0x275: {  	v9 =	vadd.f32 v10, v9;
	v10 =	vmul.f32 v12, v4  }
0x276: {  	v12 =	vmul.f32 v13, v5  }
0x277: {  	v9 =	vadd.f32 v11, v9;
	v11 =	vmul.f32 v14, v6  }
0x278: {  	v13 =	vmul.f32 v15, v8  }
0x279: {  	v9 =	vadd.f32 v10, v9;
	_ =	sdelay $0x1  }
0x27a: {  	v9 =	vadd.f32 v12, v9;
	_ =	sdelay $0x1  }
0x27b: {  	v9 =	vadd.f32 v11, v9;
	_ =	sdelay $0x1  }
0x27c: {  	v10 =	vmul.f32 v16, v7;
	v9 =	vadd.f32 v13, v9  }
.Ltmp1:
0x27d: {  	(pc) =	sbr.rel @p2 .LBB2_6-.Ltmp1, $4  }
0x27e: {  	v9 =	vadd.f32 v10, v9  }
0x27f: {  	s2 =	sor.u32 $0x11B00, s29  }
0x280: {  	[tilespmem:s2+$0x0] =	vst.add.f32.msk $0xffff, v9;
	s2 =	sor.u32 $0xB80, s0  }
0x281: {  	v9 =	vld [tilespmem:s2+$0x0]  }
0x282: {  	v10 =	vld [tilespmem:s29+$0x1B80];
	_ =	sdelay $0x1  }
0x283: {  	v11 =	vld [tilespmem:s29+$0x2B80];
	_ =	sdelay $0x1  }
0x284: {  	v12 =	vld [tilespmem:s29+$0x3B80]  }
0x285: {  	v2 =	vmul.f32 v9, v2;
	v1 =	vmul.f32 v10, v1  }
0x286: {  	v9 =	vld [tilespmem:s29+$0x4B80]  }
0x287: {  	v3 =	vmul.f32 v11, v3;
	v1 =	vadd.f32 v1, v2  }
0x288: {  	v2 =	vld [tilespmem:s29+$0x5B80]  }
0x289: {  	v4 =	vmul.f32 v12, v4;
	v1 =	vadd.f32 v3, v1  }
0x28a: {  	v3 =	vld [tilespmem:s29+$0x6B80]  }
0x28b: {  	v5 =	vmul.f32 v9, v5;
	v1 =	vadd.f32 v4, v1  }
0x28c: {  	v4 =	vld [tilespmem:s29+$0x7B80]  }
0x28d: {  	v2 =	vmul.f32 v2, v6;
	v1 =	vadd.f32 v5, v1;
	_ =	sdelay $0x1  }
0x28e: {  	v3 =	vmul.f32 v3, v8;
	v1 =	vadd.f32 v2, v1;
	_ =	sdelay $0x1  }
0x28f: {  	v2 =	vmul.f32 v4, v7;
	v1 =	vadd.f32 v3, v1;
	_ =	sdelay $0x1  }
0x290: {  	v1 =	vadd.f32 v2, v1;
	_ =	sdelay $0x1  }
0x291: {  	[tilespmem:s2+$0x11000] =	vst.add.f32.msk $0xffff, v1  }
0x292: {  	_ =	swait.ge [sflag:s17], $0x8000  }
0x293: {  	[sflag:s17] =	ssyncset.done $0x0  }
0x294: {  	[sflag:s17] =	ssyncadd.s32 $0xFFFF8000  }
0x295: {  	s0 =	sadd.s32 s24, s28;
	_ =	swait.ge [sflag:s18], $0x800  }
0x296: {  	s28 =	simm.s32 $0x0;
	s0 =	sshrl.u32 s0, $0x3;
	[sflag:s18] =	ssyncset.done $0x0  }
0x297: {  	s31 =	sadd.s32 s25, s26;
	s0 =	sadd.s32 s1, s0;
	[sflag:s18] =	ssyncadd.s32 $0xFFFFF800  }
0x298: {  	[tilespmem:s28], [sflag:$0x1] =	stream.strided.gather [hbm4b:s0+s10], $0x8000, s11, s10, $0x38;
	[tilespmem:$0x12000] =	vst v63  }
0x299: {  	s4 =	sand.u32 $0x400, s28;
	s2 =	sand.u32 $0x70, s28;
	s0 =	sshrl.u32 s31, $0x3  }
0x29a: {  	s3 =	sand.u32 $0xFFFFFC00, s28;
	s26 =	sor.u32 s2, s4;
	s0 =	sadd.s32 s5, s0  }
0x29b: {  	[tilespmem:s12], [sflag:$0x3] =	stream.linear.gather [hbm4b:s0+s28], $0x800, $0x38;
	[tilespmem:$0x12000] =	vst v63  }
0x29c: {  	s6 =	sadd.s32 $0x0, s3;
	v1 =	vld [tilespmem:s26+$0x10800]  }
0x29d: {  	s3 =	sor.u32 $0x880, s6;
	v5 =	vld [tilespmem:s26+$0x8000]  }
0x29e: {  	v3 =	vld [tilespmem:s3+$0x10000]  }
0x29f: {  	v6 =	vld [tilespmem:s26+$0x9000]  }
0x2a0: {  	v7 =	vld [tilespmem:s26+$0xA000]  }
0x2a1: {  	v2 =	vld [tilespmem:s26+$0x10900]  }
0x2a2: {  	s4 =	sor.u32 $0x980, s6;
	v8 =	vld [tilespmem:s26+$0xB000]  }
0x2a3: {  	v4 =	vld [tilespmem:s4+$0x10000]  }
0x2a4: {  	v10 =	vld [tilespmem:s26+$0xC000];
	v9 =	vmul.f32 v5, v1;
	v6 =	vmul.f32 v6, v3  }
0x2a5: {  	s0 =	sor.u32 $0xA80, s6;
	v5 =	vld [tilespmem:s26+$0x10A00]  }
0x2a6: {  	v11 =	vmul.f32 v7, v2;
	v7 =	vld [tilespmem:s0+$0x10000];
	v6 =	vadd.f32 v6, v9  }
0x2a7: {  	v9 =	vld [tilespmem:s26+$0xD000]  }
0x2a8: {  	v18 =	vld [tilespmem:s26+$0xE000];
	v8 =	vmul.f32 v8, v4;
	v11 =	vadd.f32 v11, v6  }
0x2a9: {  	s2 =	sor.u32 s28, s28;
	v6 =	vld [tilespmem:s26+$0x10B00]  }
0x2aa: {  	s29 =	sor.u32 $0xB80, s2;
	v13 =	vld [tilespmem:s26+$0xF000];
	v10 =	vmul.f32 v10, v5;
	v11 =	vadd.f32 v8, v11  }
0x2ab: {  	v8 =	vld [tilespmem:s29+$0x10000]  }
0x2ac: {  	v9 =	vmul.f32 v9, v7;
	v10 =	vadd.f32 v10, v11;
	_ =	sdelay $0x1  }
0x2ad: {  	v9 =	vadd.f32 v9, v10;
	v10 =	vmul.f32 v18, v6;
	_ =	sdelay $0x1  }
0x2ae: {  	v9 =	vadd.f32 v10, v9;
	v10 =	vmul.f32 v13, v8;
	_ =	sdelay $0x1  }
0x2af: {  	v9 =	vadd.f32 v10, v9  }
0x2b0: {  	s6 =	sor.u32 $0x11000, s26  }
0x2b1: {  	[tilespmem:s6+$0x0] =	vst.add.f32.msk $0xffff, v9  }
0x2b2: {  	v9 =	vld [tilespmem:s26+$0x8080]  }
0x2b3: {  	v10 =	vld [tilespmem:s26+$0x9080];
	_ =	sdelay $0x1  }
0x2b4: {  	v11 =	vld [tilespmem:s26+$0xA080];
	_ =	sdelay $0x1  }
0x2b5: {  	v19 =	vld [tilespmem:s26+$0xB080]  }
0x2b6: {  	v9 =	vmul.f32 v9, v1;
	v10 =	vmul.f32 v10, v3  }
0x2b7: {  	v20 =	vld [tilespmem:s26+$0xC080]  }
0x2b8: {  	v9 =	vadd.f32 v10, v9;
	v10 =	vmul.f32 v11, v2  }
0x2b9: {  	v11 =	vld [tilespmem:s26+$0xD080]  }
0x2ba: {  	v9 =	vadd.f32 v10, v9;
	v10 =	vmul.f32 v19, v4  }
0x2bb: {  	v21 =	vld [tilespmem:s26+$0xE080]  }
0x2bc: {  	v9 =	vadd.f32 v10, v9;
	v10 =	vmul.f32 v20, v5  }
0x2bd: {  	v22 =	vld [tilespmem:s26+$0xF080]  }
0x2be: {  	v9 =	vadd.f32 v10, v9;
	v10 =	vmul.f32 v11, v7;
	_ =	sdelay $0x1  }
0x2bf: {  	v9 =	vadd.f32 v10, v9;
	v10 =	vmul.f32 v21, v6;
	_ =	sdelay $0x1  }
0x2c0: {  	v9 =	vadd.f32 v10, v9;
	v10 =	vmul.f32 v22, v8;
	_ =	sdelay $0x1  }
0x2c1: {  	v9 =	vadd.f32 v10, v9  }
0x2c2: {  	s9 =	sor.u32 $0x11080, s26  }
0x2c3: {  	[tilespmem:s9+$0x0] =	vst.add.f32.msk $0xffff, v9  }
0x2c4: {  	v9 =	vld [tilespmem:s26+$0x8100]  }
0x2c5: {  	v10 =	vld [tilespmem:s26+$0x9100];
	_ =	sdelay $0x1  }
0x2c6: {  	v11 =	vld [tilespmem:s26+$0xA100];
	_ =	sdelay $0x1  }
0x2c7: {  	v23 =	vld [tilespmem:s26+$0xB100]  }
0x2c8: {  	v9 =	vmul.f32 v9, v1;
	v10 =	vmul.f32 v10, v3  }
0x2c9: {  	v24 =	vld [tilespmem:s26+$0xC100]  }
0x2ca: {  	v9 =	vadd.f32 v10, v9;
	v10 =	vmul.f32 v11, v2  }
0x2cb: {  	v11 =	vld [tilespmem:s26+$0xD100]  }
0x2cc: {  	v9 =	vadd.f32 v10, v9;
	v10 =	vmul.f32 v23, v4  }
0x2cd: {  	v25 =	vld [tilespmem:s26+$0xE100]  }
0x2ce: {  	v9 =	vadd.f32 v10, v9;
	v10 =	vmul.f32 v24, v5  }
0x2cf: {  	v26 =	vld [tilespmem:s26+$0xF100]  }
0x2d0: {  	v9 =	vadd.f32 v10, v9;
	v10 =	vmul.f32 v11, v7;
	_ =	sdelay $0x1  }
0x2d1: {  	v9 =	vadd.f32 v10, v9;
	v10 =	vmul.f32 v25, v6;
	_ =	sdelay $0x1  }
0x2d2: {  	v9 =	vadd.f32 v10, v9;
	v10 =	vmul.f32 v26, v8;
	_ =	sdelay $0x1  }
0x2d3: {  	v9 =	vadd.f32 v10, v9  }
0x2d4: {  	s19 =	sor.u32 $0x11100, s26  }
0x2d5: {  	[tilespmem:s19+$0x0] =	vst.add.f32.msk $0xffff, v9  }
0x2d6: {  	v9 =	vld [tilespmem:s26+$0x8180]  }
0x2d7: {  	v10 =	vld [tilespmem:s26+$0x9180];
	_ =	sdelay $0x1  }
0x2d8: {  	v11 =	vld [tilespmem:s26+$0xA180];
	_ =	sdelay $0x1  }
0x2d9: {  	v27 =	vld [tilespmem:s26+$0xB180]  }
0x2da: {  	v9 =	vmul.f32 v9, v1;
	v10 =	vmul.f32 v10, v3  }
0x2db: {  	v28 =	vld [tilespmem:s26+$0xC180]  }
0x2dc: {  	v11 =	vmul.f32 v11, v2;
	v9 =	vadd.f32 v10, v9  }
0x2dd: {  	v10 =	vld [tilespmem:s26+$0xD180]  }
0x2de: {  	v12 =	vmul.f32 v27, v4;
	v9 =	vadd.f32 v11, v9  }
0x2df: {  	v11 =	vld [tilespmem:s26+$0xE180]  }
0x2e0: {  	v29 =	vmul.f32 v28, v5;
	v9 =	vadd.f32 v12, v9  }
0x2e1: {  	v30 =	vld [tilespmem:s26+$0xF180]  }
0x2e2: {  	v10 =	vmul.f32 v10, v7;
	v9 =	vadd.f32 v29, v9;
	_ =	sdelay $0x1  }
0x2e3: {  	v9 =	vadd.f32 v10, v9;
	v10 =	vmul.f32 v11, v6;
	_ =	sdelay $0x1  }
0x2e4: {  	v9 =	vadd.f32 v10, v9;
	v10 =	vmul.f32 v30, v8;
	_ =	sdelay $0x1  }
0x2e5: {  	v9 =	vadd.f32 v10, v9  }
0x2e6: {  	s31 =	sor.u32 $0x11180, s26  }
0x2e7: {  	[tilespmem:s31+$0x0] =	vst.add.f32.msk $0xffff, v9  }
0x2e8: {  	v9 =	vld [tilespmem:s26+$0x8200]  }
0x2e9: {  	v10 =	vld [tilespmem:s26+$0x9200];
	_ =	sdelay $0x1  }
0x2ea: {  	v11 =	vld [tilespmem:s26+$0xA200];
	_ =	sdelay $0x1  }
0x2eb: {  	v31 =	vld [tilespmem:s26+$0xB200]  }
0x2ec: {  	v9 =	vmul.f32 v9, v1;
	v10 =	vmul.f32 v10, v3  }
0x2ed: {  	v32 =	vld [tilespmem:s26+$0xC200]  }
0x2ee: {  	v11 =	vmul.f32 v11, v2;
	v9 =	vadd.f32 v10, v9  }
0x2ef: {  	v10 =	vld [tilespmem:s26+$0xD200]  }
0x2f0: {  	v12 =	vmul.f32 v31, v4;
	v9 =	vadd.f32 v11, v9  }
0x2f1: {  	v11 =	vld [tilespmem:s26+$0xE200]  }
0x2f2: {  	v13 =	vmul.f32 v32, v5;
	v9 =	vadd.f32 v12, v9  }
0x2f3: {  	v33 =	vld [tilespmem:s26+$0xF200]  }
0x2f4: {  	v10 =	vmul.f32 v10, v7;
	v9 =	vadd.f32 v13, v9;
	_ =	sdelay $0x1  }
0x2f5: {  	v9 =	vadd.f32 v10, v9;
	v10 =	vmul.f32 v11, v6;
	_ =	sdelay $0x1  }
0x2f6: {  	v9 =	vadd.f32 v10, v9;
	v10 =	vmul.f32 v33, v8;
	_ =	sdelay $0x1  }
0x2f7: {  	v9 =	vadd.f32 v10, v9  }
0x2f8: {  	s9 =	sor.u32 $0x11200, s26  }
0x2f9: {  	[tilespmem:s9+$0x0] =	vst.add.f32.msk $0xffff, v9  }
0x2fa: {  	v9 =	vld [tilespmem:s26+$0x9280]  }
0x2fb: {  	v10 =	vld [tilespmem:s26+$0x8280];
	_ =	sdelay $0x1  }
0x2fc: {  	v11 =	vld [tilespmem:s26+$0xA280];
	_ =	sdelay $0x1  }
0x2fd: {  	v34 =	vld [tilespmem:s26+$0xB280]  }
0x2fe: {  	v9 =	vmul.f32 v9, v3;
	v10 =	vmul.f32 v10, v1  }
0x2ff: {  	v35 =	vld [tilespmem:s26+$0xC280]  }
0x300: {  	v11 =	vmul.f32 v11, v2;
	v9 =	vadd.f32 v9, v10  }
0x301: {  	v10 =	vld [tilespmem:s26+$0xD280]  }
0x302: {  	v12 =	vmul.f32 v34, v4;
	v9 =	vadd.f32 v11, v9  }
0x303: {  	v11 =	vld [tilespmem:s26+$0xE280]  }
0x304: {  	v13 =	vmul.f32 v35, v5;
	v9 =	vadd.f32 v12, v9  }
0x305: {  	v36 =	vld [tilespmem:s26+$0xF280]  }
0x306: {  	v10 =	vmul.f32 v10, v7;
	v9 =	vadd.f32 v13, v9;
	_ =	sdelay $0x1  }
0x307: {  	v9 =	vadd.f32 v10, v9;
	v10 =	vmul.f32 v11, v6;
	_ =	sdelay $0x1  }
0x308: {  	v9 =	vadd.f32 v10, v9;
	v10 =	vmul.f32 v36, v8;
	_ =	sdelay $0x1  }
0x309: {  	v9 =	vadd.f32 v10, v9  }
0x30a: {  	s19 =	sor.u32 $0x11280, s26  }
0x30b: {  	[tilespmem:s19+$0x0] =	vst.add.f32.msk $0xffff, v9  }
0x30c: {  	v9 =	vld [tilespmem:s26+$0x8300]  }
0x30d: {  	v10 =	vld [tilespmem:s26+$0x9300];
	_ =	sdelay $0x1  }
0x30e: {  	v11 =	vld [tilespmem:s26+$0xA300];
	_ =	sdelay $0x1  }
0x30f: {  	v37 =	vld [tilespmem:s26+$0xB300]  }
0x310: {  	v9 =	vmul.f32 v9, v1;
	v10 =	vmul.f32 v10, v3  }
0x311: {  	v38 =	vld [tilespmem:s26+$0xC300]  }
0x312: {  	v11 =	vmul.f32 v11, v2;
	v9 =	vadd.f32 v10, v9  }
0x313: {  	v10 =	vld [tilespmem:s26+$0xD300]  }
0x314: {  	v12 =	vmul.f32 v37, v4;
	v9 =	vadd.f32 v11, v9  }
0x315: {  	v11 =	vld [tilespmem:s26+$0xE300]  }
0x316: {  	v13 =	vmul.f32 v38, v5;
	v9 =	vadd.f32 v12, v9  }
0x317: {  	v39 =	vld [tilespmem:s26+$0xF300]  }
0x318: {  	v10 =	vmul.f32 v10, v7;
	v9 =	vadd.f32 v13, v9;
	_ =	sdelay $0x1  }
0x319: {  	v9 =	vadd.f32 v10, v9;
	v10 =	vmul.f32 v11, v6;
	_ =	sdelay $0x1  }
0x31a: {  	v9 =	vadd.f32 v10, v9;
	v10 =	vmul.f32 v39, v8;
	_ =	sdelay $0x1  }
0x31b: {  	v9 =	vadd.f32 v10, v9  }
0x31c: {  	s31 =	sor.u32 $0x11300, s26  }
0x31d: {  	[tilespmem:s31+$0x0] =	vst.add.f32.msk $0xffff, v9  }
0x31e: {  	v9 =	vld [tilespmem:s26+$0x8380]  }
0x31f: {  	v10 =	vld [tilespmem:s26+$0x9380];
	_ =	sdelay $0x1  }
0x320: {  	v11 =	vld [tilespmem:s26+$0xA380];
	_ =	sdelay $0x1  }
0x321: {  	v40 =	vld [tilespmem:s26+$0xB380]  }
0x322: {  	v9 =	vmul.f32 v9, v1;
	v10 =	vmul.f32 v10, v3  }
0x323: {  	v41 =	vld [tilespmem:s26+$0xC380]  }
0x324: {  	v11 =	vmul.f32 v11, v2;
	v9 =	vadd.f32 v10, v9  }
0x325: {  	v10 =	vld [tilespmem:s26+$0xD380]  }
0x326: {  	v12 =	vmul.f32 v40, v4;
	v9 =	vadd.f32 v11, v9  }
0x327: {  	v11 =	vld [tilespmem:s26+$0xE380]  }
0x328: {  	v13 =	vmul.f32 v41, v5;
	v9 =	vadd.f32 v12, v9  }
0x329: {  	v42 =	vld [tilespmem:s26+$0xF380]  }
0x32a: {  	v10 =	vmul.f32 v10, v7;
	v9 =	vadd.f32 v13, v9;
	_ =	sdelay $0x1  }
0x32b: {  	v9 =	vadd.f32 v10, v9;
	v10 =	vmul.f32 v11, v6;
	_ =	sdelay $0x1  }
0x32c: {  	v9 =	vadd.f32 v10, v9;
	v10 =	vmul.f32 v42, v8;
	_ =	sdelay $0x1  }
0x32d: {  	v9 =	vadd.f32 v10, v9  }
0x32e: {  	s2 =	sor.u32 $0x380, s2  }
0x32f: {  	[tilespmem:s2+$0x11000] =	vst.add.f32.msk $0xffff, v9  }
0x330: {  	v9 =	vld [tilespmem:s26+$0x8800]  }
0x331: {  	v10 =	vld [tilespmem:s26+$0x9800];
	_ =	sdelay $0x1  }
0x332: {  	v11 =	vld [tilespmem:s26+$0xA800];
	_ =	sdelay $0x1  }
0x333: {  	v43 =	vld [tilespmem:s26+$0xB800]  }
0x334: {  	v9 =	vmul.f32 v9, v1;
	v10 =	vmul.f32 v10, v3  }
0x335: {  	v44 =	vld [tilespmem:s26+$0xC800]  }
0x336: {  	v9 =	vadd.f32 v10, v9;
	v10 =	vmul.f32 v11, v2  }
0x337: {  	v11 =	vld [tilespmem:s26+$0xD800]  }
0x338: {  	v12 =	vmul.f32 v43, v4;
	v9 =	vadd.f32 v10, v9  }
0x339: {  	v10 =	vld [tilespmem:s26+$0xE800]  }
0x33a: {  	v13 =	vmul.f32 v44, v5;
	v9 =	vadd.f32 v12, v9  }
0x33b: {  	v45 =	vld [tilespmem:s26+$0xF800]  }
0x33c: {  	v11 =	vmul.f32 v11, v7;
	v9 =	vadd.f32 v13, v9;
	_ =	sdelay $0x1  }
0x33d: {  	v10 =	vmul.f32 v10, v6;
	v9 =	vadd.f32 v11, v9;
	_ =	sdelay $0x1  }
0x33e: {  	v9 =	vadd.f32 v10, v9;
	v10 =	vmul.f32 v45, v8;
	_ =	sdelay $0x1  }
0x33f: {  	v9 =	vadd.f32 v10, v9  }
0x340: {  	s6 =	sor.u32 $0x11800, s26  }
0x341: {  	[tilespmem:s6+$0x0] =	vst.add.f32.msk $0xffff, v9  }
0x342: {  	v9 =	vld [tilespmem:s26+$0x8880]  }
0x343: {  	v10 =	vld [tilespmem:s26+$0x9880];
	_ =	sdelay $0x1  }
0x344: {  	v11 =	vld [tilespmem:s26+$0xA880];
	_ =	sdelay $0x1  }
0x345: {  	v46 =	vld [tilespmem:s26+$0xB880]  }
0x346: {  	v9 =	vmul.f32 v9, v1;
	v10 =	vmul.f32 v10, v3  }
0x347: {  	v47 =	vld [tilespmem:s26+$0xC880]  }
0x348: {  	v11 =	vmul.f32 v11, v2;
	v9 =	vadd.f32 v10, v9  }
0x349: {  	v10 =	vld [tilespmem:s26+$0xD880]  }
0x34a: {  	v12 =	vmul.f32 v46, v4;
	v9 =	vadd.f32 v11, v9  }
0x34b: {  	v11 =	vld [tilespmem:s26+$0xE880]  }
0x34c: {  	v13 =	vmul.f32 v47, v5;
	v9 =	vadd.f32 v12, v9  }
0x34d: {  	v48 =	vld [tilespmem:s26+$0xF880]  }
0x34e: {  	v10 =	vmul.f32 v10, v7;
	v9 =	vadd.f32 v13, v9;
	_ =	sdelay $0x1  }
0x34f: {  	v9 =	vadd.f32 v10, v9;
	v10 =	vmul.f32 v11, v6;
	_ =	sdelay $0x1  }
0x350: {  	v9 =	vadd.f32 v10, v9;
	v10 =	vmul.f32 v48, v8;
	_ =	sdelay $0x1  }
0x351: {  	v9 =	vadd.f32 v10, v9;
	_ =	sdelay $0x1  }
0x352: {  	[tilespmem:s3+$0x11000] =	vst.add.f32.msk $0xffff, v9  }
0x353: {  	v9 =	vld [tilespmem:s26+$0x8900]  }
0x354: {  	v10 =	vld [tilespmem:s26+$0x9900];
	_ =	sdelay $0x1  }
0x355: {  	v11 =	vld [tilespmem:s26+$0xA900];
	_ =	sdelay $0x1  }
0x356: {  	v49 =	vld [tilespmem:s26+$0xB900]  }
0x357: {  	v9 =	vmul.f32 v9, v1;
	v10 =	vmul.f32 v10, v3  }
0x358: {  	v50 =	vld [tilespmem:s26+$0xC900]  }
0x359: {  	v11 =	vmul.f32 v11, v2;
	v9 =	vadd.f32 v10, v9  }
0x35a: {  	v10 =	vld [tilespmem:s26+$0xD900]  }
0x35b: {  	v12 =	vmul.f32 v49, v4;
	v9 =	vadd.f32 v11, v9  }
0x35c: {  	v11 =	vld [tilespmem:s26+$0xE900]  }
0x35d: {  	v13 =	vmul.f32 v50, v5;
	v9 =	vadd.f32 v12, v9  }
0x35e: {  	v51 =	vld [tilespmem:s26+$0xF900]  }
0x35f: {  	v10 =	vmul.f32 v10, v7;
	v9 =	vadd.f32 v13, v9;
	_ =	sdelay $0x1  }
0x360: {  	v9 =	vadd.f32 v10, v9;
	v10 =	vmul.f32 v11, v6;
	_ =	sdelay $0x1  }
0x361: {  	v9 =	vadd.f32 v10, v9;
	v10 =	vmul.f32 v51, v8;
	_ =	sdelay $0x1  }
0x362: {  	v9 =	vadd.f32 v10, v9  }
0x363: {  	s9 =	sor.u32 $0x11900, s26  }
0x364: {  	[tilespmem:s9+$0x0] =	vst.add.f32.msk $0xffff, v9  }
0x365: {  	v9 =	vld [tilespmem:s26+$0x8980]  }
0x366: {  	v10 =	vld [tilespmem:s26+$0x9980];
	_ =	sdelay $0x1  }
0x367: {  	v11 =	vld [tilespmem:s26+$0xA980];
	_ =	sdelay $0x1  }
0x368: {  	v52 =	vld [tilespmem:s26+$0xB980]  }
0x369: {  	v9 =	vmul.f32 v9, v1;
	v10 =	vmul.f32 v10, v3  }
0x36a: {  	v53 =	vld [tilespmem:s26+$0xC980]  }
0x36b: {  	v11 =	vmul.f32 v11, v2;
	v9 =	vadd.f32 v10, v9  }
0x36c: {  	v10 =	vld [tilespmem:s26+$0xD980]  }
0x36d: {  	v12 =	vmul.f32 v52, v4;
	v9 =	vadd.f32 v11, v9  }
0x36e: {  	v11 =	vld [tilespmem:s26+$0xE980]  }
0x36f: {  	v13 =	vmul.f32 v53, v5;
	v9 =	vadd.f32 v12, v9  }
0x370: {  	v54 =	vld [tilespmem:s26+$0xF980]  }
0x371: {  	v10 =	vmul.f32 v10, v7;
	v9 =	vadd.f32 v13, v9;
	_ =	sdelay $0x1  }
0x372: {  	v9 =	vadd.f32 v10, v9;
	v10 =	vmul.f32 v11, v6;
	_ =	sdelay $0x1  }
0x373: {  	v9 =	vadd.f32 v10, v9;
	v10 =	vmul.f32 v54, v8;
	_ =	sdelay $0x1  }
0x374: {  	v9 =	vadd.f32 v10, v9;
	_ =	sdelay $0x1  }
0x375: {  	[tilespmem:s4+$0x11000] =	vst.add.f32.msk $0xffff, v9  }
0x376: {  	v9 =	vld [tilespmem:s26+$0x8A00]  }
0x377: {  	v10 =	vld [tilespmem:s26+$0x9A00];
	_ =	sdelay $0x1  }
0x378: {  	v11 =	vld [tilespmem:s26+$0xAA00];
	_ =	sdelay $0x1  }
0x379: {  	v55 =	vld [tilespmem:s26+$0xBA00]  }
0x37a: {  	v9 =	vmul.f32 v9, v1;
	v10 =	vmul.f32 v10, v3  }
0x37b: {  	v56 =	vld [tilespmem:s26+$0xCA00]  }
0x37c: {  	v11 =	vmul.f32 v11, v2;
	v9 =	vadd.f32 v10, v9  }
0x37d: {  	v10 =	vld [tilespmem:s26+$0xDA00]  }
0x37e: {  	v12 =	vmul.f32 v55, v4;
	v9 =	vadd.f32 v11, v9  }
0x37f: {  	v11 =	vld [tilespmem:s26+$0xEA00]  }
0x380: {  	v13 =	vmul.f32 v56, v5;
	v9 =	vadd.f32 v12, v9  }
0x381: {  	v57 =	vld [tilespmem:s26+$0xFA00]  }
0x382: {  	v10 =	vmul.f32 v10, v7;
	v9 =	vadd.f32 v13, v9;
	_ =	sdelay $0x1  }
0x383: {  	v9 =	vadd.f32 v10, v9;
	v10 =	vmul.f32 v11, v6;
	_ =	sdelay $0x1  }
0x384: {  	v9 =	vadd.f32 v10, v9;
	v10 =	vmul.f32 v57, v8;
	_ =	sdelay $0x1  }
0x385: {  	v9 =	vadd.f32 v10, v9  }
0x386: {  	s19 =	sor.u32 $0x11A00, s26  }
0x387: {  	[tilespmem:s19+$0x0] =	vst.add.f32.msk $0xffff, v9  }
0x388: {  	v9 =	vld [tilespmem:s26+$0x8A80]  }
0x389: {  	v10 =	vld [tilespmem:s26+$0x9A80];
	_ =	sdelay $0x1  }
0x38a: {  	v11 =	vld [tilespmem:s26+$0xAA80];
	_ =	sdelay $0x1  }
0x38b: {  	v58 =	vld [tilespmem:s26+$0xBA80]  }
0x38c: {  	v9 =	vmul.f32 v9, v1;
	v10 =	vmul.f32 v10, v3  }
0x38d: {  	v59 =	vld [tilespmem:s26+$0xCA80]  }
0x38e: {  	v11 =	vmul.f32 v11, v2;
	v9 =	vadd.f32 v10, v9  }
0x38f: {  	v10 =	vld [tilespmem:s26+$0xDA80]  }
0x390: {  	v9 =	vadd.f32 v11, v9;
	v11 =	vmul.f32 v58, v4  }
0x391: {  	v60 =	vld [tilespmem:s26+$0xEA80]  }
0x392: {  	v13 =	vmul.f32 v59, v5;
	v9 =	vadd.f32 v11, v9  }
0x393: {  	v11 =	vld [tilespmem:s26+$0xFA80]  }
0x394: {  	v10 =	vmul.f32 v10, v7;
	v9 =	vadd.f32 v13, v9;
	_ =	sdelay $0x1  }
0x395: {  	v9 =	vadd.f32 v10, v9;
	v10 =	vmul.f32 v60, v6;
	_ =	sdelay $0x1  }
0x396: {  	v9 =	vadd.f32 v10, v9;
	v10 =	vmul.f32 v11, v8;
	_ =	sdelay $0x1  }
0x397: {  	v9 =	vadd.f32 v10, v9;
	_ =	sdelay $0x1  }
0x398: {  	[tilespmem:s0+$0x11000] =	vst.add.f32.msk $0xffff, v9  }
0x399: {  	v9 =	vld [tilespmem:s26+$0x8B00]  }
0x39a: {  	v10 =	vld [tilespmem:s26+$0x9B00];
	_ =	sdelay $0x1  }
0x39b: {  	v11 =	vld [tilespmem:s26+$0xAB00];
	_ =	sdelay $0x1  }
0x39c: {  	v61 =	vld [tilespmem:s26+$0xBB00]  }
0x39d: {  	v9 =	vmul.f32 v9, v1;
	v10 =	vmul.f32 v10, v3  }
0x39e: {  	v62 =	vld [tilespmem:s26+$0xCB00]  }
0x39f: {  	v11 =	vmul.f32 v11, v2;
	v9 =	vadd.f32 v10, v9  }
0x3a0: {  	v10 =	vld [tilespmem:s26+$0xDB00]  }
0x3a1: {  	v12 =	vmul.f32 v61, v4;
	v9 =	vadd.f32 v11, v9  }
0x3a2: {  	v11 =	vld [tilespmem:s26+$0xEB00]  }
0x3a3: {  	v13 =	vmul.f32 v62, v5;
	v9 =	vadd.f32 v12, v9  }
0x3a4: {  	v63 =	vld [tilespmem:s26+$0xFB00]  }
0x3a5: {  	v10 =	vmul.f32 v10, v7;
	v9 =	vadd.f32 v13, v9;
	_ =	sdelay $0x1  }
0x3a6: {  	v9 =	vadd.f32 v10, v9;
	v10 =	vmul.f32 v11, v6;
	_ =	sdelay $0x1  }
0x3a7: {  	v9 =	vadd.f32 v10, v9;
	v10 =	vmul.f32 v63, v8;
	_ =	sdelay $0x1  }
0x3a8: {  	v9 =	vadd.f32 v10, v9  }
0x3a9: {  	s31 =	sor.u32 $0x11B00, s26  }
0x3aa: {  	[tilespmem:s31+$0x0] =	vst.add.f32.msk $0xffff, v9  }
0x3ab: {  	v9 =	vld [tilespmem:s26+$0x8B80]  }
0x3ac: {  	s30 =	simm.s32 $0x10;
	v10 =	vld [tilespmem:s26+$0x9B80]  }
.LBB2_8:
0x3ad: {  	p2 =	sne.s32 s30, $0xF0  }
0x3ae: {  	v11 =	vld [tilespmem:s26+$0xAB80];
	s28 =	sadd.s32 $0x80, s28;
	s2 =	smov.u32 s30;
	s30 =	sadd.s32 $0x10, s30  }
0x3af: {  	v12 =	vld [tilespmem:s26+$0xBB80]  }
0x3b0: {  	v13 =	vld [tilespmem:s26+$0xCB80]  }
0x3b1: {  	v1 =	vmul.f32 v9, v1;
	v9 =	vld [tilespmem:s26+$0xDB80]  }
0x3b2: {  	v3 =	vmul.f32 v10, v3;
	v10 =	vld [tilespmem:s26+$0xEB80]  }
0x3b3: {  	v14 =	vld [tilespmem:s26+$0xFB80]  }
0x3b4: {  	v2 =	vmul.f32 v11, v2;
	v1 =	vadd.f32 v3, v1;
	v3 =	vmul.f32 v12, v4  }
0x3b5: {  	v4 =	vmul.f32 v13, v5  }
0x3b6: {  	v1 =	vadd.f32 v2, v1;
	v2 =	vmul.f32 v9, v7;
	_ =	sdelay $0x1  }
0x3b7: {  	v1 =	vadd.f32 v3, v1;
	_ =	sdelay $0x1  }
0x3b8: {  	v1 =	vadd.f32 v4, v1;
	_ =	sdelay $0x1  }
0x3b9: {  	v1 =	vadd.f32 v2, v1;
	v2 =	vmul.f32 v10, v6;
	_ =	sdelay $0x1  }
0x3ba: {  	v1 =	vadd.f32 v2, v1;
	v2 =	vmul.f32 v14, v8;
	_ =	sdelay $0x1  }
0x3bb: {  	v1 =	vadd.f32 v2, v1;
	_ =	sdelay $0x1  }
0x3bc: {  	s0 =	sand.u32 $0x70, s2;
	s3 =	sand.u32 $0x400, s28;
	[tilespmem:s29+$0x11000] =	vst.add.f32.msk $0xffff, v1  }
0x3bd: {  	s4 =	sand.u32 $0xFFFFFC00, s28;
	s26 =	sor.u32 s0, s3  }
0x3be: {  	s3 =	sadd.s32 s4, s2;
	v6 =	vld [tilespmem:s26+$0xA000]  }
0x3bf: {  	s31 =	sor.u32 $0x880, s3;
	s0 =	sor.u32 $0xA80, s3;
	v1 =	vld [tilespmem:s26+$0x10800]  }
0x3c0: {  	v5 =	vld [tilespmem:s26+$0x8000]  }
0x3c1: {  	v3 =	vld [tilespmem:s31+$0x10000]  }
0x3c2: {  	v7 =	vld [tilespmem:s26+$0x9000]  }
0x3c3: {  	v2 =	vld [tilespmem:s26+$0x10900]  }
0x3c4: {  	s4 =	sor.u32 $0x980, s3;
	v8 =	vld [tilespmem:s26+$0xB000]  }
0x3c5: {  	v4 =	vld [tilespmem:s4+$0x10000];
	v9 =	vmul.f32 v5, v1  }
0x3c6: {  	v10 =	vld [tilespmem:s26+$0xC000]  }
0x3c7: {  	v5 =	vld [tilespmem:s26+$0x10A00];
	v7 =	vmul.f32 v7, v3  }
0x3c8: {  	v6 =	vmul.f32 v6, v2  }
0x3c9: {  	v9 =	vadd.f32 v7, v9;
	v11 =	vld [tilespmem:s26+$0xD000]  }
0x3ca: {  	v7 =	vld [tilespmem:s0+$0x10000];
	v8 =	vmul.f32 v8, v4  }
0x3cb: {  	v9 =	vadd.f32 v6, v9;
	v12 =	vld [tilespmem:s26+$0xE000]  }
0x3cc: {  	s9 =	sor.u32 s2, s28;
	v6 =	vld [tilespmem:s26+$0x10B00];
	v10 =	vmul.f32 v10, v5  }
0x3cd: {  	s29 =	sor.u32 $0xB80, s9;
	v9 =	vadd.f32 v8, v9;
	v13 =	vld [tilespmem:s26+$0xF000]  }
0x3ce: {  	v8 =	vld [tilespmem:s29+$0x10000]  }
0x3cf: {  	v9 =	vadd.f32 v10, v9;
	v10 =	vmul.f32 v11, v7;
	_ =	sdelay $0x1  }
0x3d0: {  	v9 =	vadd.f32 v10, v9;
	v10 =	vmul.f32 v12, v6;
	_ =	sdelay $0x1  }
0x3d1: {  	v9 =	vadd.f32 v10, v9;
	v10 =	vmul.f32 v13, v8;
	_ =	sdelay $0x1  }
0x3d2: {  	v9 =	vadd.f32 v10, v9  }
0x3d3: {  	s2 =	sor.u32 $0x11000, s26  }
0x3d4: {  	[tilespmem:s2+$0x0] =	vst.add.f32.msk $0xffff, v9  }
0x3d5: {  	v9 =	vld [tilespmem:s26+$0x8080]  }
0x3d6: {  	v10 =	vld [tilespmem:s26+$0x9080]  }
0x3d7: {  	v11 =	vld [tilespmem:s26+$0xF080]  }
0x3d8: {  	v12 =	vld [tilespmem:s26+$0xA080];
	_ =	sdelay $0x1  }
0x3d9: {  	v9 =	vmul.f32 v9, v1;
	v13 =	vld [tilespmem:s26+$0xB080]  }
0x3da: {  	v10 =	vmul.f32 v10, v3  }
0x3db: {  	v14 =	vld [tilespmem:s26+$0xC080]  }
0x3dc: {  	v9 =	vadd.f32 v10, v9;
	v10 =	vmul.f32 v12, v2  }
0x3dd: {  	v12 =	vld [tilespmem:s26+$0xD080]  }
0x3de: {  	v9 =	vadd.f32 v10, v9;
	v10 =	vmul.f32 v13, v4  }
0x3df: {  	v13 =	vld [tilespmem:s26+$0xE080]  }
0x3e0: {  	v9 =	vadd.f32 v10, v9;
	v10 =	vmul.f32 v14, v5;
	_ =	sdelay $0x1  }
0x3e1: {  	v9 =	vadd.f32 v10, v9;
	v10 =	vmul.f32 v12, v7;
	_ =	sdelay $0x1  }
0x3e2: {  	v9 =	vadd.f32 v10, v9;
	v10 =	vmul.f32 v13, v6;
	_ =	sdelay $0x1  }
0x3e3: {  	v9 =	vadd.f32 v10, v9;
	v10 =	vmul.f32 v11, v8;
	_ =	sdelay $0x1  }
0x3e4: {  	v9 =	vadd.f32 v10, v9  }
0x3e5: {  	s2 =	sor.u32 $0x11080, s26  }
0x3e6: {  	[tilespmem:s2+$0x0] =	vst.add.f32.msk $0xffff, v9  }
0x3e7: {  	v9 =	vld [tilespmem:s26+$0x8100]  }
0x3e8: {  	v10 =	vld [tilespmem:s26+$0x9100];
	_ =	sdelay $0x1  }
0x3e9: {  	v11 =	vld [tilespmem:s26+$0xA100];
	_ =	sdelay $0x1  }
0x3ea: {  	v9 =	vmul.f32 v9, v1;
	v12 =	vld [tilespmem:s26+$0xB100]  }
0x3eb: {  	v10 =	vmul.f32 v10, v3  }
0x3ec: {  	v13 =	vld [tilespmem:s26+$0xC100]  }
0x3ed: {  	v9 =	vadd.f32 v10, v9;
	v10 =	vmul.f32 v11, v2  }
0x3ee: {  	v11 =	vld [tilespmem:s26+$0xD100]  }
0x3ef: {  	v9 =	vadd.f32 v10, v9;
	v10 =	vmul.f32 v12, v4  }
0x3f0: {  	v12 =	vld [tilespmem:s26+$0xE100]  }
0x3f1: {  	v9 =	vadd.f32 v10, v9;
	v10 =	vmul.f32 v13, v5  }
0x3f2: {  	v13 =	vld [tilespmem:s26+$0xF100]  }
0x3f3: {  	v9 =	vadd.f32 v10, v9;
	v10 =	vmul.f32 v11, v7;
	_ =	sdelay $0x1  }
0x3f4: {  	v9 =	vadd.f32 v10, v9;
	v10 =	vmul.f32 v12, v6;
	_ =	sdelay $0x1  }
0x3f5: {  	v9 =	vadd.f32 v10, v9;
	v10 =	vmul.f32 v13, v8;
	_ =	sdelay $0x1  }
0x3f6: {  	v9 =	vadd.f32 v10, v9  }
0x3f7: {  	s2 =	sor.u32 $0x11100, s26  }
0x3f8: {  	[tilespmem:s2+$0x0] =	vst.add.f32.msk $0xffff, v9  }
0x3f9: {  	v9 =	vld [tilespmem:s26+$0x8180]  }
0x3fa: {  	v10 =	vld [tilespmem:s26+$0x9180]  }
0x3fb: {  	v11 =	vld [tilespmem:s26+$0xA180]  }
0x3fc: {  	v12 =	vld [tilespmem:s26+$0xB180]  }
0x3fd: {  	v13 =	vld [tilespmem:s26+$0xD180]  }
0x3fe: {  	v9 =	vmul.f32 v9, v1;
	v14 =	vld [tilespmem:s26+$0xE180]  }
0x3ff: {  	v10 =	vmul.f32 v10, v3  }
0x400: {  	v11 =	vmul.f32 v11, v2;
	v15 =	vld [tilespmem:s26+$0xC180]  }
0x401: {  	v9 =	vadd.f32 v10, v9;
	v10 =	vmul.f32 v12, v4;
	_ =	sdelay $0x1  }
0x402: {  	v9 =	vadd.f32 v11, v9;
	_ =	sdelay $0x1  }
0x403: {  	v9 =	vadd.f32 v10, v9;
	v10 =	vmul.f32 v15, v5  }
0x404: {  	v11 =	vld [tilespmem:s26+$0xF180]  }
0x405: {  	v9 =	vadd.f32 v10, v9;
	v10 =	vmul.f32 v13, v7;
	_ =	sdelay $0x1  }
0x406: {  	v9 =	vadd.f32 v10, v9;
	v10 =	vmul.f32 v14, v6;
	_ =	sdelay $0x1  }
0x407: {  	v9 =	vadd.f32 v10, v9;
	v10 =	vmul.f32 v11, v8;
	_ =	sdelay $0x1  }
0x408: {  	v9 =	vadd.f32 v10, v9  }
0x409: {  	s2 =	sor.u32 $0x11180, s26  }
0x40a: {  	[tilespmem:s2+$0x0] =	vst.add.f32.msk $0xffff, v9  }
0x40b: {  	v9 =	vld [tilespmem:s26+$0x8200]  }
0x40c: {  	v10 =	vld [tilespmem:s26+$0x9200]  }
0x40d: {  	v11 =	vld [tilespmem:s26+$0xA200]  }
0x40e: {  	v12 =	vld [tilespmem:s26+$0xB200]  }
0x40f: {  	v13 =	vld [tilespmem:s26+$0xC200]  }
0x410: {  	v9 =	vmul.f32 v9, v1;
	v14 =	vld [tilespmem:s26+$0xD200]  }
0x411: {  	v10 =	vmul.f32 v10, v3;
	v15 =	vld [tilespmem:s26+$0xE200]  }
0x412: {  	v11 =	vmul.f32 v11, v2  }
0x413: {  	v9 =	vadd.f32 v10, v9;
	v10 =	vmul.f32 v12, v4  }
0x414: {  	v12 =	vmul.f32 v13, v5  }
0x415: {  	v9 =	vadd.f32 v11, v9;
	_ =	sdelay $0x1  }
0x416: {  	v9 =	vadd.f32 v10, v9  }
0x417: {  	v10 =	vld [tilespmem:s26+$0xF200]  }
0x418: {  	v11 =	vmul.f32 v14, v7;
	v9 =	vadd.f32 v12, v9;
	_ =	sdelay $0x1  }
0x419: {  	v9 =	vadd.f32 v11, v9;
	v11 =	vmul.f32 v15, v6;
	_ =	sdelay $0x1  }
0x41a: {  	v9 =	vadd.f32 v11, v9;
	v10 =	vmul.f32 v10, v8;
	_ =	sdelay $0x1  }
0x41b: {  	v9 =	vadd.f32 v10, v9  }
0x41c: {  	s2 =	sor.u32 $0x11200, s26  }
0x41d: {  	[tilespmem:s2+$0x0] =	vst.add.f32.msk $0xffff, v9  }
0x41e: {  	v9 =	vld [tilespmem:s26+$0x9280]  }
0x41f: {  	v10 =	vld [tilespmem:s26+$0x8280]  }
0x420: {  	v11 =	vld [tilespmem:s26+$0xA280]  }
0x421: {  	v12 =	vld [tilespmem:s26+$0xB280]  }
0x422: {  	v13 =	vld [tilespmem:s26+$0xC280]  }
0x423: {  	v9 =	vmul.f32 v9, v3;
	v14 =	vld [tilespmem:s26+$0xD280]  }
0x424: {  	v10 =	vmul.f32 v10, v1;
	v15 =	vld [tilespmem:s26+$0xE280]  }
0x425: {  	v11 =	vmul.f32 v11, v2  }
0x426: {  	v9 =	vadd.f32 v9, v10;
	v10 =	vmul.f32 v12, v4  }
0x427: {  	v12 =	vmul.f32 v13, v5  }
0x428: {  	v9 =	vadd.f32 v11, v9;
	_ =	sdelay $0x1  }
0x429: {  	v9 =	vadd.f32 v10, v9  }
0x42a: {  	v10 =	vld [tilespmem:s26+$0xF280]  }
0x42b: {  	v11 =	vmul.f32 v14, v7;
	v9 =	vadd.f32 v12, v9;
	_ =	sdelay $0x1  }
0x42c: {  	v9 =	vadd.f32 v11, v9;
	v11 =	vmul.f32 v15, v6;
	_ =	sdelay $0x1  }
0x42d: {  	v9 =	vadd.f32 v11, v9;
	v10 =	vmul.f32 v10, v8;
	_ =	sdelay $0x1  }
0x42e: {  	v9 =	vadd.f32 v10, v9  }
0x42f: {  	s2 =	sor.u32 $0x11280, s26  }
0x430: {  	[tilespmem:s2+$0x0] =	vst.add.f32.msk $0xffff, v9  }
0x431: {  	v9 =	vld [tilespmem:s26+$0x8300]  }
0x432: {  	v10 =	vld [tilespmem:s26+$0xA300]  }
0x433: {  	v11 =	vld [tilespmem:s26+$0x9300]  }
0x434: {  	v12 =	vld [tilespmem:s26+$0xB300]  }
0x435: {  	v13 =	vld [tilespmem:s26+$0xC300]  }
0x436: {  	v9 =	vmul.f32 v9, v1  }
0x437: {  	v10 =	vmul.f32 v10, v2  }
0x438: {  	v11 =	vmul.f32 v11, v3  }
0x439: {  	v12 =	vmul.f32 v12, v4  }
0x43a: {  	v9 =	vadd.f32 v11, v9;
	v11 =	vmul.f32 v13, v5  }
0x43b: {  	v13 =	vld [tilespmem:s26+$0xD300]  }
0x43c: {  	v9 =	vadd.f32 v10, v9  }
0x43d: {  	v10 =	vld [tilespmem:s26+$0xE300]  }
0x43e: {  	v9 =	vadd.f32 v12, v9  }
0x43f: {  	v12 =	vld [tilespmem:s26+$0xF300]  }
0x440: {  	v9 =	vadd.f32 v11, v9;
	v11 =	vmul.f32 v13, v7;
	_ =	sdelay $0x1  }
0x441: {  	v9 =	vadd.f32 v11, v9;
	v10 =	vmul.f32 v10, v6;
	_ =	sdelay $0x1  }
0x442: {  	v9 =	vadd.f32 v10, v9;
	v10 =	vmul.f32 v12, v8;
	_ =	sdelay $0x1  }
0x443: {  	v9 =	vadd.f32 v10, v9  }
0x444: {  	s2 =	sor.u32 $0x11300, s26  }
0x445: {  	[tilespmem:s2+$0x0] =	vst.add.f32.msk $0xffff, v9  }
0x446: {  	v9 =	vld [tilespmem:s26+$0x8380]  }
0x447: {  	v10 =	vld [tilespmem:s26+$0x9380]  }
0x448: {  	v11 =	vld [tilespmem:s26+$0xA380]  }
0x449: {  	v12 =	vld [tilespmem:s26+$0xB380]  }
0x44a: {  	v13 =	vld [tilespmem:s26+$0xC380]  }
0x44b: {  	v9 =	vmul.f32 v9, v1;
	v14 =	vld [tilespmem:s26+$0xD380]  }
0x44c: {  	v10 =	vmul.f32 v10, v3  }
0x44d: {  	v11 =	vmul.f32 v11, v2  }
0x44e: {  	v9 =	vadd.f32 v10, v9;
	v10 =	vmul.f32 v12, v4  }
0x44f: {  	v12 =	vmul.f32 v13, v5  }
0x450: {  	v9 =	vadd.f32 v11, v9;
	v11 =	vmul.f32 v14, v7  }
0x451: {  	v13 =	vld [tilespmem:s26+$0xE380]  }
0x452: {  	v9 =	vadd.f32 v10, v9  }
0x453: {  	v10 =	vld [tilespmem:s26+$0xF380]  }
0x454: {  	v9 =	vadd.f32 v12, v9;
	_ =	sdelay $0x1  }
0x455: {  	v9 =	vadd.f32 v11, v9;
	v11 =	vmul.f32 v13, v6;
	_ =	sdelay $0x1  }
0x456: {  	v9 =	vadd.f32 v11, v9;
	v10 =	vmul.f32 v10, v8;
	_ =	sdelay $0x1  }
0x457: {  	v9 =	vadd.f32 v10, v9  }
0x458: {  	s2 =	sor.u32 $0x380, s9  }
0x459: {  	[tilespmem:s2+$0x11000] =	vst.add.f32.msk $0xffff, v9  }
0x45a: {  	v9 =	vld [tilespmem:s26+$0x8800]  }
0x45b: {  	v10 =	vld [tilespmem:s26+$0xB800]  }
0x45c: {  	v11 =	vld [tilespmem:s26+$0x9800]  }
0x45d: {  	v12 =	vld [tilespmem:s26+$0xA800]  }
0x45e: {  	v13 =	vld [tilespmem:s26+$0xC800]  }
0x45f: {  	v9 =	vmul.f32 v9, v1;
	v14 =	vld [tilespmem:s26+$0xD800]  }
0x460: {  	v10 =	vmul.f32 v10, v4;
	v15 =	vld [tilespmem:s26+$0xE800]  }
0x461: {  	v11 =	vmul.f32 v11, v3;
	v16 =	vld [tilespmem:s26+$0xF800];
	_ =	sdelay $0x1  }
0x462: {  	v9 =	vadd.f32 v11, v9;
	v11 =	vmul.f32 v12, v2;
	v12 =	vmul.f32 v13, v5  }
0x463: {  	v13 =	vmul.f32 v14, v7  }
0x464: {  	v9 =	vadd.f32 v11, v9;
	_ =	sdelay $0x1  }
0x465: {  	v9 =	vadd.f32 v10, v9;
	_ =	sdelay $0x1  }
0x466: {  	v9 =	vadd.f32 v12, v9;
	_ =	sdelay $0x1  }
0x467: {  	v10 =	vmul.f32 v15, v6;
	v9 =	vadd.f32 v13, v9;
	_ =	sdelay $0x1  }
0x468: {  	v9 =	vadd.f32 v10, v9;
	v10 =	vmul.f32 v16, v8;
	_ =	sdelay $0x1  }
0x469: {  	v9 =	vadd.f32 v10, v9  }
0x46a: {  	s2 =	sor.u32 $0x11800, s26  }
0x46b: {  	[tilespmem:s2+$0x0] =	vst.add.f32.msk $0xffff, v9  }
0x46c: {  	v9 =	vld [tilespmem:s26+$0x8880]  }
0x46d: {  	v10 =	vld [tilespmem:s26+$0x9880]  }
0x46e: {  	v11 =	vld [tilespmem:s26+$0xA880]  }
0x46f: {  	v12 =	vld [tilespmem:s26+$0xB880]  }
0x470: {  	v13 =	vld [tilespmem:s26+$0xC880]  }
0x471: {  	v9 =	vmul.f32 v9, v1;
	v14 =	vld [tilespmem:s26+$0xD880]  }
0x472: {  	v10 =	vmul.f32 v10, v3;
	v15 =	vld [tilespmem:s26+$0xE880]  }
0x473: {  	v11 =	vmul.f32 v11, v2;
	v16 =	vld [tilespmem:s26+$0xF880]  }
0x474: {  	v9 =	vadd.f32 v10, v9;
	v10 =	vmul.f32 v12, v4  }
0x475: {  	v12 =	vmul.f32 v13, v5  }
0x476: {  	v9 =	vadd.f32 v11, v9;
	v11 =	vmul.f32 v14, v7;
	_ =	sdelay $0x1  }
0x477: {  	v9 =	vadd.f32 v10, v9;
	_ =	sdelay $0x1  }
0x478: {  	v9 =	vadd.f32 v12, v9;
	_ =	sdelay $0x1  }
0x479: {  	v10 =	vmul.f32 v15, v6;
	v9 =	vadd.f32 v11, v9;
	_ =	sdelay $0x1  }
0x47a: {  	v9 =	vadd.f32 v10, v9;
	v10 =	vmul.f32 v16, v8;
	_ =	sdelay $0x1  }
0x47b: {  	v9 =	vadd.f32 v10, v9;
	_ =	sdelay $0x1  }
0x47c: {  	[tilespmem:s31+$0x11000] =	vst.add.f32.msk $0xffff, v9  }
0x47d: {  	v9 =	vld [tilespmem:s26+$0x8900]  }
0x47e: {  	v10 =	vld [tilespmem:s26+$0x9900]  }
0x47f: {  	v11 =	vld [tilespmem:s26+$0xA900]  }
0x480: {  	v12 =	vld [tilespmem:s26+$0xB900]  }
0x481: {  	v13 =	vld [tilespmem:s26+$0xC900]  }
0x482: {  	v9 =	vmul.f32 v9, v1;
	v14 =	vld [tilespmem:s26+$0xD900]  }
0x483: {  	v10 =	vmul.f32 v10, v3;
	v15 =	vld [tilespmem:s26+$0xE900]  }
0x484: {  	v11 =	vmul.f32 v11, v2;
	v16 =	vld [tilespmem:s26+$0xF900]  }
0x485: {  	v9 =	vadd.f32 v10, v9;
	v10 =	vmul.f32 v12, v4  }
0x486: {  	v12 =	vmul.f32 v13, v5  }
0x487: {  	v9 =	vadd.f32 v11, v9;
	v11 =	vmul.f32 v14, v7;
	_ =	sdelay $0x1  }
0x488: {  	v9 =	vadd.f32 v10, v9;
	_ =	sdelay $0x1  }
0x489: {  	v9 =	vadd.f32 v12, v9;
	_ =	sdelay $0x1  }
0x48a: {  	v10 =	vmul.f32 v15, v6;
	v9 =	vadd.f32 v11, v9;
	_ =	sdelay $0x1  }
0x48b: {  	v9 =	vadd.f32 v10, v9;
	v10 =	vmul.f32 v16, v8;
	_ =	sdelay $0x1  }
0x48c: {  	v9 =	vadd.f32 v10, v9  }
0x48d: {  	s2 =	sor.u32 $0x11900, s26  }
0x48e: {  	[tilespmem:s2+$0x0] =	vst.add.f32.msk $0xffff, v9  }
0x48f: {  	v9 =	vld [tilespmem:s26+$0x8980]  }
0x490: {  	v10 =	vld [tilespmem:s26+$0xA980]  }
0x491: {  	v11 =	vld [tilespmem:s26+$0x9980]  }
0x492: {  	v12 =	vld [tilespmem:s26+$0xB980]  }
0x493: {  	v13 =	vld [tilespmem:s26+$0xC980]  }
0x494: {  	v9 =	vmul.f32 v9, v1;
	v14 =	vld [tilespmem:s26+$0xD980]  }
0x495: {  	v10 =	vmul.f32 v10, v2;
	v15 =	vld [tilespmem:s26+$0xE980]  }
0x496: {  	v11 =	vmul.f32 v11, v3;
	v16 =	vld [tilespmem:s26+$0xF980]  }
0x497: {  	v12 =	vmul.f32 v12, v4  }
0x498: {  	v9 =	vadd.f32 v11, v9;
	v11 =	vmul.f32 v13, v5  }
0x499: {  	v13 =	vmul.f32 v14, v7  }
0x49a: {  	v9 =	vadd.f32 v10, v9;
	_ =	sdelay $0x1  }
0x49b: {  	v9 =	vadd.f32 v12, v9;
	_ =	sdelay $0x1  }
0x49c: {  	v9 =	vadd.f32 v11, v9;
	_ =	sdelay $0x1  }
0x49d: {  	v10 =	vmul.f32 v15, v6;
	v9 =	vadd.f32 v13, v9;
	_ =	sdelay $0x1  }
0x49e: {  	v9 =	vadd.f32 v10, v9;
	v10 =	vmul.f32 v16, v8;
	_ =	sdelay $0x1  }
0x49f: {  	v9 =	vadd.f32 v10, v9;
	_ =	sdelay $0x1  }
0x4a0: {  	[tilespmem:s4+$0x11000] =	vst.add.f32.msk $0xffff, v9  }
0x4a1: {  	v9 =	vld [tilespmem:s26+$0x8A00]  }
0x4a2: {  	v10 =	vld [tilespmem:s26+$0x9A00]  }
0x4a3: {  	v11 =	vld [tilespmem:s26+$0xAA00]  }
0x4a4: {  	v12 =	vld [tilespmem:s26+$0xCA00]  }
0x4a5: {  	v13 =	vld [tilespmem:s26+$0xBA00]  }
0x4a6: {  	v9 =	vmul.f32 v9, v1;
	v14 =	vld [tilespmem:s26+$0xDA00]  }
0x4a7: {  	v10 =	vmul.f32 v10, v3;
	v15 =	vld [tilespmem:s26+$0xEA00]  }
0x4a8: {  	v11 =	vmul.f32 v11, v2;
	v16 =	vld [tilespmem:s26+$0xFA00]  }
0x4a9: {  	v9 =	vadd.f32 v10, v9;
	v10 =	vmul.f32 v12, v5  }
0x4aa: {  	v12 =	vmul.f32 v13, v4  }
0x4ab: {  	v9 =	vadd.f32 v11, v9;
	_ =	sdelay $0x1  }
0x4ac: {  	v9 =	vadd.f32 v12, v9;
	_ =	sdelay $0x1  }
0x4ad: {  	v9 =	vadd.f32 v10, v9;
	v10 =	vmul.f32 v14, v7;
	_ =	sdelay $0x1  }
0x4ae: {  	v9 =	vadd.f32 v10, v9;
	v10 =	vmul.f32 v15, v6;
	_ =	sdelay $0x1  }
0x4af: {  	v9 =	vadd.f32 v10, v9;
	v10 =	vmul.f32 v16, v8;
	_ =	sdelay $0x1  }
0x4b0: {  	v9 =	vadd.f32 v10, v9  }
0x4b1: {  	s2 =	sor.u32 $0x11A00, s26  }
0x4b2: {  	[tilespmem:s2+$0x0] =	vst.add.f32.msk $0xffff, v9  }
0x4b3: {  	v9 =	vld [tilespmem:s26+$0x8A80]  }
0x4b4: {  	v10 =	vld [tilespmem:s26+$0x9A80]  }
0x4b5: {  	v11 =	vld [tilespmem:s26+$0xAA80]  }
0x4b6: {  	v12 =	vld [tilespmem:s26+$0xBA80]  }
0x4b7: {  	v13 =	vld [tilespmem:s26+$0xDA80]  }
0x4b8: {  	v9 =	vmul.f32 v9, v1;
	v14 =	vld [tilespmem:s26+$0xCA80]  }
0x4b9: {  	v10 =	vmul.f32 v10, v3;
	v15 =	vld [tilespmem:s26+$0xEA80]  }
0x4ba: {  	v11 =	vmul.f32 v11, v2;
	v16 =	vld [tilespmem:s26+$0xFA80]  }
0x4bb: {  	v9 =	vadd.f32 v10, v9  }
0x4bc: {  	v10 =	vmul.f32 v13, v7  }
0x4bd: {  	v9 =	vadd.f32 v11, v9;
	v11 =	vmul.f32 v12, v4;
	v12 =	vmul.f32 v14, v5;
	_ =	sdelay $0x1  }
0x4be: {  	v9 =	vadd.f32 v11, v9;
	_ =	sdelay $0x1  }
0x4bf: {  	v9 =	vadd.f32 v12, v9;
	_ =	sdelay $0x1  }
0x4c0: {  	v9 =	vadd.f32 v10, v9;
	v10 =	vmul.f32 v15, v6;
	_ =	sdelay $0x1  }
0x4c1: {  	v9 =	vadd.f32 v10, v9;
	v10 =	vmul.f32 v16, v8;
	_ =	sdelay $0x1  }
0x4c2: {  	v9 =	vadd.f32 v10, v9;
	_ =	sdelay $0x1  }
0x4c3: {  	[tilespmem:s0+$0x11000] =	vst.add.f32.msk $0xffff, v9  }
0x4c4: {  	v9 =	vld [tilespmem:s26+$0x8B00]  }
0x4c5: {  	v10 =	vld [tilespmem:s26+$0x9B00]  }
0x4c6: {  	v11 =	vld [tilespmem:s26+$0xAB00]  }
0x4c7: {  	v12 =	vld [tilespmem:s26+$0xBB00]  }
0x4c8: {  	v13 =	vld [tilespmem:s26+$0xCB00]  }
0x4c9: {  	v9 =	vmul.f32 v9, v1;
	v14 =	vld [tilespmem:s26+$0xDB00]  }
0x4ca: {  	v10 =	vmul.f32 v10, v3;
	v15 =	vld [tilespmem:s26+$0xEB00]  }
0x4cb: {  	v11 =	vmul.f32 v11, v2;
	v16 =	vld [tilespmem:s26+$0xFB00]  }
0x4cc: {  	v9 =	vadd.f32 v10, v9;
	v10 =	vmul.f32 v12, v4  }
0x4cd: {  	v12 =	vmul.f32 v13, v5  }
0x4ce: {  	v9 =	vadd.f32 v11, v9;
	v11 =	vmul.f32 v14, v7;
	_ =	sdelay $0x1  }
0x4cf: {  	v9 =	vadd.f32 v10, v9;
	_ =	sdelay $0x1  }
0x4d0: {  	v9 =	vadd.f32 v12, v9;
	_ =	sdelay $0x1  }
0x4d1: {  	v10 =	vmul.f32 v15, v6;
	v9 =	vadd.f32 v11, v9;
	_ =	sdelay $0x1  }
0x4d2: {  	v9 =	vadd.f32 v10, v9;
	v10 =	vmul.f32 v16, v8;
	_ =	sdelay $0x1  }
.Ltmp2:
0x4d3: {  	v9 =	vadd.f32 v10, v9;
	(pc) =	sbr.rel @p2 .LBB2_8-.Ltmp2, $4  }
0x4d4: {  	s0 =	sor.u32 $0x11B00, s26  }
0x4d5: {  	[tilespmem:s0+$0x0] =	vst.add.f32.msk $0xffff, v9  }
0x4d6: {  	v9 =	vld [tilespmem:s26+$0x8B80]  }
0x4d7: {  	v10 =	vld [tilespmem:s26+$0x9B80]  }
0x4d8: {  	_ = 	snop  }
0x4d9: {  	v11 =	vld [tilespmem:s26+$0xAB80];
	_ =	sdelay $0x1  }
0x4da: {  	v12 =	vld [tilespmem:s26+$0xBB80]  }
0x4db: {  	v1 =	vmul.f32 v9, v1;
	v3 =	vmul.f32 v10, v3  }
0x4dc: {  	v62 =	vld [tilespmem:s26+$0xCB80]  }
0x4dd: {  	v2 =	vmul.f32 v11, v2;
	v1 =	vadd.f32 v3, v1  }
0x4de: {  	v3 =	vld [tilespmem:s26+$0xDB80]  }
0x4df: {  	v4 =	vmul.f32 v12, v4;
	v1 =	vadd.f32 v2, v1  }
0x4e0: {  	v2 =	vld [tilespmem:s26+$0xEB80]  }
0x4e1: {  	v5 =	vmul.f32 v62, v5;
	v1 =	vadd.f32 v4, v1  }
0x4e2: {  	v63 =	vld [tilespmem:s26+$0xFB80]  }
0x4e3: {  	v3 =	vmul.f32 v3, v7;
	v1 =	vadd.f32 v5, v1;
	_ =	sdelay $0x1  }
0x4e4: {  	v2 =	vmul.f32 v2, v6;
	v1 =	vadd.f32 v3, v1;
	_ =	sdelay $0x1  }
.Ltmp3:
0x4e5: {  	v1 =	vadd.f32 v2, v1;
	v2 =	vmul.f32 v63, v8;
	(pc) =	sbr.rel @p1 .LBB2_5-.Ltmp3, $3  }
0x4e6: {  	_ = 	snop  }
0x4e7: {  	v1 =	vadd.f32 v2, v1;
	_ =	sdelay $0x1  }
0x4e8: {  	s0 =	simm.s32 $0x1;
	p2 =	por $0x0, $0x0;
	[tilespmem:s29+$0x11000] =	vst.add.f32.msk $0xffff, v1  }
0x4e9: {  	_ =	swait.ge [sflag:s13], $0x8000  }
0x4ea: {  	[sflag:s13] =	ssyncset.done $0x0  }
0x4eb: {  	[sflag:s13] =	ssyncadd.s32 $0xFFFF8000  }
0x4ec: {  	s22 =	simm.s32 $0x0;
	_ =	swait.ge [sflag:s14], $0x800  }
0x4ed: {  	s0 =	sand.u32 $0x70, s22;
	s2 =	sand.u32 $0x400, s22;
	[sflag:s14] =	ssyncset.done $0x0  }
0x4ee: {  	s3 =	sand.u32 $0xFFFFFC00, s22;
	s23 =	sor.u32 s0, s2;
	[sflag:s14] =	ssyncadd.s32 $0xFFFFF800  }
0x4ef: {  	s4 =	sadd.s32 $0x0, s3;
	v5 =	vld [tilespmem:s23+$0x1000]  }
0x4f0: {  	s6 =	sor.u32 $0x80, s4;
	v2 =	vld [tilespmem:s23+$0x10000]  }
0x4f1: {  	v1 =	vld [tilespmem:s6+$0x10000]  }
0x4f2: {  	v6 =	vld [tilespmem:s23+$0x0]  }
0x4f3: {  	v7 =	vld [tilespmem:s23+$0x2000]  }
0x4f4: {  	v3 =	vld [tilespmem:s23+$0x10100]  }
0x4f5: {  	s9 =	sor.u32 $0x180, s4;
	v8 =	vld [tilespmem:s23+$0x3000]  }
0x4f6: {  	v4 =	vld [tilespmem:s9+$0x10000]  }
0x4f7: {  	v10 =	vld [tilespmem:s23+$0x4000];
	v9 =	vmul.f32 v5, v1;
	v6 =	vmul.f32 v6, v2  }
0x4f8: {  	v5 =	vld [tilespmem:s23+$0x10200]  }
0x4f9: {  	s3 =	sor.u32 $0x280, s4;
	v11 =	vld [tilespmem:s23+$0x5000];
	v7 =	vmul.f32 v7, v3;
	v9 =	vadd.f32 v9, v6  }
0x4fa: {  	v6 =	vld [tilespmem:s3+$0x10000]  }
0x4fb: {  	v12 =	vld [tilespmem:s23+$0x6000];
	v7 =	vadd.f32 v7, v9;
	v9 =	vmul.f32 v8, v4  }
0x4fc: {  	s0 =	sor.u32 s22, s22;
	v8 =	vld [tilespmem:s23+$0x10300]  }
0x4fd: {  	s30 =	sor.u32 $0x380, s0;
	v13 =	vld [tilespmem:s23+$0x7000];
	v10 =	vmul.f32 v10, v5;
	v9 =	vadd.f32 v9, v7  }
0x4fe: {  	v7 =	vld [tilespmem:s30+$0x10000]  }
0x4ff: {  	v9 =	vadd.f32 v10, v9;
	v10 =	vmul.f32 v11, v6;
	_ =	sdelay $0x1  }
0x500: {  	v9 =	vadd.f32 v10, v9;
	v10 =	vmul.f32 v12, v8;
	_ =	sdelay $0x1  }
0x501: {  	v9 =	vadd.f32 v10, v9;
	v10 =	vmul.f32 v13, v7;
	_ =	sdelay $0x1  }
0x502: {  	v9 =	vadd.f32 v10, v9  }
0x503: {  	s19 =	sor.u32 $0x11000, s23  }
0x504: {  	[tilespmem:s19+$0x0] =	vst.add.f32.msk $0xffff, v9  }
0x505: {  	v9 =	vld [tilespmem:s6+$0x0]  }
0x506: {  	v10 =	vld [tilespmem:s23+$0x1080];
	_ =	sdelay $0x1  }
0x507: {  	v11 =	vld [tilespmem:s23+$0x2080];
	_ =	sdelay $0x1  }
0x508: {  	v17 =	vld [tilespmem:s23+$0x3080]  }
0x509: {  	v9 =	vmul.f32 v9, v2;
	v10 =	vmul.f32 v10, v1  }
0x50a: {  	v18 =	vld [tilespmem:s23+$0x4080]  }
0x50b: {  	v9 =	vadd.f32 v10, v9;
	v10 =	vmul.f32 v11, v3  }
0x50c: {  	v11 =	vld [tilespmem:s23+$0x5080]  }
0x50d: {  	v9 =	vadd.f32 v10, v9;
	v10 =	vmul.f32 v17, v4  }
0x50e: {  	v19 =	vld [tilespmem:s23+$0x6080]  }
0x50f: {  	v9 =	vadd.f32 v10, v9;
	v10 =	vmul.f32 v18, v5  }
0x510: {  	v20 =	vld [tilespmem:s23+$0x7080]  }
0x511: {  	v9 =	vadd.f32 v10, v9;
	v10 =	vmul.f32 v11, v6;
	_ =	sdelay $0x1  }
0x512: {  	v9 =	vadd.f32 v10, v9;
	v10 =	vmul.f32 v19, v8;
	_ =	sdelay $0x1  }
0x513: {  	v9 =	vadd.f32 v10, v9;
	v10 =	vmul.f32 v20, v7;
	_ =	sdelay $0x1  }
0x514: {  	v9 =	vadd.f32 v10, v9;
	_ =	sdelay $0x1  }
0x515: {  	[tilespmem:s6+$0x11000] =	vst.add.f32.msk $0xffff, v9  }
0x516: {  	v9 =	vld [tilespmem:s23+$0x100]  }
0x517: {  	v10 =	vld [tilespmem:s23+$0x1100];
	_ =	sdelay $0x1  }
0x518: {  	v11 =	vld [tilespmem:s23+$0x2100];
	_ =	sdelay $0x1  }
0x519: {  	v21 =	vld [tilespmem:s23+$0x3100]  }
0x51a: {  	v9 =	vmul.f32 v9, v2;
	v10 =	vmul.f32 v10, v1  }
0x51b: {  	v22 =	vld [tilespmem:s23+$0x4100]  }
0x51c: {  	v9 =	vadd.f32 v10, v9;
	v10 =	vmul.f32 v11, v3  }
0x51d: {  	v11 =	vld [tilespmem:s23+$0x5100]  }
0x51e: {  	v9 =	vadd.f32 v10, v9;
	v10 =	vmul.f32 v21, v4  }
0x51f: {  	v23 =	vld [tilespmem:s23+$0x6100]  }
0x520: {  	v9 =	vadd.f32 v10, v9;
	v10 =	vmul.f32 v22, v5  }
0x521: {  	v24 =	vld [tilespmem:s23+$0x7100]  }
0x522: {  	v9 =	vadd.f32 v10, v9;
	v10 =	vmul.f32 v11, v6;
	_ =	sdelay $0x1  }
0x523: {  	v9 =	vadd.f32 v10, v9;
	v10 =	vmul.f32 v23, v8;
	_ =	sdelay $0x1  }
0x524: {  	v9 =	vadd.f32 v10, v9;
	v10 =	vmul.f32 v24, v7;
	_ =	sdelay $0x1  }
0x525: {  	v9 =	vadd.f32 v10, v9  }
0x526: {  	s31 =	sor.u32 $0x11100, s23  }
0x527: {  	[tilespmem:s31+$0x0] =	vst.add.f32.msk $0xffff, v9  }
0x528: {  	v9 =	vld [tilespmem:s9+$0x0]  }
0x529: {  	v10 =	vld [tilespmem:s23+$0x1180];
	_ =	sdelay $0x1  }
0x52a: {  	v11 =	vld [tilespmem:s23+$0x2180];
	_ =	sdelay $0x1  }
0x52b: {  	v25 =	vld [tilespmem:s23+$0x3180]  }
0x52c: {  	v9 =	vmul.f32 v9, v2;
	v10 =	vmul.f32 v10, v1  }
0x52d: {  	v26 =	vld [tilespmem:s23+$0x4180]  }
0x52e: {  	v9 =	vadd.f32 v10, v9;
	v10 =	vmul.f32 v11, v3  }
0x52f: {  	v11 =	vld [tilespmem:s23+$0x5180]  }
0x530: {  	v9 =	vadd.f32 v10, v9;
	v10 =	vmul.f32 v25, v4  }
0x531: {  	v27 =	vld [tilespmem:s23+$0x6180]  }
0x532: {  	v9 =	vadd.f32 v10, v9;
	v10 =	vmul.f32 v26, v5  }
0x533: {  	v28 =	vld [tilespmem:s23+$0x7180]  }
0x534: {  	v9 =	vadd.f32 v10, v9;
	v10 =	vmul.f32 v11, v6;
	_ =	sdelay $0x1  }
0x535: {  	v9 =	vadd.f32 v10, v9;
	v10 =	vmul.f32 v27, v8;
	_ =	sdelay $0x1  }
0x536: {  	v9 =	vadd.f32 v10, v9;
	v10 =	vmul.f32 v28, v7;
	_ =	sdelay $0x1  }
0x537: {  	v9 =	vadd.f32 v10, v9;
	_ =	sdelay $0x1  }
0x538: {  	[tilespmem:s9+$0x11000] =	vst.add.f32.msk $0xffff, v9  }
0x539: {  	v9 =	vld [tilespmem:s23+$0x200]  }
0x53a: {  	v10 =	vld [tilespmem:s23+$0x1200];
	_ =	sdelay $0x1  }
0x53b: {  	v11 =	vld [tilespmem:s23+$0x2200];
	_ =	sdelay $0x1  }
0x53c: {  	v29 =	vld [tilespmem:s23+$0x3200]  }
0x53d: {  	v9 =	vmul.f32 v9, v2;
	v10 =	vmul.f32 v10, v1  }
0x53e: {  	v30 =	vld [tilespmem:s23+$0x4200]  }
0x53f: {  	v9 =	vadd.f32 v10, v9;
	v10 =	vmul.f32 v11, v3  }
0x540: {  	v11 =	vld [tilespmem:s23+$0x5200]  }
0x541: {  	v9 =	vadd.f32 v10, v9;
	v10 =	vmul.f32 v29, v4  }
0x542: {  	v31 =	vld [tilespmem:s23+$0x6200]  }
0x543: {  	v9 =	vadd.f32 v10, v9;
	v10 =	vmul.f32 v30, v5  }
0x544: {  	v32 =	vld [tilespmem:s23+$0x7200]  }
0x545: {  	v9 =	vadd.f32 v10, v9;
	v10 =	vmul.f32 v11, v6;
	_ =	sdelay $0x1  }
0x546: {  	v9 =	vadd.f32 v10, v9;
	v10 =	vmul.f32 v31, v8;
	_ =	sdelay $0x1  }
0x547: {  	v9 =	vadd.f32 v10, v9;
	v10 =	vmul.f32 v32, v7;
	_ =	sdelay $0x1  }
0x548: {  	v9 =	vadd.f32 v10, v9  }
0x549: {  	s9 =	sor.u32 $0x11200, s23  }
0x54a: {  	[tilespmem:s9+$0x0] =	vst.add.f32.msk $0xffff, v9  }
0x54b: {  	v9 =	vld [tilespmem:s3+$0x0]  }
0x54c: {  	v10 =	vld [tilespmem:s23+$0x1280];
	_ =	sdelay $0x1  }
0x54d: {  	v11 =	vld [tilespmem:s23+$0x2280];
	_ =	sdelay $0x1  }
0x54e: {  	v33 =	vld [tilespmem:s23+$0x3280]  }
0x54f: {  	v9 =	vmul.f32 v9, v2;
	v10 =	vmul.f32 v10, v1  }
0x550: {  	v34 =	vld [tilespmem:s23+$0x4280]  }
0x551: {  	v9 =	vadd.f32 v10, v9;
	v10 =	vmul.f32 v11, v3  }
0x552: {  	v11 =	vld [tilespmem:s23+$0x5280]  }
0x553: {  	v9 =	vadd.f32 v10, v9;
	v10 =	vmul.f32 v33, v4  }
0x554: {  	v35 =	vld [tilespmem:s23+$0x6280]  }
0x555: {  	v9 =	vadd.f32 v10, v9;
	v10 =	vmul.f32 v34, v5  }
0x556: {  	v36 =	vld [tilespmem:s23+$0x7280]  }
0x557: {  	v9 =	vadd.f32 v10, v9;
	v10 =	vmul.f32 v11, v6;
	_ =	sdelay $0x1  }
0x558: {  	v9 =	vadd.f32 v10, v9;
	v10 =	vmul.f32 v35, v8;
	_ =	sdelay $0x1  }
0x559: {  	v9 =	vadd.f32 v10, v9;
	v10 =	vmul.f32 v36, v7;
	_ =	sdelay $0x1  }
0x55a: {  	v9 =	vadd.f32 v10, v9;
	_ =	sdelay $0x1  }
0x55b: {  	[tilespmem:s3+$0x11000] =	vst.add.f32.msk $0xffff, v9  }
0x55c: {  	v9 =	vld [tilespmem:s23+$0x300]  }
0x55d: {  	v10 =	vld [tilespmem:s23+$0x1300];
	_ =	sdelay $0x1  }
0x55e: {  	v11 =	vld [tilespmem:s23+$0x2300];
	_ =	sdelay $0x1  }
0x55f: {  	v37 =	vld [tilespmem:s23+$0x3300]  }
0x560: {  	v9 =	vmul.f32 v9, v2;
	v10 =	vmul.f32 v10, v1  }
0x561: {  	v38 =	vld [tilespmem:s23+$0x4300]  }
0x562: {  	v11 =	vmul.f32 v11, v3;
	v9 =	vadd.f32 v10, v9  }
0x563: {  	v10 =	vld [tilespmem:s23+$0x5300]  }
0x564: {  	v12 =	vmul.f32 v37, v4;
	v9 =	vadd.f32 v11, v9  }
0x565: {  	v11 =	vld [tilespmem:s23+$0x6300]  }
0x566: {  	v13 =	vmul.f32 v38, v5;
	v9 =	vadd.f32 v12, v9  }
0x567: {  	v39 =	vld [tilespmem:s23+$0x7300]  }
0x568: {  	v10 =	vmul.f32 v10, v6;
	v9 =	vadd.f32 v13, v9;
	_ =	sdelay $0x1  }
0x569: {  	v9 =	vadd.f32 v10, v9;
	v10 =	vmul.f32 v11, v8;
	_ =	sdelay $0x1  }
0x56a: {  	v9 =	vadd.f32 v10, v9;
	v10 =	vmul.f32 v39, v7;
	_ =	sdelay $0x1  }
0x56b: {  	v9 =	vadd.f32 v10, v9  }
0x56c: {  	s19 =	sor.u32 $0x11300, s23  }
0x56d: {  	[tilespmem:s19+$0x0] =	vst.add.f32.msk $0xffff, v9  }
0x56e: {  	v9 =	vld [tilespmem:s30+$0x0]  }
0x56f: {  	v10 =	vld [tilespmem:s23+$0x1380];
	_ =	sdelay $0x1  }
0x570: {  	v11 =	vld [tilespmem:s23+$0x2380];
	_ =	sdelay $0x1  }
0x571: {  	v40 =	vld [tilespmem:s23+$0x3380]  }
0x572: {  	v9 =	vmul.f32 v9, v2;
	v10 =	vmul.f32 v10, v1  }
0x573: {  	v41 =	vld [tilespmem:s23+$0x4380]  }
0x574: {  	v9 =	vadd.f32 v10, v9;
	v10 =	vmul.f32 v11, v3  }
0x575: {  	v11 =	vld [tilespmem:s23+$0x5380]  }
0x576: {  	v12 =	vmul.f32 v40, v4;
	v9 =	vadd.f32 v10, v9  }
0x577: {  	v10 =	vld [tilespmem:s23+$0x6380]  }
0x578: {  	v13 =	vmul.f32 v41, v5;
	v9 =	vadd.f32 v12, v9  }
0x579: {  	v42 =	vld [tilespmem:s23+$0x7380]  }
0x57a: {  	v11 =	vmul.f32 v11, v6;
	v9 =	vadd.f32 v13, v9;
	_ =	sdelay $0x1  }
0x57b: {  	v10 =	vmul.f32 v10, v8;
	v9 =	vadd.f32 v11, v9;
	_ =	sdelay $0x1  }
0x57c: {  	v9 =	vadd.f32 v10, v9;
	v10 =	vmul.f32 v42, v7;
	_ =	sdelay $0x1  }
0x57d: {  	v9 =	vadd.f32 v10, v9;
	_ =	sdelay $0x1  }
0x57e: {  	[tilespmem:s30+$0x11000] =	vst.add.f32.msk $0xffff, v9  }
0x57f: {  	v9 =	vld [tilespmem:s23+$0x800]  }
0x580: {  	v10 =	vld [tilespmem:s23+$0x1800];
	_ =	sdelay $0x1  }
0x581: {  	v11 =	vld [tilespmem:s23+$0x2800];
	_ =	sdelay $0x1  }
0x582: {  	v43 =	vld [tilespmem:s23+$0x3800]  }
0x583: {  	v9 =	vmul.f32 v9, v2;
	v10 =	vmul.f32 v10, v1  }
0x584: {  	v44 =	vld [tilespmem:s23+$0x4800]  }
0x585: {  	v11 =	vmul.f32 v11, v3;
	v9 =	vadd.f32 v10, v9  }
0x586: {  	v10 =	vld [tilespmem:s23+$0x5800]  }
0x587: {  	v12 =	vmul.f32 v43, v4;
	v9 =	vadd.f32 v11, v9  }
0x588: {  	v11 =	vld [tilespmem:s23+$0x6800]  }
0x589: {  	v13 =	vmul.f32 v44, v5;
	v9 =	vadd.f32 v12, v9  }
0x58a: {  	v45 =	vld [tilespmem:s23+$0x7800]  }
0x58b: {  	v10 =	vmul.f32 v10, v6;
	v9 =	vadd.f32 v13, v9;
	_ =	sdelay $0x1  }
0x58c: {  	v11 =	vmul.f32 v11, v8;
	v9 =	vadd.f32 v10, v9;
	_ =	sdelay $0x1  }
0x58d: {  	v10 =	vmul.f32 v45, v7;
	v9 =	vadd.f32 v11, v9;
	_ =	sdelay $0x1  }
0x58e: {  	v9 =	vadd.f32 v10, v9  }
0x58f: {  	s24 =	sor.u32 $0x11800, s23  }
0x590: {  	s25 =	sor.u32 $0x880, s4;
	[tilespmem:s24+$0x0] =	vst.add.f32.msk $0xffff, v9  }
0x591: {  	v9 =	vld [tilespmem:s25+$0x0]  }
0x592: {  	v10 =	vld [tilespmem:s23+$0x1880];
	_ =	sdelay $0x1  }
0x593: {  	v11 =	vld [tilespmem:s23+$0x2880];
	_ =	sdelay $0x1  }
0x594: {  	v46 =	vld [tilespmem:s23+$0x3880]  }
0x595: {  	v9 =	vmul.f32 v9, v2;
	v10 =	vmul.f32 v10, v1  }
0x596: {  	v47 =	vld [tilespmem:s23+$0x4880]  }
0x597: {  	v11 =	vmul.f32 v11, v3;
	v9 =	vadd.f32 v10, v9  }
0x598: {  	v10 =	vld [tilespmem:s23+$0x5880]  }
0x599: {  	v12 =	vmul.f32 v46, v4;
	v9 =	vadd.f32 v11, v9  }
0x59a: {  	v11 =	vld [tilespmem:s23+$0x6880]  }
0x59b: {  	v13 =	vmul.f32 v47, v5;
	v9 =	vadd.f32 v12, v9  }
0x59c: {  	v48 =	vld [tilespmem:s23+$0x7880]  }
0x59d: {  	v10 =	vmul.f32 v10, v6;
	v9 =	vadd.f32 v13, v9;
	_ =	sdelay $0x1  }
0x59e: {  	v11 =	vmul.f32 v11, v8;
	v9 =	vadd.f32 v10, v9;
	_ =	sdelay $0x1  }
0x59f: {  	v10 =	vmul.f32 v48, v7;
	v9 =	vadd.f32 v11, v9;
	_ =	sdelay $0x1  }
0x5a0: {  	v9 =	vadd.f32 v10, v9;
	_ =	sdelay $0x1  }
0x5a1: {  	[tilespmem:s25+$0x11000] =	vst.add.f32.msk $0xffff, v9  }
0x5a2: {  	v9 =	vld [tilespmem:s23+$0x900]  }
0x5a3: {  	v10 =	vld [tilespmem:s23+$0x1900];
	_ =	sdelay $0x1  }
0x5a4: {  	v11 =	vld [tilespmem:s23+$0x2900];
	_ =	sdelay $0x1  }
0x5a5: {  	v49 =	vld [tilespmem:s23+$0x3900]  }
0x5a6: {  	v9 =	vmul.f32 v9, v2;
	v10 =	vmul.f32 v10, v1  }
0x5a7: {  	v50 =	vld [tilespmem:s23+$0x4900]  }
0x5a8: {  	v11 =	vmul.f32 v11, v3;
	v9 =	vadd.f32 v10, v9  }
0x5a9: {  	v10 =	vld [tilespmem:s23+$0x5900]  }
0x5aa: {  	v12 =	vmul.f32 v49, v4;
	v9 =	vadd.f32 v11, v9  }
0x5ab: {  	v11 =	vld [tilespmem:s23+$0x6900]  }
0x5ac: {  	v13 =	vmul.f32 v50, v5;
	v9 =	vadd.f32 v12, v9  }
0x5ad: {  	v51 =	vld [tilespmem:s23+$0x7900]  }
0x5ae: {  	v10 =	vmul.f32 v10, v6;
	v9 =	vadd.f32 v13, v9;
	_ =	sdelay $0x1  }
0x5af: {  	v11 =	vmul.f32 v11, v8;
	v9 =	vadd.f32 v10, v9;
	_ =	sdelay $0x1  }
0x5b0: {  	v10 =	vmul.f32 v51, v7;
	v9 =	vadd.f32 v11, v9;
	_ =	sdelay $0x1  }
0x5b1: {  	v9 =	vadd.f32 v10, v9  }
0x5b2: {  	s26 =	sor.u32 $0x11900, s23  }
0x5b3: {  	s28 =	sor.u32 $0x980, s4;
	[tilespmem:s26+$0x0] =	vst.add.f32.msk $0xffff, v9  }
0x5b4: {  	v9 =	vld [tilespmem:s28+$0x0]  }
0x5b5: {  	v10 =	vld [tilespmem:s23+$0x1980];
	_ =	sdelay $0x1  }
0x5b6: {  	v11 =	vld [tilespmem:s23+$0x2980];
	_ =	sdelay $0x1  }
0x5b7: {  	v52 =	vld [tilespmem:s23+$0x3980]  }
0x5b8: {  	v9 =	vmul.f32 v9, v2;
	v10 =	vmul.f32 v10, v1  }
0x5b9: {  	v53 =	vld [tilespmem:s23+$0x4980]  }
0x5ba: {  	v11 =	vmul.f32 v11, v3;
	v9 =	vadd.f32 v10, v9  }
0x5bb: {  	v10 =	vld [tilespmem:s23+$0x5980]  }
0x5bc: {  	v12 =	vmul.f32 v52, v4;
	v9 =	vadd.f32 v11, v9  }
0x5bd: {  	v11 =	vld [tilespmem:s23+$0x6980]  }
0x5be: {  	v13 =	vmul.f32 v53, v5;
	v9 =	vadd.f32 v12, v9  }
0x5bf: {  	v54 =	vld [tilespmem:s23+$0x7980]  }
0x5c0: {  	v10 =	vmul.f32 v10, v6;
	v9 =	vadd.f32 v13, v9;
	_ =	sdelay $0x1  }
0x5c1: {  	v11 =	vmul.f32 v11, v8;
	v9 =	vadd.f32 v10, v9;
	_ =	sdelay $0x1  }
0x5c2: {  	v10 =	vmul.f32 v54, v7;
	v9 =	vadd.f32 v11, v9;
	_ =	sdelay $0x1  }
0x5c3: {  	v9 =	vadd.f32 v10, v9;
	_ =	sdelay $0x1  }
0x5c4: {  	[tilespmem:s28+$0x11000] =	vst.add.f32.msk $0xffff, v9  }
0x5c5: {  	v9 =	vld [tilespmem:s23+$0xA00]  }
0x5c6: {  	v10 =	vld [tilespmem:s23+$0x1A00];
	_ =	sdelay $0x1  }
0x5c7: {  	v11 =	vld [tilespmem:s23+$0x2A00];
	_ =	sdelay $0x1  }
0x5c8: {  	v55 =	vld [tilespmem:s23+$0x3A00]  }
0x5c9: {  	v9 =	vmul.f32 v9, v2;
	v10 =	vmul.f32 v10, v1  }
0x5ca: {  	v56 =	vld [tilespmem:s23+$0x4A00]  }
0x5cb: {  	v11 =	vmul.f32 v11, v3;
	v9 =	vadd.f32 v10, v9  }
0x5cc: {  	v10 =	vld [tilespmem:s23+$0x5A00]  }
0x5cd: {  	v12 =	vmul.f32 v55, v4;
	v9 =	vadd.f32 v11, v9  }
0x5ce: {  	v11 =	vld [tilespmem:s23+$0x6A00]  }
0x5cf: {  	v13 =	vmul.f32 v56, v5;
	v9 =	vadd.f32 v12, v9  }
0x5d0: {  	v57 =	vld [tilespmem:s23+$0x7A00]  }
0x5d1: {  	v10 =	vmul.f32 v10, v6;
	v9 =	vadd.f32 v13, v9;
	_ =	sdelay $0x1  }
0x5d2: {  	v11 =	vmul.f32 v11, v8;
	v9 =	vadd.f32 v10, v9;
	_ =	sdelay $0x1  }
0x5d3: {  	v10 =	vmul.f32 v57, v7;
	v9 =	vadd.f32 v11, v9;
	_ =	sdelay $0x1  }
0x5d4: {  	v9 =	vadd.f32 v10, v9  }
0x5d5: {  	s29 =	sor.u32 $0x11A00, s23  }
0x5d6: {  	s30 =	sor.u32 $0xA80, s4;
	[tilespmem:s29+$0x0] =	vst.add.f32.msk $0xffff, v9  }
0x5d7: {  	v9 =	vld [tilespmem:s30+$0x0]  }
0x5d8: {  	v10 =	vld [tilespmem:s23+$0x1A80];
	_ =	sdelay $0x1  }
0x5d9: {  	v11 =	vld [tilespmem:s23+$0x2A80];
	_ =	sdelay $0x1  }
0x5da: {  	v58 =	vld [tilespmem:s23+$0x3A80]  }
0x5db: {  	v9 =	vmul.f32 v9, v2;
	v10 =	vmul.f32 v10, v1  }
0x5dc: {  	v59 =	vld [tilespmem:s23+$0x4A80]  }
0x5dd: {  	v11 =	vmul.f32 v11, v3;
	v9 =	vadd.f32 v10, v9  }
0x5de: {  	v10 =	vld [tilespmem:s23+$0x5A80]  }
0x5df: {  	v9 =	vadd.f32 v11, v9;
	v11 =	vmul.f32 v58, v4  }
0x5e0: {  	v60 =	vld [tilespmem:s23+$0x6A80]  }
0x5e1: {  	v13 =	vmul.f32 v59, v5;
	v9 =	vadd.f32 v11, v9  }
0x5e2: {  	v11 =	vld [tilespmem:s23+$0x7A80]  }
0x5e3: {  	v10 =	vmul.f32 v10, v6;
	v9 =	vadd.f32 v13, v9;
	_ =	sdelay $0x1  }
0x5e4: {  	v12 =	vmul.f32 v60, v8;
	v9 =	vadd.f32 v10, v9;
	_ =	sdelay $0x1  }
0x5e5: {  	v10 =	vmul.f32 v11, v7;
	v9 =	vadd.f32 v12, v9;
	_ =	sdelay $0x1  }
0x5e6: {  	v9 =	vadd.f32 v10, v9;
	_ =	sdelay $0x1  }
0x5e7: {  	[tilespmem:s30+$0x11000] =	vst.add.f32.msk $0xffff, v9  }
0x5e8: {  	v9 =	vld [tilespmem:s23+$0xB00]  }
0x5e9: {  	v10 =	vld [tilespmem:s23+$0x1B00];
	_ =	sdelay $0x1  }
0x5ea: {  	v11 =	vld [tilespmem:s23+$0x2B00];
	_ =	sdelay $0x1  }
0x5eb: {  	v61 =	vld [tilespmem:s23+$0x3B00]  }
0x5ec: {  	v9 =	vmul.f32 v9, v2;
	v10 =	vmul.f32 v10, v1  }
0x5ed: {  	v62 =	vld [tilespmem:s23+$0x4B00]  }
0x5ee: {  	v11 =	vmul.f32 v11, v3;
	v9 =	vadd.f32 v10, v9  }
0x5ef: {  	v10 =	vld [tilespmem:s23+$0x5B00]  }
0x5f0: {  	v12 =	vmul.f32 v61, v4;
	v9 =	vadd.f32 v11, v9  }
0x5f1: {  	v11 =	vld [tilespmem:s23+$0x6B00]  }
0x5f2: {  	v13 =	vmul.f32 v62, v5;
	v9 =	vadd.f32 v12, v9  }
0x5f3: {  	v63 =	vld [tilespmem:s23+$0x7B00]  }
0x5f4: {  	v10 =	vmul.f32 v10, v6;
	v9 =	vadd.f32 v13, v9;
	_ =	sdelay $0x1  }
0x5f5: {  	v11 =	vmul.f32 v11, v8;
	v9 =	vadd.f32 v10, v9;
	_ =	sdelay $0x1  }
0x5f6: {  	v10 =	vmul.f32 v63, v7;
	v9 =	vadd.f32 v11, v9;
	_ =	sdelay $0x1  }
0x5f7: {  	v9 =	vadd.f32 v10, v9  }
0x5f8: {  	s31 =	sor.u32 $0x11B00, s23  }
0x5f9: {  	s2 =	sor.u32 $0xB80, s0;
	[tilespmem:s31+$0x0] =	vst.add.f32.msk $0xffff, v9  }
0x5fa: {  	s24 =	simm.s32 $0x10;
	v9 =	vld [tilespmem:s2+$0x0]  }
.LBB2_11:
0x5fb: {  	p1 =	sne.s32 s24, $0xF0  }
0x5fc: {  	v10 =	vld [tilespmem:s23+$0x1B80];
	s22 =	sadd.s32 $0x80, s22;
	s0 =	smov.u32 s24;
	s24 =	sadd.s32 $0x10, s24  }
0x5fd: {  	v11 =	vld [tilespmem:s23+$0x2B80]  }
0x5fe: {  	v12 =	vld [tilespmem:s23+$0x3B80]  }
0x5ff: {  	v13 =	vld [tilespmem:s23+$0x4B80]  }
0x600: {  	v2 =	vmul.f32 v9, v2;
	v9 =	vld [tilespmem:s23+$0x5B80]  }
0x601: {  	v1 =	vmul.f32 v10, v1;
	v10 =	vld [tilespmem:s23+$0x6B80]  }
0x602: {  	v3 =	vmul.f32 v11, v3;
	v11 =	vld [tilespmem:s23+$0x7B80]  }
0x603: {  	v1 =	vadd.f32 v1, v2;
	v2 =	vmul.f32 v12, v4  }
0x604: {  	v4 =	vmul.f32 v13, v5  }
0x605: {  	v1 =	vadd.f32 v3, v1;
	v3 =	vmul.f32 v9, v6  }
0x606: {  	v5 =	vmul.f32 v10, v8  }
0x607: {  	v1 =	vadd.f32 v2, v1;
	_ =	sdelay $0x1  }
0x608: {  	v1 =	vadd.f32 v4, v1;
	_ =	sdelay $0x1  }
0x609: {  	v1 =	vadd.f32 v3, v1;
	_ =	sdelay $0x1  }
0x60a: {  	v2 =	vmul.f32 v11, v7;
	v1 =	vadd.f32 v5, v1;
	_ =	sdelay $0x1  }
0x60b: {  	v1 =	vadd.f32 v2, v1  }
0x60c: {  	s3 =	sand.u32 $0xFFFFFC00, s22;
	s4 =	sand.u32 $0x70, s0;
	s6 =	sand.u32 $0x400, s22  }
0x60d: {  	s23 =	sor.u32 s4, s6;
	s4 =	sadd.s32 s3, s0;
	[tilespmem:s2+$0x11000] =	vst.add.f32.msk $0xffff, v1  }
0x60e: {  	s19 =	sor.u32 $0x80, s4;
	v5 =	vld [tilespmem:s23+$0x1000]  }
0x60f: {  	v2 =	vld [tilespmem:s23+$0x10000]  }
0x610: {  	v1 =	vld [tilespmem:s19+$0x10000]  }
0x611: {  	v6 =	vld [tilespmem:s23+$0x0]  }
0x612: {  	v7 =	vld [tilespmem:s23+$0x2000]  }
0x613: {  	v3 =	vld [tilespmem:s23+$0x10100]  }
0x614: {  	s2 =	sor.u32 $0x180, s4;
	v8 =	vld [tilespmem:s23+$0x3000]  }
0x615: {  	v4 =	vld [tilespmem:s2+$0x10000];
	v9 =	vmul.f32 v5, v1  }
0x616: {  	v6 =	vmul.f32 v6, v2;
	v10 =	vld [tilespmem:s23+$0x4000]  }
0x617: {  	v5 =	vld [tilespmem:s23+$0x10200]  }
0x618: {  	s3 =	sor.u32 $0x280, s4;
	v9 =	vadd.f32 v9, v6;
	v7 =	vmul.f32 v7, v3;
	v11 =	vld [tilespmem:s23+$0x5000]  }
0x619: {  	v6 =	vld [tilespmem:s3+$0x10000]  }
0x61a: {  	v7 =	vadd.f32 v7, v9;
	v9 =	vmul.f32 v8, v4;
	v12 =	vld [tilespmem:s23+$0x6000]  }
0x61b: {  	s0 =	sor.u32 s0, s22;
	v8 =	vld [tilespmem:s23+$0x10300]  }
0x61c: {  	s9 =	sor.u32 $0x380, s0;
	v9 =	vadd.f32 v9, v7;
	v10 =	vmul.f32 v10, v5;
	v13 =	vld [tilespmem:s23+$0x7000]  }
0x61d: {  	v7 =	vld [tilespmem:s9+$0x10000]  }
0x61e: {  	v9 =	vadd.f32 v10, v9;
	v10 =	vmul.f32 v11, v6;
	_ =	sdelay $0x1  }
0x61f: {  	v9 =	vadd.f32 v10, v9;
	v10 =	vmul.f32 v12, v8;
	_ =	sdelay $0x1  }
0x620: {  	v9 =	vadd.f32 v10, v9;
	v10 =	vmul.f32 v13, v7;
	_ =	sdelay $0x1  }
0x621: {  	v9 =	vadd.f32 v10, v9  }
0x622: {  	s6 =	sor.u32 $0x11000, s23  }
0x623: {  	[tilespmem:s6+$0x0] =	vst.add.f32.msk $0xffff, v9  }
0x624: {  	v9 =	vld [tilespmem:s19+$0x0]  }
0x625: {  	v10 =	vld [tilespmem:s23+$0x1080]  }
0x626: {  	v11 =	vld [tilespmem:s23+$0x5080]  }
0x627: {  	v12 =	vld [tilespmem:s23+$0x2080];
	_ =	sdelay $0x1  }
0x628: {  	v9 =	vmul.f32 v9, v2;
	v13 =	vld [tilespmem:s23+$0x3080]  }
0x629: {  	v10 =	vmul.f32 v10, v1  }
0x62a: {  	v14 =	vld [tilespmem:s23+$0x4080]  }
0x62b: {  	v9 =	vadd.f32 v10, v9;
	v10 =	vmul.f32 v12, v3;
	_ =	sdelay $0x1  }
0x62c: {  	v9 =	vadd.f32 v10, v9;
	v10 =	vmul.f32 v13, v4  }
0x62d: {  	v12 =	vld [tilespmem:s23+$0x6080]  }
0x62e: {  	v9 =	vadd.f32 v10, v9;
	v10 =	vmul.f32 v14, v5  }
0x62f: {  	v13 =	vld [tilespmem:s23+$0x7080]  }
0x630: {  	v9 =	vadd.f32 v10, v9;
	v10 =	vmul.f32 v11, v6;
	_ =	sdelay $0x1  }
0x631: {  	v9 =	vadd.f32 v10, v9;
	v10 =	vmul.f32 v12, v8;
	_ =	sdelay $0x1  }
0x632: {  	v9 =	vadd.f32 v10, v9;
	v10 =	vmul.f32 v13, v7;
	_ =	sdelay $0x1  }
0x633: {  	v9 =	vadd.f32 v10, v9;
	_ =	sdelay $0x1  }
0x634: {  	[tilespmem:s19+$0x11000] =	vst.add.f32.msk $0xffff, v9  }
0x635: {  	v9 =	vld [tilespmem:s23+$0x100]  }
0x636: {  	v10 =	vld [tilespmem:s23+$0x1100];
	_ =	sdelay $0x1  }
0x637: {  	v11 =	vld [tilespmem:s23+$0x2100];
	_ =	sdelay $0x1  }
0x638: {  	v9 =	vmul.f32 v9, v2;
	v12 =	vld [tilespmem:s23+$0x3100]  }
0x639: {  	v10 =	vmul.f32 v10, v1  }
0x63a: {  	v13 =	vld [tilespmem:s23+$0x4100]  }
0x63b: {  	v9 =	vadd.f32 v10, v9;
	v10 =	vmul.f32 v11, v3  }
0x63c: {  	v11 =	vld [tilespmem:s23+$0x5100]  }
0x63d: {  	v9 =	vadd.f32 v10, v9;
	v10 =	vmul.f32 v12, v4  }
0x63e: {  	v12 =	vld [tilespmem:s23+$0x6100]  }
0x63f: {  	v9 =	vadd.f32 v10, v9;
	v10 =	vmul.f32 v13, v5  }
0x640: {  	v13 =	vld [tilespmem:s23+$0x7100]  }
0x641: {  	v9 =	vadd.f32 v10, v9;
	v10 =	vmul.f32 v11, v6;
	_ =	sdelay $0x1  }
0x642: {  	v9 =	vadd.f32 v10, v9;
	v10 =	vmul.f32 v12, v8;
	_ =	sdelay $0x1  }
0x643: {  	v9 =	vadd.f32 v10, v9;
	v10 =	vmul.f32 v13, v7;
	_ =	sdelay $0x1  }
0x644: {  	v9 =	vadd.f32 v10, v9  }
0x645: {  	s6 =	sor.u32 $0x11100, s23  }
0x646: {  	[tilespmem:s6+$0x0] =	vst.add.f32.msk $0xffff, v9  }
0x647: {  	v9 =	vld [tilespmem:s2+$0x0]  }
0x648: {  	v10 =	vld [tilespmem:s23+$0x1180]  }
0x649: {  	v11 =	vld [tilespmem:s23+$0x3180]  }
0x64a: {  	v12 =	vld [tilespmem:s23+$0x2180]  }
0x64b: {  	v13 =	vld [tilespmem:s23+$0x4180]  }
0x64c: {  	v9 =	vmul.f32 v9, v2;
	v14 =	vld [tilespmem:s23+$0x5180]  }
0x64d: {  	v10 =	vmul.f32 v10, v1;
	v15 =	vld [tilespmem:s23+$0x6180]  }
0x64e: {  	v16 =	vld [tilespmem:s23+$0x7180]  }
0x64f: {  	v9 =	vadd.f32 v10, v9;
	v10 =	vmul.f32 v12, v3;
	_ =	sdelay $0x1  }
0x650: {  	v9 =	vadd.f32 v10, v9;
	v10 =	vmul.f32 v11, v4;
	_ =	sdelay $0x1  }
0x651: {  	v9 =	vadd.f32 v10, v9;
	v10 =	vmul.f32 v13, v5;
	_ =	sdelay $0x1  }
0x652: {  	v9 =	vadd.f32 v10, v9;
	v10 =	vmul.f32 v14, v6;
	_ =	sdelay $0x1  }
0x653: {  	v9 =	vadd.f32 v10, v9;
	v10 =	vmul.f32 v15, v8;
	_ =	sdelay $0x1  }
0x654: {  	v9 =	vadd.f32 v10, v9;
	v10 =	vmul.f32 v16, v7;
	_ =	sdelay $0x1  }
0x655: {  	v9 =	vadd.f32 v10, v9;
	_ =	sdelay $0x1  }
0x656: {  	[tilespmem:s2+$0x11000] =	vst.add.f32.msk $0xffff, v9  }
0x657: {  	v9 =	vld [tilespmem:s23+$0x200]  }
0x658: {  	v10 =	vld [tilespmem:s23+$0x1200]  }
0x659: {  	v11 =	vld [tilespmem:s23+$0x2200]  }
0x65a: {  	v12 =	vld [tilespmem:s23+$0x3200]  }
0x65b: {  	v13 =	vld [tilespmem:s23+$0x4200]  }
0x65c: {  	v9 =	vmul.f32 v9, v2;
	v14 =	vld [tilespmem:s23+$0x5200]  }
0x65d: {  	v10 =	vmul.f32 v10, v1;
	v15 =	vld [tilespmem:s23+$0x6200]  }
0x65e: {  	v16 =	vld [tilespmem:s23+$0x7200]  }
0x65f: {  	v9 =	vadd.f32 v10, v9;
	v10 =	vmul.f32 v11, v3;
	_ =	sdelay $0x1  }
0x660: {  	v9 =	vadd.f32 v10, v9;
	v10 =	vmul.f32 v12, v4;
	_ =	sdelay $0x1  }
0x661: {  	v9 =	vadd.f32 v10, v9;
	v10 =	vmul.f32 v13, v5;
	_ =	sdelay $0x1  }
0x662: {  	v9 =	vadd.f32 v10, v9;
	v10 =	vmul.f32 v14, v6;
	_ =	sdelay $0x1  }
0x663: {  	v9 =	vadd.f32 v10, v9;
	v10 =	vmul.f32 v15, v8;
	_ =	sdelay $0x1  }
0x664: {  	v9 =	vadd.f32 v10, v9;
	v10 =	vmul.f32 v16, v7;
	_ =	sdelay $0x1  }
0x665: {  	v9 =	vadd.f32 v10, v9  }
0x666: {  	s2 =	sor.u32 $0x11200, s23  }
0x667: {  	[tilespmem:s2+$0x0] =	vst.add.f32.msk $0xffff, v9  }
0x668: {  	v9 =	vld [tilespmem:s3+$0x0]  }
0x669: {  	v10 =	vld [tilespmem:s23+$0x1280]  }
0x66a: {  	v11 =	vld [tilespmem:s23+$0x2280]  }
0x66b: {  	v12 =	vld [tilespmem:s23+$0x3280]  }
0x66c: {  	v13 =	vld [tilespmem:s23+$0x4280]  }
0x66d: {  	v9 =	vmul.f32 v9, v2;
	v14 =	vld [tilespmem:s23+$0x5280]  }
0x66e: {  	v10 =	vmul.f32 v10, v1;
	v15 =	vld [tilespmem:s23+$0x6280]  }
0x66f: {  	v16 =	vld [tilespmem:s23+$0x7280]  }
0x670: {  	v9 =	vadd.f32 v10, v9;
	v10 =	vmul.f32 v11, v3;
	_ =	sdelay $0x1  }
0x671: {  	v9 =	vadd.f32 v10, v9;
	v10 =	vmul.f32 v12, v4;
	_ =	sdelay $0x1  }
0x672: {  	v9 =	vadd.f32 v10, v9;
	v10 =	vmul.f32 v13, v5;
	_ =	sdelay $0x1  }
0x673: {  	v9 =	vadd.f32 v10, v9;
	v10 =	vmul.f32 v14, v6;
	_ =	sdelay $0x1  }
0x674: {  	v9 =	vadd.f32 v10, v9;
	v10 =	vmul.f32 v15, v8;
	_ =	sdelay $0x1  }
0x675: {  	v9 =	vadd.f32 v10, v9;
	v10 =	vmul.f32 v16, v7;
	_ =	sdelay $0x1  }
0x676: {  	v9 =	vadd.f32 v10, v9;
	_ =	sdelay $0x1  }
0x677: {  	[tilespmem:s3+$0x11000] =	vst.add.f32.msk $0xffff, v9  }
0x678: {  	v9 =	vld [tilespmem:s23+$0x300]  }
0x679: {  	v10 =	vld [tilespmem:s23+$0x1300]  }
0x67a: {  	v11 =	vld [tilespmem:s23+$0x2300]  }
0x67b: {  	v12 =	vld [tilespmem:s23+$0x3300]  }
0x67c: {  	v13 =	vld [tilespmem:s23+$0x4300]  }
0x67d: {  	v9 =	vmul.f32 v9, v2  }
0x67e: {  	v10 =	vmul.f32 v10, v1  }
0x67f: {  	v11 =	vmul.f32 v11, v3  }
0x680: {  	v9 =	vadd.f32 v10, v9;
	v10 =	vmul.f32 v12, v4  }
0x681: {  	v12 =	vmul.f32 v13, v5;
	v13 =	vld [tilespmem:s23+$0x5300]  }
0x682: {  	v9 =	vadd.f32 v11, v9  }
0x683: {  	v11 =	vld [tilespmem:s23+$0x6300]  }
0x684: {  	v9 =	vadd.f32 v10, v9  }
0x685: {  	v10 =	vld [tilespmem:s23+$0x7300]  }
0x686: {  	v9 =	vadd.f32 v12, v9;
	v12 =	vmul.f32 v13, v6;
	_ =	sdelay $0x1  }
0x687: {  	v9 =	vadd.f32 v12, v9;
	v11 =	vmul.f32 v11, v8;
	_ =	sdelay $0x1  }
0x688: {  	v9 =	vadd.f32 v11, v9;
	v10 =	vmul.f32 v10, v7;
	_ =	sdelay $0x1  }
0x689: {  	v9 =	vadd.f32 v10, v9  }
0x68a: {  	s2 =	sor.u32 $0x11300, s23  }
0x68b: {  	[tilespmem:s2+$0x0] =	vst.add.f32.msk $0xffff, v9  }
0x68c: {  	v9 =	vld [tilespmem:s9+$0x0]  }
0x68d: {  	v10 =	vld [tilespmem:s23+$0x1380]  }
0x68e: {  	v11 =	vld [tilespmem:s23+$0x5380]  }
0x68f: {  	v12 =	vld [tilespmem:s23+$0x2380]  }
0x690: {  	v13 =	vld [tilespmem:s23+$0x3380]  }
0x691: {  	v9 =	vmul.f32 v9, v2;
	v14 =	vld [tilespmem:s23+$0x4380]  }
0x692: {  	v10 =	vmul.f32 v10, v1  }
0x693: {  	v11 =	vmul.f32 v11, v6  }
0x694: {  	v9 =	vadd.f32 v10, v9;
	v10 =	vmul.f32 v12, v3  }
0x695: {  	v12 =	vmul.f32 v13, v4  }
0x696: {  	v9 =	vadd.f32 v10, v9;
	v10 =	vmul.f32 v14, v5  }
0x697: {  	v13 =	vld [tilespmem:s23+$0x6380]  }
0x698: {  	v9 =	vadd.f32 v12, v9  }
0x699: {  	v12 =	vld [tilespmem:s23+$0x7380]  }
0x69a: {  	v9 =	vadd.f32 v10, v9;
	_ =	sdelay $0x1  }
0x69b: {  	v9 =	vadd.f32 v11, v9;
	v10 =	vmul.f32 v13, v8;
	_ =	sdelay $0x1  }
0x69c: {  	v9 =	vadd.f32 v10, v9;
	v10 =	vmul.f32 v12, v7;
	_ =	sdelay $0x1  }
0x69d: {  	v9 =	vadd.f32 v10, v9;
	_ =	sdelay $0x1  }
0x69e: {  	[tilespmem:s9+$0x11000] =	vst.add.f32.msk $0xffff, v9  }
0x69f: {  	v9 =	vld [tilespmem:s23+$0x800]  }
0x6a0: {  	v10 =	vld [tilespmem:s23+$0x1800]  }
0x6a1: {  	v11 =	vld [tilespmem:s23+$0x2800]  }
0x6a2: {  	v12 =	vld [tilespmem:s23+$0x3800]  }
0x6a3: {  	v13 =	vld [tilespmem:s23+$0x4800]  }
0x6a4: {  	v9 =	vmul.f32 v9, v2;
	v14 =	vld [tilespmem:s23+$0x5800]  }
0x6a5: {  	v10 =	vmul.f32 v10, v1;
	v15 =	vld [tilespmem:s23+$0x6800]  }
0x6a6: {  	v11 =	vmul.f32 v11, v3;
	v16 =	vld [tilespmem:s23+$0x7800]  }
0x6a7: {  	v9 =	vadd.f32 v10, v9;
	v10 =	vmul.f32 v12, v4  }
0x6a8: {  	v12 =	vmul.f32 v13, v5  }
0x6a9: {  	v9 =	vadd.f32 v11, v9;
	v11 =	vmul.f32 v14, v6  }
0x6aa: {  	v13 =	vmul.f32 v15, v8  }
0x6ab: {  	v9 =	vadd.f32 v10, v9;
	_ =	sdelay $0x1  }
0x6ac: {  	v9 =	vadd.f32 v12, v9;
	_ =	sdelay $0x1  }
0x6ad: {  	v9 =	vadd.f32 v11, v9;
	_ =	sdelay $0x1  }
0x6ae: {  	v10 =	vmul.f32 v16, v7;
	v9 =	vadd.f32 v13, v9;
	_ =	sdelay $0x1  }
0x6af: {  	v9 =	vadd.f32 v10, v9  }
0x6b0: {  	s2 =	sor.u32 $0x11800, s23  }
0x6b1: {  	[tilespmem:s2+$0x0] =	vst.add.f32.msk $0xffff, v9;
	s2 =	sor.u32 $0x880, s4  }
0x6b2: {  	v9 =	vld [tilespmem:s2+$0x0]  }
0x6b3: {  	v10 =	vld [tilespmem:s23+$0x2880]  }
0x6b4: {  	v11 =	vld [tilespmem:s23+$0x3880]  }
0x6b5: {  	v12 =	vld [tilespmem:s23+$0x4880]  }
0x6b6: {  	v13 =	vld [tilespmem:s23+$0x1880]  }
0x6b7: {  	v9 =	vmul.f32 v9, v2;
	v14 =	vld [tilespmem:s23+$0x5880]  }
0x6b8: {  	v10 =	vmul.f32 v10, v3;
	v15 =	vld [tilespmem:s23+$0x6880]  }
0x6b9: {  	v11 =	vmul.f32 v11, v4;
	v16 =	vld [tilespmem:s23+$0x7880]  }
0x6ba: {  	v12 =	vmul.f32 v12, v5  }
0x6bb: {  	v13 =	vmul.f32 v13, v1  }
0x6bc: {  	v14 =	vmul.f32 v14, v6  }
0x6bd: {  	v9 =	vadd.f32 v13, v9;
	v13 =	vmul.f32 v15, v8  }
0x6be: {  	v15 =	vmul.f32 v16, v7  }
0x6bf: {  	v9 =	vadd.f32 v10, v9;
	_ =	sdelay $0x1  }
0x6c0: {  	v9 =	vadd.f32 v11, v9;
	_ =	sdelay $0x1  }
0x6c1: {  	v9 =	vadd.f32 v12, v9;
	_ =	sdelay $0x1  }
0x6c2: {  	v9 =	vadd.f32 v14, v9;
	_ =	sdelay $0x1  }
0x6c3: {  	v9 =	vadd.f32 v13, v9;
	_ =	sdelay $0x1  }
0x6c4: {  	v9 =	vadd.f32 v15, v9;
	_ =	sdelay $0x1  }
0x6c5: {  	[tilespmem:s2+$0x11000] =	vst.add.f32.msk $0xffff, v9  }
0x6c6: {  	v9 =	vld [tilespmem:s23+$0x900]  }
0x6c7: {  	v10 =	vld [tilespmem:s23+$0x1900]  }
0x6c8: {  	v11 =	vld [tilespmem:s23+$0x2900]  }
0x6c9: {  	v12 =	vld [tilespmem:s23+$0x3900]  }
0x6ca: {  	v13 =	vld [tilespmem:s23+$0x4900]  }
0x6cb: {  	v9 =	vmul.f32 v9, v2;
	v14 =	vld [tilespmem:s23+$0x5900]  }
0x6cc: {  	v10 =	vmul.f32 v10, v1;
	v15 =	vld [tilespmem:s23+$0x6900]  }
0x6cd: {  	v11 =	vmul.f32 v11, v3;
	v16 =	vld [tilespmem:s23+$0x7900]  }
0x6ce: {  	v9 =	vadd.f32 v10, v9;
	v10 =	vmul.f32 v12, v4  }
0x6cf: {  	v12 =	vmul.f32 v13, v5  }
0x6d0: {  	v9 =	vadd.f32 v11, v9;
	v11 =	vmul.f32 v14, v6  }
0x6d1: {  	v13 =	vmul.f32 v15, v8  }
0x6d2: {  	v9 =	vadd.f32 v10, v9;
	_ =	sdelay $0x1  }
0x6d3: {  	v9 =	vadd.f32 v12, v9;
	_ =	sdelay $0x1  }
0x6d4: {  	v9 =	vadd.f32 v11, v9;
	_ =	sdelay $0x1  }
0x6d5: {  	v10 =	vmul.f32 v16, v7;
	v9 =	vadd.f32 v13, v9;
	_ =	sdelay $0x1  }
0x6d6: {  	v9 =	vadd.f32 v10, v9  }
0x6d7: {  	s2 =	sor.u32 $0x11900, s23  }
0x6d8: {  	[tilespmem:s2+$0x0] =	vst.add.f32.msk $0xffff, v9;
	s2 =	sor.u32 $0x980, s4  }
0x6d9: {  	v9 =	vld [tilespmem:s2+$0x0]  }
0x6da: {  	v10 =	vld [tilespmem:s23+$0x1980]  }
0x6db: {  	v11 =	vld [tilespmem:s23+$0x2980]  }
0x6dc: {  	v12 =	vld [tilespmem:s23+$0x3980]  }
0x6dd: {  	v13 =	vld [tilespmem:s23+$0x4980]  }
0x6de: {  	v9 =	vmul.f32 v9, v2;
	v14 =	vld [tilespmem:s23+$0x5980]  }
0x6df: {  	v10 =	vmul.f32 v10, v1;
	v15 =	vld [tilespmem:s23+$0x6980]  }
0x6e0: {  	v11 =	vmul.f32 v11, v3;
	v16 =	vld [tilespmem:s23+$0x7980]  }
0x6e1: {  	v9 =	vadd.f32 v10, v9;
	v10 =	vmul.f32 v12, v4  }
0x6e2: {  	v12 =	vmul.f32 v13, v5  }
0x6e3: {  	v9 =	vadd.f32 v11, v9;
	v11 =	vmul.f32 v14, v6  }
0x6e4: {  	v13 =	vmul.f32 v15, v8  }
0x6e5: {  	v9 =	vadd.f32 v10, v9;
	_ =	sdelay $0x1  }
0x6e6: {  	v9 =	vadd.f32 v12, v9;
	_ =	sdelay $0x1  }
0x6e7: {  	v9 =	vadd.f32 v11, v9;
	_ =	sdelay $0x1  }
0x6e8: {  	v10 =	vmul.f32 v16, v7;
	v9 =	vadd.f32 v13, v9;
	_ =	sdelay $0x1  }
0x6e9: {  	v9 =	vadd.f32 v10, v9;
	_ =	sdelay $0x1  }
0x6ea: {  	[tilespmem:s2+$0x11000] =	vst.add.f32.msk $0xffff, v9  }
0x6eb: {  	v9 =	vld [tilespmem:s23+$0xA00]  }
0x6ec: {  	v10 =	vld [tilespmem:s23+$0x2A00]  }
0x6ed: {  	v11 =	vld [tilespmem:s23+$0x1A00]  }
0x6ee: {  	v12 =	vld [tilespmem:s23+$0x3A00]  }
0x6ef: {  	v13 =	vld [tilespmem:s23+$0x4A00]  }
0x6f0: {  	v9 =	vmul.f32 v9, v2;
	v14 =	vld [tilespmem:s23+$0x5A00]  }
0x6f1: {  	v10 =	vmul.f32 v10, v3;
	v15 =	vld [tilespmem:s23+$0x6A00]  }
0x6f2: {  	v11 =	vmul.f32 v11, v1;
	v16 =	vld [tilespmem:s23+$0x7A00]  }
0x6f3: {  	v12 =	vmul.f32 v12, v4  }
0x6f4: {  	v9 =	vadd.f32 v11, v9;
	v11 =	vmul.f32 v13, v5  }
0x6f5: {  	v13 =	vmul.f32 v14, v6  }
0x6f6: {  	v9 =	vadd.f32 v10, v9;
	v10 =	vmul.f32 v15, v8;
	_ =	sdelay $0x1  }
0x6f7: {  	v9 =	vadd.f32 v12, v9;
	_ =	sdelay $0x1  }
0x6f8: {  	v9 =	vadd.f32 v11, v9;
	_ =	sdelay $0x1  }
0x6f9: {  	v9 =	vadd.f32 v13, v9;
	_ =	sdelay $0x1  }
0x6fa: {  	v9 =	vadd.f32 v10, v9;
	v10 =	vmul.f32 v16, v7;
	_ =	sdelay $0x1  }
0x6fb: {  	v9 =	vadd.f32 v10, v9  }
0x6fc: {  	s2 =	sor.u32 $0x11A00, s23  }
0x6fd: {  	[tilespmem:s2+$0x0] =	vst.add.f32.msk $0xffff, v9;
	s2 =	sor.u32 $0xA80, s4  }
0x6fe: {  	v9 =	vld [tilespmem:s2+$0x0]  }
0x6ff: {  	v10 =	vld [tilespmem:s23+$0x1A80]  }
0x700: {  	v11 =	vld [tilespmem:s23+$0x2A80]  }
0x701: {  	v12 =	vld [tilespmem:s23+$0x3A80]  }
0x702: {  	v13 =	vld [tilespmem:s23+$0x4A80]  }
0x703: {  	v9 =	vmul.f32 v9, v2;
	v14 =	vld [tilespmem:s23+$0x5A80]  }
0x704: {  	v10 =	vmul.f32 v10, v1;
	v15 =	vld [tilespmem:s23+$0x6A80]  }
0x705: {  	v11 =	vmul.f32 v11, v3;
	v16 =	vld [tilespmem:s23+$0x7A80]  }
0x706: {  	v9 =	vadd.f32 v10, v9  }
0x707: {  	v10 =	vmul.f32 v13, v5  }
0x708: {  	v9 =	vadd.f32 v11, v9;
	v11 =	vmul.f32 v12, v4;
	v12 =	vmul.f32 v14, v6  }
0x709: {  	v13 =	vmul.f32 v15, v8  }
0x70a: {  	v9 =	vadd.f32 v11, v9;
	_ =	sdelay $0x1  }
0x70b: {  	v9 =	vadd.f32 v10, v9;
	_ =	sdelay $0x1  }
0x70c: {  	v9 =	vadd.f32 v12, v9;
	_ =	sdelay $0x1  }
0x70d: {  	v10 =	vmul.f32 v16, v7;
	v9 =	vadd.f32 v13, v9;
	_ =	sdelay $0x1  }
0x70e: {  	v9 =	vadd.f32 v10, v9;
	_ =	sdelay $0x1  }
0x70f: {  	[tilespmem:s2+$0x11000] =	vst.add.f32.msk $0xffff, v9  }
0x710: {  	v9 =	vld [tilespmem:s23+$0xB00]  }
0x711: {  	v10 =	vld [tilespmem:s23+$0x1B00]  }
0x712: {  	v11 =	vld [tilespmem:s23+$0x2B00]  }
0x713: {  	v12 =	vld [tilespmem:s23+$0x3B00]  }
0x714: {  	v13 =	vld [tilespmem:s23+$0x4B00]  }
0x715: {  	v9 =	vmul.f32 v9, v2;
	v14 =	vld [tilespmem:s23+$0x5B00]  }
0x716: {  	v10 =	vmul.f32 v10, v1;
	v15 =	vld [tilespmem:s23+$0x6B00]  }
0x717: {  	v11 =	vmul.f32 v11, v3;
	v16 =	vld [tilespmem:s23+$0x7B00]  }
0x718: {  	v9 =	vadd.f32 v10, v9;
	v10 =	vmul.f32 v12, v4  }
0x719: {  	v12 =	vmul.f32 v13, v5  }
0x71a: {  	v9 =	vadd.f32 v11, v9;
	v11 =	vmul.f32 v14, v6  }
0x71b: {  	v13 =	vmul.f32 v15, v8  }
0x71c: {  	v9 =	vadd.f32 v10, v9;
	_ =	sdelay $0x1  }
0x71d: {  	v9 =	vadd.f32 v12, v9;
	_ =	sdelay $0x1  }
0x71e: {  	v9 =	vadd.f32 v11, v9;
	_ =	sdelay $0x1  }
0x71f: {  	v10 =	vmul.f32 v16, v7;
	v9 =	vadd.f32 v13, v9  }
.Ltmp4:
0x720: {  	(pc) =	sbr.rel @p1 .LBB2_11-.Ltmp4, $4  }
0x721: {  	v9 =	vadd.f32 v10, v9  }
0x722: {  	s2 =	sor.u32 $0x11B00, s23  }
0x723: {  	[tilespmem:s2+$0x0] =	vst.add.f32.msk $0xffff, v9;
	s2 =	sor.u32 $0xB80, s0  }
0x724: {  	v9 =	vld [tilespmem:s2+$0x0]  }
0x725: {  	v10 =	vld [tilespmem:s23+$0x1B80];
	_ =	sdelay $0x1  }
0x726: {  	v11 =	vld [tilespmem:s23+$0x2B80];
	_ =	sdelay $0x1  }
0x727: {  	v12 =	vld [tilespmem:s23+$0x3B80]  }
0x728: {  	v2 =	vmul.f32 v9, v2;
	v1 =	vmul.f32 v10, v1  }
0x729: {  	v62 =	vld [tilespmem:s23+$0x4B80]  }
0x72a: {  	v3 =	vmul.f32 v11, v3;
	v1 =	vadd.f32 v1, v2  }
0x72b: {  	v2 =	vld [tilespmem:s23+$0x5B80]  }
0x72c: {  	v4 =	vmul.f32 v12, v4;
	v1 =	vadd.f32 v3, v1  }
0x72d: {  	v3 =	vld [tilespmem:s23+$0x6B80]  }
0x72e: {  	v5 =	vmul.f32 v62, v5;
	v1 =	vadd.f32 v4, v1  }
0x72f: {  	v63 =	vld [tilespmem:s23+$0x7B80]  }
0x730: {  	v2 =	vmul.f32 v2, v6;
	v1 =	vadd.f32 v5, v1;
	_ =	sdelay $0x1  }
0x731: {  	v3 =	vmul.f32 v3, v8;
	v1 =	vadd.f32 v2, v1;
	_ =	sdelay $0x1  }
0x732: {  	v2 =	vmul.f32 v63, v7;
	v1 =	vadd.f32 v3, v1;
	_ =	sdelay $0x1  }
0x733: {  	v1 =	vadd.f32 v2, v1  }
0x734: {  	s0 =	rddreg [dreg:$0x2];
	s3 =	simm.s32 $0x11000  }
.Ltmp5:
0x735: {  	s31 =	sadd.s32 s0, s21;
	s0 =	simm.s32 $0x800;
	[tilespmem:s2+$0x11000] =	vst.add.f32.msk $0xffff, v1;
	(pc) =	sbr.rel @p0 .LBB2_2-.Ltmp5, $4  }
0x736: {  	[hbm4b:s31+s0] =	stream.strided.scatter [tilespmem:s3], [sflag:$0x5], $0x1000, s11, s0, $0x38;
	[tilespmem:$0x12000] =	vst v63  }
0x737: {  	_ =	swait.ge [sflag:s20], $0x1000  }
0x738: {  	[sflag:s20] =	ssyncset.done $0x0  }
0x739: {  	p1 =	por $0x0, $0x0;
	[sflag:s20] =	ssyncadd.s32 $0xFFFFF000  }
0x73a: {  	s6 =	rddreg [dreg:$0x4]  }
0x73b: {  	s0 =	rddreg [dreg:$0x6];
	s6 =	sadd.s32 $0x1, s6  }
0x73c: {  	p0 =	sne.s32 s6, s0  }
.Ltmp6:
0x73d: {  	_ = 	snop;
	(pc) =	sbr.rel @p0 .LBB2_1-.Ltmp6, $1  }
0x73e: {  	_ =	sdelay $0x3  }
0x73f: {  	_ =	sfence.sel $0x180000  }
0x740: {  	[bflag:$0x0] =	sbarrier.arrive $0xFFFF  }
0x741: {  	_ =	strace $0x90000047  }
0x742: {  	s0 =	stileid.u32;
	[bflag:$0x2] =	sbarrier.arrive $0xFFFF  }
0x743: {  	p0 =	sne.s32 s0, $0x0;
	s0 =	rddreg [dreg:$0x3]  }
0x744: {  	s0 =	sadd.s32 @!p0 $0x100000, s0  }
0x745: {  	[sflag:s0] =	ssyncadd.tile.s32 @!p0 $0x1;
	_ =	shalt  }
.Lfunc_end2:
_tile_overlayer_lowered:
.L_overlay_start_2:
0x746: {  	(tag) =	ssettag $0x2  }
0x747: {  	s0 =	rddreg [dreg:$0x0];
	s2 =	stileid.u32  }
0x748: {  	s1 =	rddreg [dreg:$0x1];
	p0 =	sne.s32 s2, $0x0  }
0x749: {  	s3 =	rddreg [dreg:$0x2];
	[bflag:$0x3] =	sbarrier.arrive $0xFFFF;
	s2 =	simm.s32 @!p0 $0x1C05  }
0x74a: {  	[timem:s3], [sflag:s2] =	dma.local @!p0 [hbm:s0], s1  }
0x74b: {  	s0 =	simm.s32 @!p0 $0x5  }
0x74c: {  	_ =	swait.ge @!p0 [sflag:s0], s1  }
0x74d: {  	s1 =	ssub.s32 @!p0 $0x0, s1;
	[sflag:s0] =	ssyncset.done @!p0 $0x0  }
0x74e: {  	[sflag:s0] =	ssyncadd.s32 @!p0 s1  }
0x74f: {  	[bflag:$0x3] =	sbarrier.arrive $0xFFFF  }
0x750: {  	_ =	shalt  }

</sc_bundles>
